<compile_context>
chip_gen: v7x
topology: tpu7x:2x2x1
jax: 0.10.2.dev20260603
libtpu: 0.0.44.dev20260713+nightly
codegen_flags: <defaults>
</compile_context>

<pallas_src>
import functools

import jax
import jax.numpy as jnp
from jax import lax
from jax.experimental import pallas as pl
from jax.experimental.pallas import tpu as pltpu
from jax.experimental.pallas import tpu_sc as plsc

_N = 10000
_E = 320000
_NPAD = 10240
_D = 128
_EPS = 1e-5
_CH = 128
_NCH = 80
_G = 20
_EPAD = 327680
_CHD = 128
_NCHD = 80
_DW = 16
_NW = 32
_EPW = _E // _NW
_RPS = _NPAD // 16
_BLK = 1280
_GRID = _NPAD // _BLK

_MESH = plsc.VectorSubcoreMesh(
    core_axis_name="c", subcore_axis_name="s", num_cores=2, num_subcores=16
)



@functools.partial(
    pl.kernel,
    out_type=jax.ShapeDtypeStruct((2, _NPAD, _DW), jnp.float32),
    mesh=_MESH,
    scratch_types=[
        pltpu.VMEM((_NCHD, _CHD), jnp.int32),
        pltpu.VMEM((_CHD, _DW), jnp.float32),
        pltpu.VMEM((_CHD, _DW), jnp.float32),
        pltpu.VMEM_SHARED((_NPAD, _DW), jnp.float32),
    ],
)
def _sc_degree(dst_hbm, out_hbm, idx_d, ones_v, zeros_v, acc):
    c = lax.axis_index("c")
    s = lax.axis_index("s")
    wid = c * 16 + s

    def init_row(i, _):
        zeros_v[i, :] = jnp.zeros((_DW,), jnp.float32)
        ones_v[i, :] = jnp.full((_DW,), 1.0, jnp.float32)
        return 0

    lax.fori_loop(0, _CHD, init_row, 0)
    base_rows = s * _RPS

    def zacc(k, _):
        pltpu.sync_copy(zeros_v, acc.at[pl.ds(base_rows + k * _CHD, _CHD)])
        return 0

    lax.fori_loop(0, _RPS // _CHD, zacc, 0)
    pltpu.sync_copy(dst_hbm.at[wid], idx_d)
    plsc.subcore_barrier()

    def chunk(i, _):
        pltpu.sync_copy(ones_v, acc.at[idx_d.at[i]], add=True)
        return 0

    lax.fori_loop(0, _NCHD, chunk, 0)
    plsc.subcore_barrier()
    pltpu.sync_copy(
        acc.at[pl.ds(base_rows, _RPS)], out_hbm.at[c, pl.ds(base_rows, _RPS)]
    )


@functools.partial(
    pl.kernel,
    out_type=jax.ShapeDtypeStruct((2, _NPAD, _D), jnp.float32),
    mesh=_MESH,
    scratch_types=[
        pltpu.VMEM((_G, _CH), jnp.int32),
        pltpu.VMEM((_G, _CH), jnp.int32),
        pltpu.VMEM((2, _CH, _D), jnp.float32),
        pltpu.VMEM_SHARED((_NPAD, _D), jnp.float32),
        pltpu.SemaphoreType.DMA,
        pltpu.SemaphoreType.DMA,
    ],
)
def _sc_scatter(p_hbm, src_hbm, dst_hbm, out_hbm, idx_s, idx_d, rows, acc,
                semg0, semg1):
    c = lax.axis_index("c")
    s = lax.axis_index("s")
    wid = c * 16 + s

    def zero_row(i, _):
        for j in range(_D // 16):
            rows[0, i, pl.ds(j * 16, 16)] = jnp.zeros((16,), jnp.float32)
        return 0

    lax.fori_loop(0, _CH, zero_row, 0)
    base_rows = s * _RPS

    def zacc(k, _):
        pltpu.sync_copy(rows.at[0], acc.at[pl.ds(base_rows + k * _CH, _CH)])
        return 0

    lax.fori_loop(0, _RPS // _CH, zacc, 0)
    plsc.subcore_barrier()

    semsg = (semg0, semg1)

    def group(g, _):
        pltpu.sync_copy(src_hbm.at[wid, g], idx_s)
        pltpu.sync_copy(dst_hbm.at[wid, g], idx_d)

        def pair(k, _):
            i0 = k * 2
            d0 = pltpu.async_copy(p_hbm.at[idx_s.at[i0]], rows.at[0], semg0)
            d1 = pltpu.async_copy(
                p_hbm.at[idx_s.at[i0 + 1]], rows.at[1], semg1
            )
            d0.wait()
            pltpu.sync_copy(rows.at[0], acc.at[idx_d.at[i0]], add=True)
            d1.wait()
            pltpu.sync_copy(rows.at[1], acc.at[idx_d.at[i0 + 1]], add=True)
            return 0

        lax.fori_loop(0, _G // 2, pair, 0)
        return 0

    lax.fori_loop(0, _NCH // _G, group, 0)
    plsc.subcore_barrier()
    pltpu.sync_copy(
        acc.at[pl.ds(base_rows, _RPS)], out_hbm.at[c, pl.ds(base_rows, _RPS)]
    )



def _tc_prep1(degp, xp, W1):

    def body(degp_ref, x_ref, w_ref, dinv_ref, p_ref):
        deg = degp_ref[0] + degp_ref[1]
        dinv = lax.rsqrt(deg[:, 0:1] + 1.0)
        dinv_ref[...] = dinv
        h = jnp.dot(x_ref[...], w_ref[...], preferred_element_type=jnp.float32)
        p_ref[...] = h * dinv

    return pl.pallas_call(
        body,
        grid=(_GRID,),
        in_specs=[
            pl.BlockSpec((2, _BLK, 16), lambda i: (0, i, 0)),
            pl.BlockSpec((_BLK, _D), lambda i: (i, 0)),
            pl.BlockSpec((_D, _D), lambda i: (0, 0)),
        ],
        out_specs=[
            pl.BlockSpec((_BLK, 1), lambda i: (i, 0)),
            pl.BlockSpec((_BLK, _D), lambda i: (i, 0)),
        ],
        out_shape=[
            jax.ShapeDtypeStruct((_NPAD, 1), jnp.float32),
            jax.ShapeDtypeStruct((_NPAD, _D), jnp.float32),
        ],
    )(degp, xp, W1)


def _tc_stats(S, P, dinv, b):

    def body(s_ref, p_ref, dinv_ref, b_ref, c_ref, st_ref):
        i = pl.program_id(0)
        C = dinv_ref[...] * (s_ref[0] + s_ref[1] + p_ref[...]) + b_ref[...]
        c_ref[...] = C
        rid = lax.broadcasted_iota(jnp.int32, (_BLK, _D), 0) + i * _BLK
        Cm = jnp.where(rid < _N, C, 0.0)

        @pl.when(i == 0)
        def _():
            st_ref[...] = jnp.zeros((8, _D), jnp.float32)

        st_ref[0:1, :] = st_ref[0:1, :] + jnp.sum(Cm, axis=0, keepdims=True)
        st_ref[1:2, :] = st_ref[1:2, :] + jnp.sum(Cm * Cm, axis=0, keepdims=True)

    return pl.pallas_call(
        body,
        grid=(_GRID,),
        in_specs=[
            pl.BlockSpec((2, _BLK, _D), lambda i: (0, i, 0)),
            pl.BlockSpec((_BLK, _D), lambda i: (i, 0)),
            pl.BlockSpec((_BLK, 1), lambda i: (i, 0)),
            pl.BlockSpec((1, _D), lambda i: (0, 0)),
        ],
        out_specs=[
            pl.BlockSpec((_BLK, _D), lambda i: (i, 0)),
            pl.BlockSpec((8, _D), lambda i: (0, 0)),
        ],
        out_shape=[
            jax.ShapeDtypeStruct((_NPAD, _D), jnp.float32),
            jax.ShapeDtypeStruct((8, _D), jnp.float32),
        ],
    )(S, P, dinv, b)


def _bn_coeffs(st_ref, g_ref, be_ref):
    mu = st_ref[0:1, :] * (1.0 / _N)
    var = st_ref[1:2, :] * (1.0 / _N) - mu * mu
    a = g_ref[...] * lax.rsqrt(var + _EPS)
    cc = be_ref[...] - mu * a
    return a, cc


def _tc_next(C, st, gamma, beta, dinv, Wn):
    has_w = Wn is not None

    def body(c_ref, st_ref, g_ref, be_ref, dinv_ref, *rest):
        if has_w:
            w_ref, out_ref = rest
        else:
            (out_ref,) = rest
        a, cc = _bn_coeffs(st_ref, g_ref, be_ref)
        X = jnp.maximum(c_ref[...] * a + cc, 0.0)
        if has_w:
            h = jnp.dot(X, w_ref[...], preferred_element_type=jnp.float32)
            out_ref[...] = h * dinv_ref[...]
        else:
            out_ref[...] = X * dinv_ref[...]

    in_specs = [
        pl.BlockSpec((_BLK, _D), lambda i: (i, 0)),
        pl.BlockSpec((8, _D), lambda i: (0, 0)),
        pl.BlockSpec((1, _D), lambda i: (0, 0)),
        pl.BlockSpec((1, _D), lambda i: (0, 0)),
        pl.BlockSpec((_BLK, 1), lambda i: (i, 0)),
    ]
    args = [C, st, gamma, beta, dinv]
    if has_w:
        in_specs.append(pl.BlockSpec((_D, _D), lambda i: (0, 0)))
        args.append(Wn)
    return pl.pallas_call(
        body,
        grid=(_GRID,),
        in_specs=in_specs,
        out_specs=pl.BlockSpec((_BLK, _D), lambda i: (i, 0)),
        out_shape=jax.ShapeDtypeStruct((_NPAD, _D), jnp.float32),
    )(*args)


def _tc_final(S, P, dinv, W3p, b3p):

    def body(s_ref, p_ref, dinv_ref, w_ref, b_ref, out_ref):
        C3 = dinv_ref[...] * (s_ref[0] + s_ref[1] + p_ref[...])
        logits = jnp.dot(C3, w_ref[...], preferred_element_type=jnp.float32)
        logits = logits + b_ref[...]
        m = jnp.max(logits, axis=1, keepdims=True)
        e = jnp.exp(logits - m)
        ssum = jnp.sum(e, axis=1, keepdims=True)
        out_ref[...] = logits - m - jnp.log(ssum)

    return pl.pallas_call(
        body,
        grid=(_GRID,),
        in_specs=[
            pl.BlockSpec((2, _BLK, _D), lambda i: (0, i, 0)),
            pl.BlockSpec((_BLK, _D), lambda i: (i, 0)),
            pl.BlockSpec((_BLK, 1), lambda i: (i, 0)),
            pl.BlockSpec((_D, _D), lambda i: (0, 0)),
            pl.BlockSpec((1, _D), lambda i: (0, 0)),
        ],
        out_specs=pl.BlockSpec((_BLK, _D), lambda i: (i, 0)),
        out_shape=jax.ShapeDtypeStruct((_NPAD, _D), jnp.float32),
    )(S, P, dinv, W3p, b3p)



def kernel(x, edge_index, W1, b1, gamma1, beta1, W2, b2, gamma2, beta2, W3, b3):
    pad = _N + (jnp.arange(_EPAD - _E, dtype=jnp.int32) % (_NPAD - _N))
    srcp = jnp.concatenate([edge_index[0], pad])
    dstp = jnp.concatenate([edge_index[1], pad])
    src = srcp.reshape(_NW, _NCH // _G, _G, _CH)
    dst = dstp.reshape(_NW, _NCH // _G, _G, _CH)
    dst_deg = dstp.reshape(_NW, _NCHD, _CHD)
    xp = jnp.pad(x, ((0, _NPAD - _N), (0, 0)))

    degp = _sc_degree(dst_deg)
    dinv, P1 = _tc_prep1(degp, xp, W1)

    S1 = _sc_scatter(P1, src, dst)
    C1, st1 = _tc_stats(S1, P1, dinv, b1.reshape(1, -1))
    P2 = _tc_next(C1, st1, gamma1.reshape(1, -1), beta1.reshape(1, -1), dinv, W2)

    S2 = _sc_scatter(P2, src, dst)
    C2, st2 = _tc_stats(S2, P2, dinv, b2.reshape(1, -1))
    P3 = _tc_next(C2, st2, gamma2.reshape(1, -1), beta2.reshape(1, -1), dinv, None)

    S3 = _sc_scatter(P3, src, dst)
    W3p = jnp.pad(W3, ((0, 0), (0, _D - W3.shape[1])))
    b3p = jnp.concatenate(
        [b3, jnp.full((_D - b3.shape[0],), -1e30, jnp.float32)]
    ).reshape(1, -1)
    out = _tc_final(S3, P3, dinv, W3p, b3p)
    return out[:_N, : W3.shape[1]]

# --- scband reference (transcript-rebuilt; emitter-appended) ---
"""Pipeline reference for scband-tech-book-gcn-18674517803652 (READ-ONLY COPY).

The authoritative reference and input builder live on the scoring server;
editing this copy changes nothing except your own understanding.
"""

import jax, jax.numpy as jnp
import numpy as np

N = 10000
E = 320000
D_IN = 128
D_HID = 128
D_MID = 128
D_OUT = 5
EPS = 1e-5


def setup_inputs(seed: int = 0) -> dict:
    key = jax.random.key(seed)
    ks = jax.random.split(key, 12)
    x = jax.random.normal(ks[0], (N, D_IN), dtype=jnp.float32)
    edge_index = jax.random.randint(ks[1], (2, E), 0, N, dtype=jnp.int32)
    W1 = jax.random.normal(ks[2], (D_IN, D_HID), dtype=jnp.float32) / np.sqrt(D_IN)
    b1 = jnp.zeros((D_HID,), dtype=jnp.float32)
    gamma1 = jnp.ones((D_HID,), dtype=jnp.float32)
    beta1 = jnp.zeros((D_HID,), dtype=jnp.float32)
    W2 = jax.random.normal(ks[3], (D_HID, D_MID), dtype=jnp.float32) / np.sqrt(D_HID)
    b2 = jnp.zeros((D_MID,), dtype=jnp.float32)
    gamma2 = jnp.ones((D_MID,), dtype=jnp.float32)
    beta2 = jnp.zeros((D_MID,), dtype=jnp.float32)
    W3 = jax.random.normal(ks[4], (D_MID, D_OUT), dtype=jnp.float32) / np.sqrt(D_MID)
    b3 = jnp.zeros((D_OUT,), dtype=jnp.float32)
    return {"x": x, "edge_index": edge_index, "W1": W1, "b1": b1,
            "gamma1": gamma1, "beta1": beta1, "W2": W2, "b2": b2,
            "gamma2": gamma2, "beta2": beta2, "W3": W3, "b3": b3}


def _gcn_conv(x, edge_index, W, b):
    # PyG-style GCNConv: add self-loops, symmetric normalization, scatter-add aggregation
    num_nodes = x.shape[0]
    loop = jnp.arange(num_nodes, dtype=edge_index.dtype)
    src = jnp.concatenate([edge_index[0], loop])
    dst = jnp.concatenate([edge_index[1], loop])
    deg = jnp.zeros((num_nodes,), dtype=x.dtype).at[dst].add(1.0)
    dinv = jnp.where(deg > 0, deg ** -0.5, 0.0)
    norm = dinv[src] * dinv[dst]
    h = x @ W
    msg = h[src] * norm[:, None]
    out = jnp.zeros((num_nodes, h.shape[1]), dtype=h.dtype).at[dst].add(msg)
    return out + b


def _bn(x, gamma, beta):
    mu = jnp.mean(x, axis=0)
    var = jnp.var(x, axis=0)
    return gamma * (x - mu) / jnp.sqrt(var + EPS) + beta


def reference(x, edge_index, W1, b1, gamma1, beta1, W2, b2, gamma2, beta2, W3, b3):
    h = _gcn_conv(x, edge_index, W1, b1)
    h = _bn(h, gamma1, beta1)
    h = jax.nn.relu(h)
    # dropout is identity in eval / deterministic reference
    h = _gcn_conv(h, edge_index, W2, b2)
    h = _bn(h, gamma2, beta2)
    h = jax.nn.relu(h)
    h = _gcn_conv(h, edge_index, W3, b3)
    return jax.nn.log_softmax(h, axis=1)

if __name__ == "__main__":
    import jax
    _d = setup_inputs()
    print(jax.jit(kernel)(*tuple(_d.values())))

</pallas_src>

<mosaic_0001>
#map = affine_map<(d0, d1) -> (0, 0, 0)>
module attributes {stable_mosaic.version = 14 : i64} {
  func.func @_sc_degree(%arg0: i32, %arg1: i32, %arg2: memref<32x80x128xi32, #tpu.memory_space<hbm>>, %arg3: memref<2x10240x16xf32, #tpu.memory_space<hbm>>, %arg4: memref<80x128xi32, #tpu.memory_space<vmem>>, %arg5: memref<128x16xf32, #tpu.memory_space<vmem>>, %arg6: memref<128x16xf32, #tpu.memory_space<vmem>>, %arg7: memref<10240x16xf32, #tpu.memory_space<vmem_shared>>) attributes {dimension_semantics = [#tpu.dimension_semantics<core_parallel>, #tpu.dimension_semantics<subcore_parallel>], iteration_bounds = array<i64: 2, 16>, scalar_prefetch = 0 : i64, scratch_operands = 4 : i64, tpu.core_type = #tpu.core_type<sc_vector_subcore>, window_params = [{transform_indices = #map}, {transform_indices = #map}]} {
    %mul3A = arith.constant 16 : i32
    %mul3A_0 = arith.muli %arg0, %mul3A : i32
    %add3A = arith.addi %mul3A_0, %arg1 : i32
    %scan3A = arith.constant 0 : i32
    %scan3A_1 = arith.constant 0 : i32
    %scan3A_2 = arith.constant 128 : i32
    %scan3A_3 = arith.addi %scan3A_1, %scan3A_2 : i32
    %scan3A_4 = arith.constant 1 : i32
    %scan3A_5 = scf.for %scan3A_24 = %scan3A_1 to %scan3A_3 step %scan3A_4 iter_args(%scan3A_25 = %scan3A) -> (i32)  : i32 {
      %broadcast_in_dim3A = arith.constant 0.000000e+00 : f32
      %broadcast_in_dim3A_26 = vector.broadcast %broadcast_in_dim3A : f32 to vector<16xf32>
      %swap3A = arith.index_cast %scan3A_24 : i32 to index
      %swap3A_27 = arith.constant 0 : index
      %swap3A_28 = tpu.vector_load %arg6[%swap3A, %swap3A_27] {strides = array<i32>} : memref<128x16xf32, #tpu.memory_space<vmem>>, vector<1x16xf32>,
      %swap3A_29 = vector.shape_cast %swap3A_28 : vector<1x16xf32> to vector<16xf32>
      %swap3A_30 = vector.shape_cast %broadcast_in_dim3A_26 : vector<16xf32> to vector<1x16xf32>
      tpu.vector_store %arg6[%swap3A, %swap3A_27], %swap3A_30 {strides = array<i32>} : memref<128x16xf32, #tpu.memory_space<vmem>>, vector<1x16xf32>,
      %broadcast_in_dim3A_31 = arith.constant 1.000000e+00 : f32
      %broadcast_in_dim3A_32 = vector.broadcast %broadcast_in_dim3A_31 : f32 to vector<16xf32>
      %swap3A_33 = arith.index_cast %scan3A_24 : i32 to index
      %swap3A_34 = arith.constant 0 : index
      %swap3A_35 = tpu.vector_load %arg5[%swap3A_33, %swap3A_34] {strides = array<i32>} : memref<128x16xf32, #tpu.memory_space<vmem>>, vector<1x16xf32>,
      %swap3A_36 = vector.shape_cast %swap3A_35 : vector<1x16xf32> to vector<16xf32>
      %swap3A_37 = vector.shape_cast %broadcast_in_dim3A_32 : vector<16xf32> to vector<1x16xf32>
      tpu.vector_store %arg5[%swap3A_33, %swap3A_34], %swap3A_37 {strides = array<i32>} : memref<128x16xf32, #tpu.memory_space<vmem>>, vector<1x16xf32>,
      %scan3A_38 = arith.constant 0 : i32
      scf.yield %scan3A_38 : i32
    }
    %scan3A_6 = arith.constant 128 : i32
    %mul3A_7 = arith.constant 640 : i32
    %mul3A_8 = arith.muli %arg1, %mul3A_7 : i32
    %scan3A_9 = arith.constant 0 : i32
    %scan3A_10 = arith.constant 0 : i32
    %scan3A_11 = arith.constant 5 : i32
    %scan3A_12 = arith.addi %scan3A_10, %scan3A_11 : i32
    %scan3A_13 = arith.constant 1 : i32
    %scan3A_14 = scf.for %scan3A_24 = %scan3A_10 to %scan3A_12 step %scan3A_13 iter_args(%scan3A_25 = %scan3A_9) -> (i32)  : i32 {
      %mul3A_26 = arith.constant 128 : i32
      %mul3A_27 = arith.muli %scan3A_24, %mul3A_26 : i32
      %add3A_28 = arith.addi %mul3A_8, %mul3A_27 : i32
      "tpu.region"() ({
        %run_scoped3A = tpu.sem_alloc : memref<!tpu.dma_semaphore, #tpu.memory_space<semaphore_mem>>
        %dma_start3A = arith.constant 0 : i32
        %dma_start3A_30 = tpu.memref_slice %arg7[%add3A_28, %dma_start3A] : memref<10240x16xf32, #tpu.memory_space<vmem_shared>> -> memref<128x16xf32, #tpu.memory_space<vmem_shared>>
        %dma_start3A_31 = arith.constant 0 : i32
        %dma_start3A_32 = tpu.memref_slice %arg7[%add3A_28, %dma_start3A_31] : memref<10240x16xf32, #tpu.memory_space<vmem_shared>> -> memref<128x16xf32, #tpu.memory_space<vmem_shared>>
        tpu.enqueue_dma source(%arg6 : memref<128x16xf32, #tpu.memory_space<vmem>>) target(%dma_start3A_32 : memref<128x16xf32, #tpu.memory_space<vmem_shared>>) target_semaphore(%run_scoped3A : memref<!tpu.dma_semaphore, #tpu.memory_space<semaphore_mem>>)
        %dma_wait3A = arith.constant 0 : i32
        %dma_wait3A_33 = tpu.memref_slice %arg7[%add3A_28, %dma_wait3A] : memref<10240x16xf32, #tpu.memory_space<vmem_shared>> -> memref<128x16xf32, #tpu.memory_space<vmem_shared>>
        %dma_wait3A_34 = arith.constant 0 : i32
        %dma_wait3A_35 = tpu.memref_slice %arg7[%add3A_28, %dma_wait3A_34] : memref<10240x16xf32, #tpu.memory_space<vmem_shared>> -> memref<128x16xf32, #tpu.memory_space<vmem_shared>>
        tpu.wait_dma2 semaphore(%run_scoped3A : memref<!tpu.dma_semaphore, #tpu.memory_space<semaphore_mem>>) src(%arg6 : memref<128x16xf32, #tpu.memory_space<vmem>>) dst(%dma_wait3A_35 : memref<128x16xf32, #tpu.memory_space<vmem_shared>>)
        tpu.yield
      }) : () -> ()
      %scan3A_29 = arith.constant 0 : i32
      scf.yield %scan3A_29 : i32
    }
    %scan3A_15 = arith.constant 5 : i32
    "tpu.region"() ({
      %run_scoped3A = tpu.sem_alloc : memref<!tpu.dma_semaphore, #tpu.memory_space<semaphore_mem>>
      %dma_start3A = arith.constant 0 : i32
      %dma_start3A_24 = arith.constant 0 : i32
      %dma_start3A_25 = tpu.memref_slice %arg2[%add3A, %dma_start3A, %dma_start3A_24] : memref<32x80x128xi32, #tpu.memory_space<hbm>> -> memref<1x80x128xi32, #tpu.memory_space<hbm>>
      %dma_start3A_26 = tpu.memref_squeeze %dma_start3A_25 : memref<1x80x128xi32, #tpu.memory_space<hbm>> -> memref<80x128xi32, #tpu.memory_space<hbm>>
      %dma_start3A_27 = arith.constant 0 : i32
      %dma_start3A_28 = arith.constant 0 : i32
      %dma_start3A_29 = tpu.memref_slice %arg2[%add3A, %dma_start3A_27, %dma_start3A_28] : memref<32x80x128xi32, #tpu.memory_space<hbm>> -> memref<1x80x128xi32, #tpu.memory_space<hbm>>
      %dma_start3A_30 = tpu.memref_squeeze %dma_start3A_29 : memref<1x80x128xi32, #tpu.memory_space<hbm>> -> memref<80x128xi32, #tpu.memory_space<hbm>>
      tpu.enqueue_dma source(%dma_start3A_30 : memref<80x128xi32, #tpu.memory_space<hbm>>) target(%arg4 : memref<80x128xi32, #tpu.memory_space<vmem>>) target_semaphore(%run_scoped3A : memref<!tpu.dma_semaphore, #tpu.memory_space<semaphore_mem>>)
      %dma_wait3A = arith.constant 0 : i32
      %dma_wait3A_31 = arith.constant 0 : i32
      %dma_wait3A_32 = tpu.memref_slice %arg2[%add3A, %dma_wait3A, %dma_wait3A_31] : memref<32x80x128xi32, #tpu.memory_space<hbm>> -> memref<1x80x128xi32, #tpu.memory_space<hbm>>
      %dma_wait3A_33 = tpu.memref_squeeze %dma_wait3A_32 : memref<1x80x128xi32, #tpu.memory_space<hbm>> -> memref<80x128xi32, #tpu.memory_space<hbm>>
      %dma_wait3A_34 = arith.constant 0 : i32
      %dma_wait3A_35 = arith.constant 0 : i32
      %dma_wait3A_36 = tpu.memref_slice %arg2[%add3A, %dma_wait3A_34, %dma_wait3A_35] : memref<32x80x128xi32, #tpu.memory_space<hbm>> -> memref<1x80x128xi32, #tpu.memory_space<hbm>>
      %dma_wait3A_37 = tpu.memref_squeeze %dma_wait3A_36 : memref<1x80x128xi32, #tpu.memory_space<hbm>> -> memref<80x128xi32, #tpu.memory_space<hbm>>
      tpu.wait_dma2 semaphore(%run_scoped3A : memref<!tpu.dma_semaphore, #tpu.memory_space<semaphore_mem>>) src(%dma_wait3A_37 : memref<80x128xi32, #tpu.memory_space<hbm>>) dst(%arg4 : memref<80x128xi32, #tpu.memory_space<vmem>>)
      tpu.yield
    }) : () -> ()
    %barrier3A = arith.constant 0 : index
    tpu.barrier barrier_id(%barrier3A)
    %scan3A_16 = arith.constant 0 : i32
    %scan3A_17 = arith.constant 0 : i32
    %scan3A_18 = arith.constant 80 : i32
    %scan3A_19 = arith.addi %scan3A_17, %scan3A_18 : i32
    %scan3A_20 = arith.constant 1 : i32
    %scan3A_21 = scf.for %scan3A_24 = %scan3A_17 to %scan3A_19 step %scan3A_20 iter_args(%scan3A_25 = %scan3A_16) -> (i32)  : i32 {
      "tpu.region"() ({
        %run_scoped3A = tpu.sem_alloc : memref<!tpu.dma_semaphore, #tpu.memory_space<semaphore_mem>>
        %dma_start3A = arith.constant 0 : i32
        %dma_start3A_27 = tpu.memref_slice %arg4[%scan3A_24, %dma_start3A] : memref<80x128xi32, #tpu.memory_space<vmem>> -> memref<1x128xi32, #tpu.memory_space<vmem>>
        %dma_start3A_28 = tpu.memref_squeeze %dma_start3A_27 : memref<1x128xi32, #tpu.memory_space<vmem>> -> memref<128xi32, #tpu.memory_space<vmem>>
        %dma_start3A_29 = arith.constant 0 : i32
        %dma_start3A_30 = arith.constant 0 : i32
        %dma_start3A_31 = tpu.memref_slice %arg7[%dma_start3A_29, %dma_start3A_30] : memref<10240x16xf32, #tpu.memory_space<vmem_shared>> -> memref<10240x16xf32, #tpu.memory_space<vmem_shared>>
        tpu.enqueue_indirect_dma source(%arg5 : memref<128x16xf32, #tpu.memory_space<vmem>>) target(%dma_start3A_31 : memref<10240x16xf32, #tpu.memory_space<vmem_shared>>) offsets(%dma_start3A_28 : memref<128xi32, #tpu.memory_space<vmem>>) semaphore(%run_scoped3A : memref<!tpu.dma_semaphore, #tpu.memory_space<semaphore_mem>>) {add = true}
        %dma_wait3A = arith.constant 0 : i32
        %dma_wait3A_32 = tpu.memref_slice %arg4[%scan3A_24, %dma_wait3A] : memref<80x128xi32, #tpu.memory_space<vmem>> -> memref<1x128xi32, #tpu.memory_space<vmem>>
        %dma_wait3A_33 = tpu.memref_squeeze %dma_wait3A_32 : memref<1x128xi32, #tpu.memory_space<vmem>> -> memref<128xi32, #tpu.memory_space<vmem>>
        %dma_wait3A_34 = arith.constant 0 : i32
        %dma_wait3A_35 = arith.constant 0 : i32
        %dma_wait3A_36 = tpu.memref_slice %arg7[%dma_wait3A_34, %dma_wait3A_35] : memref<10240x16xf32, #tpu.memory_space<vmem_shared>> -> memref<10240x16xf32, #tpu.memory_space<vmem_shared>>
        tpu.wait_indirect_dma semaphore(%run_scoped3A : memref<!tpu.dma_semaphore, #tpu.memory_space<semaphore_mem>>) src(%arg5 : memref<128x16xf32, #tpu.memory_space<vmem>>) dst(%dma_wait3A_36 : memref<10240x16xf32, #tpu.memory_space<vmem_shared>>)
        tpu.yield
      }) : () -> ()
      %scan3A_26 = arith.constant 0 : i32
      scf.yield %scan3A_26 : i32
    }
    %scan3A_22 = arith.constant 80 : i32
    %barrier3A_23 = arith.constant 0 : index
    tpu.barrier barrier_id(%barrier3A_23)
    "tpu.region"() ({
      %run_scoped3A = tpu.sem_alloc : memref<!tpu.dma_semaphore, #tpu.memory_space<semaphore_mem>>
      %dma_start3A = arith.constant 0 : i32
      %dma_start3A_24 = tpu.memref_slice %arg3[%arg0, %mul3A_8, %dma_start3A] : memref<2x10240x16xf32, #tpu.memory_space<hbm>> -> memref<1x640x16xf32, #tpu.memory_space<hbm>>
      %dma_start3A_25 = tpu.memref_squeeze %dma_start3A_24 : memref<1x640x16xf32, #tpu.memory_space<hbm>> -> memref<640x16xf32, #tpu.memory_space<hbm>>
      %dma_start3A_26 = arith.constant 0 : i32
      %dma_start3A_27 = tpu.memref_slice %arg7[%mul3A_8, %dma_start3A_26] : memref<10240x16xf32, #tpu.memory_space<vmem_shared>> -> memref<640x16xf32, #tpu.memory_space<vmem_shared>>
      tpu.enqueue_dma source(%dma_start3A_27 : memref<640x16xf32, #tpu.memory_space<vmem_shared>>) target(%dma_start3A_25 : memref<640x16xf32, #tpu.memory_space<hbm>>) target_semaphore(%run_scoped3A : memref<!tpu.dma_semaphore, #tpu.memory_space<semaphore_mem>>)
      %dma_wait3A = arith.constant 0 : i32
      %dma_wait3A_28 = tpu.memref_slice %arg3[%arg0, %mul3A_8, %dma_wait3A] : memref<2x10240x16xf32, #tpu.memory_space<hbm>> -> memref<1x640x16xf32, #tpu.memory_space<hbm>>
      %dma_wait3A_29 = tpu.memref_squeeze %dma_wait3A_28 : memref<1x640x16xf32, #tpu.memory_space<hbm>> -> memref<640x16xf32, #tpu.memory_space<hbm>>
      %dma_wait3A_30 = arith.constant 0 : i32
      %dma_wait3A_31 = tpu.memref_slice %arg7[%mul3A_8, %dma_wait3A_30] : memref<10240x16xf32, #tpu.memory_space<vmem_shared>> -> memref<640x16xf32, #tpu.memory_space<vmem_shared>>
      tpu.wait_dma2 semaphore(%run_scoped3A : memref<!tpu.dma_semaphore, #tpu.memory_space<semaphore_mem>>) src(%dma_wait3A_31 : memref<640x16xf32, #tpu.memory_space<vmem_shared>>) dst(%dma_wait3A_29 : memref<640x16xf32, #tpu.memory_space<hbm>>)
      tpu.yield
    }) : () -> ()
    return
  }
}

#map = affine_map<(d0, d1) -> (0, 0)>
#map1 = affine_map<(d0, d1) -> (0, 0, 0, 0)>
#map2 = affine_map<(d0, d1) -> (0, 0, 0)>
module attributes {stable_mosaic.version = 14 : i64} {
  func.func @_sc_scatter(%arg0: i32, %arg1: i32, %arg2: memref<10240x128xf32, #tpu.memory_space<hbm>>, %arg3: memref<32x4x20x128xi32, #tpu.memory_space<hbm>>, %arg4: memref<32x4x20x128xi32, #tpu.memory_space<hbm>>, %arg5: memref<2x10240x128xf32, #tpu.memory_space<hbm>>, %arg6: memref<20x128xi32, #tpu.memory_space<vmem>>, %arg7: memref<20x128xi32, #tpu.memory_space<vmem>>, %arg8: memref<2x128x128xf32, #tpu.memory_space<vmem>>, %arg9: memref<10240x128xf32, #tpu.memory_space<vmem_shared>>, %arg10: memref<!tpu.dma_semaphore, #tpu.memory_space<semaphore_mem>>, %arg11: memref<!tpu.dma_semaphore, #tpu.memory_space<semaphore_mem>>) attributes {dimension_semantics = [#tpu.dimension_semantics<core_parallel>, #tpu.dimension_semantics<subcore_parallel>], iteration_bounds = array<i64: 2, 16>, scalar_prefetch = 0 : i64, scratch_operands = 6 : i64, tpu.core_type = #tpu.core_type<sc_vector_subcore>, window_params = [{transform_indices = #map}, {transform_indices = #map1}, {transform_indices = #map1}, {transform_indices = #map2}]} {
    %mul3A = arith.constant 16 : i32
    %mul3A_0 = arith.muli %arg0, %mul3A : i32
    %add3A = arith.addi %mul3A_0, %arg1 : i32
    %scan3A = arith.constant 0 : i32
    %scan3A_1 = arith.constant 0 : i32
    %scan3A_2 = arith.constant 128 : i32
    %scan3A_3 = arith.addi %scan3A_1, %scan3A_2 : i32
    %scan3A_4 = arith.constant 1 : i32
    %scan3A_5 = scf.for %scan3A_24 = %scan3A_1 to %scan3A_3 step %scan3A_4 iter_args(%scan3A_25 = %scan3A) -> (i32)  : i32 {
      %broadcast_in_dim3A = arith.constant 0.000000e+00 : f32
      %broadcast_in_dim3A_26 = vector.broadcast %broadcast_in_dim3A : f32 to vector<16xf32>
      %swap3A = arith.constant 0 : i32
      %swap3A_27 = arith.index_cast %swap3A : i32 to index
      %swap3A_28 = arith.index_cast %scan3A_24 : i32 to index
      %swap3A_29 = arith.constant 0 : index
      %swap3A_30 = tpu.vector_load %arg8[%swap3A_27, %swap3A_28, %swap3A_29] {strides = array<i32>} : memref<2x128x128xf32, #tpu.memory_space<vmem>>, vector<1x1x16xf32>,
      %swap3A_31 = vector.shape_cast %swap3A_30 : vector<1x1x16xf32> to vector<16xf32>
      %swap3A_32 = vector.shape_cast %broadcast_in_dim3A_26 : vector<16xf32> to vector<1x1x16xf32>
      tpu.vector_store %arg8[%swap3A_27, %swap3A_28, %swap3A_29], %swap3A_32 {strides = array<i32>} : memref<2x128x128xf32, #tpu.memory_space<vmem>>, vector<1x1x16xf32>,
      %broadcast_in_dim3A_33 = arith.constant 0.000000e+00 : f32
      %broadcast_in_dim3A_34 = vector.broadcast %broadcast_in_dim3A_33 : f32 to vector<16xf32>
      %swap3A_35 = arith.constant 0 : i32
      %swap3A_36 = arith.index_cast %swap3A_35 : i32 to index
      %swap3A_37 = arith.index_cast %scan3A_24 : i32 to index
      %swap3A_38 = arith.constant 16 : index
      %swap3A_39 = tpu.vector_load %arg8[%swap3A_36, %swap3A_37, %swap3A_38] {strides = array<i32>} : memref<2x128x128xf32, #tpu.memory_space<vmem>>, vector<1x1x16xf32>,
      %swap3A_40 = vector.shape_cast %swap3A_39 : vector<1x1x16xf32> to vector<16xf32>
      %swap3A_41 = vector.shape_cast %broadcast_in_dim3A_34 : vector<16xf32> to vector<1x1x16xf32>
      tpu.vector_store %arg8[%swap3A_36, %swap3A_37, %swap3A_38], %swap3A_41 {strides = array<i32>} : memref<2x128x128xf32, #tpu.memory_space<vmem>>, vector<1x1x16xf32>,
      %broadcast_in_dim3A_42 = arith.constant 0.000000e+00 : f32
      %broadcast_in_dim3A_43 = vector.broadcast %broadcast_in_dim3A_42 : f32 to vector<16xf32>
      %swap3A_44 = arith.constant 0 : i32
      %swap3A_45 = arith.index_cast %swap3A_44 : i32 to index
      %swap3A_46 = arith.index_cast %scan3A_24 : i32 to index
      %swap3A_47 = arith.constant 32 : index
      %swap3A_48 = tpu.vector_load %arg8[%swap3A_45, %swap3A_46, %swap3A_47] {strides = array<i32>} : memref<2x128x128xf32, #tpu.memory_space<vmem>>, vector<1x1x16xf32>,
      %swap3A_49 = vector.shape_cast %swap3A_48 : vector<1x1x16xf32> to vector<16xf32>
      %swap3A_50 = vector.shape_cast %broadcast_in_dim3A_43 : vector<16xf32> to vector<1x1x16xf32>
      tpu.vector_store %arg8[%swap3A_45, %swap3A_46, %swap3A_47], %swap3A_50 {strides = array<i32>} : memref<2x128x128xf32, #tpu.memory_space<vmem>>, vector<1x1x16xf32>,
      %broadcast_in_dim3A_51 = arith.constant 0.000000e+00 : f32
      %broadcast_in_dim3A_52 = vector.broadcast %broadcast_in_dim3A_51 : f32 to vector<16xf32>
      %swap3A_53 = arith.constant 0 : i32
      %swap3A_54 = arith.index_cast %swap3A_53 : i32 to index
      %swap3A_55 = arith.index_cast %scan3A_24 : i32 to index
      %swap3A_56 = arith.constant 48 : index
      %swap3A_57 = tpu.vector_load %arg8[%swap3A_54, %swap3A_55, %swap3A_56] {strides = array<i32>} : memref<2x128x128xf32, #tpu.memory_space<vmem>>, vector<1x1x16xf32>,
      %swap3A_58 = vector.shape_cast %swap3A_57 : vector<1x1x16xf32> to vector<16xf32>
      %swap3A_59 = vector.shape_cast %broadcast_in_dim3A_52 : vector<16xf32> to vector<1x1x16xf32>
      tpu.vector_store %arg8[%swap3A_54, %swap3A_55, %swap3A_56], %swap3A_59 {strides = array<i32>} : memref<2x128x128xf32, #tpu.memory_space<vmem>>, vector<1x1x16xf32>,
      %broadcast_in_dim3A_60 = arith.constant 0.000000e+00 : f32
      %broadcast_in_dim3A_61 = vector.broadcast %broadcast_in_dim3A_60 : f32 to vector<16xf32>
      %swap3A_62 = arith.constant 0 : i32
      %swap3A_63 = arith.index_cast %swap3A_62 : i32 to index
      %swap3A_64 = arith.index_cast %scan3A_24 : i32 to index
      %swap3A_65 = arith.constant 64 : index
      %swap3A_66 = tpu.vector_load %arg8[%swap3A_63, %swap3A_64, %swap3A_65] {strides = array<i32>} : memref<2x128x128xf32, #tpu.memory_space<vmem>>, vector<1x1x16xf32>,
      %swap3A_67 = vector.shape_cast %swap3A_66 : vector<1x1x16xf32> to vector<16xf32>
      %swap3A_68 = vector.shape_cast %broadcast_in_dim3A_61 : vector<16xf32> to vector<1x1x16xf32>
      tpu.vector_store %arg8[%swap3A_63, %swap3A_64, %swap3A_65], %swap3A_68 {strides = array<i32>} : memref<2x128x128xf32, #tpu.memory_space<vmem>>, vector<1x1x16xf32>,
      %broadcast_in_dim3A_69 = arith.constant 0.000000e+00 : f32
      %broadcast_in_dim3A_70 = vector.broadcast %broadcast_in_dim3A_69 : f32 to vector<16xf32>
      %swap3A_71 = arith.constant 0 : i32
      %swap3A_72 = arith.index_cast %swap3A_71 : i32 to index
      %swap3A_73 = arith.index_cast %scan3A_24 : i32 to index
      %swap3A_74 = arith.constant 80 : index
      %swap3A_75 = tpu.vector_load %arg8[%swap3A_72, %swap3A_73, %swap3A_74] {strides = array<i32>} : memref<2x128x128xf32, #tpu.memory_space<vmem>>, vector<1x1x16xf32>,
      %swap3A_76 = vector.shape_cast %swap3A_75 : vector<1x1x16xf32> to vector<16xf32>
      %swap3A_77 = vector.shape_cast %broadcast_in_dim3A_70 : vector<16xf32> to vector<1x1x16xf32>
      tpu.vector_store %arg8[%swap3A_72, %swap3A_73, %swap3A_74], %swap3A_77 {strides = array<i32>} : memref<2x128x128xf32, #tpu.memory_space<vmem>>, vector<1x1x16xf32>,
      %broadcast_in_dim3A_78 = arith.constant 0.000000e+00 : f32
      %broadcast_in_dim3A_79 = vector.broadcast %broadcast_in_dim3A_78 : f32 to vector<16xf32>
      %swap3A_80 = arith.constant 0 : i32
      %swap3A_81 = arith.index_cast %swap3A_80 : i32 to index
      %swap3A_82 = arith.index_cast %scan3A_24 : i32 to index
      %swap3A_83 = arith.constant 96 : index
      %swap3A_84 = tpu.vector_load %arg8[%swap3A_81, %swap3A_82, %swap3A_83] {strides = array<i32>} : memref<2x128x128xf32, #tpu.memory_space<vmem>>, vector<1x1x16xf32>,
      %swap3A_85 = vector.shape_cast %swap3A_84 : vector<1x1x16xf32> to vector<16xf32>
      %swap3A_86 = vector.shape_cast %broadcast_in_dim3A_79 : vector<16xf32> to vector<1x1x16xf32>
      tpu.vector_store %arg8[%swap3A_81, %swap3A_82, %swap3A_83], %swap3A_86 {strides = array<i32>} : memref<2x128x128xf32, #tpu.memory_space<vmem>>, vector<1x1x16xf32>,
      %broadcast_in_dim3A_87 = arith.constant 0.000000e+00 : f32
      %broadcast_in_dim3A_88 = vector.broadcast %broadcast_in_dim3A_87 : f32 to vector<16xf32>
      %swap3A_89 = arith.constant 0 : i32
      %swap3A_90 = arith.index_cast %swap3A_89 : i32 to index
      %swap3A_91 = arith.index_cast %scan3A_24 : i32 to index
      %swap3A_92 = arith.constant 112 : index
      %swap3A_93 = tpu.vector_load %arg8[%swap3A_90, %swap3A_91, %swap3A_92] {strides = array<i32>} : memref<2x128x128xf32, #tpu.memory_space<vmem>>, vector<1x1x16xf32>,
      %swap3A_94 = vector.shape_cast %swap3A_93 : vector<1x1x16xf32> to vector<16xf32>
      %swap3A_95 = vector.shape_cast %broadcast_in_dim3A_88 : vector<16xf32> to vector<1x1x16xf32>
      tpu.vector_store %arg8[%swap3A_90, %swap3A_91, %swap3A_92], %swap3A_95 {strides = array<i32>} : memref<2x128x128xf32, #tpu.memory_space<vmem>>, vector<1x1x16xf32>,
      %scan3A_96 = arith.constant 0 : i32
      scf.yield %scan3A_96 : i32
    }
    %scan3A_6 = arith.constant 128 : i32
    %mul3A_7 = arith.constant 640 : i32
    %mul3A_8 = arith.muli %arg1, %mul3A_7 : i32
    %scan3A_9 = arith.constant 0 : i32
    %scan3A_10 = arith.constant 0 : i32
    %scan3A_11 = arith.constant 5 : i32
    %scan3A_12 = arith.addi %scan3A_10, %scan3A_11 : i32
    %scan3A_13 = arith.constant 1 : i32
    %scan3A_14 = scf.for %scan3A_24 = %scan3A_10 to %scan3A_12 step %scan3A_13 iter_args(%scan3A_25 = %scan3A_9) -> (i32)  : i32 {
      %mul3A_26 = arith.constant 128 : i32
      %mul3A_27 = arith.muli %scan3A_24, %mul3A_26 : i32
      %add3A_28 = arith.addi %mul3A_8, %mul3A_27 : i32
      %run_scoped3A = arith.constant 0 : i32
      "tpu.region"() ({
        %run_scoped3A_30 = tpu.sem_alloc : memref<!tpu.dma_semaphore, #tpu.memory_space<semaphore_mem>>
        %dma_start3A = arith.constant 0 : i32
        %dma_start3A_31 = arith.constant 0 : i32
        %dma_start3A_32 = tpu.memref_slice %arg8[%run_scoped3A, %dma_start3A, %dma_start3A_31] : memref<2x128x128xf32, #tpu.memory_space<vmem>> -> memref<1x128x128xf32, #tpu.memory_space<vmem>>
        %dma_start3A_33 = tpu.memref_squeeze %dma_start3A_32 : memref<1x128x128xf32, #tpu.memory_space<vmem>> -> memref<128x128xf32, #tpu.memory_space<vmem>>
        %dma_start3A_34 = arith.constant 0 : i32
        %dma_start3A_35 = tpu.memref_slice %arg9[%add3A_28, %dma_start3A_34] : memref<10240x128xf32, #tpu.memory_space<vmem_shared>> -> memref<128x128xf32, #tpu.memory_space<vmem_shared>>
        %dma_start3A_36 = arith.constant 0 : i32
        %dma_start3A_37 = tpu.memref_slice %arg9[%add3A_28, %dma_start3A_36] : memref<10240x128xf32, #tpu.memory_space<vmem_shared>> -> memref<128x128xf32, #tpu.memory_space<vmem_shared>>
        %dma_start3A_38 = arith.constant 0 : i32
        %dma_start3A_39 = arith.constant 0 : i32
        %dma_start3A_40 = tpu.memref_slice %arg8[%run_scoped3A, %dma_start3A_38, %dma_start3A_39] : memref<2x128x128xf32, #tpu.memory_space<vmem>> -> memref<1x128x128xf32, #tpu.memory_space<vmem>>
        %dma_start3A_41 = tpu.memref_squeeze %dma_start3A_40 : memref<1x128x128xf32, #tpu.memory_space<vmem>> -> memref<128x128xf32, #tpu.memory_space<vmem>>
        tpu.enqueue_dma source(%dma_start3A_41 : memref<128x128xf32, #tpu.memory_space<vmem>>) target(%dma_start3A_37 : memref<128x128xf32, #tpu.memory_space<vmem_shared>>) target_semaphore(%run_scoped3A_30 : memref<!tpu.dma_semaphore, #tpu.memory_space<semaphore_mem>>)
        %dma_wait3A = arith.constant 0 : i32
        %dma_wait3A_42 = arith.constant 0 : i32
        %dma_wait3A_43 = tpu.memref_slice %arg8[%run_scoped3A, %dma_wait3A, %dma_wait3A_42] : memref<2x128x128xf32, #tpu.memory_space<vmem>> -> memref<1x128x128xf32, #tpu.memory_space<vmem>>
        %dma_wait3A_44 = tpu.memref_squeeze %dma_wait3A_43 : memref<1x128x128xf32, #tpu.memory_space<vmem>> -> memref<128x128xf32, #tpu.memory_space<vmem>>
        %dma_wait3A_45 = arith.constant 0 : i32
        %dma_wait3A_46 = tpu.memref_slice %arg9[%add3A_28, %dma_wait3A_45] : memref<10240x128xf32, #tpu.memory_space<vmem_shared>> -> memref<128x128xf32, #tpu.memory_space<vmem_shared>>
        %dma_wait3A_47 = arith.constant 0 : i32
        %dma_wait3A_48 = tpu.memref_slice %arg9[%add3A_28, %dma_wait3A_47] : memref<10240x128xf32, #tpu.memory_space<vmem_shared>> -> memref<128x128xf32, #tpu.memory_space<vmem_shared>>
        %dma_wait3A_49 = arith.constant 0 : i32
        %dma_wait3A_50 = arith.constant 0 : i32
        %dma_wait3A_51 = tpu.memref_slice %arg8[%run_scoped3A, %dma_wait3A_49, %dma_wait3A_50] : memref<2x128x128xf32, #tpu.memory_space<vmem>> -> memref<1x128x128xf32, #tpu.memory_space<vmem>>
        %dma_wait3A_52 = tpu.memref_squeeze %dma_wait3A_51 : memref<1x128x128xf32, #tpu.memory_space<vmem>> -> memref<128x128xf32, #tpu.memory_space<vmem>>
        tpu.wait_dma2 semaphore(%run_scoped3A_30 : memref<!tpu.dma_semaphore, #tpu.memory_space<semaphore_mem>>) src(%dma_wait3A_52 : memref<128x128xf32, #tpu.memory_space<vmem>>) dst(%dma_wait3A_48 : memref<128x128xf32, #tpu.memory_space<vmem_shared>>)
        tpu.yield
      }) : () -> ()
      %scan3A_29 = arith.constant 0 : i32
      scf.yield %scan3A_29 : i32
    }
    %scan3A_15 = arith.constant 5 : i32
    %barrier3A = arith.constant 0 : index
    tpu.barrier barrier_id(%barrier3A)
    %scan3A_16 = arith.constant 0 : i32
    %scan3A_17 = arith.constant 0 : i32
    %scan3A_18 = arith.constant 4 : i32
    %scan3A_19 = arith.addi %scan3A_17, %scan3A_18 : i32
    %scan3A_20 = arith.constant 1 : i32
    %scan3A_21 = scf.for %scan3A_24 = %scan3A_17 to %scan3A_19 step %scan3A_20 iter_args(%scan3A_25 = %scan3A_16) -> (i32)  : i32 {
      "tpu.region"() ({
        %run_scoped3A = tpu.sem_alloc : memref<!tpu.dma_semaphore, #tpu.memory_space<semaphore_mem>>
        %dma_start3A = arith.constant 0 : i32
        %dma_start3A_34 = arith.constant 0 : i32
        %dma_start3A_35 = tpu.memref_slice %arg3[%add3A, %scan3A_24, %dma_start3A, %dma_start3A_34] : memref<32x4x20x128xi32, #tpu.memory_space<hbm>> -> memref<1x1x20x128xi32, #tpu.memory_space<hbm>>
        %dma_start3A_36 = tpu.memref_squeeze %dma_start3A_35 : memref<1x1x20x128xi32, #tpu.memory_space<hbm>> -> memref<20x128xi32, #tpu.memory_space<hbm>>
        %dma_start3A_37 = arith.constant 0 : i32
        %dma_start3A_38 = arith.constant 0 : i32
        %dma_start3A_39 = tpu.memref_slice %arg3[%add3A, %scan3A_24, %dma_start3A_37, %dma_start3A_38] : memref<32x4x20x128xi32, #tpu.memory_space<hbm>> -> memref<1x1x20x128xi32, #tpu.memory_space<hbm>>
        %dma_start3A_40 = tpu.memref_squeeze %dma_start3A_39 : memref<1x1x20x128xi32, #tpu.memory_space<hbm>> -> memref<20x128xi32, #tpu.memory_space<hbm>>
        tpu.enqueue_dma source(%dma_start3A_40 : memref<20x128xi32, #tpu.memory_space<hbm>>) target(%arg6 : memref<20x128xi32, #tpu.memory_space<vmem>>) target_semaphore(%run_scoped3A : memref<!tpu.dma_semaphore, #tpu.memory_space<semaphore_mem>>)
        %dma_wait3A = arith.constant 0 : i32
        %dma_wait3A_41 = arith.constant 0 : i32
        %dma_wait3A_42 = tpu.memref_slice %arg3[%add3A, %scan3A_24, %dma_wait3A, %dma_wait3A_41] : memref<32x4x20x128xi32, #tpu.memory_space<hbm>> -> memref<1x1x20x128xi32, #tpu.memory_space<hbm>>
        %dma_wait3A_43 = tpu.memref_squeeze %dma_wait3A_42 : memref<1x1x20x128xi32, #tpu.memory_space<hbm>> -> memref<20x128xi32, #tpu.memory_space<hbm>>
        %dma_wait3A_44 = arith.constant 0 : i32
        %dma_wait3A_45 = arith.constant 0 : i32
        %dma_wait3A_46 = tpu.memref_slice %arg3[%add3A, %scan3A_24, %dma_wait3A_44, %dma_wait3A_45] : memref<32x4x20x128xi32, #tpu.memory_space<hbm>> -> memref<1x1x20x128xi32, #tpu.memory_space<hbm>>
        %dma_wait3A_47 = tpu.memref_squeeze %dma_wait3A_46 : memref<1x1x20x128xi32, #tpu.memory_space<hbm>> -> memref<20x128xi32, #tpu.memory_space<hbm>>
        tpu.wait_dma2 semaphore(%run_scoped3A : memref<!tpu.dma_semaphore, #tpu.memory_space<semaphore_mem>>) src(%dma_wait3A_47 : memref<20x128xi32, #tpu.memory_space<hbm>>) dst(%arg6 : memref<20x128xi32, #tpu.memory_space<vmem>>)
        tpu.yield
      }) : () -> ()
      "tpu.region"() ({
        %run_scoped3A = tpu.sem_alloc : memref<!tpu.dma_semaphore, #tpu.memory_space<semaphore_mem>>
        %dma_start3A = arith.constant 0 : i32
        %dma_start3A_34 = arith.constant 0 : i32
        %dma_start3A_35 = tpu.memref_slice %arg4[%add3A, %scan3A_24, %dma_start3A, %dma_start3A_34] : memref<32x4x20x128xi32, #tpu.memory_space<hbm>> -> memref<1x1x20x128xi32, #tpu.memory_space<hbm>>
        %dma_start3A_36 = tpu.memref_squeeze %dma_start3A_35 : memref<1x1x20x128xi32, #tpu.memory_space<hbm>> -> memref<20x128xi32, #tpu.memory_space<hbm>>
        %dma_start3A_37 = arith.constant 0 : i32
        %dma_start3A_38 = arith.constant 0 : i32
        %dma_start3A_39 = tpu.memref_slice %arg4[%add3A, %scan3A_24, %dma_start3A_37, %dma_start3A_38] : memref<32x4x20x128xi32, #tpu.memory_space<hbm>> -> memref<1x1x20x128xi32, #tpu.memory_space<hbm>>
        %dma_start3A_40 = tpu.memref_squeeze %dma_start3A_39 : memref<1x1x20x128xi32, #tpu.memory_space<hbm>> -> memref<20x128xi32, #tpu.memory_space<hbm>>
        tpu.enqueue_dma source(%dma_start3A_40 : memref<20x128xi32, #tpu.memory_space<hbm>>) target(%arg7 : memref<20x128xi32, #tpu.memory_space<vmem>>) target_semaphore(%run_scoped3A : memref<!tpu.dma_semaphore, #tpu.memory_space<semaphore_mem>>)
        %dma_wait3A = arith.constant 0 : i32
        %dma_wait3A_41 = arith.constant 0 : i32
        %dma_wait3A_42 = tpu.memref_slice %arg4[%add3A, %scan3A_24, %dma_wait3A, %dma_wait3A_41] : memref<32x4x20x128xi32, #tpu.memory_space<hbm>> -> memref<1x1x20x128xi32, #tpu.memory_space<hbm>>
        %dma_wait3A_43 = tpu.memref_squeeze %dma_wait3A_42 : memref<1x1x20x128xi32, #tpu.memory_space<hbm>> -> memref<20x128xi32, #tpu.memory_space<hbm>>
        %dma_wait3A_44 = arith.constant 0 : i32
        %dma_wait3A_45 = arith.constant 0 : i32
        %dma_wait3A_46 = tpu.memref_slice %arg4[%add3A, %scan3A_24, %dma_wait3A_44, %dma_wait3A_45] : memref<32x4x20x128xi32, #tpu.memory_space<hbm>> -> memref<1x1x20x128xi32, #tpu.memory_space<hbm>>
        %dma_wait3A_47 = tpu.memref_squeeze %dma_wait3A_46 : memref<1x1x20x128xi32, #tpu.memory_space<hbm>> -> memref<20x128xi32, #tpu.memory_space<hbm>>
        tpu.wait_dma2 semaphore(%run_scoped3A : memref<!tpu.dma_semaphore, #tpu.memory_space<semaphore_mem>>) src(%dma_wait3A_47 : memref<20x128xi32, #tpu.memory_space<hbm>>) dst(%arg7 : memref<20x128xi32, #tpu.memory_space<vmem>>)
        tpu.yield
      }) : () -> ()
      %scan3A_26 = arith.constant 0 : i32
      %scan3A_27 = arith.constant 0 : i32
      %scan3A_28 = arith.constant 10 : i32
      %scan3A_29 = arith.addi %scan3A_27, %scan3A_28 : i32
      %scan3A_30 = arith.constant 1 : i32
      %scan3A_31 = scf.for %scan3A_34 = %scan3A_27 to %scan3A_29 step %scan3A_30 iter_args(%scan3A_35 = %scan3A_26) -> (i32)  : i32 {
        %mul3A_36 = arith.constant 2 : i32
        %mul3A_37 = arith.muli %scan3A_34, %mul3A_36 : i32
        %dma_start3A = arith.constant 0 : i32
        %dma_start3A_38 = arith.constant 0 : i32
        %dma_start3A_39 = arith.constant 0 : i32
        %dma_start3A_40 = tpu.memref_slice %arg8[%dma_start3A, %dma_start3A_38, %dma_start3A_39] : memref<2x128x128xf32, #tpu.memory_space<vmem>> -> memref<1x128x128xf32, #tpu.memory_space<vmem>>
        %dma_start3A_41 = tpu.memref_squeeze %dma_start3A_40 : memref<1x128x128xf32, #tpu.memory_space<vmem>> -> memref<128x128xf32, #tpu.memory_space<vmem>>
        %dma_start3A_42 = arith.constant 0 : i32
        %dma_start3A_43 = tpu.memref_slice %arg6[%mul3A_37, %dma_start3A_42] : memref<20x128xi32, #tpu.memory_space<vmem>> -> memref<1x128xi32, #tpu.memory_space<vmem>>
        %dma_start3A_44 = tpu.memref_squeeze %dma_start3A_43 : memref<1x128xi32, #tpu.memory_space<vmem>> -> memref<128xi32, #tpu.memory_space<vmem>>
        %dma_start3A_45 = arith.constant 0 : i32
        %dma_start3A_46 = arith.constant 0 : i32
        %dma_start3A_47 = tpu.memref_slice %arg2[%dma_start3A_45, %dma_start3A_46] : memref<10240x128xf32, #tpu.memory_space<hbm>> -> memref<10240x128xf32, #tpu.memory_space<hbm>>
        tpu.enqueue_indirect_dma source(%dma_start3A_47 : memref<10240x128xf32, #tpu.memory_space<hbm>>) target(%dma_start3A_41 : memref<128x128xf32, #tpu.memory_space<vmem>>) offsets(%dma_start3A_44 : memref<128xi32, #tpu.memory_space<vmem>>) semaphore(%arg10 : memref<!tpu.dma_semaphore, #tpu.memory_space<semaphore_mem>>)
        %add3A_48 = arith.constant 1 : i32
        %add3A_49 = arith.addi %mul3A_37, %add3A_48 : i32
        %dma_start3A_50 = arith.constant 1 : i32
        %dma_start3A_51 = arith.constant 0 : i32
        %dma_start3A_52 = arith.constant 0 : i32
        %dma_start3A_53 = tpu.memref_slice %arg8[%dma_start3A_50, %dma_start3A_51, %dma_start3A_52] : memref<2x128x128xf32, #tpu.memory_space<vmem>> -> memref<1x128x128xf32, #tpu.memory_space<vmem>>
        %dma_start3A_54 = tpu.memref_squeeze %dma_start3A_53 : memref<1x128x128xf32, #tpu.memory_space<vmem>> -> memref<128x128xf32, #tpu.memory_space<vmem>>
        %dma_start3A_55 = arith.constant 0 : i32
        %dma_start3A_56 = tpu.memref_slice %arg6[%add3A_49, %dma_start3A_55] : memref<20x128xi32, #tpu.memory_space<vmem>> -> memref<1x128xi32, #tpu.memory_space<vmem>>
        %dma_start3A_57 = tpu.memref_squeeze %dma_start3A_56 : memref<1x128xi32, #tpu.memory_space<vmem>> -> memref<128xi32, #tpu.memory_space<vmem>>
        %dma_start3A_58 = arith.constant 0 : i32
        %dma_start3A_59 = arith.constant 0 : i32
        %dma_start3A_60 = tpu.memref_slice %arg2[%dma_start3A_58, %dma_start3A_59] : memref<10240x128xf32, #tpu.memory_space<hbm>> -> memref<10240x128xf32, #tpu.memory_space<hbm>>
        tpu.enqueue_indirect_dma source(%dma_start3A_60 : memref<10240x128xf32, #tpu.memory_space<hbm>>) target(%dma_start3A_54 : memref<128x128xf32, #tpu.memory_space<vmem>>) offsets(%dma_start3A_57 : memref<128xi32, #tpu.memory_space<vmem>>) semaphore(%arg11 : memref<!tpu.dma_semaphore, #tpu.memory_space<semaphore_mem>>)
        %dma_wait3A = arith.constant 0 : i32
        %dma_wait3A_61 = arith.constant 0 : i32
        %dma_wait3A_62 = arith.constant 0 : i32
        %dma_wait3A_63 = tpu.memref_slice %arg8[%dma_wait3A, %dma_wait3A_61, %dma_wait3A_62] : memref<2x128x128xf32, #tpu.memory_space<vmem>> -> memref<1x128x128xf32, #tpu.memory_space<vmem>>
        %dma_wait3A_64 = tpu.memref_squeeze %dma_wait3A_63 : memref<1x128x128xf32, #tpu.memory_space<vmem>> -> memref<128x128xf32, #tpu.memory_space<vmem>>
        %dma_wait3A_65 = arith.constant 0 : i32
        %dma_wait3A_66 = tpu.memref_slice %arg6[%mul3A_37, %dma_wait3A_65] : memref<20x128xi32, #tpu.memory_space<vmem>> -> memref<1x128xi32, #tpu.memory_space<vmem>>
        %dma_wait3A_67 = tpu.memref_squeeze %dma_wait3A_66 : memref<1x128xi32, #tpu.memory_space<vmem>> -> memref<128xi32, #tpu.memory_space<vmem>>
        %dma_wait3A_68 = arith.constant 0 : i32
        %dma_wait3A_69 = arith.constant 0 : i32
        %dma_wait3A_70 = tpu.memref_slice %arg2[%dma_wait3A_68, %dma_wait3A_69] : memref<10240x128xf32, #tpu.memory_space<hbm>> -> memref<10240x128xf32, #tpu.memory_space<hbm>>
        tpu.wait_indirect_dma semaphore(%arg10 : memref<!tpu.dma_semaphore, #tpu.memory_space<semaphore_mem>>) src(%dma_wait3A_70 : memref<10240x128xf32, #tpu.memory_space<hbm>>) dst(%dma_wait3A_64 : memref<128x128xf32, #tpu.memory_space<vmem>>)
        %run_scoped3A = arith.constant 0 : i32
        "tpu.region"() ({
          %run_scoped3A_86 = tpu.sem_alloc : memref<!tpu.dma_semaphore, #tpu.memory_space<semaphore_mem>>
          %dma_start3A_87 = arith.constant 0 : i32
          %dma_start3A_88 = arith.constant 0 : i32
          %dma_start3A_89 = tpu.memref_slice %arg8[%run_scoped3A, %dma_start3A_87, %dma_start3A_88] : memref<2x128x128xf32, #tpu.memory_space<vmem>> -> memref<1x128x128xf32, #tpu.memory_space<vmem>>
          %dma_start3A_90 = tpu.memref_squeeze %dma_start3A_89 : memref<1x128x128xf32, #tpu.memory_space<vmem>> -> memref<128x128xf32, #tpu.memory_space<vmem>>
          %dma_start3A_91 = arith.constant 0 : i32
          %dma_start3A_92 = tpu.memref_slice %arg7[%mul3A_37, %dma_start3A_91] : memref<20x128xi32, #tpu.memory_space<vmem>> -> memref<1x128xi32, #tpu.memory_space<vmem>>
          %dma_start3A_93 = tpu.memref_squeeze %dma_start3A_92 : memref<1x128xi32, #tpu.memory_space<vmem>> -> memref<128xi32, #tpu.memory_space<vmem>>
          %dma_start3A_94 = arith.constant 0 : i32
          %dma_start3A_95 = arith.constant 0 : i32
          %dma_start3A_96 = tpu.memref_slice %arg9[%dma_start3A_94, %dma_start3A_95] : memref<10240x128xf32, #tpu.memory_space<vmem_shared>> -> memref<10240x128xf32, #tpu.memory_space<vmem_shared>>
          tpu.enqueue_indirect_dma source(%dma_start3A_90 : memref<128x128xf32, #tpu.memory_space<vmem>>) target(%dma_start3A_96 : memref<10240x128xf32, #tpu.memory_space<vmem_shared>>) offsets(%dma_start3A_93 : memref<128xi32, #tpu.memory_space<vmem>>) semaphore(%run_scoped3A_86 : memref<!tpu.dma_semaphore, #tpu.memory_space<semaphore_mem>>) {add = true}
          %dma_wait3A_97 = arith.constant 0 : i32
          %dma_wait3A_98 = arith.constant 0 : i32
          %dma_wait3A_99 = tpu.memref_slice %arg8[%run_scoped3A, %dma_wait3A_97, %dma_wait3A_98] : memref<2x128x128xf32, #tpu.memory_space<vmem>> -> memref<1x128x128xf32, #tpu.memory_space<vmem>>
          %dma_wait3A_100 = tpu.memref_squeeze %dma_wait3A_99 : memref<1x128x128xf32, #tpu.memory_space<vmem>> -> memref<128x128xf32, #tpu.memory_space<vmem>>
          %dma_wait3A_101 = arith.constant 0 : i32
          %dma_wait3A_102 = tpu.memref_slice %arg7[%mul3A_37, %dma_wait3A_101] : memref<20x128xi32, #tpu.memory_space<vmem>> -> memref<1x128xi32, #tpu.memory_space<vmem>>
          %dma_wait3A_103 = tpu.memref_squeeze %dma_wait3A_102 : memref<1x128xi32, #tpu.memory_space<vmem>> -> memref<128xi32, #tpu.memory_space<vmem>>
          %dma_wait3A_104 = arith.constant 0 : i32
          %dma_wait3A_105 = arith.constant 0 : i32
          %dma_wait3A_106 = tpu.memref_slice %arg9[%dma_wait3A_104, %dma_wait3A_105] : memref<10240x128xf32, #tpu.memory_space<vmem_shared>> -> memref<10240x128xf32, #tpu.memory_space<vmem_shared>>
          tpu.wait_indirect_dma semaphore(%run_scoped3A_86 : memref<!tpu.dma_semaphore, #tpu.memory_space<semaphore_mem>>) src(%dma_wait3A_100 : memref<128x128xf32, #tpu.memory_space<vmem>>) dst(%dma_wait3A_106 : memref<10240x128xf32, #tpu.memory_space<vmem_shared>>)
          tpu.yield
        }) : () -> ()
        %dma_wait3A_71 = arith.constant 1 : i32
        %dma_wait3A_72 = arith.constant 0 : i32
        %dma_wait3A_73 = arith.constant 0 : i32
        %dma_wait3A_74 = tpu.memref_slice %arg8[%dma_wait3A_71, %dma_wait3A_72, %dma_wait3A_73] : memref<2x128x128xf32, #tpu.memory_space<vmem>> -> memref<1x128x128xf32, #tpu.memory_space<vmem>>
        %dma_wait3A_75 = tpu.memref_squeeze %dma_wait3A_74 : memref<1x128x128xf32, #tpu.memory_space<vmem>> -> memref<128x128xf32, #tpu.memory_space<vmem>>
        %dma_wait3A_76 = arith.constant 0 : i32
        %dma_wait3A_77 = tpu.memref_slice %arg6[%add3A_49, %dma_wait3A_76] : memref<20x128xi32, #tpu.memory_space<vmem>> -> memref<1x128xi32, #tpu.memory_space<vmem>>
        %dma_wait3A_78 = tpu.memref_squeeze %dma_wait3A_77 : memref<1x128xi32, #tpu.memory_space<vmem>> -> memref<128xi32, #tpu.memory_space<vmem>>
        %dma_wait3A_79 = arith.constant 0 : i32
        %dma_wait3A_80 = arith.constant 0 : i32
        %dma_wait3A_81 = tpu.memref_slice %arg2[%dma_wait3A_79, %dma_wait3A_80] : memref<10240x128xf32, #tpu.memory_space<hbm>> -> memref<10240x128xf32, #tpu.memory_space<hbm>>
        tpu.wait_indirect_dma semaphore(%arg11 : memref<!tpu.dma_semaphore, #tpu.memory_space<semaphore_mem>>) src(%dma_wait3A_81 : memref<10240x128xf32, #tpu.memory_space<hbm>>) dst(%dma_wait3A_75 : memref<128x128xf32, #tpu.memory_space<vmem>>)
        %add3A_82 = arith.constant 1 : i32
        %add3A_83 = arith.addi %mul3A_37, %add3A_82 : i32
        %run_scoped3A_84 = arith.constant 1 : i32
        "tpu.region"() ({
          %run_scoped3A_86 = tpu.sem_alloc : memref<!tpu.dma_semaphore, #tpu.memory_space<semaphore_mem>>
          %dma_start3A_87 = arith.constant 0 : i32
          %dma_start3A_88 = arith.constant 0 : i32
          %dma_start3A_89 = tpu.memref_slice %arg8[%run_scoped3A_84, %dma_start3A_87, %dma_start3A_88] : memref<2x128x128xf32, #tpu.memory_space<vmem>> -> memref<1x128x128xf32, #tpu.memory_space<vmem>>
          %dma_start3A_90 = tpu.memref_squeeze %dma_start3A_89 : memref<1x128x128xf32, #tpu.memory_space<vmem>> -> memref<128x128xf32, #tpu.memory_space<vmem>>
          %dma_start3A_91 = arith.constant 0 : i32
          %dma_start3A_92 = tpu.memref_slice %arg7[%add3A_83, %dma_start3A_91] : memref<20x128xi32, #tpu.memory_space<vmem>> -> memref<1x128xi32, #tpu.memory_space<vmem>>
          %dma_start3A_93 = tpu.memref_squeeze %dma_start3A_92 : memref<1x128xi32, #tpu.memory_space<vmem>> -> memref<128xi32, #tpu.memory_space<vmem>>
          %dma_start3A_94 = arith.constant 0 : i32
          %dma_start3A_95 = arith.constant 0 : i32
          %dma_start3A_96 = tpu.memref_slice %arg9[%dma_start3A_94, %dma_start3A_95] : memref<10240x128xf32, #tpu.memory_space<vmem_shared>> -> memref<10240x128xf32, #tpu.memory_space<vmem_shared>>
          tpu.enqueue_indirect_dma source(%dma_start3A_90 : memref<128x128xf32, #tpu.memory_space<vmem>>) target(%dma_start3A_96 : memref<10240x128xf32, #tpu.memory_space<vmem_shared>>) offsets(%dma_start3A_93 : memref<128xi32, #tpu.memory_space<vmem>>) semaphore(%run_scoped3A_86 : memref<!tpu.dma_semaphore, #tpu.memory_space<semaphore_mem>>) {add = true}
          %dma_wait3A_97 = arith.constant 0 : i32
          %dma_wait3A_98 = arith.constant 0 : i32
          %dma_wait3A_99 = tpu.memref_slice %arg8[%run_scoped3A_84, %dma_wait3A_97, %dma_wait3A_98] : memref<2x128x128xf32, #tpu.memory_space<vmem>> -> memref<1x128x128xf32, #tpu.memory_space<vmem>>
          %dma_wait3A_100 = tpu.memref_squeeze %dma_wait3A_99 : memref<1x128x128xf32, #tpu.memory_space<vmem>> -> memref<128x128xf32, #tpu.memory_space<vmem>>
          %dma_wait3A_101 = arith.constant 0 : i32
          %dma_wait3A_102 = tpu.memref_slice %arg7[%add3A_83, %dma_wait3A_101] : memref<20x128xi32, #tpu.memory_space<vmem>> -> memref<1x128xi32, #tpu.memory_space<vmem>>
          %dma_wait3A_103 = tpu.memref_squeeze %dma_wait3A_102 : memref<1x128xi32, #tpu.memory_space<vmem>> -> memref<128xi32, #tpu.memory_space<vmem>>
          %dma_wait3A_104 = arith.constant 0 : i32
          %dma_wait3A_105 = arith.constant 0 : i32
          %dma_wait3A_106 = tpu.memref_slice %arg9[%dma_wait3A_104, %dma_wait3A_105] : memref<10240x128xf32, #tpu.memory_space<vmem_shared>> -> memref<10240x128xf32, #tpu.memory_space<vmem_shared>>
          tpu.wait_indirect_dma semaphore(%run_scoped3A_86 : memref<!tpu.dma_semaphore, #tpu.memory_space<semaphore_mem>>) src(%dma_wait3A_100 : memref<128x128xf32, #tpu.memory_space<vmem>>) dst(%dma_wait3A_106 : memref<10240x128xf32, #tpu.memory_space<vmem_shared>>)
          tpu.yield
        }) : () -> ()
        %scan3A_85 = arith.constant 0 : i32
        scf.yield %scan3A_85 : i32
      }
      %scan3A_32 = arith.constant 10 : i32
      %scan3A_33 = arith.constant 0 : i32
      scf.yield %scan3A_33 : i32
    }
    %scan3A_22 = arith.constant 4 : i32
    %barrier3A_23 = arith.constant 0 : index
    tpu.barrier barrier_id(%barrier3A_23)
    "tpu.region"() ({
      %run_scoped3A = tpu.sem_alloc : memref<!tpu.dma_semaphore, #tpu.memory_space<semaphore_mem>>
      %dma_start3A = arith.constant 0 : i32
      %dma_start3A_24 = tpu.memref_slice %arg5[%arg0, %mul3A_8, %dma_start3A] : memref<2x10240x128xf32, #tpu.memory_space<hbm>> -> memref<1x640x128xf32, #tpu.memory_space<hbm>>
      %dma_start3A_25 = tpu.memref_squeeze %dma_start3A_24 : memref<1x640x128xf32, #tpu.memory_space<hbm>> -> memref<640x128xf32, #tpu.memory_space<hbm>>
      %dma_start3A_26 = arith.constant 0 : i32
      %dma_start3A_27 = tpu.memref_slice %arg9[%mul3A_8, %dma_start3A_26] : memref<10240x128xf32, #tpu.memory_space<vmem_shared>> -> memref<640x128xf32, #tpu.memory_space<vmem_shared>>
      tpu.enqueue_dma source(%dma_start3A_27 : memref<640x128xf32, #tpu.memory_space<vmem_shared>>) target(%dma_start3A_25 : memref<640x128xf32, #tpu.memory_space<hbm>>) target_semaphore(%run_scoped3A : memref<!tpu.dma_semaphore, #tpu.memory_space<semaphore_mem>>)
      %dma_wait3A = arith.constant 0 : i32
      %dma_wait3A_28 = tpu.memref_slice %arg5[%arg0, %mul3A_8, %dma_wait3A] : memref<2x10240x128xf32, #tpu.memory_space<hbm>> -> memref<1x640x128xf32, #tpu.memory_space<hbm>>
      %dma_wait3A_29 = tpu.memref_squeeze %dma_wait3A_28 : memref<1x640x128xf32, #tpu.memory_space<hbm>> -> memref<640x128xf32, #tpu.memory_space<hbm>>
      %dma_wait3A_30 = arith.constant 0 : i32
      %dma_wait3A_31 = tpu.memref_slice %arg9[%mul3A_8, %dma_wait3A_30] : memref<10240x128xf32, #tpu.memory_space<vmem_shared>> -> memref<640x128xf32, #tpu.memory_space<vmem_shared>>
      tpu.wait_dma2 semaphore(%run_scoped3A : memref<!tpu.dma_semaphore, #tpu.memory_space<semaphore_mem>>) src(%dma_wait3A_31 : memref<640x128xf32, #tpu.memory_space<vmem_shared>>) dst(%dma_wait3A_29 : memref<640x128xf32, #tpu.memory_space<hbm>>)
      tpu.yield
    }) : () -> ()
    return
  }
}

#map = affine_map<(d0, d1) -> (0, 0)>
#map1 = affine_map<(d0, d1) -> (0, 0, 0, 0)>
#map2 = affine_map<(d0, d1) -> (0, 0, 0)>
module attributes {stable_mosaic.version = 14 : i64} {
  func.func @_sc_scatter(%arg0: i32, %arg1: i32, %arg2: memref<10240x128xf32, #tpu.memory_space<hbm>>, %arg3: memref<32x4x20x128xi32, #tpu.memory_space<hbm>>, %arg4: memref<32x4x20x128xi32, #tpu.memory_space<hbm>>, %arg5: memref<2x10240x128xf32, #tpu.memory_space<hbm>>, %arg6: memref<20x128xi32, #tpu.memory_space<vmem>>, %arg7: memref<20x128xi32, #tpu.memory_space<vmem>>, %arg8: memref<2x128x128xf32, #tpu.memory_space<vmem>>, %arg9: memref<10240x128xf32, #tpu.memory_space<vmem_shared>>, %arg10: memref<!tpu.dma_semaphore, #tpu.memory_space<semaphore_mem>>, %arg11: memref<!tpu.dma_semaphore, #tpu.memory_space<semaphore_mem>>) attributes {dimension_semantics = [#tpu.dimension_semantics<core_parallel>, #tpu.dimension_semantics<subcore_parallel>], iteration_bounds = array<i64: 2, 16>, scalar_prefetch = 0 : i64, scratch_operands = 6 : i64, tpu.core_type = #tpu.core_type<sc_vector_subcore>, window_params = [{transform_indices = #map}, {transform_indices = #map1}, {transform_indices = #map1}, {transform_indices = #map2}]} {
    %mul3A = arith.constant 16 : i32
    %mul3A_0 = arith.muli %arg0, %mul3A : i32
    %add3A = arith.addi %mul3A_0, %arg1 : i32
    %scan3A = arith.constant 0 : i32
    %scan3A_1 = arith.constant 0 : i32
    %scan3A_2 = arith.constant 128 : i32
    %scan3A_3 = arith.addi %scan3A_1, %scan3A_2 : i32
    %scan3A_4 = arith.constant 1 : i32
    %scan3A_5 = scf.for %scan3A_24 = %scan3A_1 to %scan3A_3 step %scan3A_4 iter_args(%scan3A_25 = %scan3A) -> (i32)  : i32 {
      %broadcast_in_dim3A = arith.constant 0.000000e+00 : f32
      %broadcast_in_dim3A_26 = vector.broadcast %broadcast_in_dim3A : f32 to vector<16xf32>
      %swap3A = arith.constant 0 : i32
      %swap3A_27 = arith.index_cast %swap3A : i32 to index
      %swap3A_28 = arith.index_cast %scan3A_24 : i32 to index
      %swap3A_29 = arith.constant 0 : index
      %swap3A_30 = tpu.vector_load %arg8[%swap3A_27, %swap3A_28, %swap3A_29] {strides = array<i32>} : memref<2x128x128xf32, #tpu.memory_space<vmem>>, vector<1x1x16xf32>,
      %swap3A_31 = vector.shape_cast %swap3A_30 : vector<1x1x16xf32> to vector<16xf32>
      %swap3A_32 = vector.shape_cast %broadcast_in_dim3A_26 : vector<16xf32> to vector<1x1x16xf32>
      tpu.vector_store %arg8[%swap3A_27, %swap3A_28, %swap3A_29], %swap3A_32 {strides = array<i32>} : memref<2x128x128xf32, #tpu.memory_space<vmem>>, vector<1x1x16xf32>,
      %broadcast_in_dim3A_33 = arith.constant 0.000000e+00 : f32
      %broadcast_in_dim3A_34 = vector.broadcast %broadcast_in_dim3A_33 : f32 to vector<16xf32>
      %swap3A_35 = arith.constant 0 : i32
      %swap3A_36 = arith.index_cast %swap3A_35 : i32 to index
      %swap3A_37 = arith.index_cast %scan3A_24 : i32 to index
      %swap3A_38 = arith.constant 16 : index
      %swap3A_39 = tpu.vector_load %arg8[%swap3A_36, %swap3A_37, %swap3A_38] {strides = array<i32>} : memref<2x128x128xf32, #tpu.memory_space<vmem>>, vector<1x1x16xf32>,
      %swap3A_40 = vector.shape_cast %swap3A_39 : vector<1x1x16xf32> to vector<16xf32>
      %swap3A_41 = vector.shape_cast %broadcast_in_dim3A_34 : vector<16xf32> to vector<1x1x16xf32>
      tpu.vector_store %arg8[%swap3A_36, %swap3A_37, %swap3A_38], %swap3A_41 {strides = array<i32>} : memref<2x128x128xf32, #tpu.memory_space<vmem>>, vector<1x1x16xf32>,
      %broadcast_in_dim3A_42 = arith.constant 0.000000e+00 : f32
      %broadcast_in_dim3A_43 = vector.broadcast %broadcast_in_dim3A_42 : f32 to vector<16xf32>
      %swap3A_44 = arith.constant 0 : i32
      %swap3A_45 = arith.index_cast %swap3A_44 : i32 to index
      %swap3A_46 = arith.index_cast %scan3A_24 : i32 to index
      %swap3A_47 = arith.constant 32 : index
      %swap3A_48 = tpu.vector_load %arg8[%swap3A_45, %swap3A_46, %swap3A_47] {strides = array<i32>} : memref<2x128x128xf32, #tpu.memory_space<vmem>>, vector<1x1x16xf32>,
      %swap3A_49 = vector.shape_cast %swap3A_48 : vector<1x1x16xf32> to vector<16xf32>
      %swap3A_50 = vector.shape_cast %broadcast_in_dim3A_43 : vector<16xf32> to vector<1x1x16xf32>
      tpu.vector_store %arg8[%swap3A_45, %swap3A_46, %swap3A_47], %swap3A_50 {strides = array<i32>} : memref<2x128x128xf32, #tpu.memory_space<vmem>>, vector<1x1x16xf32>,
      %broadcast_in_dim3A_51 = arith.constant 0.000000e+00 : f32
      %broadcast_in_dim3A_52 = vector.broadcast %broadcast_in_dim3A_51 : f32 to vector<16xf32>
      %swap3A_53 = arith.constant 0 : i32
      %swap3A_54 = arith.index_cast %swap3A_53 : i32 to index
      %swap3A_55 = arith.index_cast %scan3A_24 : i32 to index
      %swap3A_56 = arith.constant 48 : index
      %swap3A_57 = tpu.vector_load %arg8[%swap3A_54, %swap3A_55, %swap3A_56] {strides = array<i32>} : memref<2x128x128xf32, #tpu.memory_space<vmem>>, vector<1x1x16xf32>,
      %swap3A_58 = vector.shape_cast %swap3A_57 : vector<1x1x16xf32> to vector<16xf32>
      %swap3A_59 = vector.shape_cast %broadcast_in_dim3A_52 : vector<16xf32> to vector<1x1x16xf32>
      tpu.vector_store %arg8[%swap3A_54, %swap3A_55, %swap3A_56], %swap3A_59 {strides = array<i32>} : memref<2x128x128xf32, #tpu.memory_space<vmem>>, vector<1x1x16xf32>,
      %broadcast_in_dim3A_60 = arith.constant 0.000000e+00 : f32
      %broadcast_in_dim3A_61 = vector.broadcast %broadcast_in_dim3A_60 : f32 to vector<16xf32>
      %swap3A_62 = arith.constant 0 : i32
      %swap3A_63 = arith.index_cast %swap3A_62 : i32 to index
      %swap3A_64 = arith.index_cast %scan3A_24 : i32 to index
      %swap3A_65 = arith.constant 64 : index
      %swap3A_66 = tpu.vector_load %arg8[%swap3A_63, %swap3A_64, %swap3A_65] {strides = array<i32>} : memref<2x128x128xf32, #tpu.memory_space<vmem>>, vector<1x1x16xf32>,
      %swap3A_67 = vector.shape_cast %swap3A_66 : vector<1x1x16xf32> to vector<16xf32>
      %swap3A_68 = vector.shape_cast %broadcast_in_dim3A_61 : vector<16xf32> to vector<1x1x16xf32>
      tpu.vector_store %arg8[%swap3A_63, %swap3A_64, %swap3A_65], %swap3A_68 {strides = array<i32>} : memref<2x128x128xf32, #tpu.memory_space<vmem>>, vector<1x1x16xf32>,
      %broadcast_in_dim3A_69 = arith.constant 0.000000e+00 : f32
      %broadcast_in_dim3A_70 = vector.broadcast %broadcast_in_dim3A_69 : f32 to vector<16xf32>
      %swap3A_71 = arith.constant 0 : i32
      %swap3A_72 = arith.index_cast %swap3A_71 : i32 to index
      %swap3A_73 = arith.index_cast %scan3A_24 : i32 to index
      %swap3A_74 = arith.constant 80 : index
      %swap3A_75 = tpu.vector_load %arg8[%swap3A_72, %swap3A_73, %swap3A_74] {strides = array<i32>} : memref<2x128x128xf32, #tpu.memory_space<vmem>>, vector<1x1x16xf32>,
      %swap3A_76 = vector.shape_cast %swap3A_75 : vector<1x1x16xf32> to vector<16xf32>
      %swap3A_77 = vector.shape_cast %broadcast_in_dim3A_70 : vector<16xf32> to vector<1x1x16xf32>
      tpu.vector_store %arg8[%swap3A_72, %swap3A_73, %swap3A_74], %swap3A_77 {strides = array<i32>} : memref<2x128x128xf32, #tpu.memory_space<vmem>>, vector<1x1x16xf32>,
      %broadcast_in_dim3A_78 = arith.constant 0.000000e+00 : f32
      %broadcast_in_dim3A_79 = vector.broadcast %broadcast_in_dim3A_78 : f32 to vector<16xf32>
      %swap3A_80 = arith.constant 0 : i32
      %swap3A_81 = arith.index_cast %swap3A_80 : i32 to index
      %swap3A_82 = arith.index_cast %scan3A_24 : i32 to index
      %swap3A_83 = arith.constant 96 : index
      %swap3A_84 = tpu.vector_load %arg8[%swap3A_81, %swap3A_82, %swap3A_83] {strides = array<i32>} : memref<2x128x128xf32, #tpu.memory_space<vmem>>, vector<1x1x16xf32>,
      %swap3A_85 = vector.shape_cast %swap3A_84 : vector<1x1x16xf32> to vector<16xf32>
      %swap3A_86 = vector.shape_cast %broadcast_in_dim3A_79 : vector<16xf32> to vector<1x1x16xf32>
      tpu.vector_store %arg8[%swap3A_81, %swap3A_82, %swap3A_83], %swap3A_86 {strides = array<i32>} : memref<2x128x128xf32, #tpu.memory_space<vmem>>, vector<1x1x16xf32>,
      %broadcast_in_dim3A_87 = arith.constant 0.000000e+00 : f32
      %broadcast_in_dim3A_88 = vector.broadcast %broadcast_in_dim3A_87 : f32 to vector<16xf32>
      %swap3A_89 = arith.constant 0 : i32
      %swap3A_90 = arith.index_cast %swap3A_89 : i32 to index
      %swap3A_91 = arith.index_cast %scan3A_24 : i32 to index
      %swap3A_92 = arith.constant 112 : index
      %swap3A_93 = tpu.vector_load %arg8[%swap3A_90, %swap3A_91, %swap3A_92] {strides = array<i32>} : memref<2x128x128xf32, #tpu.memory_space<vmem>>, vector<1x1x16xf32>,
      %swap3A_94 = vector.shape_cast %swap3A_93 : vector<1x1x16xf32> to vector<16xf32>
      %swap3A_95 = vector.shape_cast %broadcast_in_dim3A_88 : vector<16xf32> to vector<1x1x16xf32>
      tpu.vector_store %arg8[%swap3A_90, %swap3A_91, %swap3A_92], %swap3A_95 {strides = array<i32>} : memref<2x128x128xf32, #tpu.memory_space<vmem>>, vector<1x1x16xf32>,
      %scan3A_96 = arith.constant 0 : i32
      scf.yield %scan3A_96 : i32
    }
    %scan3A_6 = arith.constant 128 : i32
    %mul3A_7 = arith.constant 640 : i32
    %mul3A_8 = arith.muli %arg1, %mul3A_7 : i32
    %scan3A_9 = arith.constant 0 : i32
    %scan3A_10 = arith.constant 0 : i32
    %scan3A_11 = arith.constant 5 : i32
    %scan3A_12 = arith.addi %scan3A_10, %scan3A_11 : i32
    %scan3A_13 = arith.constant 1 : i32
    %scan3A_14 = scf.for %scan3A_24 = %scan3A_10 to %scan3A_12 step %scan3A_13 iter_args(%scan3A_25 = %scan3A_9) -> (i32)  : i32 {
      %mul3A_26 = arith.constant 128 : i32
      %mul3A_27 = arith.muli %scan3A_24, %mul3A_26 : i32
      %add3A_28 = arith.addi %mul3A_8, %mul3A_27 : i32
      %run_scoped3A = arith.constant 0 : i32
      "tpu.region"() ({
        %run_scoped3A_30 = tpu.sem_alloc : memref<!tpu.dma_semaphore, #tpu.memory_space<semaphore_mem>>
        %dma_start3A = arith.constant 0 : i32
        %dma_start3A_31 = arith.constant 0 : i32
        %dma_start3A_32 = tpu.memref_slice %arg8[%run_scoped3A, %dma_start3A, %dma_start3A_31] : memref<2x128x128xf32, #tpu.memory_space<vmem>> -> memref<1x128x128xf32, #tpu.memory_space<vmem>>
        %dma_start3A_33 = tpu.memref_squeeze %dma_start3A_32 : memref<1x128x128xf32, #tpu.memory_space<vmem>> -> memref<128x128xf32, #tpu.memory_space<vmem>>
        %dma_start3A_34 = arith.constant 0 : i32
        %dma_start3A_35 = tpu.memref_slice %arg9[%add3A_28, %dma_start3A_34] : memref<10240x128xf32, #tpu.memory_space<vmem_shared>> -> memref<128x128xf32, #tpu.memory_space<vmem_shared>>
        %dma_start3A_36 = arith.constant 0 : i32
        %dma_start3A_37 = tpu.memref_slice %arg9[%add3A_28, %dma_start3A_36] : memref<10240x128xf32, #tpu.memory_space<vmem_shared>> -> memref<128x128xf32, #tpu.memory_space<vmem_shared>>
        %dma_start3A_38 = arith.constant 0 : i32
        %dma_start3A_39 = arith.constant 0 : i32
        %dma_start3A_40 = tpu.memref_slice %arg8[%run_scoped3A, %dma_start3A_38, %dma_start3A_39] : memref<2x128x128xf32, #tpu.memory_space<vmem>> -> memref<1x128x128xf32, #tpu.memory_space<vmem>>
        %dma_start3A_41 = tpu.memref_squeeze %dma_start3A_40 : memref<1x128x128xf32, #tpu.memory_space<vmem>> -> memref<128x128xf32, #tpu.memory_space<vmem>>
        tpu.enqueue_dma source(%dma_start3A_41 : memref<128x128xf32, #tpu.memory_space<vmem>>) target(%dma_start3A_37 : memref<128x128xf32, #tpu.memory_space<vmem_shared>>) target_semaphore(%run_scoped3A_30 : memref<!tpu.dma_semaphore, #tpu.memory_space<semaphore_mem>>)
        %dma_wait3A = arith.constant 0 : i32
        %dma_wait3A_42 = arith.constant 0 : i32
        %dma_wait3A_43 = tpu.memref_slice %arg8[%run_scoped3A, %dma_wait3A, %dma_wait3A_42] : memref<2x128x128xf32, #tpu.memory_space<vmem>> -> memref<1x128x128xf32, #tpu.memory_space<vmem>>
        %dma_wait3A_44 = tpu.memref_squeeze %dma_wait3A_43 : memref<1x128x128xf32, #tpu.memory_space<vmem>> -> memref<128x128xf32, #tpu.memory_space<vmem>>
        %dma_wait3A_45 = arith.constant 0 : i32
        %dma_wait3A_46 = tpu.memref_slice %arg9[%add3A_28, %dma_wait3A_45] : memref<10240x128xf32, #tpu.memory_space<vmem_shared>> -> memref<128x128xf32, #tpu.memory_space<vmem_shared>>
        %dma_wait3A_47 = arith.constant 0 : i32
        %dma_wait3A_48 = tpu.memref_slice %arg9[%add3A_28, %dma_wait3A_47] : memref<10240x128xf32, #tpu.memory_space<vmem_shared>> -> memref<128x128xf32, #tpu.memory_space<vmem_shared>>
        %dma_wait3A_49 = arith.constant 0 : i32
        %dma_wait3A_50 = arith.constant 0 : i32
        %dma_wait3A_51 = tpu.memref_slice %arg8[%run_scoped3A, %dma_wait3A_49, %dma_wait3A_50] : memref<2x128x128xf32, #tpu.memory_space<vmem>> -> memref<1x128x128xf32, #tpu.memory_space<vmem>>
        %dma_wait3A_52 = tpu.memref_squeeze %dma_wait3A_51 : memref<1x128x128xf32, #tpu.memory_space<vmem>> -> memref<128x128xf32, #tpu.memory_space<vmem>>
        tpu.wait_dma2 semaphore(%run_scoped3A_30 : memref<!tpu.dma_semaphore, #tpu.memory_space<semaphore_mem>>) src(%dma_wait3A_52 : memref<128x128xf32, #tpu.memory_space<vmem>>) dst(%dma_wait3A_48 : memref<128x128xf32, #tpu.memory_space<vmem_shared>>)
        tpu.yield
      }) : () -> ()
      %scan3A_29 = arith.constant 0 : i32
      scf.yield %scan3A_29 : i32
    }
    %scan3A_15 = arith.constant 5 : i32
    %barrier3A = arith.constant 0 : index
    tpu.barrier barrier_id(%barrier3A)
    %scan3A_16 = arith.constant 0 : i32
    %scan3A_17 = arith.constant 0 : i32
    %scan3A_18 = arith.constant 4 : i32
    %scan3A_19 = arith.addi %scan3A_17, %scan3A_18 : i32
    %scan3A_20 = arith.constant 1 : i32
    %scan3A_21 = scf.for %scan3A_24 = %scan3A_17 to %scan3A_19 step %scan3A_20 iter_args(%scan3A_25 = %scan3A_16) -> (i32)  : i32 {
      "tpu.region"() ({
        %run_scoped3A = tpu.sem_alloc : memref<!tpu.dma_semaphore, #tpu.memory_space<semaphore_mem>>
        %dma_start3A = arith.constant 0 : i32
        %dma_start3A_34 = arith.constant 0 : i32
        %dma_start3A_35 = tpu.memref_slice %arg3[%add3A, %scan3A_24, %dma_start3A, %dma_start3A_34] : memref<32x4x20x128xi32, #tpu.memory_space<hbm>> -> memref<1x1x20x128xi32, #tpu.memory_space<hbm>>
        %dma_start3A_36 = tpu.memref_squeeze %dma_start3A_35 : memref<1x1x20x128xi32, #tpu.memory_space<hbm>> -> memref<20x128xi32, #tpu.memory_space<hbm>>
        %dma_start3A_37 = arith.constant 0 : i32
        %dma_start3A_38 = arith.constant 0 : i32
        %dma_start3A_39 = tpu.memref_slice %arg3[%add3A, %scan3A_24, %dma_start3A_37, %dma_start3A_38] : memref<32x4x20x128xi32, #tpu.memory_space<hbm>> -> memref<1x1x20x128xi32, #tpu.memory_space<hbm>>
        %dma_start3A_40 = tpu.memref_squeeze %dma_start3A_39 : memref<1x1x20x128xi32, #tpu.memory_space<hbm>> -> memref<20x128xi32, #tpu.memory_space<hbm>>
        tpu.enqueue_dma source(%dma_start3A_40 : memref<20x128xi32, #tpu.memory_space<hbm>>) target(%arg6 : memref<20x128xi32, #tpu.memory_space<vmem>>) target_semaphore(%run_scoped3A : memref<!tpu.dma_semaphore, #tpu.memory_space<semaphore_mem>>)
        %dma_wait3A = arith.constant 0 : i32
        %dma_wait3A_41 = arith.constant 0 : i32
        %dma_wait3A_42 = tpu.memref_slice %arg3[%add3A, %scan3A_24, %dma_wait3A, %dma_wait3A_41] : memref<32x4x20x128xi32, #tpu.memory_space<hbm>> -> memref<1x1x20x128xi32, #tpu.memory_space<hbm>>
        %dma_wait3A_43 = tpu.memref_squeeze %dma_wait3A_42 : memref<1x1x20x128xi32, #tpu.memory_space<hbm>> -> memref<20x128xi32, #tpu.memory_space<hbm>>
        %dma_wait3A_44 = arith.constant 0 : i32
        %dma_wait3A_45 = arith.constant 0 : i32
        %dma_wait3A_46 = tpu.memref_slice %arg3[%add3A, %scan3A_24, %dma_wait3A_44, %dma_wait3A_45] : memref<32x4x20x128xi32, #tpu.memory_space<hbm>> -> memref<1x1x20x128xi32, #tpu.memory_space<hbm>>
        %dma_wait3A_47 = tpu.memref_squeeze %dma_wait3A_46 : memref<1x1x20x128xi32, #tpu.memory_space<hbm>> -> memref<20x128xi32, #tpu.memory_space<hbm>>
        tpu.wait_dma2 semaphore(%run_scoped3A : memref<!tpu.dma_semaphore, #tpu.memory_space<semaphore_mem>>) src(%dma_wait3A_47 : memref<20x128xi32, #tpu.memory_space<hbm>>) dst(%arg6 : memref<20x128xi32, #tpu.memory_space<vmem>>)
        tpu.yield
      }) : () -> ()
      "tpu.region"() ({
        %run_scoped3A = tpu.sem_alloc : memref<!tpu.dma_semaphore, #tpu.memory_space<semaphore_mem>>
        %dma_start3A = arith.constant 0 : i32
        %dma_start3A_34 = arith.constant 0 : i32
        %dma_start3A_35 = tpu.memref_slice %arg4[%add3A, %scan3A_24, %dma_start3A, %dma_start3A_34] : memref<32x4x20x128xi32, #tpu.memory_space<hbm>> -> memref<1x1x20x128xi32, #tpu.memory_space<hbm>>
        %dma_start3A_36 = tpu.memref_squeeze %dma_start3A_35 : memref<1x1x20x128xi32, #tpu.memory_space<hbm>> -> memref<20x128xi32, #tpu.memory_space<hbm>>
        %dma_start3A_37 = arith.constant 0 : i32
        %dma_start3A_38 = arith.constant 0 : i32
        %dma_start3A_39 = tpu.memref_slice %arg4[%add3A, %scan3A_24, %dma_start3A_37, %dma_start3A_38] : memref<32x4x20x128xi32, #tpu.memory_space<hbm>> -> memref<1x1x20x128xi32, #tpu.memory_space<hbm>>
        %dma_start3A_40 = tpu.memref_squeeze %dma_start3A_39 : memref<1x1x20x128xi32, #tpu.memory_space<hbm>> -> memref<20x128xi32, #tpu.memory_space<hbm>>
        tpu.enqueue_dma source(%dma_start3A_40 : memref<20x128xi32, #tpu.memory_space<hbm>>) target(%arg7 : memref<20x128xi32, #tpu.memory_space<vmem>>) target_semaphore(%run_scoped3A : memref<!tpu.dma_semaphore, #tpu.memory_space<semaphore_mem>>)
        %dma_wait3A = arith.constant 0 : i32
        %dma_wait3A_41 = arith.constant 0 : i32
        %dma_wait3A_42 = tpu.memref_slice %arg4[%add3A, %scan3A_24, %dma_wait3A, %dma_wait3A_41] : memref<32x4x20x128xi32, #tpu.memory_space<hbm>> -> memref<1x1x20x128xi32, #tpu.memory_space<hbm>>
        %dma_wait3A_43 = tpu.memref_squeeze %dma_wait3A_42 : memref<1x1x20x128xi32, #tpu.memory_space<hbm>> -> memref<20x128xi32, #tpu.memory_space<hbm>>
        %dma_wait3A_44 = arith.constant 0 : i32
        %dma_wait3A_45 = arith.constant 0 : i32
        %dma_wait3A_46 = tpu.memref_slice %arg4[%add3A, %scan3A_24, %dma_wait3A_44, %dma_wait3A_45] : memref<32x4x20x128xi32, #tpu.memory_space<hbm>> -> memref<1x1x20x128xi32, #tpu.memory_space<hbm>>
        %dma_wait3A_47 = tpu.memref_squeeze %dma_wait3A_46 : memref<1x1x20x128xi32, #tpu.memory_space<hbm>> -> memref<20x128xi32, #tpu.memory_space<hbm>>
        tpu.wait_dma2 semaphore(%run_scoped3A : memref<!tpu.dma_semaphore, #tpu.memory_space<semaphore_mem>>) src(%dma_wait3A_47 : memref<20x128xi32, #tpu.memory_space<hbm>>) dst(%arg7 : memref<20x128xi32, #tpu.memory_space<vmem>>)
        tpu.yield
      }) : () -> ()
      %scan3A_26 = arith.constant 0 : i32
      %scan3A_27 = arith.constant 0 : i32
      %scan3A_28 = arith.constant 10 : i32
      %scan3A_29 = arith.addi %scan3A_27, %scan3A_28 : i32
      %scan3A_30 = arith.constant 1 : i32
      %scan3A_31 = scf.for %scan3A_34 = %scan3A_27 to %scan3A_29 step %scan3A_30 iter_args(%scan3A_35 = %scan3A_26) -> (i32)  : i32 {
        %mul3A_36 = arith.constant 2 : i32
        %mul3A_37 = arith.muli %scan3A_34, %mul3A_36 : i32
        %dma_start3A = arith.constant 0 : i32
        %dma_start3A_38 = arith.constant 0 : i32
        %dma_start3A_39 = arith.constant 0 : i32
        %dma_start3A_40 = tpu.memref_slice %arg8[%dma_start3A, %dma_start3A_38, %dma_start3A_39] : memref<2x128x128xf32, #tpu.memory_space<vmem>> -> memref<1x128x128xf32, #tpu.memory_space<vmem>>
        %dma_start3A_41 = tpu.memref_squeeze %dma_start3A_40 : memref<1x128x128xf32, #tpu.memory_space<vmem>> -> memref<128x128xf32, #tpu.memory_space<vmem>>
        %dma_start3A_42 = arith.constant 0 : i32
        %dma_start3A_43 = tpu.memref_slice %arg6[%mul3A_37, %dma_start3A_42] : memref<20x128xi32, #tpu.memory_space<vmem>> -> memref<1x128xi32, #tpu.memory_space<vmem>>
        %dma_start3A_44 = tpu.memref_squeeze %dma_start3A_43 : memref<1x128xi32, #tpu.memory_space<vmem>> -> memref<128xi32, #tpu.memory_space<vmem>>
        %dma_start3A_45 = arith.constant 0 : i32
        %dma_start3A_46 = arith.constant 0 : i32
        %dma_start3A_47 = tpu.memref_slice %arg2[%dma_start3A_45, %dma_start3A_46] : memref<10240x128xf32, #tpu.memory_space<hbm>> -> memref<10240x128xf32, #tpu.memory_space<hbm>>
        tpu.enqueue_indirect_dma source(%dma_start3A_47 : memref<10240x128xf32, #tpu.memory_space<hbm>>) target(%dma_start3A_41 : memref<128x128xf32, #tpu.memory_space<vmem>>) offsets(%dma_start3A_44 : memref<128xi32, #tpu.memory_space<vmem>>) semaphore(%arg10 : memref<!tpu.dma_semaphore, #tpu.memory_space<semaphore_mem>>)
        %add3A_48 = arith.constant 1 : i32
        %add3A_49 = arith.addi %mul3A_37, %add3A_48 : i32
        %dma_start3A_50 = arith.constant 1 : i32
        %dma_start3A_51 = arith.constant 0 : i32
        %dma_start3A_52 = arith.constant 0 : i32
        %dma_start3A_53 = tpu.memref_slice %arg8[%dma_start3A_50, %dma_start3A_51, %dma_start3A_52] : memref<2x128x128xf32, #tpu.memory_space<vmem>> -> memref<1x128x128xf32, #tpu.memory_space<vmem>>
        %dma_start3A_54 = tpu.memref_squeeze %dma_start3A_53 : memref<1x128x128xf32, #tpu.memory_space<vmem>> -> memref<128x128xf32, #tpu.memory_space<vmem>>
        %dma_start3A_55 = arith.constant 0 : i32
        %dma_start3A_56 = tpu.memref_slice %arg6[%add3A_49, %dma_start3A_55] : memref<20x128xi32, #tpu.memory_space<vmem>> -> memref<1x128xi32, #tpu.memory_space<vmem>>
        %dma_start3A_57 = tpu.memref_squeeze %dma_start3A_56 : memref<1x128xi32, #tpu.memory_space<vmem>> -> memref<128xi32, #tpu.memory_space<vmem>>
        %dma_start3A_58 = arith.constant 0 : i32
        %dma_start3A_59 = arith.constant 0 : i32
        %dma_start3A_60 = tpu.memref_slice %arg2[%dma_start3A_58, %dma_start3A_59] : memref<10240x128xf32, #tpu.memory_space<hbm>> -> memref<10240x128xf32, #tpu.memory_space<hbm>>
        tpu.enqueue_indirect_dma source(%dma_start3A_60 : memref<10240x128xf32, #tpu.memory_space<hbm>>) target(%dma_start3A_54 : memref<128x128xf32, #tpu.memory_space<vmem>>) offsets(%dma_start3A_57 : memref<128xi32, #tpu.memory_space<vmem>>) semaphore(%arg11 : memref<!tpu.dma_semaphore, #tpu.memory_space<semaphore_mem>>)
        %dma_wait3A = arith.constant 0 : i32
        %dma_wait3A_61 = arith.constant 0 : i32
        %dma_wait3A_62 = arith.constant 0 : i32
        %dma_wait3A_63 = tpu.memref_slice %arg8[%dma_wait3A, %dma_wait3A_61, %dma_wait3A_62] : memref<2x128x128xf32, #tpu.memory_space<vmem>> -> memref<1x128x128xf32, #tpu.memory_space<vmem>>
        %dma_wait3A_64 = tpu.memref_squeeze %dma_wait3A_63 : memref<1x128x128xf32, #tpu.memory_space<vmem>> -> memref<128x128xf32, #tpu.memory_space<vmem>>
        %dma_wait3A_65 = arith.constant 0 : i32
        %dma_wait3A_66 = tpu.memref_slice %arg6[%mul3A_37, %dma_wait3A_65] : memref<20x128xi32, #tpu.memory_space<vmem>> -> memref<1x128xi32, #tpu.memory_space<vmem>>
        %dma_wait3A_67 = tpu.memref_squeeze %dma_wait3A_66 : memref<1x128xi32, #tpu.memory_space<vmem>> -> memref<128xi32, #tpu.memory_space<vmem>>
        %dma_wait3A_68 = arith.constant 0 : i32
        %dma_wait3A_69 = arith.constant 0 : i32
        %dma_wait3A_70 = tpu.memref_slice %arg2[%dma_wait3A_68, %dma_wait3A_69] : memref<10240x128xf32, #tpu.memory_space<hbm>> -> memref<10240x128xf32, #tpu.memory_space<hbm>>
        tpu.wait_indirect_dma semaphore(%arg10 : memref<!tpu.dma_semaphore, #tpu.memory_space<semaphore_mem>>) src(%dma_wait3A_70 : memref<10240x128xf32, #tpu.memory_space<hbm>>) dst(%dma_wait3A_64 : memref<128x128xf32, #tpu.memory_space<vmem>>)
        %run_scoped3A = arith.constant 0 : i32
        "tpu.region"() ({
          %run_scoped3A_86 = tpu.sem_alloc : memref<!tpu.dma_semaphore, #tpu.memory_space<semaphore_mem>>
          %dma_start3A_87 = arith.constant 0 : i32
          %dma_start3A_88 = arith.constant 0 : i32
          %dma_start3A_89 = tpu.memref_slice %arg8[%run_scoped3A, %dma_start3A_87, %dma_start3A_88] : memref<2x128x128xf32, #tpu.memory_space<vmem>> -> memref<1x128x128xf32, #tpu.memory_space<vmem>>
          %dma_start3A_90 = tpu.memref_squeeze %dma_start3A_89 : memref<1x128x128xf32, #tpu.memory_space<vmem>> -> memref<128x128xf32, #tpu.memory_space<vmem>>
          %dma_start3A_91 = arith.constant 0 : i32
          %dma_start3A_92 = tpu.memref_slice %arg7[%mul3A_37, %dma_start3A_91] : memref<20x128xi32, #tpu.memory_space<vmem>> -> memref<1x128xi32, #tpu.memory_space<vmem>>
          %dma_start3A_93 = tpu.memref_squeeze %dma_start3A_92 : memref<1x128xi32, #tpu.memory_space<vmem>> -> memref<128xi32, #tpu.memory_space<vmem>>
          %dma_start3A_94 = arith.constant 0 : i32
          %dma_start3A_95 = arith.constant 0 : i32
          %dma_start3A_96 = tpu.memref_slice %arg9[%dma_start3A_94, %dma_start3A_95] : memref<10240x128xf32, #tpu.memory_space<vmem_shared>> -> memref<10240x128xf32, #tpu.memory_space<vmem_shared>>
          tpu.enqueue_indirect_dma source(%dma_start3A_90 : memref<128x128xf32, #tpu.memory_space<vmem>>) target(%dma_start3A_96 : memref<10240x128xf32, #tpu.memory_space<vmem_shared>>) offsets(%dma_start3A_93 : memref<128xi32, #tpu.memory_space<vmem>>) semaphore(%run_scoped3A_86 : memref<!tpu.dma_semaphore, #tpu.memory_space<semaphore_mem>>) {add = true}
          %dma_wait3A_97 = arith.constant 0 : i32
          %dma_wait3A_98 = arith.constant 0 : i32
          %dma_wait3A_99 = tpu.memref_slice %arg8[%run_scoped3A, %dma_wait3A_97, %dma_wait3A_98] : memref<2x128x128xf32, #tpu.memory_space<vmem>> -> memref<1x128x128xf32, #tpu.memory_space<vmem>>
          %dma_wait3A_100 = tpu.memref_squeeze %dma_wait3A_99 : memref<1x128x128xf32, #tpu.memory_space<vmem>> -> memref<128x128xf32, #tpu.memory_space<vmem>>
          %dma_wait3A_101 = arith.constant 0 : i32
          %dma_wait3A_102 = tpu.memref_slice %arg7[%mul3A_37, %dma_wait3A_101] : memref<20x128xi32, #tpu.memory_space<vmem>> -> memref<1x128xi32, #tpu.memory_space<vmem>>
          %dma_wait3A_103 = tpu.memref_squeeze %dma_wait3A_102 : memref<1x128xi32, #tpu.memory_space<vmem>> -> memref<128xi32, #tpu.memory_space<vmem>>
          %dma_wait3A_104 = arith.constant 0 : i32
          %dma_wait3A_105 = arith.constant 0 : i32
          %dma_wait3A_106 = tpu.memref_slice %arg9[%dma_wait3A_104, %dma_wait3A_105] : memref<10240x128xf32, #tpu.memory_space<vmem_shared>> -> memref<10240x128xf32, #tpu.memory_space<vmem_shared>>
          tpu.wait_indirect_dma semaphore(%run_scoped3A_86 : memref<!tpu.dma_semaphore, #tpu.memory_space<semaphore_mem>>) src(%dma_wait3A_100 : memref<128x128xf32, #tpu.memory_space<vmem>>) dst(%dma_wait3A_106 : memref<10240x128xf32, #tpu.memory_space<vmem_shared>>)
          tpu.yield
        }) : () -> ()
        %dma_wait3A_71 = arith.constant 1 : i32
        %dma_wait3A_72 = arith.constant 0 : i32
        %dma_wait3A_73 = arith.constant 0 : i32
        %dma_wait3A_74 = tpu.memref_slice %arg8[%dma_wait3A_71, %dma_wait3A_72, %dma_wait3A_73] : memref<2x128x128xf32, #tpu.memory_space<vmem>> -> memref<1x128x128xf32, #tpu.memory_space<vmem>>
        %dma_wait3A_75 = tpu.memref_squeeze %dma_wait3A_74 : memref<1x128x128xf32, #tpu.memory_space<vmem>> -> memref<128x128xf32, #tpu.memory_space<vmem>>
        %dma_wait3A_76 = arith.constant 0 : i32
        %dma_wait3A_77 = tpu.memref_slice %arg6[%add3A_49, %dma_wait3A_76] : memref<20x128xi32, #tpu.memory_space<vmem>> -> memref<1x128xi32, #tpu.memory_space<vmem>>
        %dma_wait3A_78 = tpu.memref_squeeze %dma_wait3A_77 : memref<1x128xi32, #tpu.memory_space<vmem>> -> memref<128xi32, #tpu.memory_space<vmem>>
        %dma_wait3A_79 = arith.constant 0 : i32
        %dma_wait3A_80 = arith.constant 0 : i32
        %dma_wait3A_81 = tpu.memref_slice %arg2[%dma_wait3A_79, %dma_wait3A_80] : memref<10240x128xf32, #tpu.memory_space<hbm>> -> memref<10240x128xf32, #tpu.memory_space<hbm>>
        tpu.wait_indirect_dma semaphore(%arg11 : memref<!tpu.dma_semaphore, #tpu.memory_space<semaphore_mem>>) src(%dma_wait3A_81 : memref<10240x128xf32, #tpu.memory_space<hbm>>) dst(%dma_wait3A_75 : memref<128x128xf32, #tpu.memory_space<vmem>>)
        %add3A_82 = arith.constant 1 : i32
        %add3A_83 = arith.addi %mul3A_37, %add3A_82 : i32
        %run_scoped3A_84 = arith.constant 1 : i32
        "tpu.region"() ({
          %run_scoped3A_86 = tpu.sem_alloc : memref<!tpu.dma_semaphore, #tpu.memory_space<semaphore_mem>>
          %dma_start3A_87 = arith.constant 0 : i32
          %dma_start3A_88 = arith.constant 0 : i32
          %dma_start3A_89 = tpu.memref_slice %arg8[%run_scoped3A_84, %dma_start3A_87, %dma_start3A_88] : memref<2x128x128xf32, #tpu.memory_space<vmem>> -> memref<1x128x128xf32, #tpu.memory_space<vmem>>
          %dma_start3A_90 = tpu.memref_squeeze %dma_start3A_89 : memref<1x128x128xf32, #tpu.memory_space<vmem>> -> memref<128x128xf32, #tpu.memory_space<vmem>>
          %dma_start3A_91 = arith.constant 0 : i32
          %dma_start3A_92 = tpu.memref_slice %arg7[%add3A_83, %dma_start3A_91] : memref<20x128xi32, #tpu.memory_space<vmem>> -> memref<1x128xi32, #tpu.memory_space<vmem>>
          %dma_start3A_93 = tpu.memref_squeeze %dma_start3A_92 : memref<1x128xi32, #tpu.memory_space<vmem>> -> memref<128xi32, #tpu.memory_space<vmem>>
          %dma_start3A_94 = arith.constant 0 : i32
          %dma_start3A_95 = arith.constant 0 : i32
          %dma_start3A_96 = tpu.memref_slice %arg9[%dma_start3A_94, %dma_start3A_95] : memref<10240x128xf32, #tpu.memory_space<vmem_shared>> -> memref<10240x128xf32, #tpu.memory_space<vmem_shared>>
          tpu.enqueue_indirect_dma source(%dma_start3A_90 : memref<128x128xf32, #tpu.memory_space<vmem>>) target(%dma_start3A_96 : memref<10240x128xf32, #tpu.memory_space<vmem_shared>>) offsets(%dma_start3A_93 : memref<128xi32, #tpu.memory_space<vmem>>) semaphore(%run_scoped3A_86 : memref<!tpu.dma_semaphore, #tpu.memory_space<semaphore_mem>>) {add = true}
          %dma_wait3A_97 = arith.constant 0 : i32
          %dma_wait3A_98 = arith.constant 0 : i32
          %dma_wait3A_99 = tpu.memref_slice %arg8[%run_scoped3A_84, %dma_wait3A_97, %dma_wait3A_98] : memref<2x128x128xf32, #tpu.memory_space<vmem>> -> memref<1x128x128xf32, #tpu.memory_space<vmem>>
          %dma_wait3A_100 = tpu.memref_squeeze %dma_wait3A_99 : memref<1x128x128xf32, #tpu.memory_space<vmem>> -> memref<128x128xf32, #tpu.memory_space<vmem>>
          %dma_wait3A_101 = arith.constant 0 : i32
          %dma_wait3A_102 = tpu.memref_slice %arg7[%add3A_83, %dma_wait3A_101] : memref<20x128xi32, #tpu.memory_space<vmem>> -> memref<1x128xi32, #tpu.memory_space<vmem>>
          %dma_wait3A_103 = tpu.memref_squeeze %dma_wait3A_102 : memref<1x128xi32, #tpu.memory_space<vmem>> -> memref<128xi32, #tpu.memory_space<vmem>>
          %dma_wait3A_104 = arith.constant 0 : i32
          %dma_wait3A_105 = arith.constant 0 : i32
          %dma_wait3A_106 = tpu.memref_slice %arg9[%dma_wait3A_104, %dma_wait3A_105] : memref<10240x128xf32, #tpu.memory_space<vmem_shared>> -> memref<10240x128xf32, #tpu.memory_space<vmem_shared>>
          tpu.wait_indirect_dma semaphore(%run_scoped3A_86 : memref<!tpu.dma_semaphore, #tpu.memory_space<semaphore_mem>>) src(%dma_wait3A_100 : memref<128x128xf32, #tpu.memory_space<vmem>>) dst(%dma_wait3A_106 : memref<10240x128xf32, #tpu.memory_space<vmem_shared>>)
          tpu.yield
        }) : () -> ()
        %scan3A_85 = arith.constant 0 : i32
        scf.yield %scan3A_85 : i32
      }
      %scan3A_32 = arith.constant 10 : i32
      %scan3A_33 = arith.constant 0 : i32
      scf.yield %scan3A_33 : i32
    }
    %scan3A_22 = arith.constant 4 : i32
    %barrier3A_23 = arith.constant 0 : index
    tpu.barrier barrier_id(%barrier3A_23)
    "tpu.region"() ({
      %run_scoped3A = tpu.sem_alloc : memref<!tpu.dma_semaphore, #tpu.memory_space<semaphore_mem>>
      %dma_start3A = arith.constant 0 : i32
      %dma_start3A_24 = tpu.memref_slice %arg5[%arg0, %mul3A_8, %dma_start3A] : memref<2x10240x128xf32, #tpu.memory_space<hbm>> -> memref<1x640x128xf32, #tpu.memory_space<hbm>>
      %dma_start3A_25 = tpu.memref_squeeze %dma_start3A_24 : memref<1x640x128xf32, #tpu.memory_space<hbm>> -> memref<640x128xf32, #tpu.memory_space<hbm>>
      %dma_start3A_26 = arith.constant 0 : i32
      %dma_start3A_27 = tpu.memref_slice %arg9[%mul3A_8, %dma_start3A_26] : memref<10240x128xf32, #tpu.memory_space<vmem_shared>> -> memref<640x128xf32, #tpu.memory_space<vmem_shared>>
      tpu.enqueue_dma source(%dma_start3A_27 : memref<640x128xf32, #tpu.memory_space<vmem_shared>>) target(%dma_start3A_25 : memref<640x128xf32, #tpu.memory_space<hbm>>) target_semaphore(%run_scoped3A : memref<!tpu.dma_semaphore, #tpu.memory_space<semaphore_mem>>)
      %dma_wait3A = arith.constant 0 : i32
      %dma_wait3A_28 = tpu.memref_slice %arg5[%arg0, %mul3A_8, %dma_wait3A] : memref<2x10240x128xf32, #tpu.memory_space<hbm>> -> memref<1x640x128xf32, #tpu.memory_space<hbm>>
      %dma_wait3A_29 = tpu.memref_squeeze %dma_wait3A_28 : memref<1x640x128xf32, #tpu.memory_space<hbm>> -> memref<640x128xf32, #tpu.memory_space<hbm>>
      %dma_wait3A_30 = arith.constant 0 : i32
      %dma_wait3A_31 = tpu.memref_slice %arg9[%mul3A_8, %dma_wait3A_30] : memref<10240x128xf32, #tpu.memory_space<vmem_shared>> -> memref<640x128xf32, #tpu.memory_space<vmem_shared>>
      tpu.wait_dma2 semaphore(%run_scoped3A : memref<!tpu.dma_semaphore, #tpu.memory_space<semaphore_mem>>) src(%dma_wait3A_31 : memref<640x128xf32, #tpu.memory_space<vmem_shared>>) dst(%dma_wait3A_29 : memref<640x128xf32, #tpu.memory_space<hbm>>)
      tpu.yield
    }) : () -> ()
    return
  }
}

#map = affine_map<(d0, d1) -> (0, 0)>
#map1 = affine_map<(d0, d1) -> (0, 0, 0, 0)>
#map2 = affine_map<(d0, d1) -> (0, 0, 0)>
module attributes {stable_mosaic.version = 14 : i64} {
  func.func @_sc_scatter(%arg0: i32, %arg1: i32, %arg2: memref<10240x128xf32, #tpu.memory_space<hbm>>, %arg3: memref<32x4x20x128xi32, #tpu.memory_space<hbm>>, %arg4: memref<32x4x20x128xi32, #tpu.memory_space<hbm>>, %arg5: memref<2x10240x128xf32, #tpu.memory_space<hbm>>, %arg6: memref<20x128xi32, #tpu.memory_space<vmem>>, %arg7: memref<20x128xi32, #tpu.memory_space<vmem>>, %arg8: memref<2x128x128xf32, #tpu.memory_space<vmem>>, %arg9: memref<10240x128xf32, #tpu.memory_space<vmem_shared>>, %arg10: memref<!tpu.dma_semaphore, #tpu.memory_space<semaphore_mem>>, %arg11: memref<!tpu.dma_semaphore, #tpu.memory_space<semaphore_mem>>) attributes {dimension_semantics = [#tpu.dimension_semantics<core_parallel>, #tpu.dimension_semantics<subcore_parallel>], iteration_bounds = array<i64: 2, 16>, scalar_prefetch = 0 : i64, scratch_operands = 6 : i64, tpu.core_type = #tpu.core_type<sc_vector_subcore>, window_params = [{transform_indices = #map}, {transform_indices = #map1}, {transform_indices = #map1}, {transform_indices = #map2}]} {
    %mul3A = arith.constant 16 : i32
    %mul3A_0 = arith.muli %arg0, %mul3A : i32
    %add3A = arith.addi %mul3A_0, %arg1 : i32
    %scan3A = arith.constant 0 : i32
    %scan3A_1 = arith.constant 0 : i32
    %scan3A_2 = arith.constant 128 : i32
    %scan3A_3 = arith.addi %scan3A_1, %scan3A_2 : i32
    %scan3A_4 = arith.constant 1 : i32
    %scan3A_5 = scf.for %scan3A_24 = %scan3A_1 to %scan3A_3 step %scan3A_4 iter_args(%scan3A_25 = %scan3A) -> (i32)  : i32 {
      %broadcast_in_dim3A = arith.constant 0.000000e+00 : f32
      %broadcast_in_dim3A_26 = vector.broadcast %broadcast_in_dim3A : f32 to vector<16xf32>
      %swap3A = arith.constant 0 : i32
      %swap3A_27 = arith.index_cast %swap3A : i32 to index
      %swap3A_28 = arith.index_cast %scan3A_24 : i32 to index
      %swap3A_29 = arith.constant 0 : index
      %swap3A_30 = tpu.vector_load %arg8[%swap3A_27, %swap3A_28, %swap3A_29] {strides = array<i32>} : memref<2x128x128xf32, #tpu.memory_space<vmem>>, vector<1x1x16xf32>,
      %swap3A_31 = vector.shape_cast %swap3A_30 : vector<1x1x16xf32> to vector<16xf32>
      %swap3A_32 = vector.shape_cast %broadcast_in_dim3A_26 : vector<16xf32> to vector<1x1x16xf32>
      tpu.vector_store %arg8[%swap3A_27, %swap3A_28, %swap3A_29], %swap3A_32 {strides = array<i32>} : memref<2x128x128xf32, #tpu.memory_space<vmem>>, vector<1x1x16xf32>,
      %broadcast_in_dim3A_33 = arith.constant 0.000000e+00 : f32
      %broadcast_in_dim3A_34 = vector.broadcast %broadcast_in_dim3A_33 : f32 to vector<16xf32>
      %swap3A_35 = arith.constant 0 : i32
      %swap3A_36 = arith.index_cast %swap3A_35 : i32 to index
      %swap3A_37 = arith.index_cast %scan3A_24 : i32 to index
      %swap3A_38 = arith.constant 16 : index
      %swap3A_39 = tpu.vector_load %arg8[%swap3A_36, %swap3A_37, %swap3A_38] {strides = array<i32>} : memref<2x128x128xf32, #tpu.memory_space<vmem>>, vector<1x1x16xf32>,
      %swap3A_40 = vector.shape_cast %swap3A_39 : vector<1x1x16xf32> to vector<16xf32>
      %swap3A_41 = vector.shape_cast %broadcast_in_dim3A_34 : vector<16xf32> to vector<1x1x16xf32>
      tpu.vector_store %arg8[%swap3A_36, %swap3A_37, %swap3A_38], %swap3A_41 {strides = array<i32>} : memref<2x128x128xf32, #tpu.memory_space<vmem>>, vector<1x1x16xf32>,
      %broadcast_in_dim3A_42 = arith.constant 0.000000e+00 : f32
      %broadcast_in_dim3A_43 = vector.broadcast %broadcast_in_dim3A_42 : f32 to vector<16xf32>
      %swap3A_44 = arith.constant 0 : i32
      %swap3A_45 = arith.index_cast %swap3A_44 : i32 to index
      %swap3A_46 = arith.index_cast %scan3A_24 : i32 to index
      %swap3A_47 = arith.constant 32 : index
      %swap3A_48 = tpu.vector_load %arg8[%swap3A_45, %swap3A_46, %swap3A_47] {strides = array<i32>} : memref<2x128x128xf32, #tpu.memory_space<vmem>>, vector<1x1x16xf32>,
      %swap3A_49 = vector.shape_cast %swap3A_48 : vector<1x1x16xf32> to vector<16xf32>
      %swap3A_50 = vector.shape_cast %broadcast_in_dim3A_43 : vector<16xf32> to vector<1x1x16xf32>
      tpu.vector_store %arg8[%swap3A_45, %swap3A_46, %swap3A_47], %swap3A_50 {strides = array<i32>} : memref<2x128x128xf32, #tpu.memory_space<vmem>>, vector<1x1x16xf32>,
      %broadcast_in_dim3A_51 = arith.constant 0.000000e+00 : f32
      %broadcast_in_dim3A_52 = vector.broadcast %broadcast_in_dim3A_51 : f32 to vector<16xf32>
      %swap3A_53 = arith.constant 0 : i32
      %swap3A_54 = arith.index_cast %swap3A_53 : i32 to index
      %swap3A_55 = arith.index_cast %scan3A_24 : i32 to index
      %swap3A_56 = arith.constant 48 : index
      %swap3A_57 = tpu.vector_load %arg8[%swap3A_54, %swap3A_55, %swap3A_56] {strides = array<i32>} : memref<2x128x128xf32, #tpu.memory_space<vmem>>, vector<1x1x16xf32>,
      %swap3A_58 = vector.shape_cast %swap3A_57 : vector<1x1x16xf32> to vector<16xf32>
      %swap3A_59 = vector.shape_cast %broadcast_in_dim3A_52 : vector<16xf32> to vector<1x1x16xf32>
      tpu.vector_store %arg8[%swap3A_54, %swap3A_55, %swap3A_56], %swap3A_59 {strides = array<i32>} : memref<2x128x128xf32, #tpu.memory_space<vmem>>, vector<1x1x16xf32>,
      %broadcast_in_dim3A_60 = arith.constant 0.000000e+00 : f32
      %broadcast_in_dim3A_61 = vector.broadcast %broadcast_in_dim3A_60 : f32 to vector<16xf32>
      %swap3A_62 = arith.constant 0 : i32
      %swap3A_63 = arith.index_cast %swap3A_62 : i32 to index
      %swap3A_64 = arith.index_cast %scan3A_24 : i32 to index
      %swap3A_65 = arith.constant 64 : index
      %swap3A_66 = tpu.vector_load %arg8[%swap3A_63, %swap3A_64, %swap3A_65] {strides = array<i32>} : memref<2x128x128xf32, #tpu.memory_space<vmem>>, vector<1x1x16xf32>,
      %swap3A_67 = vector.shape_cast %swap3A_66 : vector<1x1x16xf32> to vector<16xf32>
      %swap3A_68 = vector.shape_cast %broadcast_in_dim3A_61 : vector<16xf32> to vector<1x1x16xf32>
      tpu.vector_store %arg8[%swap3A_63, %swap3A_64, %swap3A_65], %swap3A_68 {strides = array<i32>} : memref<2x128x128xf32, #tpu.memory_space<vmem>>, vector<1x1x16xf32>,
      %broadcast_in_dim3A_69 = arith.constant 0.000000e+00 : f32
      %broadcast_in_dim3A_70 = vector.broadcast %broadcast_in_dim3A_69 : f32 to vector<16xf32>
      %swap3A_71 = arith.constant 0 : i32
      %swap3A_72 = arith.index_cast %swap3A_71 : i32 to index
      %swap3A_73 = arith.index_cast %scan3A_24 : i32 to index
      %swap3A_74 = arith.constant 80 : index
      %swap3A_75 = tpu.vector_load %arg8[%swap3A_72, %swap3A_73, %swap3A_74] {strides = array<i32>} : memref<2x128x128xf32, #tpu.memory_space<vmem>>, vector<1x1x16xf32>,
      %swap3A_76 = vector.shape_cast %swap3A_75 : vector<1x1x16xf32> to vector<16xf32>
      %swap3A_77 = vector.shape_cast %broadcast_in_dim3A_70 : vector<16xf32> to vector<1x1x16xf32>
      tpu.vector_store %arg8[%swap3A_72, %swap3A_73, %swap3A_74], %swap3A_77 {strides = array<i32>} : memref<2x128x128xf32, #tpu.memory_space<vmem>>, vector<1x1x16xf32>,
      %broadcast_in_dim3A_78 = arith.constant 0.000000e+00 : f32
      %broadcast_in_dim3A_79 = vector.broadcast %broadcast_in_dim3A_78 : f32 to vector<16xf32>
      %swap3A_80 = arith.constant 0 : i32
      %swap3A_81 = arith.index_cast %swap3A_80 : i32 to index
      %swap3A_82 = arith.index_cast %scan3A_24 : i32 to index
      %swap3A_83 = arith.constant 96 : index
      %swap3A_84 = tpu.vector_load %arg8[%swap3A_81, %swap3A_82, %swap3A_83] {strides = array<i32>} : memref<2x128x128xf32, #tpu.memory_space<vmem>>, vector<1x1x16xf32>,
      %swap3A_85 = vector.shape_cast %swap3A_84 : vector<1x1x16xf32> to vector<16xf32>
      %swap3A_86 = vector.shape_cast %broadcast_in_dim3A_79 : vector<16xf32> to vector<1x1x16xf32>
      tpu.vector_store %arg8[%swap3A_81, %swap3A_82, %swap3A_83], %swap3A_86 {strides = array<i32>} : memref<2x128x128xf32, #tpu.memory_space<vmem>>, vector<1x1x16xf32>,
      %broadcast_in_dim3A_87 = arith.constant 0.000000e+00 : f32
      %broadcast_in_dim3A_88 = vector.broadcast %broadcast_in_dim3A_87 : f32 to vector<16xf32>
      %swap3A_89 = arith.constant 0 : i32
      %swap3A_90 = arith.index_cast %swap3A_89 : i32 to index
      %swap3A_91 = arith.index_cast %scan3A_24 : i32 to index
      %swap3A_92 = arith.constant 112 : index
      %swap3A_93 = tpu.vector_load %arg8[%swap3A_90, %swap3A_91, %swap3A_92] {strides = array<i32>} : memref<2x128x128xf32, #tpu.memory_space<vmem>>, vector<1x1x16xf32>,
      %swap3A_94 = vector.shape_cast %swap3A_93 : vector<1x1x16xf32> to vector<16xf32>
      %swap3A_95 = vector.shape_cast %broadcast_in_dim3A_88 : vector<16xf32> to vector<1x1x16xf32>
      tpu.vector_store %arg8[%swap3A_90, %swap3A_91, %swap3A_92], %swap3A_95 {strides = array<i32>} : memref<2x128x128xf32, #tpu.memory_space<vmem>>, vector<1x1x16xf32>,
      %scan3A_96 = arith.constant 0 : i32
      scf.yield %scan3A_96 : i32
    }
    %scan3A_6 = arith.constant 128 : i32
    %mul3A_7 = arith.constant 640 : i32
    %mul3A_8 = arith.muli %arg1, %mul3A_7 : i32
    %scan3A_9 = arith.constant 0 : i32
    %scan3A_10 = arith.constant 0 : i32
    %scan3A_11 = arith.constant 5 : i32
    %scan3A_12 = arith.addi %scan3A_10, %scan3A_11 : i32
    %scan3A_13 = arith.constant 1 : i32
    %scan3A_14 = scf.for %scan3A_24 = %scan3A_10 to %scan3A_12 step %scan3A_13 iter_args(%scan3A_25 = %scan3A_9) -> (i32)  : i32 {
      %mul3A_26 = arith.constant 128 : i32
      %mul3A_27 = arith.muli %scan3A_24, %mul3A_26 : i32
      %add3A_28 = arith.addi %mul3A_8, %mul3A_27 : i32
      %run_scoped3A = arith.constant 0 : i32
      "tpu.region"() ({
        %run_scoped3A_30 = tpu.sem_alloc : memref<!tpu.dma_semaphore, #tpu.memory_space<semaphore_mem>>
        %dma_start3A = arith.constant 0 : i32
        %dma_start3A_31 = arith.constant 0 : i32
        %dma_start3A_32 = tpu.memref_slice %arg8[%run_scoped3A, %dma_start3A, %dma_start3A_31] : memref<2x128x128xf32, #tpu.memory_space<vmem>> -> memref<1x128x128xf32, #tpu.memory_space<vmem>>
        %dma_start3A_33 = tpu.memref_squeeze %dma_start3A_32 : memref<1x128x128xf32, #tpu.memory_space<vmem>> -> memref<128x128xf32, #tpu.memory_space<vmem>>
        %dma_start3A_34 = arith.constant 0 : i32
        %dma_start3A_35 = tpu.memref_slice %arg9[%add3A_28, %dma_start3A_34] : memref<10240x128xf32, #tpu.memory_space<vmem_shared>> -> memref<128x128xf32, #tpu.memory_space<vmem_shared>>
        %dma_start3A_36 = arith.constant 0 : i32
        %dma_start3A_37 = tpu.memref_slice %arg9[%add3A_28, %dma_start3A_36] : memref<10240x128xf32, #tpu.memory_space<vmem_shared>> -> memref<128x128xf32, #tpu.memory_space<vmem_shared>>
        %dma_start3A_38 = arith.constant 0 : i32
        %dma_start3A_39 = arith.constant 0 : i32
        %dma_start3A_40 = tpu.memref_slice %arg8[%run_scoped3A, %dma_start3A_38, %dma_start3A_39] : memref<2x128x128xf32, #tpu.memory_space<vmem>> -> memref<1x128x128xf32, #tpu.memory_space<vmem>>
        %dma_start3A_41 = tpu.memref_squeeze %dma_start3A_40 : memref<1x128x128xf32, #tpu.memory_space<vmem>> -> memref<128x128xf32, #tpu.memory_space<vmem>>
        tpu.enqueue_dma source(%dma_start3A_41 : memref<128x128xf32, #tpu.memory_space<vmem>>) target(%dma_start3A_37 : memref<128x128xf32, #tpu.memory_space<vmem_shared>>) target_semaphore(%run_scoped3A_30 : memref<!tpu.dma_semaphore, #tpu.memory_space<semaphore_mem>>)
        %dma_wait3A = arith.constant 0 : i32
        %dma_wait3A_42 = arith.constant 0 : i32
        %dma_wait3A_43 = tpu.memref_slice %arg8[%run_scoped3A, %dma_wait3A, %dma_wait3A_42] : memref<2x128x128xf32, #tpu.memory_space<vmem>> -> memref<1x128x128xf32, #tpu.memory_space<vmem>>
        %dma_wait3A_44 = tpu.memref_squeeze %dma_wait3A_43 : memref<1x128x128xf32, #tpu.memory_space<vmem>> -> memref<128x128xf32, #tpu.memory_space<vmem>>
        %dma_wait3A_45 = arith.constant 0 : i32
        %dma_wait3A_46 = tpu.memref_slice %arg9[%add3A_28, %dma_wait3A_45] : memref<10240x128xf32, #tpu.memory_space<vmem_shared>> -> memref<128x128xf32, #tpu.memory_space<vmem_shared>>
        %dma_wait3A_47 = arith.constant 0 : i32
        %dma_wait3A_48 = tpu.memref_slice %arg9[%add3A_28, %dma_wait3A_47] : memref<10240x128xf32, #tpu.memory_space<vmem_shared>> -> memref<128x128xf32, #tpu.memory_space<vmem_shared>>
        %dma_wait3A_49 = arith.constant 0 : i32
        %dma_wait3A_50 = arith.constant 0 : i32
        %dma_wait3A_51 = tpu.memref_slice %arg8[%run_scoped3A, %dma_wait3A_49, %dma_wait3A_50] : memref<2x128x128xf32, #tpu.memory_space<vmem>> -> memref<1x128x128xf32, #tpu.memory_space<vmem>>
        %dma_wait3A_52 = tpu.memref_squeeze %dma_wait3A_51 : memref<1x128x128xf32, #tpu.memory_space<vmem>> -> memref<128x128xf32, #tpu.memory_space<vmem>>
        tpu.wait_dma2 semaphore(%run_scoped3A_30 : memref<!tpu.dma_semaphore, #tpu.memory_space<semaphore_mem>>) src(%dma_wait3A_52 : memref<128x128xf32, #tpu.memory_space<vmem>>) dst(%dma_wait3A_48 : memref<128x128xf32, #tpu.memory_space<vmem_shared>>)
        tpu.yield
      }) : () -> ()
      %scan3A_29 = arith.constant 0 : i32
      scf.yield %scan3A_29 : i32
    }
    %scan3A_15 = arith.constant 5 : i32
    %barrier3A = arith.constant 0 : index
    tpu.barrier barrier_id(%barrier3A)
    %scan3A_16 = arith.constant 0 : i32
    %scan3A_17 = arith.constant 0 : i32
    %scan3A_18 = arith.constant 4 : i32
    %scan3A_19 = arith.addi %scan3A_17, %scan3A_18 : i32
    %scan3A_20 = arith.constant 1 : i32
    %scan3A_21 = scf.for %scan3A_24 = %scan3A_17 to %scan3A_19 step %scan3A_20 iter_args(%scan3A_25 = %scan3A_16) -> (i32)  : i32 {
      "tpu.region"() ({
        %run_scoped3A = tpu.sem_alloc : memref<!tpu.dma_semaphore, #tpu.memory_space<semaphore_mem>>
        %dma_start3A = arith.constant 0 : i32
        %dma_start3A_34 = arith.constant 0 : i32
        %dma_start3A_35 = tpu.memref_slice %arg3[%add3A, %scan3A_24, %dma_start3A, %dma_start3A_34] : memref<32x4x20x128xi32, #tpu.memory_space<hbm>> -> memref<1x1x20x128xi32, #tpu.memory_space<hbm>>
        %dma_start3A_36 = tpu.memref_squeeze %dma_start3A_35 : memref<1x1x20x128xi32, #tpu.memory_space<hbm>> -> memref<20x128xi32, #tpu.memory_space<hbm>>
        %dma_start3A_37 = arith.constant 0 : i32
        %dma_start3A_38 = arith.constant 0 : i32
        %dma_start3A_39 = tpu.memref_slice %arg3[%add3A, %scan3A_24, %dma_start3A_37, %dma_start3A_38] : memref<32x4x20x128xi32, #tpu.memory_space<hbm>> -> memref<1x1x20x128xi32, #tpu.memory_space<hbm>>
        %dma_start3A_40 = tpu.memref_squeeze %dma_start3A_39 : memref<1x1x20x128xi32, #tpu.memory_space<hbm>> -> memref<20x128xi32, #tpu.memory_space<hbm>>
        tpu.enqueue_dma source(%dma_start3A_40 : memref<20x128xi32, #tpu.memory_space<hbm>>) target(%arg6 : memref<20x128xi32, #tpu.memory_space<vmem>>) target_semaphore(%run_scoped3A : memref<!tpu.dma_semaphore, #tpu.memory_space<semaphore_mem>>)
        %dma_wait3A = arith.constant 0 : i32
        %dma_wait3A_41 = arith.constant 0 : i32
        %dma_wait3A_42 = tpu.memref_slice %arg3[%add3A, %scan3A_24, %dma_wait3A, %dma_wait3A_41] : memref<32x4x20x128xi32, #tpu.memory_space<hbm>> -> memref<1x1x20x128xi32, #tpu.memory_space<hbm>>
        %dma_wait3A_43 = tpu.memref_squeeze %dma_wait3A_42 : memref<1x1x20x128xi32, #tpu.memory_space<hbm>> -> memref<20x128xi32, #tpu.memory_space<hbm>>
        %dma_wait3A_44 = arith.constant 0 : i32
        %dma_wait3A_45 = arith.constant 0 : i32
        %dma_wait3A_46 = tpu.memref_slice %arg3[%add3A, %scan3A_24, %dma_wait3A_44, %dma_wait3A_45] : memref<32x4x20x128xi32, #tpu.memory_space<hbm>> -> memref<1x1x20x128xi32, #tpu.memory_space<hbm>>
        %dma_wait3A_47 = tpu.memref_squeeze %dma_wait3A_46 : memref<1x1x20x128xi32, #tpu.memory_space<hbm>> -> memref<20x128xi32, #tpu.memory_space<hbm>>
        tpu.wait_dma2 semaphore(%run_scoped3A : memref<!tpu.dma_semaphore, #tpu.memory_space<semaphore_mem>>) src(%dma_wait3A_47 : memref<20x128xi32, #tpu.memory_space<hbm>>) dst(%arg6 : memref<20x128xi32, #tpu.memory_space<vmem>>)
        tpu.yield
      }) : () -> ()
      "tpu.region"() ({
        %run_scoped3A = tpu.sem_alloc : memref<!tpu.dma_semaphore, #tpu.memory_space<semaphore_mem>>
        %dma_start3A = arith.constant 0 : i32
        %dma_start3A_34 = arith.constant 0 : i32
        %dma_start3A_35 = tpu.memref_slice %arg4[%add3A, %scan3A_24, %dma_start3A, %dma_start3A_34] : memref<32x4x20x128xi32, #tpu.memory_space<hbm>> -> memref<1x1x20x128xi32, #tpu.memory_space<hbm>>
        %dma_start3A_36 = tpu.memref_squeeze %dma_start3A_35 : memref<1x1x20x128xi32, #tpu.memory_space<hbm>> -> memref<20x128xi32, #tpu.memory_space<hbm>>
        %dma_start3A_37 = arith.constant 0 : i32
        %dma_start3A_38 = arith.constant 0 : i32
        %dma_start3A_39 = tpu.memref_slice %arg4[%add3A, %scan3A_24, %dma_start3A_37, %dma_start3A_38] : memref<32x4x20x128xi32, #tpu.memory_space<hbm>> -> memref<1x1x20x128xi32, #tpu.memory_space<hbm>>
        %dma_start3A_40 = tpu.memref_squeeze %dma_start3A_39 : memref<1x1x20x128xi32, #tpu.memory_space<hbm>> -> memref<20x128xi32, #tpu.memory_space<hbm>>
        tpu.enqueue_dma source(%dma_start3A_40 : memref<20x128xi32, #tpu.memory_space<hbm>>) target(%arg7 : memref<20x128xi32, #tpu.memory_space<vmem>>) target_semaphore(%run_scoped3A : memref<!tpu.dma_semaphore, #tpu.memory_space<semaphore_mem>>)
        %dma_wait3A = arith.constant 0 : i32
        %dma_wait3A_41 = arith.constant 0 : i32
        %dma_wait3A_42 = tpu.memref_slice %arg4[%add3A, %scan3A_24, %dma_wait3A, %dma_wait3A_41] : memref<32x4x20x128xi32, #tpu.memory_space<hbm>> -> memref<1x1x20x128xi32, #tpu.memory_space<hbm>>
        %dma_wait3A_43 = tpu.memref_squeeze %dma_wait3A_42 : memref<1x1x20x128xi32, #tpu.memory_space<hbm>> -> memref<20x128xi32, #tpu.memory_space<hbm>>
        %dma_wait3A_44 = arith.constant 0 : i32
        %dma_wait3A_45 = arith.constant 0 : i32
        %dma_wait3A_46 = tpu.memref_slice %arg4[%add3A, %scan3A_24, %dma_wait3A_44, %dma_wait3A_45] : memref<32x4x20x128xi32, #tpu.memory_space<hbm>> -> memref<1x1x20x128xi32, #tpu.memory_space<hbm>>
        %dma_wait3A_47 = tpu.memref_squeeze %dma_wait3A_46 : memref<1x1x20x128xi32, #tpu.memory_space<hbm>> -> memref<20x128xi32, #tpu.memory_space<hbm>>
        tpu.wait_dma2 semaphore(%run_scoped3A : memref<!tpu.dma_semaphore, #tpu.memory_space<semaphore_mem>>) src(%dma_wait3A_47 : memref<20x128xi32, #tpu.memory_space<hbm>>) dst(%arg7 : memref<20x128xi32, #tpu.memory_space<vmem>>)
        tpu.yield
      }) : () -> ()
      %scan3A_26 = arith.constant 0 : i32
      %scan3A_27 = arith.constant 0 : i32
      %scan3A_28 = arith.constant 10 : i32
      %scan3A_29 = arith.addi %scan3A_27, %scan3A_28 : i32
      %scan3A_30 = arith.constant 1 : i32
      %scan3A_31 = scf.for %scan3A_34 = %scan3A_27 to %scan3A_29 step %scan3A_30 iter_args(%scan3A_35 = %scan3A_26) -> (i32)  : i32 {
        %mul3A_36 = arith.constant 2 : i32
        %mul3A_37 = arith.muli %scan3A_34, %mul3A_36 : i32
        %dma_start3A = arith.constant 0 : i32
        %dma_start3A_38 = arith.constant 0 : i32
        %dma_start3A_39 = arith.constant 0 : i32
        %dma_start3A_40 = tpu.memref_slice %arg8[%dma_start3A, %dma_start3A_38, %dma_start3A_39] : memref<2x128x128xf32, #tpu.memory_space<vmem>> -> memref<1x128x128xf32, #tpu.memory_space<vmem>>
        %dma_start3A_41 = tpu.memref_squeeze %dma_start3A_40 : memref<1x128x128xf32, #tpu.memory_space<vmem>> -> memref<128x128xf32, #tpu.memory_space<vmem>>
        %dma_start3A_42 = arith.constant 0 : i32
        %dma_start3A_43 = tpu.memref_slice %arg6[%mul3A_37, %dma_start3A_42] : memref<20x128xi32, #tpu.memory_space<vmem>> -> memref<1x128xi32, #tpu.memory_space<vmem>>
        %dma_start3A_44 = tpu.memref_squeeze %dma_start3A_43 : memref<1x128xi32, #tpu.memory_space<vmem>> -> memref<128xi32, #tpu.memory_space<vmem>>
        %dma_start3A_45 = arith.constant 0 : i32
        %dma_start3A_46 = arith.constant 0 : i32
        %dma_start3A_47 = tpu.memref_slice %arg2[%dma_start3A_45, %dma_start3A_46] : memref<10240x128xf32, #tpu.memory_space<hbm>> -> memref<10240x128xf32, #tpu.memory_space<hbm>>
        tpu.enqueue_indirect_dma source(%dma_start3A_47 : memref<10240x128xf32, #tpu.memory_space<hbm>>) target(%dma_start3A_41 : memref<128x128xf32, #tpu.memory_space<vmem>>) offsets(%dma_start3A_44 : memref<128xi32, #tpu.memory_space<vmem>>) semaphore(%arg10 : memref<!tpu.dma_semaphore, #tpu.memory_space<semaphore_mem>>)
        %add3A_48 = arith.constant 1 : i32
        %add3A_49 = arith.addi %mul3A_37, %add3A_48 : i32
        %dma_start3A_50 = arith.constant 1 : i32
        %dma_start3A_51 = arith.constant 0 : i32
        %dma_start3A_52 = arith.constant 0 : i32
        %dma_start3A_53 = tpu.memref_slice %arg8[%dma_start3A_50, %dma_start3A_51, %dma_start3A_52] : memref<2x128x128xf32, #tpu.memory_space<vmem>> -> memref<1x128x128xf32, #tpu.memory_space<vmem>>
        %dma_start3A_54 = tpu.memref_squeeze %dma_start3A_53 : memref<1x128x128xf32, #tpu.memory_space<vmem>> -> memref<128x128xf32, #tpu.memory_space<vmem>>
        %dma_start3A_55 = arith.constant 0 : i32
        %dma_start3A_56 = tpu.memref_slice %arg6[%add3A_49, %dma_start3A_55] : memref<20x128xi32, #tpu.memory_space<vmem>> -> memref<1x128xi32, #tpu.memory_space<vmem>>
        %dma_start3A_57 = tpu.memref_squeeze %dma_start3A_56 : memref<1x128xi32, #tpu.memory_space<vmem>> -> memref<128xi32, #tpu.memory_space<vmem>>
        %dma_start3A_58 = arith.constant 0 : i32
        %dma_start3A_59 = arith.constant 0 : i32
        %dma_start3A_60 = tpu.memref_slice %arg2[%dma_start3A_58, %dma_start3A_59] : memref<10240x128xf32, #tpu.memory_space<hbm>> -> memref<10240x128xf32, #tpu.memory_space<hbm>>
        tpu.enqueue_indirect_dma source(%dma_start3A_60 : memref<10240x128xf32, #tpu.memory_space<hbm>>) target(%dma_start3A_54 : memref<128x128xf32, #tpu.memory_space<vmem>>) offsets(%dma_start3A_57 : memref<128xi32, #tpu.memory_space<vmem>>) semaphore(%arg11 : memref<!tpu.dma_semaphore, #tpu.memory_space<semaphore_mem>>)
        %dma_wait3A = arith.constant 0 : i32
        %dma_wait3A_61 = arith.constant 0 : i32
        %dma_wait3A_62 = arith.constant 0 : i32
        %dma_wait3A_63 = tpu.memref_slice %arg8[%dma_wait3A, %dma_wait3A_61, %dma_wait3A_62] : memref<2x128x128xf32, #tpu.memory_space<vmem>> -> memref<1x128x128xf32, #tpu.memory_space<vmem>>
        %dma_wait3A_64 = tpu.memref_squeeze %dma_wait3A_63 : memref<1x128x128xf32, #tpu.memory_space<vmem>> -> memref<128x128xf32, #tpu.memory_space<vmem>>
        %dma_wait3A_65 = arith.constant 0 : i32
        %dma_wait3A_66 = tpu.memref_slice %arg6[%mul3A_37, %dma_wait3A_65] : memref<20x128xi32, #tpu.memory_space<vmem>> -> memref<1x128xi32, #tpu.memory_space<vmem>>
        %dma_wait3A_67 = tpu.memref_squeeze %dma_wait3A_66 : memref<1x128xi32, #tpu.memory_space<vmem>> -> memref<128xi32, #tpu.memory_space<vmem>>
        %dma_wait3A_68 = arith.constant 0 : i32
        %dma_wait3A_69 = arith.constant 0 : i32
        %dma_wait3A_70 = tpu.memref_slice %arg2[%dma_wait3A_68, %dma_wait3A_69] : memref<10240x128xf32, #tpu.memory_space<hbm>> -> memref<10240x128xf32, #tpu.memory_space<hbm>>
        tpu.wait_indirect_dma semaphore(%arg10 : memref<!tpu.dma_semaphore, #tpu.memory_space<semaphore_mem>>) src(%dma_wait3A_70 : memref<10240x128xf32, #tpu.memory_space<hbm>>) dst(%dma_wait3A_64 : memref<128x128xf32, #tpu.memory_space<vmem>>)
        %run_scoped3A = arith.constant 0 : i32
        "tpu.region"() ({
          %run_scoped3A_86 = tpu.sem_alloc : memref<!tpu.dma_semaphore, #tpu.memory_space<semaphore_mem>>
          %dma_start3A_87 = arith.constant 0 : i32
          %dma_start3A_88 = arith.constant 0 : i32
          %dma_start3A_89 = tpu.memref_slice %arg8[%run_scoped3A, %dma_start3A_87, %dma_start3A_88] : memref<2x128x128xf32, #tpu.memory_space<vmem>> -> memref<1x128x128xf32, #tpu.memory_space<vmem>>
          %dma_start3A_90 = tpu.memref_squeeze %dma_start3A_89 : memref<1x128x128xf32, #tpu.memory_space<vmem>> -> memref<128x128xf32, #tpu.memory_space<vmem>>
          %dma_start3A_91 = arith.constant 0 : i32
          %dma_start3A_92 = tpu.memref_slice %arg7[%mul3A_37, %dma_start3A_91] : memref<20x128xi32, #tpu.memory_space<vmem>> -> memref<1x128xi32, #tpu.memory_space<vmem>>
          %dma_start3A_93 = tpu.memref_squeeze %dma_start3A_92 : memref<1x128xi32, #tpu.memory_space<vmem>> -> memref<128xi32, #tpu.memory_space<vmem>>
          %dma_start3A_94 = arith.constant 0 : i32
          %dma_start3A_95 = arith.constant 0 : i32
          %dma_start3A_96 = tpu.memref_slice %arg9[%dma_start3A_94, %dma_start3A_95] : memref<10240x128xf32, #tpu.memory_space<vmem_shared>> -> memref<10240x128xf32, #tpu.memory_space<vmem_shared>>
          tpu.enqueue_indirect_dma source(%dma_start3A_90 : memref<128x128xf32, #tpu.memory_space<vmem>>) target(%dma_start3A_96 : memref<10240x128xf32, #tpu.memory_space<vmem_shared>>) offsets(%dma_start3A_93 : memref<128xi32, #tpu.memory_space<vmem>>) semaphore(%run_scoped3A_86 : memref<!tpu.dma_semaphore, #tpu.memory_space<semaphore_mem>>) {add = true}
          %dma_wait3A_97 = arith.constant 0 : i32
          %dma_wait3A_98 = arith.constant 0 : i32
          %dma_wait3A_99 = tpu.memref_slice %arg8[%run_scoped3A, %dma_wait3A_97, %dma_wait3A_98] : memref<2x128x128xf32, #tpu.memory_space<vmem>> -> memref<1x128x128xf32, #tpu.memory_space<vmem>>
          %dma_wait3A_100 = tpu.memref_squeeze %dma_wait3A_99 : memref<1x128x128xf32, #tpu.memory_space<vmem>> -> memref<128x128xf32, #tpu.memory_space<vmem>>
          %dma_wait3A_101 = arith.constant 0 : i32
          %dma_wait3A_102 = tpu.memref_slice %arg7[%mul3A_37, %dma_wait3A_101] : memref<20x128xi32, #tpu.memory_space<vmem>> -> memref<1x128xi32, #tpu.memory_space<vmem>>
          %dma_wait3A_103 = tpu.memref_squeeze %dma_wait3A_102 : memref<1x128xi32, #tpu.memory_space<vmem>> -> memref<128xi32, #tpu.memory_space<vmem>>
          %dma_wait3A_104 = arith.constant 0 : i32
          %dma_wait3A_105 = arith.constant 0 : i32
          %dma_wait3A_106 = tpu.memref_slice %arg9[%dma_wait3A_104, %dma_wait3A_105] : memref<10240x128xf32, #tpu.memory_space<vmem_shared>> -> memref<10240x128xf32, #tpu.memory_space<vmem_shared>>
          tpu.wait_indirect_dma semaphore(%run_scoped3A_86 : memref<!tpu.dma_semaphore, #tpu.memory_space<semaphore_mem>>) src(%dma_wait3A_100 : memref<128x128xf32, #tpu.memory_space<vmem>>) dst(%dma_wait3A_106 : memref<10240x128xf32, #tpu.memory_space<vmem_shared>>)
          tpu.yield
        }) : () -> ()
        %dma_wait3A_71 = arith.constant 1 : i32
        %dma_wait3A_72 = arith.constant 0 : i32
        %dma_wait3A_73 = arith.constant 0 : i32
        %dma_wait3A_74 = tpu.memref_slice %arg8[%dma_wait3A_71, %dma_wait3A_72, %dma_wait3A_73] : memref<2x128x128xf32, #tpu.memory_space<vmem>> -> memref<1x128x128xf32, #tpu.memory_space<vmem>>
        %dma_wait3A_75 = tpu.memref_squeeze %dma_wait3A_74 : memref<1x128x128xf32, #tpu.memory_space<vmem>> -> memref<128x128xf32, #tpu.memory_space<vmem>>
        %dma_wait3A_76 = arith.constant 0 : i32
        %dma_wait3A_77 = tpu.memref_slice %arg6[%add3A_49, %dma_wait3A_76] : memref<20x128xi32, #tpu.memory_space<vmem>> -> memref<1x128xi32, #tpu.memory_space<vmem>>
        %dma_wait3A_78 = tpu.memref_squeeze %dma_wait3A_77 : memref<1x128xi32, #tpu.memory_space<vmem>> -> memref<128xi32, #tpu.memory_space<vmem>>
        %dma_wait3A_79 = arith.constant 0 : i32
        %dma_wait3A_80 = arith.constant 0 : i32
        %dma_wait3A_81 = tpu.memref_slice %arg2[%dma_wait3A_79, %dma_wait3A_80] : memref<10240x128xf32, #tpu.memory_space<hbm>> -> memref<10240x128xf32, #tpu.memory_space<hbm>>
        tpu.wait_indirect_dma semaphore(%arg11 : memref<!tpu.dma_semaphore, #tpu.memory_space<semaphore_mem>>) src(%dma_wait3A_81 : memref<10240x128xf32, #tpu.memory_space<hbm>>) dst(%dma_wait3A_75 : memref<128x128xf32, #tpu.memory_space<vmem>>)
        %add3A_82 = arith.constant 1 : i32
        %add3A_83 = arith.addi %mul3A_37, %add3A_82 : i32
        %run_scoped3A_84 = arith.constant 1 : i32
        "tpu.region"() ({
          %run_scoped3A_86 = tpu.sem_alloc : memref<!tpu.dma_semaphore, #tpu.memory_space<semaphore_mem>>
          %dma_start3A_87 = arith.constant 0 : i32
          %dma_start3A_88 = arith.constant 0 : i32
          %dma_start3A_89 = tpu.memref_slice %arg8[%run_scoped3A_84, %dma_start3A_87, %dma_start3A_88] : memref<2x128x128xf32, #tpu.memory_space<vmem>> -> memref<1x128x128xf32, #tpu.memory_space<vmem>>
          %dma_start3A_90 = tpu.memref_squeeze %dma_start3A_89 : memref<1x128x128xf32, #tpu.memory_space<vmem>> -> memref<128x128xf32, #tpu.memory_space<vmem>>
          %dma_start3A_91 = arith.constant 0 : i32
          %dma_start3A_92 = tpu.memref_slice %arg7[%add3A_83, %dma_start3A_91] : memref<20x128xi32, #tpu.memory_space<vmem>> -> memref<1x128xi32, #tpu.memory_space<vmem>>
          %dma_start3A_93 = tpu.memref_squeeze %dma_start3A_92 : memref<1x128xi32, #tpu.memory_space<vmem>> -> memref<128xi32, #tpu.memory_space<vmem>>
          %dma_start3A_94 = arith.constant 0 : i32
          %dma_start3A_95 = arith.constant 0 : i32
          %dma_start3A_96 = tpu.memref_slice %arg9[%dma_start3A_94, %dma_start3A_95] : memref<10240x128xf32, #tpu.memory_space<vmem_shared>> -> memref<10240x128xf32, #tpu.memory_space<vmem_shared>>
          tpu.enqueue_indirect_dma source(%dma_start3A_90 : memref<128x128xf32, #tpu.memory_space<vmem>>) target(%dma_start3A_96 : memref<10240x128xf32, #tpu.memory_space<vmem_shared>>) offsets(%dma_start3A_93 : memref<128xi32, #tpu.memory_space<vmem>>) semaphore(%run_scoped3A_86 : memref<!tpu.dma_semaphore, #tpu.memory_space<semaphore_mem>>) {add = true}
          %dma_wait3A_97 = arith.constant 0 : i32
          %dma_wait3A_98 = arith.constant 0 : i32
          %dma_wait3A_99 = tpu.memref_slice %arg8[%run_scoped3A_84, %dma_wait3A_97, %dma_wait3A_98] : memref<2x128x128xf32, #tpu.memory_space<vmem>> -> memref<1x128x128xf32, #tpu.memory_space<vmem>>
          %dma_wait3A_100 = tpu.memref_squeeze %dma_wait3A_99 : memref<1x128x128xf32, #tpu.memory_space<vmem>> -> memref<128x128xf32, #tpu.memory_space<vmem>>
          %dma_wait3A_101 = arith.constant 0 : i32
          %dma_wait3A_102 = tpu.memref_slice %arg7[%add3A_83, %dma_wait3A_101] : memref<20x128xi32, #tpu.memory_space<vmem>> -> memref<1x128xi32, #tpu.memory_space<vmem>>
          %dma_wait3A_103 = tpu.memref_squeeze %dma_wait3A_102 : memref<1x128xi32, #tpu.memory_space<vmem>> -> memref<128xi32, #tpu.memory_space<vmem>>
          %dma_wait3A_104 = arith.constant 0 : i32
          %dma_wait3A_105 = arith.constant 0 : i32
          %dma_wait3A_106 = tpu.memref_slice %arg9[%dma_wait3A_104, %dma_wait3A_105] : memref<10240x128xf32, #tpu.memory_space<vmem_shared>> -> memref<10240x128xf32, #tpu.memory_space<vmem_shared>>
          tpu.wait_indirect_dma semaphore(%run_scoped3A_86 : memref<!tpu.dma_semaphore, #tpu.memory_space<semaphore_mem>>) src(%dma_wait3A_100 : memref<128x128xf32, #tpu.memory_space<vmem>>) dst(%dma_wait3A_106 : memref<10240x128xf32, #tpu.memory_space<vmem_shared>>)
          tpu.yield
        }) : () -> ()
        %scan3A_85 = arith.constant 0 : i32
        scf.yield %scan3A_85 : i32
      }
      %scan3A_32 = arith.constant 10 : i32
      %scan3A_33 = arith.constant 0 : i32
      scf.yield %scan3A_33 : i32
    }
    %scan3A_22 = arith.constant 4 : i32
    %barrier3A_23 = arith.constant 0 : index
    tpu.barrier barrier_id(%barrier3A_23)
    "tpu.region"() ({
      %run_scoped3A = tpu.sem_alloc : memref<!tpu.dma_semaphore, #tpu.memory_space<semaphore_mem>>
      %dma_start3A = arith.constant 0 : i32
      %dma_start3A_24 = tpu.memref_slice %arg5[%arg0, %mul3A_8, %dma_start3A] : memref<2x10240x128xf32, #tpu.memory_space<hbm>> -> memref<1x640x128xf32, #tpu.memory_space<hbm>>
      %dma_start3A_25 = tpu.memref_squeeze %dma_start3A_24 : memref<1x640x128xf32, #tpu.memory_space<hbm>> -> memref<640x128xf32, #tpu.memory_space<hbm>>
      %dma_start3A_26 = arith.constant 0 : i32
      %dma_start3A_27 = tpu.memref_slice %arg9[%mul3A_8, %dma_start3A_26] : memref<10240x128xf32, #tpu.memory_space<vmem_shared>> -> memref<640x128xf32, #tpu.memory_space<vmem_shared>>
      tpu.enqueue_dma source(%dma_start3A_27 : memref<640x128xf32, #tpu.memory_space<vmem_shared>>) target(%dma_start3A_25 : memref<640x128xf32, #tpu.memory_space<hbm>>) target_semaphore(%run_scoped3A : memref<!tpu.dma_semaphore, #tpu.memory_space<semaphore_mem>>)
      %dma_wait3A = arith.constant 0 : i32
      %dma_wait3A_28 = tpu.memref_slice %arg5[%arg0, %mul3A_8, %dma_wait3A] : memref<2x10240x128xf32, #tpu.memory_space<hbm>> -> memref<1x640x128xf32, #tpu.memory_space<hbm>>
      %dma_wait3A_29 = tpu.memref_squeeze %dma_wait3A_28 : memref<1x640x128xf32, #tpu.memory_space<hbm>> -> memref<640x128xf32, #tpu.memory_space<hbm>>
      %dma_wait3A_30 = arith.constant 0 : i32
      %dma_wait3A_31 = tpu.memref_slice %arg9[%mul3A_8, %dma_wait3A_30] : memref<10240x128xf32, #tpu.memory_space<vmem_shared>> -> memref<640x128xf32, #tpu.memory_space<vmem_shared>>
      tpu.wait_dma2 semaphore(%run_scoped3A : memref<!tpu.dma_semaphore, #tpu.memory_space<semaphore_mem>>) src(%dma_wait3A_31 : memref<640x128xf32, #tpu.memory_space<vmem_shared>>) dst(%dma_wait3A_29 : memref<640x128xf32, #tpu.memory_space<hbm>>)
      tpu.yield
    }) : () -> ()
    return
  }
}

module attributes {stable_mosaic.version = 14 : i64} {
  func.func @body(%arg0: i32, %arg1: memref<2x1280x16xf32, #tpu.memory_space<vmem>>, %arg2: memref<1280x128xf32, #tpu.memory_space<vmem>>, %arg3: memref<128x128xf32, #tpu.memory_space<vmem>>, %arg4: memref<1280x1xf32, #tpu.memory_space<vmem>>, %arg5: memref<1280x128xf32, #tpu.memory_space<vmem>>) attributes {dimension_semantics = [#tpu.dimension_semantics<arbitrary>], iteration_bounds = array<i64: 8>, scalar_prefetch = 0 : i64, scratch_operands = 0 : i64, tpu.core_type = #tpu.core_type<tc>, window_params = [{transform_indices = @transform_0, window_bounds = array<i64: 2, 1280, 16>}, {transform_indices = @transform_1, window_bounds = array<i64: 1280, 128>}, {pipeline_mode = #tpu.pipeline_mode<synchronous>, transform_indices = @transform_2, window_bounds = array<i64: 128, 128>}, {transform_indices = @transform_3, window_bounds = array<i64: 1280, 1>}, {transform_indices = @transform_4, window_bounds = array<i64: 1280, 128>}]} {
    %get3A = arith.constant 0 : index
    %get3A_0 = arith.constant 0 : index
    %get3A_1 = arith.constant 0 : index
    %get3A_2 = vector.load %arg1[%get3A, %get3A_0, %get3A_1] : memref<2x1280x16xf32, #tpu.memory_space<vmem>>, vector<1x1280x16xf32>
    %get3A_3 = vector.shape_cast %get3A_2 : vector<1x1280x16xf32> to vector<1280x16xf32>
    %get3A_4 = arith.constant 1 : index
    %get3A_5 = arith.constant 0 : index
    %get3A_6 = arith.constant 0 : index
    %get3A_7 = vector.load %arg1[%get3A_4, %get3A_5, %get3A_6] : memref<2x1280x16xf32, #tpu.memory_space<vmem>>, vector<1x1280x16xf32>
    %get3A_8 = vector.shape_cast %get3A_7 : vector<1x1280x16xf32> to vector<1280x16xf32>
    %add3A = arith.addf %get3A_3, %get3A_8 : vector<1280x16xf32>
    %slice3A = vector.extract_strided_slice %add3A {offsets = [0, 0], sizes = [1280, 1], strides = [1, 1]} : vector<1280x16xf32> to vector<1280x1xf32>
    %add3A_9 = arith.constant 1.000000e+00 : f32
    %add3A_10 = vector.broadcast %add3A_9 : f32 to vector<1280x1xf32>
    %add3A_11 = arith.addf %slice3A, %add3A_10 : vector<1280x1xf32>
    %rsqrt3A = math.rsqrt %add3A_11 : vector<1280x1xf32>
    %swap3A = arith.constant 0 : index
    %swap3A_12 = arith.constant 0 : index
    %swap3A_13 = vector.load %arg4[%swap3A, %swap3A_12] : memref<1280x1xf32, #tpu.memory_space<vmem>>, vector<1280x1xf32>
    tpu.vector_store %arg4[%swap3A, %swap3A_12], %rsqrt3A {strides = array<i32>} : memref<1280x1xf32, #tpu.memory_space<vmem>>, vector<1280x1xf32>,
    %get3A_14 = arith.constant 0 : index
    %get3A_15 = arith.constant 0 : index
    %get3A_16 = vector.load %arg2[%get3A_14, %get3A_15] : memref<1280x128xf32, #tpu.memory_space<vmem>>, vector<1280x128xf32>
    %get3A_17 = arith.constant 0 : index
    %get3A_18 = arith.constant 0 : index
    %get3A_19 = vector.load %arg3[%get3A_17, %get3A_18] : memref<128x128xf32, #tpu.memory_space<vmem>>, vector<128x128xf32>
    %dot_general3A = arith.constant dense<0.000000e+00> : vector<1280x128xf32>
    %dot_general3A_20 = tpu.matmul %get3A_16, %get3A_19, %dot_general3A {dimension_numbers = #tpu.dot_dimension_numbers<[1], [0], [0], [1], [0, 0, 1, 1], [], []>, transpose_lhs_hint = false} : vector<1280x128xf32>, vector<128x128xf32>, vector<1280x128xf32> -> vector<1280x128xf32>
    %mul3A = vector.broadcast %rsqrt3A : vector<1280x1xf32> to vector<1280x128xf32>
    %mul3A_21 = arith.mulf %dot_general3A_20, %mul3A : vector<1280x128xf32>
    %swap3A_22 = arith.constant 0 : index
    %swap3A_23 = arith.constant 0 : index
    %swap3A_24 = vector.load %arg5[%swap3A_22, %swap3A_23] : memref<1280x128xf32, #tpu.memory_space<vmem>>, vector<1280x128xf32>
    tpu.vector_store %arg5[%swap3A_22, %swap3A_23], %mul3A_21 {strides = array<i32>} : memref<1280x128xf32, #tpu.memory_space<vmem>>, vector<1280x128xf32>,
    return
  }
  func.func @transform_0(%arg0: i32) -> (i32, i32, i32) {
    %c0_i32 = arith.constant 0 : i32
    %c0_i32_0 = arith.constant 0 : i32
    %c0_i32_1 = arith.constant 0 : i32
    return %c0_i32, %arg0, %c0_i32_0 : i32, i32, i32
  }
  func.func @transform_1(%arg0: i32) -> (i32, i32) {
    %c0_i32 = arith.constant 0 : i32
    %c0_i32_0 = arith.constant 0 : i32
    return %arg0, %c0_i32 : i32, i32
  }
  func.func @transform_2(%arg0: i32) -> (i32, i32) {
    %c0_i32 = arith.constant 0 : i32
    %c0_i32_0 = arith.constant 0 : i32
    %c0_i32_1 = arith.constant 0 : i32
    return %c0_i32, %c0_i32_0 : i32, i32
  }
  func.func @transform_3(%arg0: i32) -> (i32, i32) {
    %c0_i32 = arith.constant 0 : i32
    %c0_i32_0 = arith.constant 0 : i32
    return %arg0, %c0_i32 : i32, i32
  }
  func.func @transform_4(%arg0: i32) -> (i32, i32) {
    %c0_i32 = arith.constant 0 : i32
    %c0_i32_0 = arith.constant 0 : i32
    return %arg0, %c0_i32 : i32, i32
  }
}

module attributes {stable_mosaic.version = 14 : i64} {
  func.func @body(%arg0: i32, %arg1: memref<2x1280x128xf32, #tpu.memory_space<vmem>>, %arg2: memref<1280x128xf32, #tpu.memory_space<vmem>>, %arg3: memref<1280x1xf32, #tpu.memory_space<vmem>>, %arg4: memref<1x128xf32, #tpu.memory_space<vmem>>, %arg5: memref<1280x128xf32, #tpu.memory_space<vmem>>, %arg6: memref<8x128xf32, #tpu.memory_space<vmem>>) attributes {dimension_semantics = [#tpu.dimension_semantics<arbitrary>], iteration_bounds = array<i64: 8>, scalar_prefetch = 0 : i64, scratch_operands = 0 : i64, tpu.core_type = #tpu.core_type<tc>, window_params = [{transform_indices = @transform_0, window_bounds = array<i64: 2, 1280, 128>}, {transform_indices = @transform_1, window_bounds = array<i64: 1280, 128>}, {transform_indices = @transform_2, window_bounds = array<i64: 1280, 1>}, {pipeline_mode = #tpu.pipeline_mode<synchronous>, transform_indices = @transform_3, window_bounds = array<i64: 1, 128>}, {transform_indices = @transform_4, window_bounds = array<i64: 1280, 128>}, {pipeline_mode = #tpu.pipeline_mode<synchronous>, transform_indices = @transform_5, window_bounds = array<i64: 8, 128>}]} {
    %get3A = arith.constant 0 : index
    %get3A_0 = arith.constant 0 : index
    %get3A_1 = vector.load %arg3[%get3A, %get3A_0] : memref<1280x1xf32, #tpu.memory_space<vmem>>, vector<1280x1xf32>
    %get3A_2 = arith.constant 0 : index
    %get3A_3 = arith.constant 0 : index
    %get3A_4 = arith.constant 0 : index
    %get3A_5 = vector.load %arg1[%get3A_2, %get3A_3, %get3A_4] : memref<2x1280x128xf32, #tpu.memory_space<vmem>>, vector<1x1280x128xf32>
    %get3A_6 = vector.shape_cast %get3A_5 : vector<1x1280x128xf32> to vector<1280x128xf32>
    %get3A_7 = arith.constant 1 : index
    %get3A_8 = arith.constant 0 : index
    %get3A_9 = arith.constant 0 : index
    %get3A_10 = vector.load %arg1[%get3A_7, %get3A_8, %get3A_9] : memref<2x1280x128xf32, #tpu.memory_space<vmem>>, vector<1x1280x128xf32>
    %get3A_11 = vector.shape_cast %get3A_10 : vector<1x1280x128xf32> to vector<1280x128xf32>
    %add3A = arith.addf %get3A_6, %get3A_11 : vector<1280x128xf32>
    %get3A_12 = arith.constant 0 : index
    %get3A_13 = arith.constant 0 : index
    %get3A_14 = vector.load %arg2[%get3A_12, %get3A_13] : memref<1280x128xf32, #tpu.memory_space<vmem>>, vector<1280x128xf32>
    %add3A_15 = arith.addf %add3A, %get3A_14 : vector<1280x128xf32>
    %mul3A = vector.broadcast %get3A_1 : vector<1280x1xf32> to vector<1280x128xf32>
    %mul3A_16 = arith.mulf %mul3A, %add3A_15 : vector<1280x128xf32>
    %get3A_17 = arith.constant 0 : index
    %get3A_18 = arith.constant 0 : index
    %get3A_19 = vector.load %arg4[%get3A_17, %get3A_18] : memref<1x128xf32, #tpu.memory_space<vmem>>, vector<1x128xf32>
    %add3A_20 = vector.broadcast %get3A_19 : vector<1x128xf32> to vector<1280x128xf32>
    %add3A_21 = arith.addf %mul3A_16, %add3A_20 : vector<1280x128xf32>
    %swap3A = arith.constant 0 : index
    %swap3A_22 = arith.constant 0 : index
    %swap3A_23 = vector.load %arg5[%swap3A, %swap3A_22] : memref<1280x128xf32, #tpu.memory_space<vmem>>, vector<1280x128xf32>
    tpu.vector_store %arg5[%swap3A, %swap3A_22], %add3A_21 {strides = array<i32>} : memref<1280x128xf32, #tpu.memory_space<vmem>>, vector<1280x128xf32>,
    %iota3A = tpu.iota {dimensions = array<i32: 0>} : vector<1280x128xi32>
    %mul3A_24 = arith.constant 1280 : i32
    %mul3A_25 = arith.muli %arg0, %mul3A_24 : i32
    %add3A_26 = vector.broadcast %mul3A_25 : i32 to vector<1280x128xi32>
    %add3A_27 = arith.addi %iota3A, %add3A_26 : vector<1280x128xi32>
    %lt3A = arith.constant 10000 : i32
    %lt3A_28 = vector.broadcast %lt3A : i32 to vector<1280x128xi32>
    %lt3A_29 = arith.cmpi slt, %add3A_27, %lt3A_28 : vector<1280x128xi32>
    %jit3A = arith.constant 0.000000e+00 : f32
    %broadcast_in_dim3A = vector.broadcast %jit3A : f32 to vector<1280x128xf32>
    %select_n3A = arith.select %lt3A_29, %add3A_21, %broadcast_in_dim3A : vector<1280x128xi1>, vector<1280x128xf32>
    %eq3A = arith.constant 0 : i32
    %eq3A_30 = arith.cmpi eq, %arg0, %eq3A : i32
    %convert_element_type3A = arith.extui %eq3A_30 : i1 to i32
    %cond3A = arith.constant 0 : i32
    %cond3A_31 = arith.cmpi ne, %convert_element_type3A, %cond3A : i32
    scf.if %cond3A_31 {
      %broadcast_in_dim3A_52 = arith.constant 0.000000e+00 : f32
      %broadcast_in_dim3A_53 = vector.broadcast %broadcast_in_dim3A_52 : f32 to vector<8x128xf32>
      %swap3A_54 = arith.constant 0 : index
      %swap3A_55 = arith.constant 0 : index
      %swap3A_56 = vector.load %arg6[%swap3A_54, %swap3A_55] : memref<8x128xf32, #tpu.memory_space<vmem>>, vector<8x128xf32>
      tpu.vector_store %arg6[%swap3A_54, %swap3A_55], %broadcast_in_dim3A_53 {strides = array<i32>} : memref<8x128xf32, #tpu.memory_space<vmem>>, vector<8x128xf32>,
    } else {
    }
    %get3A_32 = arith.constant 0 : index
    %get3A_33 = arith.constant 0 : index
    %get3A_34 = vector.load %arg6[%get3A_32, %get3A_33] : memref<8x128xf32, #tpu.memory_space<vmem>>, vector<1x128xf32>
    %reduce_sum3A = arith.constant dense<0.000000e+00> : vector<128xf32>
    %reduce_sum3A_35 = vector.multi_reduction <add>, %select_n3A, %reduce_sum3A [0] : vector<1280x128xf32> to vector<128xf32>
    %broadcast_in_dim3A_36 = vector.shape_cast %reduce_sum3A_35 : vector<128xf32> to vector<1x128xf32>
    %add3A_37 = arith.addf %get3A_34, %broadcast_in_dim3A_36 : vector<1x128xf32>
    %swap3A_38 = arith.constant 0 : index
    %swap3A_39 = arith.constant 0 : index
    %swap3A_40 = vector.load %arg6[%swap3A_38, %swap3A_39] : memref<8x128xf32, #tpu.memory_space<vmem>>, vector<1x128xf32>
    tpu.vector_store %arg6[%swap3A_38, %swap3A_39], %add3A_37 {strides = array<i32>} : memref<8x128xf32, #tpu.memory_space<vmem>>, vector<1x128xf32>,
    %get3A_41 = arith.constant 1 : index
    %get3A_42 = arith.constant 0 : index
    %get3A_43 = vector.load %arg6[%get3A_41, %get3A_42] : memref<8x128xf32, #tpu.memory_space<vmem>>, vector<1x128xf32>
    %mul3A_44 = arith.mulf %select_n3A, %select_n3A : vector<1280x128xf32>
    %reduce_sum3A_45 = arith.constant dense<0.000000e+00> : vector<128xf32>
    %reduce_sum3A_46 = vector.multi_reduction <add>, %mul3A_44, %reduce_sum3A_45 [0] : vector<1280x128xf32> to vector<128xf32>
    %broadcast_in_dim3A_47 = vector.shape_cast %reduce_sum3A_46 : vector<128xf32> to vector<1x128xf32>
    %add3A_48 = arith.addf %get3A_43, %broadcast_in_dim3A_47 : vector<1x128xf32>
    %swap3A_49 = arith.constant 1 : index
    %swap3A_50 = arith.constant 0 : index
    %swap3A_51 = vector.load %arg6[%swap3A_49, %swap3A_50] : memref<8x128xf32, #tpu.memory_space<vmem>>, vector<1x128xf32>
    tpu.vector_store %arg6[%swap3A_49, %swap3A_50], %add3A_48 {strides = array<i32>} : memref<8x128xf32, #tpu.memory_space<vmem>>, vector<1x128xf32>,
    return
  }
  func.func @transform_0(%arg0: i32) -> (i32, i32, i32) {
    %c0_i32 = arith.constant 0 : i32
    %c0_i32_0 = arith.constant 0 : i32
    %c0_i32_1 = arith.constant 0 : i32
    return %c0_i32, %arg0, %c0_i32_0 : i32, i32, i32
  }
  func.func @transform_1(%arg0: i32) -> (i32, i32) {
    %c0_i32 = arith.constant 0 : i32
    %c0_i32_0 = arith.constant 0 : i32
    return %arg0, %c0_i32 : i32, i32
  }
  func.func @transform_2(%arg0: i32) -> (i32, i32) {
    %c0_i32 = arith.constant 0 : i32
    %c0_i32_0 = arith.constant 0 : i32
    return %arg0, %c0_i32 : i32, i32
  }
  func.func @transform_3(%arg0: i32) -> (i32, i32) {
    %c0_i32 = arith.constant 0 : i32
    %c0_i32_0 = arith.constant 0 : i32
    %c0_i32_1 = arith.constant 0 : i32
    return %c0_i32, %c0_i32_0 : i32, i32
  }
  func.func @transform_4(%arg0: i32) -> (i32, i32) {
    %c0_i32 = arith.constant 0 : i32
    %c0_i32_0 = arith.constant 0 : i32
    return %arg0, %c0_i32 : i32, i32
  }
  func.func @transform_5(%arg0: i32) -> (i32, i32) {
    %c0_i32 = arith.constant 0 : i32
    %c0_i32_0 = arith.constant 0 : i32
    %c0_i32_1 = arith.constant 0 : i32
    return %c0_i32, %c0_i32_0 : i32, i32
  }
}

module attributes {stable_mosaic.version = 14 : i64} {
  func.func @body(%arg0: i32, %arg1: memref<1280x128xf32, #tpu.memory_space<vmem>>, %arg2: memref<8x128xf32, #tpu.memory_space<vmem>>, %arg3: memref<1x128xf32, #tpu.memory_space<vmem>>, %arg4: memref<1x128xf32, #tpu.memory_space<vmem>>, %arg5: memref<1280x1xf32, #tpu.memory_space<vmem>>, %arg6: memref<128x128xf32, #tpu.memory_space<vmem>>, %arg7: memref<1280x128xf32, #tpu.memory_space<vmem>>) attributes {dimension_semantics = [#tpu.dimension_semantics<arbitrary>], iteration_bounds = array<i64: 8>, scalar_prefetch = 0 : i64, scratch_operands = 0 : i64, tpu.core_type = #tpu.core_type<tc>, window_params = [{transform_indices = @transform_0, window_bounds = array<i64: 1280, 128>}, {pipeline_mode = #tpu.pipeline_mode<synchronous>, transform_indices = @transform_1, window_bounds = array<i64: 8, 128>}, {pipeline_mode = #tpu.pipeline_mode<synchronous>, transform_indices = @transform_2, window_bounds = array<i64: 1, 128>}, {pipeline_mode = #tpu.pipeline_mode<synchronous>, transform_indices = @transform_3, window_bounds = array<i64: 1, 128>}, {transform_indices = @transform_4, window_bounds = array<i64: 1280, 1>}, {pipeline_mode = #tpu.pipeline_mode<synchronous>, transform_indices = @transform_5, window_bounds = array<i64: 128, 128>}, {transform_indices = @transform_6, window_bounds = array<i64: 1280, 128>}]} {
    %get3A = arith.constant 0 : index
    %get3A_0 = arith.constant 0 : index
    %get3A_1 = vector.load %arg2[%get3A, %get3A_0] : memref<8x128xf32, #tpu.memory_space<vmem>>, vector<1x128xf32>
    %mul3A = arith.constant 9.99999974E-5 : f32
    %mul3A_2 = vector.broadcast %mul3A : f32 to vector<1x128xf32>
    %mul3A_3 = arith.mulf %get3A_1, %mul3A_2 : vector<1x128xf32>
    %get3A_4 = arith.constant 1 : index
    %get3A_5 = arith.constant 0 : index
    %get3A_6 = vector.load %arg2[%get3A_4, %get3A_5] : memref<8x128xf32, #tpu.memory_space<vmem>>, vector<1x128xf32>
    %mul3A_7 = arith.constant 9.99999974E-5 : f32
    %mul3A_8 = vector.broadcast %mul3A_7 : f32 to vector<1x128xf32>
    %mul3A_9 = arith.mulf %get3A_6, %mul3A_8 : vector<1x128xf32>
    %mul3A_10 = arith.mulf %mul3A_3, %mul3A_3 : vector<1x128xf32>
    %sub3A = arith.subf %mul3A_9, %mul3A_10 : vector<1x128xf32>
    %get3A_11 = arith.constant 0 : index
    %get3A_12 = arith.constant 0 : index
    %get3A_13 = vector.load %arg3[%get3A_11, %get3A_12] : memref<1x128xf32, #tpu.memory_space<vmem>>, vector<1x128xf32>
    %add3A = arith.constant 9.99999974E-6 : f32
    %add3A_14 = vector.broadcast %add3A : f32 to vector<1x128xf32>
    %add3A_15 = arith.addf %sub3A, %add3A_14 : vector<1x128xf32>
    %rsqrt3A = math.rsqrt %add3A_15 : vector<1x128xf32>
    %mul3A_16 = arith.mulf %get3A_13, %rsqrt3A : vector<1x128xf32>
    %get3A_17 = arith.constant 0 : index
    %get3A_18 = arith.constant 0 : index
    %get3A_19 = vector.load %arg4[%get3A_17, %get3A_18] : memref<1x128xf32, #tpu.memory_space<vmem>>, vector<1x128xf32>
    %mul3A_20 = arith.mulf %mul3A_3, %mul3A_16 : vector<1x128xf32>
    %sub3A_21 = arith.subf %get3A_19, %mul3A_20 : vector<1x128xf32>
    %get3A_22 = arith.constant 0 : index
    %get3A_23 = arith.constant 0 : index
    %get3A_24 = vector.load %arg1[%get3A_22, %get3A_23] : memref<1280x128xf32, #tpu.memory_space<vmem>>, vector<1280x128xf32>
    %mul3A_25 = vector.broadcast %mul3A_16 : vector<1x128xf32> to vector<1280x128xf32>
    %mul3A_26 = arith.mulf %get3A_24, %mul3A_25 : vector<1280x128xf32>
    %add3A_27 = vector.broadcast %sub3A_21 : vector<1x128xf32> to vector<1280x128xf32>
    %add3A_28 = arith.addf %mul3A_26, %add3A_27 : vector<1280x128xf32>
    %max3A = arith.constant 0.000000e+00 : f32
    %max3A_29 = vector.broadcast %max3A : f32 to vector<1280x128xf32>
    %max3A_30 = arith.maximumf %add3A_28, %max3A_29 : vector<1280x128xf32>
    %get3A_31 = arith.constant 0 : index
    %get3A_32 = arith.constant 0 : index
    %get3A_33 = vector.load %arg6[%get3A_31, %get3A_32] : memref<128x128xf32, #tpu.memory_space<vmem>>, vector<128x128xf32>
    %dot_general3A = arith.constant dense<0.000000e+00> : vector<1280x128xf32>
    %dot_general3A_34 = tpu.matmul %max3A_30, %get3A_33, %dot_general3A {dimension_numbers = #tpu.dot_dimension_numbers<[1], [0], [0], [1], [0, 0, 1, 1], [], []>, transpose_lhs_hint = false} : vector<1280x128xf32>, vector<128x128xf32>, vector<1280x128xf32> -> vector<1280x128xf32>
    %get3A_35 = arith.constant 0 : index
    %get3A_36 = arith.constant 0 : index
    %get3A_37 = vector.load %arg5[%get3A_35, %get3A_36] : memref<1280x1xf32, #tpu.memory_space<vmem>>, vector<1280x1xf32>
    %mul3A_38 = vector.broadcast %get3A_37 : vector<1280x1xf32> to vector<1280x128xf32>
    %mul3A_39 = arith.mulf %dot_general3A_34, %mul3A_38 : vector<1280x128xf32>
    %swap3A = arith.constant 0 : index
    %swap3A_40 = arith.constant 0 : index
    %swap3A_41 = vector.load %arg7[%swap3A, %swap3A_40] : memref<1280x128xf32, #tpu.memory_space<vmem>>, vector<1280x128xf32>
    tpu.vector_store %arg7[%swap3A, %swap3A_40], %mul3A_39 {strides = array<i32>} : memref<1280x128xf32, #tpu.memory_space<vmem>>, vector<1280x128xf32>,
    return
  }
  func.func @transform_0(%arg0: i32) -> (i32, i32) {
    %c0_i32 = arith.constant 0 : i32
    %c0_i32_0 = arith.constant 0 : i32
    return %arg0, %c0_i32 : i32, i32
  }
  func.func @transform_1(%arg0: i32) -> (i32, i32) {
    %c0_i32 = arith.constant 0 : i32
    %c0_i32_0 = arith.constant 0 : i32
    %c0_i32_1 = arith.constant 0 : i32
    return %c0_i32, %c0_i32_0 : i32, i32
  }
  func.func @transform_2(%arg0: i32) -> (i32, i32) {
    %c0_i32 = arith.constant 0 : i32
    %c0_i32_0 = arith.constant 0 : i32
    %c0_i32_1 = arith.constant 0 : i32
    return %c0_i32, %c0_i32_0 : i32, i32
  }
  func.func @transform_3(%arg0: i32) -> (i32, i32) {
    %c0_i32 = arith.constant 0 : i32
    %c0_i32_0 = arith.constant 0 : i32
    %c0_i32_1 = arith.constant 0 : i32
    return %c0_i32, %c0_i32_0 : i32, i32
  }
  func.func @transform_4(%arg0: i32) -> (i32, i32) {
    %c0_i32 = arith.constant 0 : i32
    %c0_i32_0 = arith.constant 0 : i32
    return %arg0, %c0_i32 : i32, i32
  }
  func.func @transform_5(%arg0: i32) -> (i32, i32) {
    %c0_i32 = arith.constant 0 : i32
    %c0_i32_0 = arith.constant 0 : i32
    %c0_i32_1 = arith.constant 0 : i32
    return %c0_i32, %c0_i32_0 : i32, i32
  }
  func.func @transform_6(%arg0: i32) -> (i32, i32) {
    %c0_i32 = arith.constant 0 : i32
    %c0_i32_0 = arith.constant 0 : i32
    return %arg0, %c0_i32 : i32, i32
  }
}

module attributes {stable_mosaic.version = 14 : i64} {
  func.func @body(%arg0: i32, %arg1: memref<1280x128xf32, #tpu.memory_space<vmem>>, %arg2: memref<8x128xf32, #tpu.memory_space<vmem>>, %arg3: memref<1x128xf32, #tpu.memory_space<vmem>>, %arg4: memref<1x128xf32, #tpu.memory_space<vmem>>, %arg5: memref<1280x1xf32, #tpu.memory_space<vmem>>, %arg6: memref<1280x128xf32, #tpu.memory_space<vmem>>) attributes {dimension_semantics = [#tpu.dimension_semantics<arbitrary>], iteration_bounds = array<i64: 8>, scalar_prefetch = 0 : i64, scratch_operands = 0 : i64, tpu.core_type = #tpu.core_type<tc>, window_params = [{transform_indices = @transform_0, window_bounds = array<i64: 1280, 128>}, {pipeline_mode = #tpu.pipeline_mode<synchronous>, transform_indices = @transform_1, window_bounds = array<i64: 8, 128>}, {pipeline_mode = #tpu.pipeline_mode<synchronous>, transform_indices = @transform_2, window_bounds = array<i64: 1, 128>}, {pipeline_mode = #tpu.pipeline_mode<synchronous>, transform_indices = @transform_3, window_bounds = array<i64: 1, 128>}, {transform_indices = @transform_4, window_bounds = array<i64: 1280, 1>}, {transform_indices = @transform_5, window_bounds = array<i64: 1280, 128>}]} {
    %get3A = arith.constant 0 : index
    %get3A_0 = arith.constant 0 : index
    %get3A_1 = vector.load %arg2[%get3A, %get3A_0] : memref<8x128xf32, #tpu.memory_space<vmem>>, vector<1x128xf32>
    %mul3A = arith.constant 9.99999974E-5 : f32
    %mul3A_2 = vector.broadcast %mul3A : f32 to vector<1x128xf32>
    %mul3A_3 = arith.mulf %get3A_1, %mul3A_2 : vector<1x128xf32>
    %get3A_4 = arith.constant 1 : index
    %get3A_5 = arith.constant 0 : index
    %get3A_6 = vector.load %arg2[%get3A_4, %get3A_5] : memref<8x128xf32, #tpu.memory_space<vmem>>, vector<1x128xf32>
    %mul3A_7 = arith.constant 9.99999974E-5 : f32
    %mul3A_8 = vector.broadcast %mul3A_7 : f32 to vector<1x128xf32>
    %mul3A_9 = arith.mulf %get3A_6, %mul3A_8 : vector<1x128xf32>
    %mul3A_10 = arith.mulf %mul3A_3, %mul3A_3 : vector<1x128xf32>
    %sub3A = arith.subf %mul3A_9, %mul3A_10 : vector<1x128xf32>
    %get3A_11 = arith.constant 0 : index
    %get3A_12 = arith.constant 0 : index
    %get3A_13 = vector.load %arg3[%get3A_11, %get3A_12] : memref<1x128xf32, #tpu.memory_space<vmem>>, vector<1x128xf32>
    %add3A = arith.constant 9.99999974E-6 : f32
    %add3A_14 = vector.broadcast %add3A : f32 to vector<1x128xf32>
    %add3A_15 = arith.addf %sub3A, %add3A_14 : vector<1x128xf32>
    %rsqrt3A = math.rsqrt %add3A_15 : vector<1x128xf32>
    %mul3A_16 = arith.mulf %get3A_13, %rsqrt3A : vector<1x128xf32>
    %get3A_17 = arith.constant 0 : index
    %get3A_18 = arith.constant 0 : index
    %get3A_19 = vector.load %arg4[%get3A_17, %get3A_18] : memref<1x128xf32, #tpu.memory_space<vmem>>, vector<1x128xf32>
    %mul3A_20 = arith.mulf %mul3A_3, %mul3A_16 : vector<1x128xf32>
    %sub3A_21 = arith.subf %get3A_19, %mul3A_20 : vector<1x128xf32>
    %get3A_22 = arith.constant 0 : index
    %get3A_23 = arith.constant 0 : index
    %get3A_24 = vector.load %arg1[%get3A_22, %get3A_23] : memref<1280x128xf32, #tpu.memory_space<vmem>>, vector<1280x128xf32>
    %mul3A_25 = vector.broadcast %mul3A_16 : vector<1x128xf32> to vector<1280x128xf32>
    %mul3A_26 = arith.mulf %get3A_24, %mul3A_25 : vector<1280x128xf32>
    %add3A_27 = vector.broadcast %sub3A_21 : vector<1x128xf32> to vector<1280x128xf32>
    %add3A_28 = arith.addf %mul3A_26, %add3A_27 : vector<1280x128xf32>
    %max3A = arith.constant 0.000000e+00 : f32
    %max3A_29 = vector.broadcast %max3A : f32 to vector<1280x128xf32>
    %max3A_30 = arith.maximumf %add3A_28, %max3A_29 : vector<1280x128xf32>
    %get3A_31 = arith.constant 0 : index
    %get3A_32 = arith.constant 0 : index
    %get3A_33 = vector.load %arg5[%get3A_31, %get3A_32] : memref<1280x1xf32, #tpu.memory_space<vmem>>, vector<1280x1xf32>
    %mul3A_34 = vector.broadcast %get3A_33 : vector<1280x1xf32> to vector<1280x128xf32>
    %mul3A_35 = arith.mulf %max3A_30, %mul3A_34 : vector<1280x128xf32>
    %swap3A = arith.constant 0 : index
    %swap3A_36 = arith.constant 0 : index
    %swap3A_37 = vector.load %arg6[%swap3A, %swap3A_36] : memref<1280x128xf32, #tpu.memory_space<vmem>>, vector<1280x128xf32>
    tpu.vector_store %arg6[%swap3A, %swap3A_36], %mul3A_35 {strides = array<i32>} : memref<1280x128xf32, #tpu.memory_space<vmem>>, vector<1280x128xf32>,
    return
  }
  func.func @transform_0(%arg0: i32) -> (i32, i32) {
    %c0_i32 = arith.constant 0 : i32
    %c0_i32_0 = arith.constant 0 : i32
    return %arg0, %c0_i32 : i32, i32
  }
  func.func @transform_1(%arg0: i32) -> (i32, i32) {
    %c0_i32 = arith.constant 0 : i32
    %c0_i32_0 = arith.constant 0 : i32
    %c0_i32_1 = arith.constant 0 : i32
    return %c0_i32, %c0_i32_0 : i32, i32
  }
  func.func @transform_2(%arg0: i32) -> (i32, i32) {
    %c0_i32 = arith.constant 0 : i32
    %c0_i32_0 = arith.constant 0 : i32
    %c0_i32_1 = arith.constant 0 : i32
    return %c0_i32, %c0_i32_0 : i32, i32
  }
  func.func @transform_3(%arg0: i32) -> (i32, i32) {
    %c0_i32 = arith.constant 0 : i32
    %c0_i32_0 = arith.constant 0 : i32
    %c0_i32_1 = arith.constant 0 : i32
    return %c0_i32, %c0_i32_0 : i32, i32
  }
  func.func @transform_4(%arg0: i32) -> (i32, i32) {
    %c0_i32 = arith.constant 0 : i32
    %c0_i32_0 = arith.constant 0 : i32
    return %arg0, %c0_i32 : i32, i32
  }
  func.func @transform_5(%arg0: i32) -> (i32, i32) {
    %c0_i32 = arith.constant 0 : i32
    %c0_i32_0 = arith.constant 0 : i32
    return %arg0, %c0_i32 : i32, i32
  }
}

module attributes {stable_mosaic.version = 14 : i64} {
  func.func @body(%arg0: i32, %arg1: memref<2x1280x128xf32, #tpu.memory_space<vmem>>, %arg2: memref<1280x128xf32, #tpu.memory_space<vmem>>, %arg3: memref<1280x1xf32, #tpu.memory_space<vmem>>, %arg4: memref<128x128xf32, #tpu.memory_space<vmem>>, %arg5: memref<1x128xf32, #tpu.memory_space<vmem>>, %arg6: memref<1280x128xf32, #tpu.memory_space<vmem>>) attributes {dimension_semantics = [#tpu.dimension_semantics<arbitrary>], iteration_bounds = array<i64: 8>, scalar_prefetch = 0 : i64, scratch_operands = 0 : i64, tpu.core_type = #tpu.core_type<tc>, window_params = [{transform_indices = @transform_0, window_bounds = array<i64: 2, 1280, 128>}, {transform_indices = @transform_1, window_bounds = array<i64: 1280, 128>}, {transform_indices = @transform_2, window_bounds = array<i64: 1280, 1>}, {pipeline_mode = #tpu.pipeline_mode<synchronous>, transform_indices = @transform_3, window_bounds = array<i64: 128, 128>}, {pipeline_mode = #tpu.pipeline_mode<synchronous>, transform_indices = @transform_4, window_bounds = array<i64: 1, 128>}, {transform_indices = @transform_5, window_bounds = array<i64: 1280, 128>}]} {
    %get3A = arith.constant 0 : index
    %get3A_0 = arith.constant 0 : index
    %get3A_1 = vector.load %arg3[%get3A, %get3A_0] : memref<1280x1xf32, #tpu.memory_space<vmem>>, vector<1280x1xf32>
    %get3A_2 = arith.constant 0 : index
    %get3A_3 = arith.constant 0 : index
    %get3A_4 = arith.constant 0 : index
    %get3A_5 = vector.load %arg1[%get3A_2, %get3A_3, %get3A_4] : memref<2x1280x128xf32, #tpu.memory_space<vmem>>, vector<1x1280x128xf32>
    %get3A_6 = vector.shape_cast %get3A_5 : vector<1x1280x128xf32> to vector<1280x128xf32>
    %get3A_7 = arith.constant 1 : index
    %get3A_8 = arith.constant 0 : index
    %get3A_9 = arith.constant 0 : index
    %get3A_10 = vector.load %arg1[%get3A_7, %get3A_8, %get3A_9] : memref<2x1280x128xf32, #tpu.memory_space<vmem>>, vector<1x1280x128xf32>
    %get3A_11 = vector.shape_cast %get3A_10 : vector<1x1280x128xf32> to vector<1280x128xf32>
    %add3A = arith.addf %get3A_6, %get3A_11 : vector<1280x128xf32>
    %get3A_12 = arith.constant 0 : index
    %get3A_13 = arith.constant 0 : index
    %get3A_14 = vector.load %arg2[%get3A_12, %get3A_13] : memref<1280x128xf32, #tpu.memory_space<vmem>>, vector<1280x128xf32>
    %add3A_15 = arith.addf %add3A, %get3A_14 : vector<1280x128xf32>
    %mul3A = vector.broadcast %get3A_1 : vector<1280x1xf32> to vector<1280x128xf32>
    %mul3A_16 = arith.mulf %mul3A, %add3A_15 : vector<1280x128xf32>
    %get3A_17 = arith.constant 0 : index
    %get3A_18 = arith.constant 0 : index
    %get3A_19 = vector.load %arg4[%get3A_17, %get3A_18] : memref<128x128xf32, #tpu.memory_space<vmem>>, vector<128x128xf32>
    %dot_general3A = arith.constant dense<0.000000e+00> : vector<1280x128xf32>
    %dot_general3A_20 = tpu.matmul %mul3A_16, %get3A_19, %dot_general3A {dimension_numbers = #tpu.dot_dimension_numbers<[1], [0], [0], [1], [0, 0, 1, 1], [], []>, transpose_lhs_hint = false} : vector<1280x128xf32>, vector<128x128xf32>, vector<1280x128xf32> -> vector<1280x128xf32>
    %get3A_21 = arith.constant 0 : index
    %get3A_22 = arith.constant 0 : index
    %get3A_23 = vector.load %arg5[%get3A_21, %get3A_22] : memref<1x128xf32, #tpu.memory_space<vmem>>, vector<1x128xf32>
    %add3A_24 = vector.broadcast %get3A_23 : vector<1x128xf32> to vector<1280x128xf32>
    %add3A_25 = arith.addf %dot_general3A_20, %add3A_24 : vector<1280x128xf32>
    %reduce_max3A = arith.constant dense<0xFF800000> : vector<1280xf32>
    %reduce_max3A_26 = vector.multi_reduction <maximumf>, %add3A_25, %reduce_max3A [1] : vector<1280x128xf32> to vector<1280xf32>
    %broadcast_in_dim3A = vector.shape_cast %reduce_max3A_26 : vector<1280xf32> to vector<1280x1xf32>
    %sub3A = vector.broadcast %broadcast_in_dim3A : vector<1280x1xf32> to vector<1280x128xf32>
    %sub3A_27 = arith.subf %add3A_25, %sub3A : vector<1280x128xf32>
    %exp3A = math.exp %sub3A_27 : vector<1280x128xf32>
    %reduce_sum3A = arith.constant dense<0.000000e+00> : vector<1280xf32>
    %reduce_sum3A_28 = vector.multi_reduction <add>, %exp3A, %reduce_sum3A [1] : vector<1280x128xf32> to vector<1280xf32>
    %broadcast_in_dim3A_29 = vector.shape_cast %reduce_sum3A_28 : vector<1280xf32> to vector<1280x1xf32>
    %sub3A_30 = vector.broadcast %broadcast_in_dim3A : vector<1280x1xf32> to vector<1280x128xf32>
    %sub3A_31 = arith.subf %add3A_25, %sub3A_30 : vector<1280x128xf32>
    %log3A = math.log %broadcast_in_dim3A_29 : vector<1280x1xf32>
    %sub3A_32 = vector.broadcast %log3A : vector<1280x1xf32> to vector<1280x128xf32>
    %sub3A_33 = arith.subf %sub3A_31, %sub3A_32 : vector<1280x128xf32>
    %swap3A = arith.constant 0 : index
    %swap3A_34 = arith.constant 0 : index
    %swap3A_35 = vector.load %arg6[%swap3A, %swap3A_34] : memref<1280x128xf32, #tpu.memory_space<vmem>>, vector<1280x128xf32>
    tpu.vector_store %arg6[%swap3A, %swap3A_34], %sub3A_33 {strides = array<i32>} : memref<1280x128xf32, #tpu.memory_space<vmem>>, vector<1280x128xf32>,
    return
  }
  func.func @transform_0(%arg0: i32) -> (i32, i32, i32) {
    %c0_i32 = arith.constant 0 : i32
    %c0_i32_0 = arith.constant 0 : i32
    %c0_i32_1 = arith.constant 0 : i32
    return %c0_i32, %arg0, %c0_i32_0 : i32, i32, i32
  }
  func.func @transform_1(%arg0: i32) -> (i32, i32) {
    %c0_i32 = arith.constant 0 : i32
    %c0_i32_0 = arith.constant 0 : i32
    return %arg0, %c0_i32 : i32, i32
  }
  func.func @transform_2(%arg0: i32) -> (i32, i32) {
    %c0_i32 = arith.constant 0 : i32
    %c0_i32_0 = arith.constant 0 : i32
    return %arg0, %c0_i32 : i32, i32
  }
  func.func @transform_3(%arg0: i32) -> (i32, i32) {
    %c0_i32 = arith.constant 0 : i32
    %c0_i32_0 = arith.constant 0 : i32
    %c0_i32_1 = arith.constant 0 : i32
    return %c0_i32, %c0_i32_0 : i32, i32
  }
  func.func @transform_4(%arg0: i32) -> (i32, i32) {
    %c0_i32 = arith.constant 0 : i32
    %c0_i32_0 = arith.constant 0 : i32
    %c0_i32_1 = arith.constant 0 : i32
    return %c0_i32, %c0_i32_0 : i32, i32
  }
  func.func @transform_5(%arg0: i32) -> (i32, i32) {
    %c0_i32 = arith.constant 0 : i32
    %c0_i32_0 = arith.constant 0 : i32
    return %arg0, %c0_i32 : i32, i32
  }
}

</mosaic_0001>

<sc_bundles>
// kernel: kernel.12.cloned.1.call-start
scs
__scs_entry_jumppad:
0x0: {  	(pc) =	sbr.rel $0x88, $3  }
0x1: {  	(tag) =	ssettag $0x0;
	lr =	simm.s32 $0x1  }
0x2: {  	[smem:$0x3F95] =	sst lr;
	_ =	strace $0xD0000000  }
0x3: {  	_ = 	snop  }
0x4: {  	_ = 	snop  }
0x5: {  	_ = 	snop  }
0x6: {  	_ = 	snop  }
0x7: {  	_ = 	snop  }
__scs_overlays_trampoline_lowered:
0x8: {  	[smem:$0x3FA4] =	sst s0  }
0x9: {  	[smem:$0x3FA5] =	sst s1  }
0xa: {  	[smem:$0x3FA6] =	sst s2  }
0xb: {  	[smem:$0x3FA7] =	sst s3  }
0xc: {  	[smem:$0x3FA8] =	sst s4  }
0xd: {  	[smem:$0x3FA9] =	sst s5  }
0xe: {  	[smem:$0x3FAA] =	sst s6  }
0xf: {  	[smem:$0x3FAB] =	sst s7  }
0x10: {  	[smem:$0x3FAC] =	sst s8  }
0x11: {  	[smem:$0x3FAD] =	sst s9;
	s0 =	simm.s32 @!p0 $0x0  }
0x12: {  	s1 =	sld [smem:$0x3F93];
	s0 =	simm.s32 @p0 $0x1  }
0x13: {  	[smem:$0x3FAE] =	sst s0;
	s0 =	simm.s32 @!p1 $0x0  }
0x14: {  	s2 =	sld [smem:$0x3F92];
	s0 =	simm.s32 @p1 $0x1  }
0x15: {  	[smem:$0x3FAF] =	sst s0;
	s0 =	simm.s32 @!p2 $0x0  }
0x16: {  	s3 =	sld [smem:$0x3FDB];
	s0 =	simm.s32 @p2 $0x1  }
0x17: {  	s4 =	simm.s32 $0x1BF5;
	[smem:$0x3FB1] =	sst s0  }
0x18: {  	s0 =	sld [smem:$0x3F94];
	_ =	swait.ge [sflag:s4], $0x0  }
0x19: {  	s7 =	sld [smem:$0x3F95]  }
0x1a: {  	s8 =	sadd.s32 $0xFFFFE003, lr  }
0x1b: {  	s9 =	sadd.s32 $0xFFFFFEF7, lr;
	s5 =	simm.s32 $0xFFFFFFFF;
	p2 =	slt.u32 s8, $0xFFFFF086  }
0x1c: {  	p1 =	slt.u32 s9, $0xF7A;
	s5 =	simm.s32 @!p2 $0x0  }
0x1d: {  	s5 =	simm.s32 @p1 $0x1;
	p0 =	seq.s32 s7, s2  }
0x1e: {  	s7 =	smul.u32 @!p0 $0xF7A, s2;
	p2 =	seq.s32 @!p0 s5, $0x0  }
0x1f: {  	s9 =	smul.u32 $0xF7A, s1;
	s8 =	simm.s32 @!p0 $0x1BF5;
	p2 =	por !p2, p0  }
0x20: {  	[sflag:s8] =	ssyncset.s32 @!p0 $0xFFFFF086;
	s6 =	sadd.s32 @!p0 s3, s7;
	s7 =	simm.s32 @!p0 $0x108  }
0x21: {  	s3 =	sadd.s32 s3, s9;
	s6 =	sadd.s32 @!p0 $0x88, s6;
	s7 =	simm.s32 @p2 $0x1082  }
0x22: {  	[simem:s7], [sflag:s8] =	dma.local @!p0 [hbm:s6], $0xF7A  }
0x23: {  	s9 =	sor.u32 $0xD0000000, s2;
	s6 =	simm.s32 $0x108;
	_ =	swait.ge @!p0 [sflag:s8], $0x0  }
0x24: {  	s3 =	sadd.s32 $0x88, s3;
	s6 =	simm.s32 @!p1 $0x1082;
	[sflag:s4] =	ssyncset.s32 $0xFFFFF086  }
0x25: {  	[simem:s6], [sflag:s4] =	dma.local [hbm:s3], $0xF7A  }
0x26: {  	[smem:$0x3F95] =	sst s1;
	(tag) =	ssettag s2;
	_ =	strace s9  }
0x27: {  	s1 =	sld [smem:$0x3FA5]  }
0x28: {  	s2 =	sld [smem:$0x3FA6]  }
0x29: {  	s4 =	sld [smem:$0x3FA8]  }
0x2a: {  	p0 =	seq.s32 s5, $0x0;
	s5 =	sld [smem:$0x3FA9]  }
0x2b: {  	s6 =	sld [smem:$0x3FAA]  }
0x2c: {  	s7 =	sld [smem:$0x3FAB]  }
0x2d: {  	s3 =	simm.s32 $0x108;
	s8 =	sld [smem:$0x3FAC]  }
0x2e: {  	s3 =	simm.s32 @!p0 $0x1082;
	s9 =	sld [smem:$0x3FAD]  }
0x2f: {  	lr =	sadd.s32 s0, s3;
	s0 =	sld [smem:$0x3FA4]  }
0x30: {  	s3 =	sld [smem:$0x3FA7]  }
0x31: {  	[smem:$0x3FB0] =	sst s10  }
0x32: {  	s10 =	sld [smem:$0x3FAE];
	_ =	sdelay $0x3  }
0x33: {  	p0 =	seq.s32 s10, $0x1;
	s10 =	sld [smem:$0x3FB0];
	_ =	sdelay $0x3  }
0x34: {  	[smem:$0x3FB0] =	sst s10  }
0x35: {  	s10 =	sld [smem:$0x3FAF];
	_ =	sdelay $0x3  }
0x36: {  	p1 =	seq.s32 s10, $0x1;
	s10 =	sld [smem:$0x3FB0];
	_ =	sdelay $0x3  }
0x37: {  	[smem:$0x3FB0] =	sst s10  }
0x38: {  	s10 =	sld [smem:$0x3FB1]  }
0x39: {  	_ = 	snop;
	(pc) =	sbr.ind lr, $3  }
0x3a: {  	_ = 	snop  }
0x3b: {  	_ = 	snop  }
0x3c: {  	p2 =	seq.s32 s10, $0x1;
	s10 =	sld [smem:$0x3FB0]  }
0x3d: {  	_ =	shalt  }
0x3e: {  	_ =	shalt  }
0x3f: {  	_ =	shalt  }
0x40: {  	_ =	shalt  }
0x41: {  	_ =	shalt  }
0x42: {  	_ =	shalt  }
0x43: {  	_ =	shalt  }
0x44: {  	_ =	shalt  }
0x45: {  	_ =	shalt  }
0x46: {  	_ =	shalt  }
0x47: {  	_ =	shalt  }
0x48: {  	_ =	shalt  }
0x49: {  	_ =	shalt  }
0x4a: {  	_ =	shalt  }
0x4b: {  	_ =	shalt  }
0x4c: {  	_ =	shalt  }
0x4d: {  	_ =	shalt  }
0x4e: {  	_ =	shalt  }
0x4f: {  	_ =	shalt  }
0x50: {  	_ =	shalt  }
0x51: {  	_ =	shalt  }
0x52: {  	_ =	shalt  }
0x53: {  	_ =	shalt  }
0x54: {  	_ =	shalt  }
0x55: {  	_ =	shalt  }
0x56: {  	_ =	shalt  }
0x57: {  	_ =	shalt  }
0x58: {  	_ =	shalt  }
0x59: {  	_ =	shalt  }
0x5a: {  	_ =	shalt  }
0x5b: {  	_ =	shalt  }
0x5c: {  	_ =	shalt  }
0x5d: {  	_ =	shalt  }
0x5e: {  	_ =	shalt  }
0x5f: {  	_ =	shalt  }
0x60: {  	_ =	shalt  }
0x61: {  	_ =	shalt  }
0x62: {  	_ =	shalt  }
0x63: {  	_ =	shalt  }
0x64: {  	_ =	shalt  }
0x65: {  	_ =	shalt  }
0x66: {  	_ =	shalt  }
0x67: {  	_ =	shalt  }
0x68: {  	_ =	shalt  }
0x69: {  	_ =	shalt  }
0x6a: {  	_ =	shalt  }
0x6b: {  	_ =	shalt  }
0x6c: {  	_ =	shalt  }
0x6d: {  	_ =	shalt  }
0x6e: {  	_ =	shalt  }
0x6f: {  	_ =	shalt  }
0x70: {  	_ =	shalt  }
0x71: {  	_ =	shalt  }
0x72: {  	_ =	shalt  }
0x73: {  	_ =	shalt  }
0x74: {  	_ =	shalt  }
0x75: {  	_ =	shalt  }
0x76: {  	_ =	shalt  }
0x77: {  	_ =	shalt  }
0x78: {  	_ =	shalt  }
0x79: {  	_ =	shalt  }
0x7a: {  	_ =	shalt  }
0x7b: {  	_ =	shalt  }
0x7c: {  	_ =	shalt  }
0x7d: {  	_ =	shalt  }
0x7e: {  	_ =	shalt  }
0x7f: {  	_ =	shalt  }
0x80: {  	_ =	shalt  }
0x81: {  	_ =	shalt  }
0x82: {  	_ =	shalt  }
0x83: {  	_ =	shalt  }
0x84: {  	_ =	shalt  }
0x85: {  	_ =	shalt  }
0x86: {  	_ =	shalt  }
0x87: {  	_ =	shalt  }
.Lfunc_end0:
.L_simem_size_0:
called_computation_lowered:
.L_overlay_start_0:
0x88: {  	s2 =	sld [smem:$0x3FD9]  }
0x89: {  	s3 =	sld [smem:$0x3FFE];
	_ =	sdelay $0x1  }
0x8a: {  	s1 =	srdreg.scid  }
0x8b: {  	s0 =	sand.u32 $0x1, s1  }
0x8c: {  	s16 =	sshll.u32 s0, $0xA;
	s2 =	sadd.s32 s3, s2  }
0x8d: {  	s2 =	sadd.s32 s2, s16  }
0x8e: {  	[smem:$0x3FBC] =	sst s2  }
0x8f: {  	_ = 	snop  }
0x90: {  	(tm) =	ssettm $0x1  }
0x91: {  	s17 =	sld [smem:$0x3FFB];
	_ =	sdelay $0x3  }
0x92: {  	_ =	strace s17  }
0x93: {  	s2 =	sld [smem:$0x3FFC];
	_ =	sdelay $0x3  }
0x94: {  	_ =	strace s2  }
0x95: {  	s2 =	sld [smem:$0x3FFD];
	_ =	sdelay $0x3  }
0x96: {  	_ =	strace s2  }
0x97: {  	_ =	strace $0x8FFFFFFF  }
0x98: {  	s18 =	sld [smem:$0x3FDB];
	_ =	sdelay $0x1  }
0x99: {  	s19 =	simm.s32 $_scs_section_size  }
0x9a: {  	s4 =	simm.s32 $_size__tile_overlayer_lowered;
	s5 =	simm.s32 $_tile_overlayer_lowered  }
0x9b: {  	s22 =	simm.s32 $0x1BFF;
	s21 =	sshll.u32 s5, $0x1;
	s2 =	sadd.s32 s19, s18  }
0x9c: {  	s6 =	simm.s32 $0x0;
	s20 =	sshll.u32 s4, $0x1;
	s4 =	sadd.s32 s21, s2  }
0x9d: {  	[timem:s6], [sflag:s22] =	dma.local [hbm:s4], s20  }
0x9e: {  	_ =	swait.ge [sflag:s22], s20  }
0x9f: {  	s3 =	ssub.s32 $0x0, s20;
	[sflag:s22] =	ssyncset.done $0x0  }
0xa0: {  	[sflag:s22] =	ssyncadd.s32 s3;
	_ =	sdelay $0x1  }
0xa1: {  	s23 =	simm.s32 $0x1B8B  }
0xa2: {  	_ =	swait.ge [sflag:s23], $0x1  }
0xa3: {  	[sflag:s23] =	ssyncset.done $0x0  }
0xa4: {  	s25 =	simm.s32 $0x1B8E;
	s24 =	sld [smem:$0x3FFE];
	[sflag:s23] =	ssyncadd.s32 $0xFFFFFFFF  }
0xa5: {  	s26 =	simm.s32 $execute0_lowered;
	[smem:$0x3FD2] =	sst s25  }
0xa6: {  	s4 =	sshll.u32 s26, $0x1;
	_ =	strace $0x80000046;
	[dreg:$0x1] =	wrdreg $0xFFFFFFFF  }
0xa7: {  	s28 =	simm.s32 $_size_execute0_lowered;
	s2 =	sadd.s32 s2, s4;
	[dreg:$0x0] =	wrdreg $0x0  }
0xa8: {  	s4 =	sshll.u32 s28, $0x1;
	[dreg:$0x2] =	wrdreg s2  }
0xa9: {  	[dreg:$0x3] =	wrdreg s4  }
0xaa: {  	[dreg:$0x4] =	wrdreg $0xC0  }
0xab: {  	_ =	task [dreg:s6], $0x5FFFF  }
0xac: {  	[dreg:$0x1] =	wrdreg $0xFFFFFFFF  }
0xad: {  	[dreg:$0x0] =	wrdreg $0x60  }
0xae: {  	[dreg:$0x2] =	wrdreg s24  }
0xaf: {  	[dreg:$0x3] =	wrdreg $0xA8000  }
0xb0: {  	[dreg:$0x4] =	wrdreg $0x9  }
0xb1: {  	_ =	task.clear_ibuf [dreg:s6], $0x5FFFF;
	_ =	strace $0x90000046  }
0xb2: {  	s29 =	simm.s32 $0x9;
	_ =	strace $0x80000048  }
0xb3: {  	_ =	swait.ge [sflag:s29], $0x1  }
0xb4: {  	[sflag:s29] =	ssyncadd.s32 $0xFFFFFFFF  }
0xb5: {  	_ =	strace $0x90000048  }
0xb6: {  	_ =	sfence  }
0xb7: {  	s30 =	sld [smem:$0x0];
	_ =	sdelay $0x2  }
0xb8: {  	s31 =	sshll.u32 s1, $0xD;
	s1 =	sshrl.u32 s1, $0x2  }
0xb9: {  	s3 =	sand.u32 $0x4000, s31;
	s1 =	sadd.s32 s1, s30  }
0xba: {  	s0 =	sor.u32 s3, s0;
	s1 =	sshll.u32 s1, $0x11  }
0xbb: {  	s0 =	sor.u32 s1, s0  }
0xbc: {  	s0 =	sadd.s32 $0x8F2B, s0  }
0xbd: {  	[sflag:s0] =	ssyncadd.remote.s32 $0x1  }
0xbe: {  	_ =	sfence.sel $0xFFFF  }
0xbf: {  	[dreg:$0x0] =	wrdreg $0xFFFFFFFF;
	(pc) =	sbr.abs _section_cstart, $3  }
0xc0: {  	[dreg:$0x1] =	wrdreg $0xFFFFFFFF  }
0xc1: {  	_ =	task.clear_ibuf [dreg:s6], $0x2FFFF;
	_ =	strace $0x9FFFFFFF  }
0xc2: {  	(tm) =	ssettm $0x7FFFFFFF  }
0xc3: {  	_ =	shalt  }
tec
execute0_lowered:
.L_overlay_start_1:
0x0: {  	(tag) =	ssettag $0x1  }
0x1: {  	s4 =	rddreg [dreg:$0x0]  }
0x2: {  	s1 =	rddreg [dreg:$0x1]  }
0x3: {  	s2 =	srdreg.scid;
	s0 =	rddreg [dreg:$0x2];
	s3 =	simm.s32 $0x0  }
0x4: {  	s12 =	simm.s32 $0x6800;
	s13 =	simm.s32 $0x1;
	s14 =	simm.s32 $0x80  }
0x5: {  	s15 =	simm.s32 $0x2800;
	s5 =	sand.u32 $0x1, s2;
	s2 =	stileid.u32  }
0x6: {  	[smem:$0x7FF] =	sst s3;
	s6 =	sshll.u32 s5, $0x4;
	s7 =	smul.u32 $0x140000, s5  }
0x7: {  	s8 =	smul.u32 $0x14000, s2;
	_ =	strace $0x80000047;
	s5 =	ssub.s32 $0x2, s5  }
0x8: {  	s30 =	smul.u32 $0x50000, s2;
	s16 =	sshll.u32 s2, $0x6;
	s6 =	sor.u32 s2, s6  }
0x9: {  	s9 =	sshrl.u32 s5, $0x1;
	s6 =	smul.u32 $0x500, s6;
	s7 =	sadd.s32 s8, s7  }
0xa: {  	s16 =	sor.u32 $0x1C01, s16;
	s9 =	ssub.s32 s5, s9;
	s7 =	sshrl.u32 s7, $0x3  }
0xb: {  	s31 =	sshrl.u32 s30, $0x2;
	s6 =	sadd.s32 s6, s4;
	s7 =	sadd.s32 s7, s4  }
0xc: {  	s4 =	sadd.s32 s31, s1;
	s5 =	sadd.s32 $0x4000, s6;
	s6 =	sadd.s32 $0xE000, s7  }
0xd: {  	s7 =	smax.u32 s9, $0x1;
	s8 =	sadd.s32 $0x4000, s4;
	s9 =	sadd.s32 $0x8000, s4  }
0xe: {  	v0 =	vimm.f32 $0.0e+00;
	v1 =	vimm.f32 $1.000000000e+00;
	s10 =	sadd.s32 $0xC000, s4;
	s11 =	sadd.s32 $0x10000, s4;
	s17 =	sshrl.u32 s4, $0x3  }
.LBB2_1:
0xf: {  	s18 =	simm.s32 $0x200;
	s19 =	simm.s32 $0x0  }
.LBB2_2:
0x10: {  	p0 =	sne.s32 s18, $0xFE00;
	[tilespmem:s19+$0x6800] =	vst v0;
	s20 =	smov.u32 s18;
	s18 =	sadd.s32 $0x200, s18  }
.Ltmp0:
0x11: {  	[tilespmem:s19+$0x2800] =	vst v1;
	(pc) =	sbr.rel @p0 .LBB2_2-.Ltmp0, $2  }
0x12: {  	_ =	sdelay $0x2  }
0x13: {  	s19 =	sshra.s32 s20, $0x2  }
0x14: {  	[tilespmem:s19+$0x6800] =	vst v0  }
0x15: {  	[tilespmem:s19+$0x2800] =	vst v1  }
0x16: {  	[spmem:s4] =	stream.linear.scatter [tilespmem:s12], [sflag:$0x1], $0x4000, $0x38;
	[tilespmem:$0xD000] =	vst v63  }
0x17: {  	_ =	swait.ge [sflag:s13], $0x4000  }
0x18: {  	[sflag:s13] =	ssyncset.done $0x0  }
0x19: {  	[sflag:s13] =	ssyncadd.s32 $0xFFFFC000  }
0x1a: {  	[spmem:s8] =	stream.linear.scatter [tilespmem:s12], [sflag:$0x1], $0x4000, $0x38;
	[tilespmem:$0xD000] =	vst v63  }
0x1b: {  	_ =	swait.ge [sflag:s13], $0x4000  }
0x1c: {  	[sflag:s13] =	ssyncset.done $0x0  }
0x1d: {  	[sflag:s13] =	ssyncadd.s32 $0xFFFFC000  }
0x1e: {  	[spmem:s9] =	stream.linear.scatter [tilespmem:s12], [sflag:$0x1], $0x4000, $0x38;
	[tilespmem:$0xD000] =	vst v63  }
0x1f: {  	_ =	swait.ge [sflag:s13], $0x4000  }
0x20: {  	[sflag:s13] =	ssyncset.done $0x0  }
0x21: {  	[sflag:s13] =	ssyncadd.s32 $0xFFFFC000  }
0x22: {  	[spmem:s10] =	stream.linear.scatter [tilespmem:s12], [sflag:$0x1], $0x4000, $0x38;
	[tilespmem:$0xD000] =	vst v63  }
0x23: {  	_ =	swait.ge [sflag:s13], $0x4000  }
0x24: {  	[sflag:s13] =	ssyncset.done $0x0  }
0x25: {  	[sflag:s13] =	ssyncadd.s32 $0xFFFFC000  }
0x26: {  	[spmem:s11] =	stream.linear.scatter [tilespmem:s12], [sflag:$0x1], $0x4000, $0x38;
	[tilespmem:$0xD000] =	vst v63  }
0x27: {  	_ =	swait.ge [sflag:s13], $0x4000  }
0x28: {  	[sflag:s13] =	ssyncset.done $0x0  }
0x29: {  	s18 =	simm.s32 $0x0;
	[sflag:s13] =	ssyncadd.s32 $0xFFFFC000  }
0x2a: {  	[tilespmem:s18], [sflag:$0x1] =	stream.linear.gather [hbm4b:s5+s18], $0x2800, $0x38;
	[tilespmem:$0xD000] =	vst v63  }
0x2b: {  	_ =	swait.ge [sflag:s13], $0x2800  }
0x2c: {  	[sflag:s13] =	ssyncset.done $0x0  }
0x2d: {  	[sflag:s13] =	ssyncadd.s32 $0xFFFFD800  }
0x2e: {  	s31 =	simm.s32 $0x0;
	[bflag:$0x0] =	sbarrier.arrive $0xFFFF  }
0x2f: {  	[spmem:s1] =	stream.indirect.scatter.add.f32 [tilespmem:s15], [sflag:$0x1], $0x10, s31, s14, $0xb8;
	[tilespmem:$0xD000] =	vst v63  }
0x30: {  	_ =	swait.ge [sflag:s13], $0x800  }
0x31: {  	s18 =	simm.s32 $0x200;
	[sflag:s13] =	ssyncset.done $0x0  }
.LBB2_4:
0x32: {  	s19 =	sshra.s32 s18, $0x2;
	[sflag:s13] =	ssyncadd.s32 $0xFFFFF800;
	p0 =	sne.s32 s18, $0x9E00  }
0x33: {  	[spmem:s1] =	stream.indirect.scatter.add.f32 [tilespmem:s15], [sflag:$0x1], $0x10, s19, s14, $0xb8;
	[tilespmem:$0xD000] =	vst v63  }
.Ltmp1:
0x34: {  	_ = 	snop;
	(pc) =	sbr.rel @p0 .LBB2_4-.Ltmp1, $4  }
0x35: {  	_ = 	snop  }
0x36: {  	s18 =	sadd.s32 $0x200, s18  }
0x37: {  	_ =	swait.ge [sflag:s13], $0x800  }
0x38: {  	[sflag:s13] =	ssyncset.done $0x0  }
0x39: {  	s3 =	sadd.s32 $0x1, s3  }
0x3a: {  	[sflag:s13] =	ssyncadd.s32 $0xFFFFF800;
	p0 =	sne.s32 s3, s7  }
.Ltmp2:
0x3b: {  	[bflag:$0x0] =	sbarrier.arrive $0xFFFF;
	(pc) =	sbr.rel @p0 .LBB2_1-.Ltmp2, $4  }
0x3c: {  	[hbm:s6], [sflag:s16] =	dma.local [spmem:s17], $0x2800  }
0x3d: {  	_ =	swait.ge [sflag:s13], $0x2800  }
0x3e: {  	[sflag:s13] =	ssyncset.done $0x0  }
0x3f: {  	[sflag:s13] =	ssyncadd.s32 $0xFFFFD800  }
0x40: {  	_ =	sfence.sel $0x180000  }
0x41: {  	[bflag:$0x0] =	sbarrier.arrive $0xFFFF  }
0x42: {  	p0 =	sne.s32 s2, $0x0;
	_ =	strace $0x90000047  }
0x43: {  	s0 =	sadd.s32 @!p0 $0x100000, s0;
	[bflag:$0x2] =	sbarrier.arrive $0xFFFF  }
0x44: {  	[sflag:s0] =	ssyncadd.tile.s32 @!p0 $0x1;
	_ =	shalt  }
.Lfunc_end2:
_tile_overlayer_lowered:
.L_overlay_start_2:
0x45: {  	(tag) =	ssettag $0x2  }
0x46: {  	s0 =	rddreg [dreg:$0x0];
	s2 =	stileid.u32  }
0x47: {  	s1 =	rddreg [dreg:$0x1];
	p0 =	sne.s32 s2, $0x0  }
0x48: {  	s3 =	rddreg [dreg:$0x2];
	[bflag:$0x3] =	sbarrier.arrive $0xFFFF;
	s2 =	simm.s32 @!p0 $0x1C01  }
0x49: {  	[timem:s3], [sflag:s2] =	dma.local @!p0 [hbm:s0], s1  }
0x4a: {  	s0 =	simm.s32 @!p0 $0x1  }
0x4b: {  	_ =	swait.ge @!p0 [sflag:s0], s1  }
0x4c: {  	s1 =	ssub.s32 @!p0 $0x0, s1;
	[sflag:s0] =	ssyncset.done @!p0 $0x0  }
0x4d: {  	[sflag:s0] =	ssyncadd.s32 @!p0 s1  }
0x4e: {  	[bflag:$0x3] =	sbarrier.arrive $0xFFFF  }
0x4f: {  	_ =	shalt  }

// kernel: kernel.15.cloned.1.call-start
scs
__scs_entry_jumppad:
0x0: {  	(pc) =	sbr.rel $0x88, $3  }
0x1: {  	(tag) =	ssettag $0x0;
	lr =	simm.s32 $0x1  }
0x2: {  	[smem:$0x3F95] =	sst lr;
	_ =	strace $0xD0000000  }
0x3: {  	_ = 	snop  }
0x4: {  	_ = 	snop  }
0x5: {  	_ = 	snop  }
0x6: {  	_ = 	snop  }
0x7: {  	_ = 	snop  }
__scs_overlays_trampoline_lowered:
0x8: {  	[smem:$0x3FA4] =	sst s0  }
0x9: {  	[smem:$0x3FA5] =	sst s1  }
0xa: {  	[smem:$0x3FA6] =	sst s2  }
0xb: {  	[smem:$0x3FA7] =	sst s3  }
0xc: {  	[smem:$0x3FA8] =	sst s4  }
0xd: {  	[smem:$0x3FA9] =	sst s5  }
0xe: {  	[smem:$0x3FAA] =	sst s6  }
0xf: {  	[smem:$0x3FAB] =	sst s7  }
0x10: {  	[smem:$0x3FAC] =	sst s8  }
0x11: {  	[smem:$0x3FAD] =	sst s9;
	s0 =	simm.s32 @!p0 $0x0  }
0x12: {  	s1 =	sld [smem:$0x3F93];
	s0 =	simm.s32 @p0 $0x1  }
0x13: {  	[smem:$0x3FAE] =	sst s0;
	s0 =	simm.s32 @!p1 $0x0  }
0x14: {  	s2 =	sld [smem:$0x3F92];
	s0 =	simm.s32 @p1 $0x1  }
0x15: {  	[smem:$0x3FAF] =	sst s0;
	s0 =	simm.s32 @!p2 $0x0  }
0x16: {  	s3 =	sld [smem:$0x3FDB];
	s0 =	simm.s32 @p2 $0x1  }
0x17: {  	s4 =	simm.s32 $0x1BF5;
	[smem:$0x3FB1] =	sst s0  }
0x18: {  	s0 =	sld [smem:$0x3F94];
	_ =	swait.ge [sflag:s4], $0x0  }
0x19: {  	s7 =	sld [smem:$0x3F95]  }
0x1a: {  	s8 =	sadd.s32 $0xFFFFE003, lr  }
0x1b: {  	s9 =	sadd.s32 $0xFFFFFEF7, lr;
	s5 =	simm.s32 $0xFFFFFFFF;
	p2 =	slt.u32 s8, $0xFFFFF086  }
0x1c: {  	p1 =	slt.u32 s9, $0xF7A;
	s5 =	simm.s32 @!p2 $0x0  }
0x1d: {  	s5 =	simm.s32 @p1 $0x1;
	p0 =	seq.s32 s7, s2  }
0x1e: {  	s7 =	smul.u32 @!p0 $0xF7A, s2;
	p2 =	seq.s32 @!p0 s5, $0x0  }
0x1f: {  	s9 =	smul.u32 $0xF7A, s1;
	s8 =	simm.s32 @!p0 $0x1BF5;
	p2 =	por !p2, p0  }
0x20: {  	[sflag:s8] =	ssyncset.s32 @!p0 $0xFFFFF086;
	s6 =	sadd.s32 @!p0 s3, s7;
	s7 =	simm.s32 @!p0 $0x108  }
0x21: {  	s3 =	sadd.s32 s3, s9;
	s6 =	sadd.s32 @!p0 $0x88, s6;
	s7 =	simm.s32 @p2 $0x1082  }
0x22: {  	[simem:s7], [sflag:s8] =	dma.local @!p0 [hbm:s6], $0xF7A  }
0x23: {  	s9 =	sor.u32 $0xD0000000, s2;
	s6 =	simm.s32 $0x108;
	_ =	swait.ge @!p0 [sflag:s8], $0x0  }
0x24: {  	s3 =	sadd.s32 $0x88, s3;
	s6 =	simm.s32 @!p1 $0x1082;
	[sflag:s4] =	ssyncset.s32 $0xFFFFF086  }
0x25: {  	[simem:s6], [sflag:s4] =	dma.local [hbm:s3], $0xF7A  }
0x26: {  	[smem:$0x3F95] =	sst s1;
	(tag) =	ssettag s2;
	_ =	strace s9  }
0x27: {  	s1 =	sld [smem:$0x3FA5]  }
0x28: {  	s2 =	sld [smem:$0x3FA6]  }
0x29: {  	s4 =	sld [smem:$0x3FA8]  }
0x2a: {  	p0 =	seq.s32 s5, $0x0;
	s5 =	sld [smem:$0x3FA9]  }
0x2b: {  	s6 =	sld [smem:$0x3FAA]  }
0x2c: {  	s7 =	sld [smem:$0x3FAB]  }
0x2d: {  	s3 =	simm.s32 $0x108;
	s8 =	sld [smem:$0x3FAC]  }
0x2e: {  	s3 =	simm.s32 @!p0 $0x1082;
	s9 =	sld [smem:$0x3FAD]  }
0x2f: {  	lr =	sadd.s32 s0, s3;
	s0 =	sld [smem:$0x3FA4]  }
0x30: {  	s3 =	sld [smem:$0x3FA7]  }
0x31: {  	[smem:$0x3FB0] =	sst s10  }
0x32: {  	s10 =	sld [smem:$0x3FAE];
	_ =	sdelay $0x3  }
0x33: {  	p0 =	seq.s32 s10, $0x1;
	s10 =	sld [smem:$0x3FB0];
	_ =	sdelay $0x3  }
0x34: {  	[smem:$0x3FB0] =	sst s10  }
0x35: {  	s10 =	sld [smem:$0x3FAF];
	_ =	sdelay $0x3  }
0x36: {  	p1 =	seq.s32 s10, $0x1;
	s10 =	sld [smem:$0x3FB0];
	_ =	sdelay $0x3  }
0x37: {  	[smem:$0x3FB0] =	sst s10  }
0x38: {  	s10 =	sld [smem:$0x3FB1]  }
0x39: {  	_ = 	snop;
	(pc) =	sbr.ind lr, $3  }
0x3a: {  	_ = 	snop  }
0x3b: {  	_ = 	snop  }
0x3c: {  	p2 =	seq.s32 s10, $0x1;
	s10 =	sld [smem:$0x3FB0]  }
0x3d: {  	_ =	shalt  }
0x3e: {  	_ =	shalt  }
0x3f: {  	_ =	shalt  }
0x40: {  	_ =	shalt  }
0x41: {  	_ =	shalt  }
0x42: {  	_ =	shalt  }
0x43: {  	_ =	shalt  }
0x44: {  	_ =	shalt  }
0x45: {  	_ =	shalt  }
0x46: {  	_ =	shalt  }
0x47: {  	_ =	shalt  }
0x48: {  	_ =	shalt  }
0x49: {  	_ =	shalt  }
0x4a: {  	_ =	shalt  }
0x4b: {  	_ =	shalt  }
0x4c: {  	_ =	shalt  }
0x4d: {  	_ =	shalt  }
0x4e: {  	_ =	shalt  }
0x4f: {  	_ =	shalt  }
0x50: {  	_ =	shalt  }
0x51: {  	_ =	shalt  }
0x52: {  	_ =	shalt  }
0x53: {  	_ =	shalt  }
0x54: {  	_ =	shalt  }
0x55: {  	_ =	shalt  }
0x56: {  	_ =	shalt  }
0x57: {  	_ =	shalt  }
0x58: {  	_ =	shalt  }
0x59: {  	_ =	shalt  }
0x5a: {  	_ =	shalt  }
0x5b: {  	_ =	shalt  }
0x5c: {  	_ =	shalt  }
0x5d: {  	_ =	shalt  }
0x5e: {  	_ =	shalt  }
0x5f: {  	_ =	shalt  }
0x60: {  	_ =	shalt  }
0x61: {  	_ =	shalt  }
0x62: {  	_ =	shalt  }
0x63: {  	_ =	shalt  }
0x64: {  	_ =	shalt  }
0x65: {  	_ =	shalt  }
0x66: {  	_ =	shalt  }
0x67: {  	_ =	shalt  }
0x68: {  	_ =	shalt  }
0x69: {  	_ =	shalt  }
0x6a: {  	_ =	shalt  }
0x6b: {  	_ =	shalt  }
0x6c: {  	_ =	shalt  }
0x6d: {  	_ =	shalt  }
0x6e: {  	_ =	shalt  }
0x6f: {  	_ =	shalt  }
0x70: {  	_ =	shalt  }
0x71: {  	_ =	shalt  }
0x72: {  	_ =	shalt  }
0x73: {  	_ =	shalt  }
0x74: {  	_ =	shalt  }
0x75: {  	_ =	shalt  }
0x76: {  	_ =	shalt  }
0x77: {  	_ =	shalt  }
0x78: {  	_ =	shalt  }
0x79: {  	_ =	shalt  }
0x7a: {  	_ =	shalt  }
0x7b: {  	_ =	shalt  }
0x7c: {  	_ =	shalt  }
0x7d: {  	_ =	shalt  }
0x7e: {  	_ =	shalt  }
0x7f: {  	_ =	shalt  }
0x80: {  	_ =	shalt  }
0x81: {  	_ =	shalt  }
0x82: {  	_ =	shalt  }
0x83: {  	_ =	shalt  }
0x84: {  	_ =	shalt  }
0x85: {  	_ =	shalt  }
0x86: {  	_ =	shalt  }
0x87: {  	_ =	shalt  }
.Lfunc_end0:
.L_simem_size_0:
called_computation.1_lowered:
.L_overlay_start_0:
0x88: {  	s2 =	sld [smem:$0x3FD9]  }
0x89: {  	s3 =	sld [smem:$0x3FFE];
	_ =	sdelay $0x1  }
0x8a: {  	s1 =	srdreg.scid  }
0x8b: {  	s0 =	sand.u32 $0x1, s1  }
0x8c: {  	s16 =	sshll.u32 s0, $0xA;
	s2 =	sadd.s32 s3, s2  }
0x8d: {  	s2 =	sadd.s32 s2, s16  }
0x8e: {  	[smem:$0x3FBC] =	sst s2  }
0x8f: {  	_ = 	snop  }
0x90: {  	(tm) =	ssettm $0x1  }
0x91: {  	s17 =	sld [smem:$0x3FFB];
	_ =	sdelay $0x3  }
0x92: {  	_ =	strace s17  }
0x93: {  	s2 =	sld [smem:$0x3FFC];
	_ =	sdelay $0x3  }
0x94: {  	_ =	strace s2  }
0x95: {  	s2 =	sld [smem:$0x3FFD];
	_ =	sdelay $0x3  }
0x96: {  	_ =	strace s2  }
0x97: {  	_ =	strace $0x8FFFFFFF  }
0x98: {  	s18 =	sld [smem:$0x3FDB];
	_ =	sdelay $0x1  }
0x99: {  	s19 =	simm.s32 $_scs_section_size  }
0x9a: {  	s4 =	simm.s32 $_size__tile_overlayer_lowered;
	s5 =	simm.s32 $_tile_overlayer_lowered  }
0x9b: {  	s22 =	simm.s32 $0x1BFF;
	s21 =	sshll.u32 s5, $0x1;
	s2 =	sadd.s32 s19, s18  }
0x9c: {  	s6 =	simm.s32 $0x0;
	s20 =	sshll.u32 s4, $0x1;
	s4 =	sadd.s32 s21, s2  }
0x9d: {  	[timem:s6], [sflag:s22] =	dma.local [hbm:s4], s20  }
0x9e: {  	_ =	swait.ge [sflag:s22], s20  }
0x9f: {  	s3 =	ssub.s32 $0x0, s20;
	[sflag:s22] =	ssyncset.done $0x0  }
0xa0: {  	[sflag:s22] =	ssyncadd.s32 s3;
	_ =	sdelay $0x1  }
0xa1: {  	s23 =	simm.s32 $0x1B8B  }
0xa2: {  	_ =	swait.ge [sflag:s23], $0x1  }
0xa3: {  	[sflag:s23] =	ssyncset.done $0x0  }
0xa4: {  	s25 =	simm.s32 $0x1B8E;
	s24 =	sld [smem:$0x3FFE];
	[sflag:s23] =	ssyncadd.s32 $0xFFFFFFFF  }
0xa5: {  	s26 =	simm.s32 $execute0_lowered;
	[smem:$0x3FD2] =	sst s25  }
0xa6: {  	s4 =	sshll.u32 s26, $0x1;
	_ =	strace $0x80000049;
	[dreg:$0x1] =	wrdreg $0xFFFFFFFF  }
0xa7: {  	s28 =	simm.s32 $_size_execute0_lowered;
	s2 =	sadd.s32 s2, s4;
	[dreg:$0x0] =	wrdreg $0x0  }
0xa8: {  	s4 =	sshll.u32 s28, $0x1;
	[dreg:$0x2] =	wrdreg s2  }
0xa9: {  	[dreg:$0x3] =	wrdreg s4  }
0xaa: {  	[dreg:$0x4] =	wrdreg $0xC0  }
0xab: {  	_ =	task [dreg:s6], $0x5FFFF  }
0xac: {  	[dreg:$0x1] =	wrdreg $0xFFFFFFFF  }
0xad: {  	[dreg:$0x0] =	wrdreg $0x60  }
0xae: {  	[dreg:$0x2] =	wrdreg s24  }
0xaf: {  	[dreg:$0x3] =	wrdreg $0x98000  }
0xb0: {  	[dreg:$0x4] =	wrdreg $0x9  }
0xb1: {  	_ =	task.clear_ibuf [dreg:s6], $0x5FFFF;
	_ =	strace $0x90000049  }
0xb2: {  	s29 =	simm.s32 $0x9;
	_ =	strace $0x8000004B  }
0xb3: {  	_ =	swait.ge [sflag:s29], $0x1  }
0xb4: {  	[sflag:s29] =	ssyncadd.s32 $0xFFFFFFFF  }
0xb5: {  	_ =	strace $0x9000004B  }
0xb6: {  	_ =	sfence  }
0xb7: {  	s30 =	sld [smem:$0x0];
	_ =	sdelay $0x2  }
0xb8: {  	s31 =	sshll.u32 s1, $0xD;
	s1 =	sshrl.u32 s1, $0x2  }
0xb9: {  	s3 =	sand.u32 $0x4000, s31;
	s1 =	sadd.s32 s1, s30  }
0xba: {  	s0 =	sor.u32 s3, s0;
	s1 =	sshll.u32 s1, $0x11  }
0xbb: {  	s0 =	sor.u32 s1, s0  }
0xbc: {  	s0 =	sadd.s32 $0x8F2B, s0  }
0xbd: {  	[sflag:s0] =	ssyncadd.remote.s32 $0x1  }
0xbe: {  	_ =	sfence.sel $0xFFFF  }
0xbf: {  	[dreg:$0x0] =	wrdreg $0xFFFFFFFF;
	(pc) =	sbr.abs _section_cstart, $3  }
0xc0: {  	[dreg:$0x1] =	wrdreg $0xFFFFFFFF  }
0xc1: {  	_ =	task.clear_ibuf [dreg:s6], $0x2FFFF;
	_ =	strace $0x9FFFFFFF  }
0xc2: {  	(tm) =	ssettm $0x7FFFFFFF  }
0xc3: {  	_ =	shalt  }
tec
execute0_lowered:
.L_overlay_start_1:
0x0: {  	(tag) =	ssettag $0x1  }
0x1: {  	s0 =	srdreg.scid;
	s9 =	stileid.u32  }
0x2: {  	s5 =	rddreg [dreg:$0x0];
	s0 =	sand.u32 $0x1, s0;
	s3 =	smul.u32 $0x3000, s9  }
0x3: {  	s2 =	rddreg [dreg:$0x1];
	s19 =	simm.s32 $0xC80;
	s1 =	smul.u32 $0x30000, s0  }
0x4: {  	s20 =	simm.s32 $0x100;
	s21 =	simm.s32 $0x180;
	s22 =	simm.s32 $0xD00  }
0x5: {  	s24 =	simm.s32 $0xD80;
	s1 =	sadd.s32 s3, s1;
	s3 =	simm.s32 $0x0  }
0x6: {  	s26 =	simm.s32 $0x200;
	s10 =	simm.s32 $0xE00;
	[smem:$0x7FF] =	sst s3  }
0x7: {  	s11 =	simm.s32 $0xE80;
	_ =	strace $0x8000004A;
	[dreg:$0x5] =	wrdreg s19  }
0x8: {  	s12 =	simm.s32 $0x300;
	s13 =	simm.s32 $0x380;
	[dreg:$0x6] =	wrdreg s20  }
0x9: {  	s15 =	simm.s32 $0xF00;
	s17 =	simm.s32 $0xF80;
	[dreg:$0x7] =	wrdreg s21  }
0xa: {  	s28 =	simm.s32 $0x1380;
	s29 =	simm.s32 $0x800;
	[dreg:$0x8] =	wrdreg s22  }
0xb: {  	s6 =	smul.u32 $0x140000, s0;
	s0 =	ssub.s32 $0x2, s0;
	[dreg:$0x9] =	wrdreg s24  }
0xc: {  	s30 =	simm.s32 $0x880;
	s23 =	sshrl.u32 s0, $0x1;
	[dreg:$0xa] =	wrdreg s26  }
0xd: {  	s31 =	simm.s32 $0x1400;
	s0 =	ssub.s32 s0, s23;
	[dreg:$0xc] =	wrdreg s10  }
0xe: {  	s25 =	smul.u32 $0x50000, s9;
	s0 =	smax.u32 s0, $0x1;
	[dreg:$0xd] =	wrdreg s11  }
0xf: {  	s7 =	smul.u32 $0x14000, s9;
	s4 =	sadd.s32 $0x4000, s5;
	[dreg:$0x1b] =	wrdreg s0  }
0x10: {  	s9 =	sshrl.u32 s25, $0x2;
	s25 =	simm.s32 $0x580;
	[dreg:$0xe] =	wrdreg s12  }
0x11: {  	s6 =	sadd.s32 s7, s6;
	s23 =	simm.s32 $0x1080;
	[dreg:$0xf] =	wrdreg s13  }
0x12: {  	s7 =	simm.s32 $0x1500;
	s1 =	sshrl.u32 s1, $0x3;
	[dreg:$0x10] =	wrdreg s15  }
0x13: {  	s6 =	sshrl.u32 s6, $0x3;
	s1 =	sadd.s32 s1, s5;
	[dreg:$0x11] =	wrdreg s17  }
0x14: {  	s5 =	sadd.s32 s6, s5;
	s6 =	sadd.s32 s9, s2;
	[dreg:$0x15] =	wrdreg s23  }
0x15: {  	s19 =	simm.s32 $0x400;
	s21 =	simm.s32 $0x480;
	[dreg:$0x17] =	wrdreg s25  }
0x16: {  	s12 =	simm.s32 $0x1800;
	s22 =	simm.s32 $0x1000;
	[dreg:$0x19] =	wrdreg s6  }
0x17: {  	s13 =	simm.s32 $0x3;
	s24 =	simm.s32 $0x500;
	[dreg:$0x12] =	wrdreg s19  }
0x18: {  	s15 =	simm.s32 $0x80;
	s26 =	simm.s32 $0x1100;
	[dreg:$0x13] =	wrdreg s21  }
0x19: {  	s17 =	simm.s32 $0x1;
	s23 =	simm.s32 $0x1280;
	[dreg:$0x14] =	wrdreg s22  }
0x1a: {  	s25 =	simm.s32 $0x780;
	s0 =	simm.s32 $0x900;
	[dreg:$0x16] =	wrdreg s24  }
0x1b: {  	s9 =	simm.s32 $0x0;
	s8 =	sadd.s32 $0x5E000, s1;
	[dreg:$0x18] =	wrdreg s26  }
0x1c: {  	s1 =	sadd.s32 $0x6A000, s1;
	s5 =	sadd.s32 $0x76000, s5;
	[dreg:$0x3] =	wrdreg s8  }
0x1d: {  	s14 =	sadd.s32 $0x4000, s6;
	s16 =	sadd.s32 $0x8000, s6;
	[dreg:$0x4] =	wrdreg s1  }
0x1e: {  	s18 =	sadd.s32 $0xC000, s6;
	s20 =	sadd.s32 $0x10000, s6;
	[dreg:$0x1a] =	wrdreg s5  }
0x1f: {  	s19 =	simm.s32 $0x1180;
	s21 =	simm.s32 $0x680;
	[dreg:$0x1c] =	wrdreg s14  }
0x20: {  	s22 =	simm.s32 $0x1200;
	s24 =	simm.s32 $0x700;
	[dreg:$0x1d] =	wrdreg s16  }
0x21: {  	s26 =	simm.s32 $0x1300;
	s6 =	simm.s32 $0x980;
	[dreg:$0x1e] =	wrdreg s18  }
0x22: {  	s8 =	simm.s32 $0x280;
	[dreg:$0x1f] =	wrdreg s20;
	s14 =	simm.s32 $0xC00  }
0x23: {  	s16 =	simm.s32 $0x5800;
	s18 =	simm.s32 $0x2;
	s20 =	simm.s32 $0x600  }
0x24: {  	v0 =	vimm.f32 $0.0e+00;
	s1 =	simm.s32 $0x1480;
	[dreg:$0xb] =	wrdreg s8;
	s8 =	simm.s32 $0x1580  }
.LBB2_1:
0x25: {  	s10 =	simm.s32 $0x0;
	s11 =	simm.s32 $0x200  }
.LBB2_2:
0x26: {  	p0 =	sne.s32 s11, $0xFE00;
	[tilespmem:s10+$0x1870] =	vst v0  }
0x27: {  	[tilespmem:s10+$0x1800] =	vst v0  }
0x28: {  	[tilespmem:s10+$0x1810] =	vst v0  }
.Ltmp0:
0x29: {  	[tilespmem:s10+$0x1820] =	vst v0;
	(pc) =	sbr.rel @p0 .LBB2_2-.Ltmp0, $4  }
0x2a: {  	[tilespmem:s10+$0x1830] =	vst v0  }
0x2b: {  	[tilespmem:s10+$0x1840] =	vst v0  }
0x2c: {  	[tilespmem:s10+$0x1850] =	vst v0  }
0x2d: {  	[tilespmem:s10+$0x1860] =	vst v0;
	s10 =	sshra.s32 s11, $0x2;
	s11 =	sadd.s32 $0x200, s11  }
0x2e: {  	[tilespmem:s10+$0x1870] =	vst v0  }
0x2f: {  	[tilespmem:s10+$0x1800] =	vst v0  }
0x30: {  	[tilespmem:s10+$0x1810] =	vst v0  }
0x31: {  	[tilespmem:s10+$0x1820] =	vst v0  }
0x32: {  	[tilespmem:s10+$0x1830] =	vst v0  }
0x33: {  	[tilespmem:s10+$0x1840] =	vst v0  }
0x34: {  	[smem:$0x7FD] =	sst s9;
	[tilespmem:s10+$0x1850] =	vst v0  }
0x35: {  	[tilespmem:s10+$0x1860] =	vst v0;
	s5 =	rddreg [dreg:$0x19]  }
0x36: {  	[spmem:s5] =	stream.linear.scatter [tilespmem:s12], [sflag:$0x3], $0x4000, $0x38;
	[tilespmem:$0x1D800] =	vst v63  }
0x37: {  	_ =	swait.ge [sflag:s13], $0x4000  }
0x38: {  	[sflag:s13] =	ssyncset.done $0x0  }
0x39: {  	s10 =	rddreg [dreg:$0x1c];
	[sflag:s13] =	ssyncadd.s32 $0xFFFFC000  }
0x3a: {  	[spmem:s10] =	stream.linear.scatter [tilespmem:s12], [sflag:$0x3], $0x4000, $0x38;
	[tilespmem:$0x1D800] =	vst v63  }
0x3b: {  	_ =	swait.ge [sflag:s13], $0x4000  }
0x3c: {  	[sflag:s13] =	ssyncset.done $0x0  }
0x3d: {  	s11 =	rddreg [dreg:$0x1d];
	[sflag:s13] =	ssyncadd.s32 $0xFFFFC000  }
0x3e: {  	[spmem:s11] =	stream.linear.scatter [tilespmem:s12], [sflag:$0x3], $0x4000, $0x38;
	[tilespmem:$0x1D800] =	vst v63  }
0x3f: {  	_ =	swait.ge [sflag:s13], $0x4000  }
0x40: {  	[sflag:s13] =	ssyncset.done $0x0  }
0x41: {  	s9 =	rddreg [dreg:$0x1e];
	[sflag:s13] =	ssyncadd.s32 $0xFFFFC000  }
0x42: {  	[spmem:s9] =	stream.linear.scatter [tilespmem:s12], [sflag:$0x3], $0x4000, $0x38;
	[tilespmem:$0x1D800] =	vst v63  }
0x43: {  	_ =	swait.ge [sflag:s13], $0x4000  }
0x44: {  	[sflag:s13] =	ssyncset.done $0x0  }
0x45: {  	s10 =	rddreg [dreg:$0x1f];
	[sflag:s13] =	ssyncadd.s32 $0xFFFFC000  }
0x46: {  	[spmem:s10] =	stream.linear.scatter [tilespmem:s12], [sflag:$0x3], $0x4000, $0x38;
	[tilespmem:$0x1D800] =	vst v63  }
0x47: {  	_ =	swait.ge [sflag:s13], $0x4000  }
0x48: {  	[sflag:s13] =	ssyncset.done $0x0  }
0x49: {  	[sflag:s13] =	ssyncadd.s32 $0xFFFFC000  }
0x4a: {  	[bflag:$0x0] =	sbarrier.arrive $0xFFFF  }
0x4b: {  	s11 =	rddreg [dreg:$0x4]  }
0x4c: {  	s5 =	sadd.s32 $0x0, s11  }
0x4d: {  	[tilespmem:s3], [sflag:$0x3] =	stream.linear.gather [hbm4b:s5+s3], $0xA00, $0x38;
	[tilespmem:$0x1D800] =	vst v63  }
0x4e: {  	_ =	swait.ge [sflag:s13], $0xA00  }
0x4f: {  	s9 =	rddreg [dreg:$0x3];
	[sflag:s13] =	ssyncset.done $0x0  }
0x50: {  	[sflag:s13] =	ssyncadd.s32 $0xFFFFF600;
	s5 =	sadd.s32 $0x0, s9  }
0x51: {  	[tilespmem:s14], [sflag:$0x3] =	stream.linear.gather [hbm4b:s5+s3], $0xA00, $0x38;
	[tilespmem:$0x1D800] =	vst v63  }
0x52: {  	_ =	swait.ge [sflag:s13], $0xA00  }
0x53: {  	[sflag:s13] =	ssyncset.done $0x0  }
0x54: {  	[sflag:s13] =	ssyncadd.s32 $0xFFFFF600  }
0x55: {  	[tilespmem:s12], [sflag:$0x1] =	stream.indirect.gather [hbm4b:s4+s15], $0x80, s3, s15, $0xb8;
	[tilespmem:$0x1D800] =	vst v63  }
0x56: {  	_ = 	snop  }
0x57: {  	[tilespmem:s16], [sflag:$0x2] =	stream.indirect.gather [hbm4b:s4+s15], $0x80, s15, s15, $0xb8;
	[tilespmem:$0x1D800] =	vst v63  }
0x58: {  	_ =	swait.ge [sflag:s17], $0x4000  }
0x59: {  	[sflag:s17] =	ssyncset.done $0x0  }
0x5a: {  	[sflag:s17] =	ssyncadd.s32 $0xFFFFC000  }
0x5b: {  	[spmem:s2] =	stream.indirect.scatter.add.f32 [tilespmem:s12], [sflag:$0x3], $0x80, s14, s15, $0xb8;
	[tilespmem:$0x1D800] =	vst v63  }
0x5c: {  	_ =	swait.ge [sflag:s13], $0x4000  }
0x5d: {  	[sflag:s13] =	ssyncset.done $0x0  }
0x5e: {  	[sflag:s13] =	ssyncadd.s32 $0xFFFFC000  }
0x5f: {  	_ =	swait.ge [sflag:s18], $0x4000  }
0x60: {  	[sflag:s18] =	ssyncset.done $0x0  }
0x61: {  	s10 =	rddreg [dreg:$0x5];
	[sflag:s18] =	ssyncadd.s32 $0xFFFFC000  }
0x62: {  	[spmem:s2] =	stream.indirect.scatter.add.f32 [tilespmem:s16], [sflag:$0x3], $0x80, s10, s15, $0xb8;
	[tilespmem:$0x1D800] =	vst v63  }
0x63: {  	_ =	swait.ge [sflag:s13], $0x4000  }
0x64: {  	[sflag:s13] =	ssyncset.done $0x0  }
0x65: {  	s11 =	rddreg [dreg:$0x6];
	[sflag:s13] =	ssyncadd.s32 $0xFFFFC000  }
0x66: {  	[tilespmem:s12], [sflag:$0x1] =	stream.indirect.gather [hbm4b:s4+s15], $0x80, s11, s15, $0xb8;
	[tilespmem:$0x1D800] =	vst v63  }
0x67: {  	s9 =	rddreg [dreg:$0x7]  }
0x68: {  	[tilespmem:s16], [sflag:$0x2] =	stream.indirect.gather [hbm4b:s4+s15], $0x80, s9, s15, $0xb8;
	[tilespmem:$0x1D800] =	vst v63  }
0x69: {  	_ =	swait.ge [sflag:s17], $0x4000  }
0x6a: {  	[sflag:s17] =	ssyncset.done $0x0  }
0x6b: {  	s11 =	rddreg [dreg:$0x8];
	[sflag:s17] =	ssyncadd.s32 $0xFFFFC000  }
0x6c: {  	[spmem:s2] =	stream.indirect.scatter.add.f32 [tilespmem:s12], [sflag:$0x3], $0x80, s11, s15, $0xb8;
	[tilespmem:$0x1D800] =	vst v63  }
0x6d: {  	_ =	swait.ge [sflag:s13], $0x4000  }
0x6e: {  	[sflag:s13] =	ssyncset.done $0x0  }
0x6f: {  	[sflag:s13] =	ssyncadd.s32 $0xFFFFC000  }
0x70: {  	_ =	swait.ge [sflag:s18], $0x4000  }
0x71: {  	[sflag:s18] =	ssyncset.done $0x0  }
0x72: {  	s9 =	rddreg [dreg:$0x9];
	[sflag:s18] =	ssyncadd.s32 $0xFFFFC000  }
0x73: {  	[spmem:s2] =	stream.indirect.scatter.add.f32 [tilespmem:s16], [sflag:$0x3], $0x80, s9, s15, $0xb8;
	[tilespmem:$0x1D800] =	vst v63  }
0x74: {  	_ =	swait.ge [sflag:s13], $0x4000  }
0x75: {  	[sflag:s13] =	ssyncset.done $0x0  }
0x76: {  	s10 =	rddreg [dreg:$0xa];
	[sflag:s13] =	ssyncadd.s32 $0xFFFFC000  }
0x77: {  	[tilespmem:s12], [sflag:$0x1] =	stream.indirect.gather [hbm4b:s4+s15], $0x80, s10, s15, $0xb8;
	[tilespmem:$0x1D800] =	vst v63  }
0x78: {  	s11 =	rddreg [dreg:$0xb]  }
0x79: {  	[tilespmem:s16], [sflag:$0x2] =	stream.indirect.gather [hbm4b:s4+s15], $0x80, s11, s15, $0xb8;
	[tilespmem:$0x1D800] =	vst v63  }
0x7a: {  	_ =	swait.ge [sflag:s17], $0x4000  }
0x7b: {  	[sflag:s17] =	ssyncset.done $0x0  }
0x7c: {  	s9 =	rddreg [dreg:$0xc];
	[sflag:s17] =	ssyncadd.s32 $0xFFFFC000  }
0x7d: {  	[spmem:s2] =	stream.indirect.scatter.add.f32 [tilespmem:s12], [sflag:$0x3], $0x80, s9, s15, $0xb8;
	[tilespmem:$0x1D800] =	vst v63  }
0x7e: {  	_ =	swait.ge [sflag:s13], $0x4000  }
0x7f: {  	[sflag:s13] =	ssyncset.done $0x0  }
0x80: {  	[sflag:s13] =	ssyncadd.s32 $0xFFFFC000  }
0x81: {  	_ =	swait.ge [sflag:s18], $0x4000  }
0x82: {  	[sflag:s18] =	ssyncset.done $0x0  }
0x83: {  	s10 =	rddreg [dreg:$0xd];
	[sflag:s18] =	ssyncadd.s32 $0xFFFFC000  }
0x84: {  	[spmem:s2] =	stream.indirect.scatter.add.f32 [tilespmem:s16], [sflag:$0x3], $0x80, s10, s15, $0xb8;
	[tilespmem:$0x1D800] =	vst v63  }
0x85: {  	_ =	swait.ge [sflag:s13], $0x4000  }
0x86: {  	[sflag:s13] =	ssyncset.done $0x0  }
0x87: {  	s11 =	rddreg [dreg:$0xe];
	[sflag:s13] =	ssyncadd.s32 $0xFFFFC000  }
0x88: {  	[tilespmem:s12], [sflag:$0x1] =	stream.indirect.gather [hbm4b:s4+s15], $0x80, s11, s15, $0xb8;
	[tilespmem:$0x1D800] =	vst v63  }
0x89: {  	s9 =	rddreg [dreg:$0xf]  }
0x8a: {  	[tilespmem:s16], [sflag:$0x2] =	stream.indirect.gather [hbm4b:s4+s15], $0x80, s9, s15, $0xb8;
	[tilespmem:$0x1D800] =	vst v63  }
0x8b: {  	_ =	swait.ge [sflag:s17], $0x4000  }
0x8c: {  	[sflag:s17] =	ssyncset.done $0x0  }
0x8d: {  	s11 =	rddreg [dreg:$0x10];
	[sflag:s17] =	ssyncadd.s32 $0xFFFFC000  }
0x8e: {  	[spmem:s2] =	stream.indirect.scatter.add.f32 [tilespmem:s12], [sflag:$0x3], $0x80, s11, s15, $0xb8;
	[tilespmem:$0x1D800] =	vst v63  }
0x8f: {  	_ =	swait.ge [sflag:s13], $0x4000  }
0x90: {  	[sflag:s13] =	ssyncset.done $0x0  }
0x91: {  	[sflag:s13] =	ssyncadd.s32 $0xFFFFC000  }
0x92: {  	_ =	swait.ge [sflag:s18], $0x4000  }
0x93: {  	[sflag:s18] =	ssyncset.done $0x0  }
0x94: {  	s9 =	rddreg [dreg:$0x11];
	[sflag:s18] =	ssyncadd.s32 $0xFFFFC000  }
0x95: {  	[spmem:s2] =	stream.indirect.scatter.add.f32 [tilespmem:s16], [sflag:$0x3], $0x80, s9, s15, $0xb8;
	[tilespmem:$0x1D800] =	vst v63  }
0x96: {  	_ =	swait.ge [sflag:s13], $0x4000  }
0x97: {  	[sflag:s13] =	ssyncset.done $0x0  }
0x98: {  	s10 =	rddreg [dreg:$0x12];
	[sflag:s13] =	ssyncadd.s32 $0xFFFFC000  }
0x99: {  	[tilespmem:s12], [sflag:$0x1] =	stream.indirect.gather [hbm4b:s4+s15], $0x80, s10, s15, $0xb8;
	[tilespmem:$0x1D800] =	vst v63  }
0x9a: {  	s11 =	rddreg [dreg:$0x13]  }
0x9b: {  	[tilespmem:s16], [sflag:$0x2] =	stream.indirect.gather [hbm4b:s4+s15], $0x80, s11, s15, $0xb8;
	[tilespmem:$0x1D800] =	vst v63  }
0x9c: {  	_ =	swait.ge [sflag:s17], $0x4000  }
0x9d: {  	[sflag:s17] =	ssyncset.done $0x0  }
0x9e: {  	s9 =	rddreg [dreg:$0x14];
	[sflag:s17] =	ssyncadd.s32 $0xFFFFC000  }
0x9f: {  	[spmem:s2] =	stream.indirect.scatter.add.f32 [tilespmem:s12], [sflag:$0x3], $0x80, s9, s15, $0xb8;
	[tilespmem:$0x1D800] =	vst v63  }
0xa0: {  	_ =	swait.ge [sflag:s13], $0x4000  }
0xa1: {  	[sflag:s13] =	ssyncset.done $0x0  }
0xa2: {  	[sflag:s13] =	ssyncadd.s32 $0xFFFFC000  }
0xa3: {  	_ =	swait.ge [sflag:s18], $0x4000  }
0xa4: {  	[sflag:s18] =	ssyncset.done $0x0  }
0xa5: {  	s10 =	rddreg [dreg:$0x15];
	[sflag:s18] =	ssyncadd.s32 $0xFFFFC000  }
0xa6: {  	[spmem:s2] =	stream.indirect.scatter.add.f32 [tilespmem:s16], [sflag:$0x3], $0x80, s10, s15, $0xb8;
	[tilespmem:$0x1D800] =	vst v63  }
0xa7: {  	_ =	swait.ge [sflag:s13], $0x4000  }
0xa8: {  	[sflag:s13] =	ssyncset.done $0x0  }
0xa9: {  	s11 =	rddreg [dreg:$0x16];
	[sflag:s13] =	ssyncadd.s32 $0xFFFFC000  }
0xaa: {  	[tilespmem:s12], [sflag:$0x1] =	stream.indirect.gather [hbm4b:s4+s15], $0x80, s11, s15, $0xb8;
	[tilespmem:$0x1D800] =	vst v63  }
0xab: {  	s9 =	rddreg [dreg:$0x17]  }
0xac: {  	[tilespmem:s16], [sflag:$0x2] =	stream.indirect.gather [hbm4b:s4+s15], $0x80, s9, s15, $0xb8;
	[tilespmem:$0x1D800] =	vst v63  }
0xad: {  	_ =	swait.ge [sflag:s17], $0x4000  }
0xae: {  	[sflag:s17] =	ssyncset.done $0x0  }
0xaf: {  	s11 =	rddreg [dreg:$0x18];
	[sflag:s17] =	ssyncadd.s32 $0xFFFFC000  }
0xb0: {  	[spmem:s2] =	stream.indirect.scatter.add.f32 [tilespmem:s12], [sflag:$0x3], $0x80, s11, s15, $0xb8;
	[tilespmem:$0x1D800] =	vst v63  }
0xb1: {  	_ =	swait.ge [sflag:s13], $0x4000  }
0xb2: {  	[sflag:s13] =	ssyncset.done $0x0  }
0xb3: {  	[sflag:s13] =	ssyncadd.s32 $0xFFFFC000  }
0xb4: {  	_ =	swait.ge [sflag:s18], $0x4000  }
0xb5: {  	[sflag:s18] =	ssyncset.done $0x0  }
0xb6: {  	[sflag:s18] =	ssyncadd.s32 $0xFFFFC000  }
0xb7: {  	[spmem:s2] =	stream.indirect.scatter.add.f32 [tilespmem:s16], [sflag:$0x3], $0x80, s19, s15, $0xb8;
	[tilespmem:$0x1D800] =	vst v63  }
0xb8: {  	_ =	swait.ge [sflag:s13], $0x4000  }
0xb9: {  	[sflag:s13] =	ssyncset.done $0x0  }
0xba: {  	[sflag:s13] =	ssyncadd.s32 $0xFFFFC000  }
0xbb: {  	[tilespmem:s12], [sflag:$0x1] =	stream.indirect.gather [hbm4b:s4+s15], $0x80, s20, s15, $0xb8;
	[tilespmem:$0x1D800] =	vst v63  }
0xbc: {  	_ = 	snop  }
0xbd: {  	[tilespmem:s16], [sflag:$0x2] =	stream.indirect.gather [hbm4b:s4+s15], $0x80, s21, s15, $0xb8;
	[tilespmem:$0x1D800] =	vst v63  }
0xbe: {  	_ =	swait.ge [sflag:s17], $0x4000  }
0xbf: {  	[sflag:s17] =	ssyncset.done $0x0  }
0xc0: {  	[sflag:s17] =	ssyncadd.s32 $0xFFFFC000  }
0xc1: {  	[spmem:s2] =	stream.indirect.scatter.add.f32 [tilespmem:s12], [sflag:$0x3], $0x80, s22, s15, $0xb8;
	[tilespmem:$0x1D800] =	vst v63  }
0xc2: {  	_ =	swait.ge [sflag:s13], $0x4000  }
0xc3: {  	[sflag:s13] =	ssyncset.done $0x0  }
0xc4: {  	[sflag:s13] =	ssyncadd.s32 $0xFFFFC000  }
0xc5: {  	_ =	swait.ge [sflag:s18], $0x4000  }
0xc6: {  	[sflag:s18] =	ssyncset.done $0x0  }
0xc7: {  	[sflag:s18] =	ssyncadd.s32 $0xFFFFC000  }
0xc8: {  	[spmem:s2] =	stream.indirect.scatter.add.f32 [tilespmem:s16], [sflag:$0x3], $0x80, s23, s15, $0xb8;
	[tilespmem:$0x1D800] =	vst v63  }
0xc9: {  	_ =	swait.ge [sflag:s13], $0x4000  }
0xca: {  	[sflag:s13] =	ssyncset.done $0x0  }
0xcb: {  	[sflag:s13] =	ssyncadd.s32 $0xFFFFC000  }
0xcc: {  	[tilespmem:s12], [sflag:$0x1] =	stream.indirect.gather [hbm4b:s4+s15], $0x80, s24, s15, $0xb8;
	[tilespmem:$0x1D800] =	vst v63  }
0xcd: {  	_ = 	snop  }
0xce: {  	[tilespmem:s16], [sflag:$0x2] =	stream.indirect.gather [hbm4b:s4+s15], $0x80, s25, s15, $0xb8;
	[tilespmem:$0x1D800] =	vst v63  }
0xcf: {  	_ =	swait.ge [sflag:s17], $0x4000  }
0xd0: {  	[sflag:s17] =	ssyncset.done $0x0  }
0xd1: {  	[sflag:s17] =	ssyncadd.s32 $0xFFFFC000  }
0xd2: {  	[spmem:s2] =	stream.indirect.scatter.add.f32 [tilespmem:s12], [sflag:$0x3], $0x80, s26, s15, $0xb8;
	[tilespmem:$0x1D800] =	vst v63  }
0xd3: {  	_ =	swait.ge [sflag:s13], $0x4000  }
0xd4: {  	[sflag:s13] =	ssyncset.done $0x0  }
0xd5: {  	[sflag:s13] =	ssyncadd.s32 $0xFFFFC000  }
0xd6: {  	_ =	swait.ge [sflag:s18], $0x4000  }
0xd7: {  	[sflag:s18] =	ssyncset.done $0x0  }
0xd8: {  	[sflag:s18] =	ssyncadd.s32 $0xFFFFC000  }
0xd9: {  	[spmem:s2] =	stream.indirect.scatter.add.f32 [tilespmem:s16], [sflag:$0x3], $0x80, s28, s15, $0xb8;
	[tilespmem:$0x1D800] =	vst v63  }
0xda: {  	_ =	swait.ge [sflag:s13], $0x4000  }
0xdb: {  	[sflag:s13] =	ssyncset.done $0x0  }
0xdc: {  	[sflag:s13] =	ssyncadd.s32 $0xFFFFC000  }
0xdd: {  	[tilespmem:s12], [sflag:$0x1] =	stream.indirect.gather [hbm4b:s4+s15], $0x80, s29, s15, $0xb8;
	[tilespmem:$0x1D800] =	vst v63  }
0xde: {  	_ = 	snop  }
0xdf: {  	[tilespmem:s16], [sflag:$0x2] =	stream.indirect.gather [hbm4b:s4+s15], $0x80, s30, s15, $0xb8;
	[tilespmem:$0x1D800] =	vst v63  }
0xe0: {  	_ =	swait.ge [sflag:s17], $0x4000  }
0xe1: {  	[sflag:s17] =	ssyncset.done $0x0  }
0xe2: {  	[sflag:s17] =	ssyncadd.s32 $0xFFFFC000  }
0xe3: {  	[spmem:s2] =	stream.indirect.scatter.add.f32 [tilespmem:s12], [sflag:$0x3], $0x80, s31, s15, $0xb8;
	[tilespmem:$0x1D800] =	vst v63  }
0xe4: {  	_ =	swait.ge [sflag:s13], $0x4000  }
0xe5: {  	[sflag:s13] =	ssyncset.done $0x0  }
0xe6: {  	[sflag:s13] =	ssyncadd.s32 $0xFFFFC000  }
0xe7: {  	_ =	swait.ge [sflag:s18], $0x4000  }
0xe8: {  	[sflag:s18] =	ssyncset.done $0x0  }
0xe9: {  	[sflag:s18] =	ssyncadd.s32 $0xFFFFC000  }
0xea: {  	[spmem:s2] =	stream.indirect.scatter.add.f32 [tilespmem:s16], [sflag:$0x3], $0x80, s1, s15, $0xb8;
	[tilespmem:$0x1D800] =	vst v63  }
0xeb: {  	_ =	swait.ge [sflag:s13], $0x4000  }
0xec: {  	[sflag:s13] =	ssyncset.done $0x0  }
0xed: {  	[sflag:s13] =	ssyncadd.s32 $0xFFFFC000  }
0xee: {  	[tilespmem:s12], [sflag:$0x1] =	stream.indirect.gather [hbm4b:s4+s15], $0x80, s0, s15, $0xb8;
	[tilespmem:$0x1D800] =	vst v63  }
0xef: {  	_ = 	snop  }
0xf0: {  	[tilespmem:s16], [sflag:$0x2] =	stream.indirect.gather [hbm4b:s4+s15], $0x80, s6, s15, $0xb8;
	[tilespmem:$0x1D800] =	vst v63  }
0xf1: {  	_ =	swait.ge [sflag:s17], $0x4000  }
0xf2: {  	[sflag:s17] =	ssyncset.done $0x0  }
0xf3: {  	[sflag:s17] =	ssyncadd.s32 $0xFFFFC000  }
0xf4: {  	[spmem:s2] =	stream.indirect.scatter.add.f32 [tilespmem:s12], [sflag:$0x3], $0x80, s7, s15, $0xb8;
	[tilespmem:$0x1D800] =	vst v63  }
0xf5: {  	_ =	swait.ge [sflag:s13], $0x4000  }
0xf6: {  	[sflag:s13] =	ssyncset.done $0x0  }
0xf7: {  	[sflag:s13] =	ssyncadd.s32 $0xFFFFC000  }
0xf8: {  	_ =	swait.ge [sflag:s18], $0x4000  }
0xf9: {  	[sflag:s18] =	ssyncset.done $0x0  }
0xfa: {  	[sflag:s18] =	ssyncadd.s32 $0xFFFFC000  }
0xfb: {  	[spmem:s2] =	stream.indirect.scatter.add.f32 [tilespmem:s16], [sflag:$0x3], $0x80, s8, s15, $0xb8;
	[tilespmem:$0x1D800] =	vst v63  }
0xfc: {  	s10 =	simm.s32 $0x180;
	_ =	swait.ge [sflag:s13], $0x4000  }
0xfd: {  	s11 =	simm.s32 $0x300;
	s5 =	rddreg [dreg:$0x4];
	[sflag:s13] =	ssyncset.done $0x0  }
.LBB2_4:
0xfe: {  	[sflag:s13] =	ssyncadd.s32 $0xFFFFC000;
	s5 =	sadd.s32 s10, s5  }
0xff: {  	[tilespmem:s3], [sflag:$0x3] =	stream.linear.gather [hbm4b:s5+s3], $0xA00, $0x38;
	[tilespmem:$0x1D800] =	vst v63  }
0x100: {  	_ =	swait.ge [sflag:s13], $0xA00  }
0x101: {  	s5 =	rddreg [dreg:$0x3];
	[sflag:s13] =	ssyncset.done $0x0  }
0x102: {  	[sflag:s13] =	ssyncadd.s32 $0xFFFFF600;
	s5 =	sadd.s32 s10, s5  }
0x103: {  	[tilespmem:s14], [sflag:$0x3] =	stream.linear.gather [hbm4b:s5+s3], $0xA00, $0x38;
	[tilespmem:$0x1D800] =	vst v63  }
0x104: {  	_ =	swait.ge [sflag:s13], $0xA00  }
0x105: {  	[sflag:s13] =	ssyncset.done $0x0  }
0x106: {  	[sflag:s13] =	ssyncadd.s32 $0xFFFFF600  }
0x107: {  	[tilespmem:s12], [sflag:$0x1] =	stream.indirect.gather [hbm4b:s4+s15], $0x80, s3, s15, $0xb8;
	[tilespmem:$0x1D800] =	vst v63  }
0x108: {  	_ = 	snop  }
0x109: {  	[tilespmem:s16], [sflag:$0x2] =	stream.indirect.gather [hbm4b:s4+s15], $0x80, s15, s15, $0xb8;
	[tilespmem:$0x1D800] =	vst v63  }
0x10a: {  	_ =	swait.ge [sflag:s17], $0x4000  }
0x10b: {  	[sflag:s17] =	ssyncset.done $0x0  }
0x10c: {  	[sflag:s17] =	ssyncadd.s32 $0xFFFFC000  }
0x10d: {  	[spmem:s2] =	stream.indirect.scatter.add.f32 [tilespmem:s12], [sflag:$0x3], $0x80, s14, s15, $0xb8;
	[tilespmem:$0x1D800] =	vst v63  }
0x10e: {  	_ =	swait.ge [sflag:s13], $0x4000  }
0x10f: {  	[sflag:s13] =	ssyncset.done $0x0  }
0x110: {  	[sflag:s13] =	ssyncadd.s32 $0xFFFFC000  }
0x111: {  	_ =	swait.ge [sflag:s18], $0x4000  }
0x112: {  	s9 =	smov.u32 s11;
	[sflag:s18] =	ssyncset.done $0x0  }
0x113: {  	s10 =	smov.u32 s9;
	s9 =	rddreg [dreg:$0x5];
	[sflag:s18] =	ssyncadd.s32 $0xFFFFC000  }
0x114: {  	[spmem:s2] =	stream.indirect.scatter.add.f32 [tilespmem:s16], [sflag:$0x3], $0x80, s9, s15, $0xb8;
	[tilespmem:$0x1D800] =	vst v63  }
0x115: {  	_ =	swait.ge [sflag:s13], $0x4000  }
0x116: {  	[sflag:s13] =	ssyncset.done $0x0  }
0x117: {  	s5 =	rddreg [dreg:$0x6];
	[sflag:s13] =	ssyncadd.s32 $0xFFFFC000  }
0x118: {  	[tilespmem:s12], [sflag:$0x1] =	stream.indirect.gather [hbm4b:s4+s15], $0x80, s5, s15, $0xb8;
	[tilespmem:$0x1D800] =	vst v63  }
0x119: {  	s9 =	rddreg [dreg:$0x7]  }
0x11a: {  	[tilespmem:s16], [sflag:$0x2] =	stream.indirect.gather [hbm4b:s4+s15], $0x80, s9, s15, $0xb8;
	[tilespmem:$0x1D800] =	vst v63  }
0x11b: {  	_ =	swait.ge [sflag:s17], $0x4000  }
0x11c: {  	[sflag:s17] =	ssyncset.done $0x0  }
0x11d: {  	s9 =	rddreg [dreg:$0x8];
	[sflag:s17] =	ssyncadd.s32 $0xFFFFC000  }
0x11e: {  	[spmem:s2] =	stream.indirect.scatter.add.f32 [tilespmem:s12], [sflag:$0x3], $0x80, s9, s15, $0xb8;
	[tilespmem:$0x1D800] =	vst v63  }
0x11f: {  	_ =	swait.ge [sflag:s13], $0x4000  }
0x120: {  	[sflag:s13] =	ssyncset.done $0x0  }
0x121: {  	[sflag:s13] =	ssyncadd.s32 $0xFFFFC000  }
0x122: {  	_ =	swait.ge [sflag:s18], $0x4000  }
0x123: {  	[sflag:s18] =	ssyncset.done $0x0  }
0x124: {  	s9 =	rddreg [dreg:$0x9];
	[sflag:s18] =	ssyncadd.s32 $0xFFFFC000  }
0x125: {  	[spmem:s2] =	stream.indirect.scatter.add.f32 [tilespmem:s16], [sflag:$0x3], $0x80, s9, s15, $0xb8;
	[tilespmem:$0x1D800] =	vst v63  }
0x126: {  	_ =	swait.ge [sflag:s13], $0x4000  }
0x127: {  	[sflag:s13] =	ssyncset.done $0x0  }
0x128: {  	s5 =	rddreg [dreg:$0xa];
	[sflag:s13] =	ssyncadd.s32 $0xFFFFC000  }
0x129: {  	[tilespmem:s12], [sflag:$0x1] =	stream.indirect.gather [hbm4b:s4+s15], $0x80, s5, s15, $0xb8;
	[tilespmem:$0x1D800] =	vst v63  }
0x12a: {  	s9 =	rddreg [dreg:$0xb]  }
0x12b: {  	[tilespmem:s16], [sflag:$0x2] =	stream.indirect.gather [hbm4b:s4+s15], $0x80, s9, s15, $0xb8;
	[tilespmem:$0x1D800] =	vst v63  }
0x12c: {  	_ =	swait.ge [sflag:s17], $0x4000  }
0x12d: {  	[sflag:s17] =	ssyncset.done $0x0  }
0x12e: {  	s9 =	rddreg [dreg:$0xc];
	[sflag:s17] =	ssyncadd.s32 $0xFFFFC000  }
0x12f: {  	[spmem:s2] =	stream.indirect.scatter.add.f32 [tilespmem:s12], [sflag:$0x3], $0x80, s9, s15, $0xb8;
	[tilespmem:$0x1D800] =	vst v63  }
0x130: {  	_ =	swait.ge [sflag:s13], $0x4000  }
0x131: {  	[sflag:s13] =	ssyncset.done $0x0  }
0x132: {  	[sflag:s13] =	ssyncadd.s32 $0xFFFFC000  }
0x133: {  	_ =	swait.ge [sflag:s18], $0x4000  }
0x134: {  	[sflag:s18] =	ssyncset.done $0x0  }
0x135: {  	s9 =	rddreg [dreg:$0xd];
	[sflag:s18] =	ssyncadd.s32 $0xFFFFC000  }
0x136: {  	[spmem:s2] =	stream.indirect.scatter.add.f32 [tilespmem:s16], [sflag:$0x3], $0x80, s9, s15, $0xb8;
	[tilespmem:$0x1D800] =	vst v63  }
0x137: {  	_ =	swait.ge [sflag:s13], $0x4000  }
0x138: {  	[sflag:s13] =	ssyncset.done $0x0  }
0x139: {  	s5 =	rddreg [dreg:$0xe];
	[sflag:s13] =	ssyncadd.s32 $0xFFFFC000  }
0x13a: {  	[tilespmem:s12], [sflag:$0x1] =	stream.indirect.gather [hbm4b:s4+s15], $0x80, s5, s15, $0xb8;
	[tilespmem:$0x1D800] =	vst v63  }
0x13b: {  	s9 =	rddreg [dreg:$0xf]  }
0x13c: {  	[tilespmem:s16], [sflag:$0x2] =	stream.indirect.gather [hbm4b:s4+s15], $0x80, s9, s15, $0xb8;
	[tilespmem:$0x1D800] =	vst v63  }
0x13d: {  	_ =	swait.ge [sflag:s17], $0x4000  }
0x13e: {  	[sflag:s17] =	ssyncset.done $0x0  }
0x13f: {  	s9 =	rddreg [dreg:$0x10];
	[sflag:s17] =	ssyncadd.s32 $0xFFFFC000  }
0x140: {  	[spmem:s2] =	stream.indirect.scatter.add.f32 [tilespmem:s12], [sflag:$0x3], $0x80, s9, s15, $0xb8;
	[tilespmem:$0x1D800] =	vst v63  }
0x141: {  	_ =	swait.ge [sflag:s13], $0x4000  }
0x142: {  	[sflag:s13] =	ssyncset.done $0x0  }
0x143: {  	[sflag:s13] =	ssyncadd.s32 $0xFFFFC000  }
0x144: {  	_ =	swait.ge [sflag:s18], $0x4000  }
0x145: {  	[sflag:s18] =	ssyncset.done $0x0  }
0x146: {  	s9 =	rddreg [dreg:$0x11];
	[sflag:s18] =	ssyncadd.s32 $0xFFFFC000  }
0x147: {  	[spmem:s2] =	stream.indirect.scatter.add.f32 [tilespmem:s16], [sflag:$0x3], $0x80, s9, s15, $0xb8;
	[tilespmem:$0x1D800] =	vst v63  }
0x148: {  	_ =	swait.ge [sflag:s13], $0x4000  }
0x149: {  	[sflag:s13] =	ssyncset.done $0x0  }
0x14a: {  	s5 =	rddreg [dreg:$0x12];
	[sflag:s13] =	ssyncadd.s32 $0xFFFFC000  }
0x14b: {  	[tilespmem:s12], [sflag:$0x1] =	stream.indirect.gather [hbm4b:s4+s15], $0x80, s5, s15, $0xb8;
	[tilespmem:$0x1D800] =	vst v63  }
0x14c: {  	s9 =	rddreg [dreg:$0x13]  }
0x14d: {  	[tilespmem:s16], [sflag:$0x2] =	stream.indirect.gather [hbm4b:s4+s15], $0x80, s9, s15, $0xb8;
	[tilespmem:$0x1D800] =	vst v63  }
0x14e: {  	_ =	swait.ge [sflag:s17], $0x4000  }
0x14f: {  	[sflag:s17] =	ssyncset.done $0x0  }
0x150: {  	s9 =	rddreg [dreg:$0x14];
	[sflag:s17] =	ssyncadd.s32 $0xFFFFC000  }
0x151: {  	[spmem:s2] =	stream.indirect.scatter.add.f32 [tilespmem:s12], [sflag:$0x3], $0x80, s9, s15, $0xb8;
	[tilespmem:$0x1D800] =	vst v63  }
0x152: {  	_ =	swait.ge [sflag:s13], $0x4000  }
0x153: {  	[sflag:s13] =	ssyncset.done $0x0  }
0x154: {  	[sflag:s13] =	ssyncadd.s32 $0xFFFFC000  }
0x155: {  	_ =	swait.ge [sflag:s18], $0x4000  }
0x156: {  	[sflag:s18] =	ssyncset.done $0x0  }
0x157: {  	s9 =	rddreg [dreg:$0x15];
	[sflag:s18] =	ssyncadd.s32 $0xFFFFC000  }
0x158: {  	[spmem:s2] =	stream.indirect.scatter.add.f32 [tilespmem:s16], [sflag:$0x3], $0x80, s9, s15, $0xb8;
	[tilespmem:$0x1D800] =	vst v63  }
0x159: {  	_ =	swait.ge [sflag:s13], $0x4000  }
0x15a: {  	[sflag:s13] =	ssyncset.done $0x0  }
0x15b: {  	s5 =	rddreg [dreg:$0x16];
	[sflag:s13] =	ssyncadd.s32 $0xFFFFC000  }
0x15c: {  	[tilespmem:s12], [sflag:$0x1] =	stream.indirect.gather [hbm4b:s4+s15], $0x80, s5, s15, $0xb8;
	[tilespmem:$0x1D800] =	vst v63  }
0x15d: {  	s9 =	rddreg [dreg:$0x17]  }
0x15e: {  	[tilespmem:s16], [sflag:$0x2] =	stream.indirect.gather [hbm4b:s4+s15], $0x80, s9, s15, $0xb8;
	[tilespmem:$0x1D800] =	vst v63  }
0x15f: {  	_ =	swait.ge [sflag:s17], $0x4000  }
0x160: {  	[sflag:s17] =	ssyncset.done $0x0  }
0x161: {  	s9 =	rddreg [dreg:$0x18];
	[sflag:s17] =	ssyncadd.s32 $0xFFFFC000  }
0x162: {  	[spmem:s2] =	stream.indirect.scatter.add.f32 [tilespmem:s12], [sflag:$0x3], $0x80, s9, s15, $0xb8;
	[tilespmem:$0x1D800] =	vst v63  }
0x163: {  	_ =	swait.ge [sflag:s13], $0x4000  }
0x164: {  	[sflag:s13] =	ssyncset.done $0x0  }
0x165: {  	[sflag:s13] =	ssyncadd.s32 $0xFFFFC000  }
0x166: {  	_ =	swait.ge [sflag:s18], $0x4000  }
0x167: {  	[sflag:s18] =	ssyncset.done $0x0  }
0x168: {  	[sflag:s18] =	ssyncadd.s32 $0xFFFFC000  }
0x169: {  	[spmem:s2] =	stream.indirect.scatter.add.f32 [tilespmem:s16], [sflag:$0x3], $0x80, s19, s15, $0xb8;
	[tilespmem:$0x1D800] =	vst v63  }
0x16a: {  	_ =	swait.ge [sflag:s13], $0x4000  }
0x16b: {  	[sflag:s13] =	ssyncset.done $0x0  }
0x16c: {  	[sflag:s13] =	ssyncadd.s32 $0xFFFFC000  }
0x16d: {  	[tilespmem:s12], [sflag:$0x1] =	stream.indirect.gather [hbm4b:s4+s15], $0x80, s20, s15, $0xb8;
	[tilespmem:$0x1D800] =	vst v63  }
0x16e: {  	_ = 	snop  }
0x16f: {  	[tilespmem:s16], [sflag:$0x2] =	stream.indirect.gather [hbm4b:s4+s15], $0x80, s21, s15, $0xb8;
	[tilespmem:$0x1D800] =	vst v63  }
0x170: {  	_ =	swait.ge [sflag:s17], $0x4000  }
0x171: {  	[sflag:s17] =	ssyncset.done $0x0  }
0x172: {  	[sflag:s17] =	ssyncadd.s32 $0xFFFFC000  }
0x173: {  	[spmem:s2] =	stream.indirect.scatter.add.f32 [tilespmem:s12], [sflag:$0x3], $0x80, s22, s15, $0xb8;
	[tilespmem:$0x1D800] =	vst v63  }
0x174: {  	_ =	swait.ge [sflag:s13], $0x4000  }
0x175: {  	[sflag:s13] =	ssyncset.done $0x0  }
0x176: {  	[sflag:s13] =	ssyncadd.s32 $0xFFFFC000  }
0x177: {  	_ =	swait.ge [sflag:s18], $0x4000  }
0x178: {  	[sflag:s18] =	ssyncset.done $0x0  }
0x179: {  	[sflag:s18] =	ssyncadd.s32 $0xFFFFC000  }
0x17a: {  	[spmem:s2] =	stream.indirect.scatter.add.f32 [tilespmem:s16], [sflag:$0x3], $0x80, s23, s15, $0xb8;
	[tilespmem:$0x1D800] =	vst v63  }
0x17b: {  	_ =	swait.ge [sflag:s13], $0x4000  }
0x17c: {  	[sflag:s13] =	ssyncset.done $0x0  }
0x17d: {  	[sflag:s13] =	ssyncadd.s32 $0xFFFFC000  }
0x17e: {  	[tilespmem:s12], [sflag:$0x1] =	stream.indirect.gather [hbm4b:s4+s15], $0x80, s24, s15, $0xb8;
	[tilespmem:$0x1D800] =	vst v63  }
0x17f: {  	_ = 	snop  }
0x180: {  	[tilespmem:s16], [sflag:$0x2] =	stream.indirect.gather [hbm4b:s4+s15], $0x80, s25, s15, $0xb8;
	[tilespmem:$0x1D800] =	vst v63  }
0x181: {  	_ =	swait.ge [sflag:s17], $0x4000  }
0x182: {  	[sflag:s17] =	ssyncset.done $0x0  }
0x183: {  	[sflag:s17] =	ssyncadd.s32 $0xFFFFC000  }
0x184: {  	[spmem:s2] =	stream.indirect.scatter.add.f32 [tilespmem:s12], [sflag:$0x3], $0x80, s26, s15, $0xb8;
	[tilespmem:$0x1D800] =	vst v63  }
0x185: {  	_ =	swait.ge [sflag:s13], $0x4000  }
0x186: {  	[sflag:s13] =	ssyncset.done $0x0  }
0x187: {  	[sflag:s13] =	ssyncadd.s32 $0xFFFFC000  }
0x188: {  	_ =	swait.ge [sflag:s18], $0x4000  }
0x189: {  	[sflag:s18] =	ssyncset.done $0x0  }
0x18a: {  	[sflag:s18] =	ssyncadd.s32 $0xFFFFC000  }
0x18b: {  	[spmem:s2] =	stream.indirect.scatter.add.f32 [tilespmem:s16], [sflag:$0x3], $0x80, s28, s15, $0xb8;
	[tilespmem:$0x1D800] =	vst v63  }
0x18c: {  	_ =	swait.ge [sflag:s13], $0x4000  }
0x18d: {  	[sflag:s13] =	ssyncset.done $0x0  }
0x18e: {  	[sflag:s13] =	ssyncadd.s32 $0xFFFFC000  }
0x18f: {  	[tilespmem:s12], [sflag:$0x1] =	stream.indirect.gather [hbm4b:s4+s15], $0x80, s29, s15, $0xb8;
	[tilespmem:$0x1D800] =	vst v63  }
0x190: {  	_ = 	snop  }
0x191: {  	[tilespmem:s16], [sflag:$0x2] =	stream.indirect.gather [hbm4b:s4+s15], $0x80, s30, s15, $0xb8;
	[tilespmem:$0x1D800] =	vst v63  }
0x192: {  	_ =	swait.ge [sflag:s17], $0x4000  }
0x193: {  	[sflag:s17] =	ssyncset.done $0x0  }
0x194: {  	[sflag:s17] =	ssyncadd.s32 $0xFFFFC000  }
0x195: {  	[spmem:s2] =	stream.indirect.scatter.add.f32 [tilespmem:s12], [sflag:$0x3], $0x80, s31, s15, $0xb8;
	[tilespmem:$0x1D800] =	vst v63  }
0x196: {  	_ =	swait.ge [sflag:s13], $0x4000  }
0x197: {  	[sflag:s13] =	ssyncset.done $0x0  }
0x198: {  	[sflag:s13] =	ssyncadd.s32 $0xFFFFC000  }
0x199: {  	_ =	swait.ge [sflag:s18], $0x4000  }
0x19a: {  	[sflag:s18] =	ssyncset.done $0x0  }
0x19b: {  	[sflag:s18] =	ssyncadd.s32 $0xFFFFC000  }
0x19c: {  	[spmem:s2] =	stream.indirect.scatter.add.f32 [tilespmem:s16], [sflag:$0x3], $0x80, s1, s15, $0xb8;
	[tilespmem:$0x1D800] =	vst v63  }
0x19d: {  	_ =	swait.ge [sflag:s13], $0x4000  }
0x19e: {  	[sflag:s13] =	ssyncset.done $0x0  }
0x19f: {  	[sflag:s13] =	ssyncadd.s32 $0xFFFFC000  }
0x1a0: {  	[tilespmem:s12], [sflag:$0x1] =	stream.indirect.gather [hbm4b:s4+s15], $0x80, s0, s15, $0xb8;
	[tilespmem:$0x1D800] =	vst v63  }
0x1a1: {  	_ = 	snop  }
0x1a2: {  	[tilespmem:s16], [sflag:$0x2] =	stream.indirect.gather [hbm4b:s4+s15], $0x80, s6, s15, $0xb8;
	[tilespmem:$0x1D800] =	vst v63  }
0x1a3: {  	_ =	swait.ge [sflag:s17], $0x4000  }
0x1a4: {  	[sflag:s17] =	ssyncset.done $0x0  }
0x1a5: {  	[sflag:s17] =	ssyncadd.s32 $0xFFFFC000  }
0x1a6: {  	[spmem:s2] =	stream.indirect.scatter.add.f32 [tilespmem:s12], [sflag:$0x3], $0x80, s7, s15, $0xb8;
	[tilespmem:$0x1D800] =	vst v63  }
0x1a7: {  	_ =	swait.ge [sflag:s13], $0x4000  }
0x1a8: {  	[sflag:s13] =	ssyncset.done $0x0  }
0x1a9: {  	[sflag:s13] =	ssyncadd.s32 $0xFFFFC000  }
0x1aa: {  	p0 =	sne.s32 s11, $0x480;
	_ =	swait.ge [sflag:s18], $0x4000  }
.Ltmp1:
0x1ab: {  	[sflag:s18] =	ssyncset.done $0x0;
	(pc) =	sbr.rel @p0 .LBB2_4-.Ltmp1, $4  }
0x1ac: {  	[sflag:s18] =	ssyncadd.s32 $0xFFFFC000  }
0x1ad: {  	[spmem:s2] =	stream.indirect.scatter.add.f32 [tilespmem:s16], [sflag:$0x3], $0x80, s8, s15, $0xb8;
	[tilespmem:$0x1D800] =	vst v63  }
0x1ae: {  	_ =	swait.ge [sflag:s13], $0x4000  }
0x1af: {  	s11 =	sadd.s32 $0x180, s11;
	s5 =	rddreg [dreg:$0x4];
	[sflag:s13] =	ssyncset.done $0x0  }
0x1b0: {  	[sflag:s13] =	ssyncadd.s32 $0xFFFFC000;
	s5 =	sadd.s32 s10, s5  }
0x1b1: {  	[tilespmem:s3], [sflag:$0x3] =	stream.linear.gather [hbm4b:s5+s3], $0xA00, $0x38;
	[tilespmem:$0x1D800] =	vst v63  }
0x1b2: {  	_ =	swait.ge [sflag:s13], $0xA00  }
0x1b3: {  	s11 =	rddreg [dreg:$0x3];
	[sflag:s13] =	ssyncset.done $0x0  }
0x1b4: {  	[sflag:s13] =	ssyncadd.s32 $0xFFFFF600;
	s5 =	sadd.s32 s10, s11  }
0x1b5: {  	[tilespmem:s14], [sflag:$0x3] =	stream.linear.gather [hbm4b:s5+s3], $0xA00, $0x38;
	[tilespmem:$0x1D800] =	vst v63  }
0x1b6: {  	_ =	swait.ge [sflag:s13], $0xA00  }
0x1b7: {  	[sflag:s13] =	ssyncset.done $0x0  }
0x1b8: {  	[sflag:s13] =	ssyncadd.s32 $0xFFFFF600  }
0x1b9: {  	[tilespmem:s12], [sflag:$0x1] =	stream.indirect.gather [hbm4b:s4+s15], $0x80, s3, s15, $0xb8;
	[tilespmem:$0x1D800] =	vst v63  }
0x1ba: {  	_ = 	snop  }
0x1bb: {  	[tilespmem:s16], [sflag:$0x2] =	stream.indirect.gather [hbm4b:s4+s15], $0x80, s15, s15, $0xb8;
	[tilespmem:$0x1D800] =	vst v63  }
0x1bc: {  	_ =	swait.ge [sflag:s17], $0x4000  }
0x1bd: {  	[sflag:s17] =	ssyncset.done $0x0  }
0x1be: {  	[sflag:s17] =	ssyncadd.s32 $0xFFFFC000  }
0x1bf: {  	[spmem:s2] =	stream.indirect.scatter.add.f32 [tilespmem:s12], [sflag:$0x3], $0x80, s14, s15, $0xb8;
	[tilespmem:$0x1D800] =	vst v63  }
0x1c0: {  	_ =	swait.ge [sflag:s13], $0x4000  }
0x1c1: {  	[sflag:s13] =	ssyncset.done $0x0  }
0x1c2: {  	[sflag:s13] =	ssyncadd.s32 $0xFFFFC000  }
0x1c3: {  	_ =	swait.ge [sflag:s18], $0x4000  }
0x1c4: {  	[sflag:s18] =	ssyncset.done $0x0  }
0x1c5: {  	s9 =	rddreg [dreg:$0x5];
	[sflag:s18] =	ssyncadd.s32 $0xFFFFC000  }
0x1c6: {  	[spmem:s2] =	stream.indirect.scatter.add.f32 [tilespmem:s16], [sflag:$0x3], $0x80, s9, s15, $0xb8;
	[tilespmem:$0x1D800] =	vst v63  }
0x1c7: {  	_ =	swait.ge [sflag:s13], $0x4000  }
0x1c8: {  	[sflag:s13] =	ssyncset.done $0x0  }
0x1c9: {  	s10 =	rddreg [dreg:$0x6];
	[sflag:s13] =	ssyncadd.s32 $0xFFFFC000  }
0x1ca: {  	[tilespmem:s12], [sflag:$0x1] =	stream.indirect.gather [hbm4b:s4+s15], $0x80, s10, s15, $0xb8;
	[tilespmem:$0x1D800] =	vst v63  }
0x1cb: {  	s9 =	rddreg [dreg:$0x7]  }
0x1cc: {  	[tilespmem:s16], [sflag:$0x2] =	stream.indirect.gather [hbm4b:s4+s15], $0x80, s9, s15, $0xb8;
	[tilespmem:$0x1D800] =	vst v63  }
0x1cd: {  	_ =	swait.ge [sflag:s17], $0x4000  }
0x1ce: {  	[sflag:s17] =	ssyncset.done $0x0  }
0x1cf: {  	s11 =	rddreg [dreg:$0x8];
	[sflag:s17] =	ssyncadd.s32 $0xFFFFC000  }
0x1d0: {  	[spmem:s2] =	stream.indirect.scatter.add.f32 [tilespmem:s12], [sflag:$0x3], $0x80, s11, s15, $0xb8;
	[tilespmem:$0x1D800] =	vst v63  }
0x1d1: {  	_ =	swait.ge [sflag:s13], $0x4000  }
0x1d2: {  	[sflag:s13] =	ssyncset.done $0x0  }
0x1d3: {  	[sflag:s13] =	ssyncadd.s32 $0xFFFFC000  }
0x1d4: {  	_ =	swait.ge [sflag:s18], $0x4000  }
0x1d5: {  	[sflag:s18] =	ssyncset.done $0x0  }
0x1d6: {  	s9 =	rddreg [dreg:$0x9];
	[sflag:s18] =	ssyncadd.s32 $0xFFFFC000  }
0x1d7: {  	[spmem:s2] =	stream.indirect.scatter.add.f32 [tilespmem:s16], [sflag:$0x3], $0x80, s9, s15, $0xb8;
	[tilespmem:$0x1D800] =	vst v63  }
0x1d8: {  	_ =	swait.ge [sflag:s13], $0x4000  }
0x1d9: {  	[sflag:s13] =	ssyncset.done $0x0  }
0x1da: {  	s10 =	rddreg [dreg:$0xa];
	[sflag:s13] =	ssyncadd.s32 $0xFFFFC000  }
0x1db: {  	[tilespmem:s12], [sflag:$0x1] =	stream.indirect.gather [hbm4b:s4+s15], $0x80, s10, s15, $0xb8;
	[tilespmem:$0x1D800] =	vst v63  }
0x1dc: {  	s11 =	rddreg [dreg:$0xb]  }
0x1dd: {  	[tilespmem:s16], [sflag:$0x2] =	stream.indirect.gather [hbm4b:s4+s15], $0x80, s11, s15, $0xb8;
	[tilespmem:$0x1D800] =	vst v63  }
0x1de: {  	_ =	swait.ge [sflag:s17], $0x4000  }
0x1df: {  	[sflag:s17] =	ssyncset.done $0x0  }
0x1e0: {  	s10 =	rddreg [dreg:$0xc];
	[sflag:s17] =	ssyncadd.s32 $0xFFFFC000  }
0x1e1: {  	[spmem:s2] =	stream.indirect.scatter.add.f32 [tilespmem:s12], [sflag:$0x3], $0x80, s10, s15, $0xb8;
	[tilespmem:$0x1D800] =	vst v63  }
0x1e2: {  	_ =	swait.ge [sflag:s13], $0x4000  }
0x1e3: {  	[sflag:s13] =	ssyncset.done $0x0  }
0x1e4: {  	[sflag:s13] =	ssyncadd.s32 $0xFFFFC000  }
0x1e5: {  	_ =	swait.ge [sflag:s18], $0x4000  }
0x1e6: {  	[sflag:s18] =	ssyncset.done $0x0  }
0x1e7: {  	s11 =	rddreg [dreg:$0xd];
	[sflag:s18] =	ssyncadd.s32 $0xFFFFC000  }
0x1e8: {  	[spmem:s2] =	stream.indirect.scatter.add.f32 [tilespmem:s16], [sflag:$0x3], $0x80, s11, s15, $0xb8;
	[tilespmem:$0x1D800] =	vst v63  }
0x1e9: {  	_ =	swait.ge [sflag:s13], $0x4000  }
0x1ea: {  	[sflag:s13] =	ssyncset.done $0x0  }
0x1eb: {  	s9 =	rddreg [dreg:$0xe];
	[sflag:s13] =	ssyncadd.s32 $0xFFFFC000  }
0x1ec: {  	[tilespmem:s12], [sflag:$0x1] =	stream.indirect.gather [hbm4b:s4+s15], $0x80, s9, s15, $0xb8;
	[tilespmem:$0x1D800] =	vst v63  }
0x1ed: {  	s10 =	rddreg [dreg:$0xf]  }
0x1ee: {  	[tilespmem:s16], [sflag:$0x2] =	stream.indirect.gather [hbm4b:s4+s15], $0x80, s10, s15, $0xb8;
	[tilespmem:$0x1D800] =	vst v63  }
0x1ef: {  	_ =	swait.ge [sflag:s17], $0x4000  }
0x1f0: {  	[sflag:s17] =	ssyncset.done $0x0  }
0x1f1: {  	s11 =	rddreg [dreg:$0x10];
	[sflag:s17] =	ssyncadd.s32 $0xFFFFC000  }
0x1f2: {  	[spmem:s2] =	stream.indirect.scatter.add.f32 [tilespmem:s12], [sflag:$0x3], $0x80, s11, s15, $0xb8;
	[tilespmem:$0x1D800] =	vst v63  }
0x1f3: {  	_ =	swait.ge [sflag:s13], $0x4000  }
0x1f4: {  	[sflag:s13] =	ssyncset.done $0x0  }
0x1f5: {  	[sflag:s13] =	ssyncadd.s32 $0xFFFFC000  }
0x1f6: {  	_ =	swait.ge [sflag:s18], $0x4000  }
0x1f7: {  	[sflag:s18] =	ssyncset.done $0x0  }
0x1f8: {  	s9 =	rddreg [dreg:$0x11];
	[sflag:s18] =	ssyncadd.s32 $0xFFFFC000  }
0x1f9: {  	[spmem:s2] =	stream.indirect.scatter.add.f32 [tilespmem:s16], [sflag:$0x3], $0x80, s9, s15, $0xb8;
	[tilespmem:$0x1D800] =	vst v63  }
0x1fa: {  	_ =	swait.ge [sflag:s13], $0x4000  }
0x1fb: {  	[sflag:s13] =	ssyncset.done $0x0  }
0x1fc: {  	s10 =	rddreg [dreg:$0x12];
	[sflag:s13] =	ssyncadd.s32 $0xFFFFC000  }
0x1fd: {  	[tilespmem:s12], [sflag:$0x1] =	stream.indirect.gather [hbm4b:s4+s15], $0x80, s10, s15, $0xb8;
	[tilespmem:$0x1D800] =	vst v63  }
0x1fe: {  	s11 =	rddreg [dreg:$0x13]  }
0x1ff: {  	[tilespmem:s16], [sflag:$0x2] =	stream.indirect.gather [hbm4b:s4+s15], $0x80, s11, s15, $0xb8;
	[tilespmem:$0x1D800] =	vst v63  }
0x200: {  	_ =	swait.ge [sflag:s17], $0x4000  }
0x201: {  	[sflag:s17] =	ssyncset.done $0x0  }
0x202: {  	s10 =	rddreg [dreg:$0x14];
	[sflag:s17] =	ssyncadd.s32 $0xFFFFC000  }
0x203: {  	[spmem:s2] =	stream.indirect.scatter.add.f32 [tilespmem:s12], [sflag:$0x3], $0x80, s10, s15, $0xb8;
	[tilespmem:$0x1D800] =	vst v63  }
0x204: {  	_ =	swait.ge [sflag:s13], $0x4000  }
0x205: {  	[sflag:s13] =	ssyncset.done $0x0  }
0x206: {  	[sflag:s13] =	ssyncadd.s32 $0xFFFFC000  }
0x207: {  	_ =	swait.ge [sflag:s18], $0x4000  }
0x208: {  	[sflag:s18] =	ssyncset.done $0x0  }
0x209: {  	s11 =	rddreg [dreg:$0x15];
	[sflag:s18] =	ssyncadd.s32 $0xFFFFC000  }
0x20a: {  	[spmem:s2] =	stream.indirect.scatter.add.f32 [tilespmem:s16], [sflag:$0x3], $0x80, s11, s15, $0xb8;
	[tilespmem:$0x1D800] =	vst v63  }
0x20b: {  	_ =	swait.ge [sflag:s13], $0x4000  }
0x20c: {  	[sflag:s13] =	ssyncset.done $0x0  }
0x20d: {  	s9 =	rddreg [dreg:$0x16];
	[sflag:s13] =	ssyncadd.s32 $0xFFFFC000  }
0x20e: {  	[tilespmem:s12], [sflag:$0x1] =	stream.indirect.gather [hbm4b:s4+s15], $0x80, s9, s15, $0xb8;
	[tilespmem:$0x1D800] =	vst v63  }
0x20f: {  	s10 =	rddreg [dreg:$0x17]  }
0x210: {  	[tilespmem:s16], [sflag:$0x2] =	stream.indirect.gather [hbm4b:s4+s15], $0x80, s10, s15, $0xb8;
	[tilespmem:$0x1D800] =	vst v63  }
0x211: {  	_ =	swait.ge [sflag:s17], $0x4000  }
0x212: {  	[sflag:s17] =	ssyncset.done $0x0  }
0x213: {  	s11 =	rddreg [dreg:$0x18];
	[sflag:s17] =	ssyncadd.s32 $0xFFFFC000  }
0x214: {  	[spmem:s2] =	stream.indirect.scatter.add.f32 [tilespmem:s12], [sflag:$0x3], $0x80, s11, s15, $0xb8;
	[tilespmem:$0x1D800] =	vst v63  }
0x215: {  	_ =	swait.ge [sflag:s13], $0x4000  }
0x216: {  	[sflag:s13] =	ssyncset.done $0x0  }
0x217: {  	[sflag:s13] =	ssyncadd.s32 $0xFFFFC000  }
0x218: {  	_ =	swait.ge [sflag:s18], $0x4000  }
0x219: {  	[sflag:s18] =	ssyncset.done $0x0  }
0x21a: {  	[sflag:s18] =	ssyncadd.s32 $0xFFFFC000  }
0x21b: {  	[spmem:s2] =	stream.indirect.scatter.add.f32 [tilespmem:s16], [sflag:$0x3], $0x80, s19, s15, $0xb8;
	[tilespmem:$0x1D800] =	vst v63  }
0x21c: {  	_ =	swait.ge [sflag:s13], $0x4000  }
0x21d: {  	[sflag:s13] =	ssyncset.done $0x0  }
0x21e: {  	[sflag:s13] =	ssyncadd.s32 $0xFFFFC000  }
0x21f: {  	[tilespmem:s12], [sflag:$0x1] =	stream.indirect.gather [hbm4b:s4+s15], $0x80, s20, s15, $0xb8;
	[tilespmem:$0x1D800] =	vst v63  }
0x220: {  	_ = 	snop  }
0x221: {  	[tilespmem:s16], [sflag:$0x2] =	stream.indirect.gather [hbm4b:s4+s15], $0x80, s21, s15, $0xb8;
	[tilespmem:$0x1D800] =	vst v63  }
0x222: {  	_ =	swait.ge [sflag:s17], $0x4000  }
0x223: {  	[sflag:s17] =	ssyncset.done $0x0  }
0x224: {  	[sflag:s17] =	ssyncadd.s32 $0xFFFFC000  }
0x225: {  	[spmem:s2] =	stream.indirect.scatter.add.f32 [tilespmem:s12], [sflag:$0x3], $0x80, s22, s15, $0xb8;
	[tilespmem:$0x1D800] =	vst v63  }
0x226: {  	_ =	swait.ge [sflag:s13], $0x4000  }
0x227: {  	[sflag:s13] =	ssyncset.done $0x0  }
0x228: {  	[sflag:s13] =	ssyncadd.s32 $0xFFFFC000  }
0x229: {  	_ =	swait.ge [sflag:s18], $0x4000  }
0x22a: {  	[sflag:s18] =	ssyncset.done $0x0  }
0x22b: {  	[sflag:s18] =	ssyncadd.s32 $0xFFFFC000  }
0x22c: {  	[spmem:s2] =	stream.indirect.scatter.add.f32 [tilespmem:s16], [sflag:$0x3], $0x80, s23, s15, $0xb8;
	[tilespmem:$0x1D800] =	vst v63  }
0x22d: {  	_ =	swait.ge [sflag:s13], $0x4000  }
0x22e: {  	[sflag:s13] =	ssyncset.done $0x0  }
0x22f: {  	[sflag:s13] =	ssyncadd.s32 $0xFFFFC000  }
0x230: {  	[tilespmem:s12], [sflag:$0x1] =	stream.indirect.gather [hbm4b:s4+s15], $0x80, s24, s15, $0xb8;
	[tilespmem:$0x1D800] =	vst v63  }
0x231: {  	_ = 	snop  }
0x232: {  	[tilespmem:s16], [sflag:$0x2] =	stream.indirect.gather [hbm4b:s4+s15], $0x80, s25, s15, $0xb8;
	[tilespmem:$0x1D800] =	vst v63  }
0x233: {  	_ =	swait.ge [sflag:s17], $0x4000  }
0x234: {  	[sflag:s17] =	ssyncset.done $0x0  }
0x235: {  	[sflag:s17] =	ssyncadd.s32 $0xFFFFC000  }
0x236: {  	[spmem:s2] =	stream.indirect.scatter.add.f32 [tilespmem:s12], [sflag:$0x3], $0x80, s26, s15, $0xb8;
	[tilespmem:$0x1D800] =	vst v63  }
0x237: {  	_ =	swait.ge [sflag:s13], $0x4000  }
0x238: {  	[sflag:s13] =	ssyncset.done $0x0  }
0x239: {  	[sflag:s13] =	ssyncadd.s32 $0xFFFFC000  }
0x23a: {  	_ =	swait.ge [sflag:s18], $0x4000  }
0x23b: {  	[sflag:s18] =	ssyncset.done $0x0  }
0x23c: {  	[sflag:s18] =	ssyncadd.s32 $0xFFFFC000  }
0x23d: {  	[spmem:s2] =	stream.indirect.scatter.add.f32 [tilespmem:s16], [sflag:$0x3], $0x80, s28, s15, $0xb8;
	[tilespmem:$0x1D800] =	vst v63  }
0x23e: {  	_ =	swait.ge [sflag:s13], $0x4000  }
0x23f: {  	[sflag:s13] =	ssyncset.done $0x0  }
0x240: {  	[sflag:s13] =	ssyncadd.s32 $0xFFFFC000  }
0x241: {  	[tilespmem:s12], [sflag:$0x1] =	stream.indirect.gather [hbm4b:s4+s15], $0x80, s29, s15, $0xb8;
	[tilespmem:$0x1D800] =	vst v63  }
0x242: {  	_ = 	snop  }
0x243: {  	[tilespmem:s16], [sflag:$0x2] =	stream.indirect.gather [hbm4b:s4+s15], $0x80, s30, s15, $0xb8;
	[tilespmem:$0x1D800] =	vst v63  }
0x244: {  	_ =	swait.ge [sflag:s17], $0x4000  }
0x245: {  	[sflag:s17] =	ssyncset.done $0x0  }
0x246: {  	[sflag:s17] =	ssyncadd.s32 $0xFFFFC000  }
0x247: {  	[spmem:s2] =	stream.indirect.scatter.add.f32 [tilespmem:s12], [sflag:$0x3], $0x80, s31, s15, $0xb8;
	[tilespmem:$0x1D800] =	vst v63  }
0x248: {  	_ =	swait.ge [sflag:s13], $0x4000  }
0x249: {  	[sflag:s13] =	ssyncset.done $0x0  }
0x24a: {  	[sflag:s13] =	ssyncadd.s32 $0xFFFFC000  }
0x24b: {  	_ =	swait.ge [sflag:s18], $0x4000  }
0x24c: {  	[sflag:s18] =	ssyncset.done $0x0  }
0x24d: {  	[sflag:s18] =	ssyncadd.s32 $0xFFFFC000  }
0x24e: {  	[spmem:s2] =	stream.indirect.scatter.add.f32 [tilespmem:s16], [sflag:$0x3], $0x80, s1, s15, $0xb8;
	[tilespmem:$0x1D800] =	vst v63  }
0x24f: {  	_ =	swait.ge [sflag:s13], $0x4000  }
0x250: {  	[sflag:s13] =	ssyncset.done $0x0  }
0x251: {  	[sflag:s13] =	ssyncadd.s32 $0xFFFFC000  }
0x252: {  	[tilespmem:s12], [sflag:$0x1] =	stream.indirect.gather [hbm4b:s4+s15], $0x80, s0, s15, $0xb8;
	[tilespmem:$0x1D800] =	vst v63  }
0x253: {  	_ = 	snop  }
0x254: {  	[tilespmem:s16], [sflag:$0x2] =	stream.indirect.gather [hbm4b:s4+s15], $0x80, s6, s15, $0xb8;
	[tilespmem:$0x1D800] =	vst v63  }
0x255: {  	_ =	swait.ge [sflag:s17], $0x4000  }
0x256: {  	[sflag:s17] =	ssyncset.done $0x0  }
0x257: {  	[sflag:s17] =	ssyncadd.s32 $0xFFFFC000  }
0x258: {  	[spmem:s2] =	stream.indirect.scatter.add.f32 [tilespmem:s12], [sflag:$0x3], $0x80, s7, s15, $0xb8;
	[tilespmem:$0x1D800] =	vst v63  }
0x259: {  	_ =	swait.ge [sflag:s13], $0x4000  }
0x25a: {  	[sflag:s13] =	ssyncset.done $0x0  }
0x25b: {  	[sflag:s13] =	ssyncadd.s32 $0xFFFFC000  }
0x25c: {  	_ =	swait.ge [sflag:s18], $0x4000  }
0x25d: {  	[sflag:s18] =	ssyncset.done $0x0  }
0x25e: {  	[sflag:s18] =	ssyncadd.s32 $0xFFFFC000  }
0x25f: {  	[spmem:s2] =	stream.indirect.scatter.add.f32 [tilespmem:s16], [sflag:$0x3], $0x80, s8, s15, $0xb8;
	[tilespmem:$0x1D800] =	vst v63  }
0x260: {  	_ =	swait.ge [sflag:s13], $0x4000  }
0x261: {  	[sflag:s13] =	ssyncset.done $0x0  }
0x262: {  	[sflag:s13] =	ssyncadd.s32 $0xFFFFC000  }
0x263: {  	s9 =	stileid.u32;
	[bflag:$0x0] =	sbarrier.arrive $0xFFFF  }
0x264: {  	s5 =	sshll.u32 s9, $0x6;
	s10 =	rddreg [dreg:$0x19]  }
0x265: {  	s5 =	sor.u32 $0x1C03, s5;
	s11 =	rddreg [dreg:$0x1a];
	s9 =	sshrl.u32 s10, $0x3  }
0x266: {  	[hbm:s11], [sflag:s5] =	dma.local [spmem:s9], $0x2800  }
0x267: {  	_ =	swait.ge [sflag:s13], $0x2800  }
0x268: {  	s10 =	sld [smem:$0x7FD];
	_ =	sdelay $0x2  }
0x269: {  	s11 =	rddreg [dreg:$0x1b];
	s9 =	sadd.s32 $0x1, s10  }
0x26a: {  	p0 =	sne.s32 s9, s11  }
.Ltmp2:
0x26b: {  	_ = 	snop;
	(pc) =	sbr.rel @p0 .LBB2_1-.Ltmp2, $3  }
0x26c: {  	_ =	sdelay $0x1  }
0x26d: {  	[sflag:s13] =	ssyncset.done $0x0  }
0x26e: {  	[sflag:s13] =	ssyncadd.s32 $0xFFFFD800  }
0x26f: {  	_ =	sfence.sel $0x180000  }
0x270: {  	[bflag:$0x0] =	sbarrier.arrive $0xFFFF  }
0x271: {  	_ =	strace $0x9000004A  }
0x272: {  	s0 =	stileid.u32;
	[bflag:$0x2] =	sbarrier.arrive $0xFFFF  }
0x273: {  	p0 =	sne.s32 s0, $0x0;
	s0 =	rddreg [dreg:$0x2]  }
0x274: {  	s0 =	sadd.s32 @!p0 $0x100000, s0  }
0x275: {  	[sflag:s0] =	ssyncadd.tile.s32 @!p0 $0x1;
	_ =	shalt  }
.Lfunc_end2:
_tile_overlayer_lowered:
.L_overlay_start_2:
0x276: {  	(tag) =	ssettag $0x2  }
0x277: {  	s0 =	rddreg [dreg:$0x0];
	s2 =	stileid.u32  }
0x278: {  	s1 =	rddreg [dreg:$0x1];
	p0 =	sne.s32 s2, $0x0  }
0x279: {  	s3 =	rddreg [dreg:$0x2];
	[bflag:$0x3] =	sbarrier.arrive $0xFFFF;
	s2 =	simm.s32 @!p0 $0x1C03  }
0x27a: {  	[timem:s3], [sflag:s2] =	dma.local @!p0 [hbm:s0], s1  }
0x27b: {  	s0 =	simm.s32 @!p0 $0x3  }
0x27c: {  	_ =	swait.ge @!p0 [sflag:s0], s1  }
0x27d: {  	s1 =	ssub.s32 @!p0 $0x0, s1;
	[sflag:s0] =	ssyncset.done @!p0 $0x0  }
0x27e: {  	[sflag:s0] =	ssyncadd.s32 @!p0 s1  }
0x27f: {  	[bflag:$0x3] =	sbarrier.arrive $0xFFFF  }
0x280: {  	_ =	shalt  }

// kernel: kernel.18.cloned.1.call-start
scs
__scs_entry_jumppad:
0x0: {  	(pc) =	sbr.rel $0x88, $3  }
0x1: {  	(tag) =	ssettag $0x0;
	lr =	simm.s32 $0x1  }
0x2: {  	[smem:$0x3F95] =	sst lr;
	_ =	strace $0xD0000000  }
0x3: {  	_ = 	snop  }
0x4: {  	_ = 	snop  }
0x5: {  	_ = 	snop  }
0x6: {  	_ = 	snop  }
0x7: {  	_ = 	snop  }
__scs_overlays_trampoline_lowered:
0x8: {  	[smem:$0x3FA4] =	sst s0  }
0x9: {  	[smem:$0x3FA5] =	sst s1  }
0xa: {  	[smem:$0x3FA6] =	sst s2  }
0xb: {  	[smem:$0x3FA7] =	sst s3  }
0xc: {  	[smem:$0x3FA8] =	sst s4  }
0xd: {  	[smem:$0x3FA9] =	sst s5  }
0xe: {  	[smem:$0x3FAA] =	sst s6  }
0xf: {  	[smem:$0x3FAB] =	sst s7  }
0x10: {  	[smem:$0x3FAC] =	sst s8  }
0x11: {  	[smem:$0x3FAD] =	sst s9;
	s0 =	simm.s32 @!p0 $0x0  }
0x12: {  	s1 =	sld [smem:$0x3F93];
	s0 =	simm.s32 @p0 $0x1  }
0x13: {  	[smem:$0x3FAE] =	sst s0;
	s0 =	simm.s32 @!p1 $0x0  }
0x14: {  	s2 =	sld [smem:$0x3F92];
	s0 =	simm.s32 @p1 $0x1  }
0x15: {  	[smem:$0x3FAF] =	sst s0;
	s0 =	simm.s32 @!p2 $0x0  }
0x16: {  	s3 =	sld [smem:$0x3FDB];
	s0 =	simm.s32 @p2 $0x1  }
0x17: {  	s4 =	simm.s32 $0x1BF5;
	[smem:$0x3FB1] =	sst s0  }
0x18: {  	s0 =	sld [smem:$0x3F94];
	_ =	swait.ge [sflag:s4], $0x0  }
0x19: {  	s7 =	sld [smem:$0x3F95]  }
0x1a: {  	s8 =	sadd.s32 $0xFFFFE003, lr  }
0x1b: {  	s9 =	sadd.s32 $0xFFFFFEF7, lr;
	s5 =	simm.s32 $0xFFFFFFFF;
	p2 =	slt.u32 s8, $0xFFFFF086  }
0x1c: {  	p1 =	slt.u32 s9, $0xF7A;
	s5 =	simm.s32 @!p2 $0x0  }
0x1d: {  	s5 =	simm.s32 @p1 $0x1;
	p0 =	seq.s32 s7, s2  }
0x1e: {  	s7 =	smul.u32 @!p0 $0xF7A, s2;
	p2 =	seq.s32 @!p0 s5, $0x0  }
0x1f: {  	s9 =	smul.u32 $0xF7A, s1;
	s8 =	simm.s32 @!p0 $0x1BF5;
	p2 =	por !p2, p0  }
0x20: {  	[sflag:s8] =	ssyncset.s32 @!p0 $0xFFFFF086;
	s6 =	sadd.s32 @!p0 s3, s7;
	s7 =	simm.s32 @!p0 $0x108  }
0x21: {  	s3 =	sadd.s32 s3, s9;
	s6 =	sadd.s32 @!p0 $0x88, s6;
	s7 =	simm.s32 @p2 $0x1082  }
0x22: {  	[simem:s7], [sflag:s8] =	dma.local @!p0 [hbm:s6], $0xF7A  }
0x23: {  	s9 =	sor.u32 $0xD0000000, s2;
	s6 =	simm.s32 $0x108;
	_ =	swait.ge @!p0 [sflag:s8], $0x0  }
0x24: {  	s3 =	sadd.s32 $0x88, s3;
	s6 =	simm.s32 @!p1 $0x1082;
	[sflag:s4] =	ssyncset.s32 $0xFFFFF086  }
0x25: {  	[simem:s6], [sflag:s4] =	dma.local [hbm:s3], $0xF7A  }
0x26: {  	[smem:$0x3F95] =	sst s1;
	(tag) =	ssettag s2;
	_ =	strace s9  }
0x27: {  	s1 =	sld [smem:$0x3FA5]  }
0x28: {  	s2 =	sld [smem:$0x3FA6]  }
0x29: {  	s4 =	sld [smem:$0x3FA8]  }
0x2a: {  	p0 =	seq.s32 s5, $0x0;
	s5 =	sld [smem:$0x3FA9]  }
0x2b: {  	s6 =	sld [smem:$0x3FAA]  }
0x2c: {  	s7 =	sld [smem:$0x3FAB]  }
0x2d: {  	s3 =	simm.s32 $0x108;
	s8 =	sld [smem:$0x3FAC]  }
0x2e: {  	s3 =	simm.s32 @!p0 $0x1082;
	s9 =	sld [smem:$0x3FAD]  }
0x2f: {  	lr =	sadd.s32 s0, s3;
	s0 =	sld [smem:$0x3FA4]  }
0x30: {  	s3 =	sld [smem:$0x3FA7]  }
0x31: {  	[smem:$0x3FB0] =	sst s10  }
0x32: {  	s10 =	sld [smem:$0x3FAE];
	_ =	sdelay $0x3  }
0x33: {  	p0 =	seq.s32 s10, $0x1;
	s10 =	sld [smem:$0x3FB0];
	_ =	sdelay $0x3  }
0x34: {  	[smem:$0x3FB0] =	sst s10  }
0x35: {  	s10 =	sld [smem:$0x3FAF];
	_ =	sdelay $0x3  }
0x36: {  	p1 =	seq.s32 s10, $0x1;
	s10 =	sld [smem:$0x3FB0];
	_ =	sdelay $0x3  }
0x37: {  	[smem:$0x3FB0] =	sst s10  }
0x38: {  	s10 =	sld [smem:$0x3FB1]  }
0x39: {  	_ = 	snop;
	(pc) =	sbr.ind lr, $3  }
0x3a: {  	_ = 	snop  }
0x3b: {  	_ = 	snop  }
0x3c: {  	p2 =	seq.s32 s10, $0x1;
	s10 =	sld [smem:$0x3FB0]  }
0x3d: {  	_ =	shalt  }
0x3e: {  	_ =	shalt  }
0x3f: {  	_ =	shalt  }
0x40: {  	_ =	shalt  }
0x41: {  	_ =	shalt  }
0x42: {  	_ =	shalt  }
0x43: {  	_ =	shalt  }
0x44: {  	_ =	shalt  }
0x45: {  	_ =	shalt  }
0x46: {  	_ =	shalt  }
0x47: {  	_ =	shalt  }
0x48: {  	_ =	shalt  }
0x49: {  	_ =	shalt  }
0x4a: {  	_ =	shalt  }
0x4b: {  	_ =	shalt  }
0x4c: {  	_ =	shalt  }
0x4d: {  	_ =	shalt  }
0x4e: {  	_ =	shalt  }
0x4f: {  	_ =	shalt  }
0x50: {  	_ =	shalt  }
0x51: {  	_ =	shalt  }
0x52: {  	_ =	shalt  }
0x53: {  	_ =	shalt  }
0x54: {  	_ =	shalt  }
0x55: {  	_ =	shalt  }
0x56: {  	_ =	shalt  }
0x57: {  	_ =	shalt  }
0x58: {  	_ =	shalt  }
0x59: {  	_ =	shalt  }
0x5a: {  	_ =	shalt  }
0x5b: {  	_ =	shalt  }
0x5c: {  	_ =	shalt  }
0x5d: {  	_ =	shalt  }
0x5e: {  	_ =	shalt  }
0x5f: {  	_ =	shalt  }
0x60: {  	_ =	shalt  }
0x61: {  	_ =	shalt  }
0x62: {  	_ =	shalt  }
0x63: {  	_ =	shalt  }
0x64: {  	_ =	shalt  }
0x65: {  	_ =	shalt  }
0x66: {  	_ =	shalt  }
0x67: {  	_ =	shalt  }
0x68: {  	_ =	shalt  }
0x69: {  	_ =	shalt  }
0x6a: {  	_ =	shalt  }
0x6b: {  	_ =	shalt  }
0x6c: {  	_ =	shalt  }
0x6d: {  	_ =	shalt  }
0x6e: {  	_ =	shalt  }
0x6f: {  	_ =	shalt  }
0x70: {  	_ =	shalt  }
0x71: {  	_ =	shalt  }
0x72: {  	_ =	shalt  }
0x73: {  	_ =	shalt  }
0x74: {  	_ =	shalt  }
0x75: {  	_ =	shalt  }
0x76: {  	_ =	shalt  }
0x77: {  	_ =	shalt  }
0x78: {  	_ =	shalt  }
0x79: {  	_ =	shalt  }
0x7a: {  	_ =	shalt  }
0x7b: {  	_ =	shalt  }
0x7c: {  	_ =	shalt  }
0x7d: {  	_ =	shalt  }
0x7e: {  	_ =	shalt  }
0x7f: {  	_ =	shalt  }
0x80: {  	_ =	shalt  }
0x81: {  	_ =	shalt  }
0x82: {  	_ =	shalt  }
0x83: {  	_ =	shalt  }
0x84: {  	_ =	shalt  }
0x85: {  	_ =	shalt  }
0x86: {  	_ =	shalt  }
0x87: {  	_ =	shalt  }
.Lfunc_end0:
.L_simem_size_0:
called_computation.2_lowered:
.L_overlay_start_0:
0x88: {  	s2 =	sld [smem:$0x3FD9]  }
0x89: {  	s3 =	sld [smem:$0x3FFE];
	_ =	sdelay $0x1  }
0x8a: {  	s1 =	srdreg.scid  }
0x8b: {  	s0 =	sand.u32 $0x1, s1  }
0x8c: {  	s16 =	sshll.u32 s0, $0xA;
	s2 =	sadd.s32 s3, s2  }
0x8d: {  	s2 =	sadd.s32 s2, s16  }
0x8e: {  	[smem:$0x3FBC] =	sst s2  }
0x8f: {  	_ = 	snop  }
0x90: {  	(tm) =	ssettm $0x1  }
0x91: {  	s17 =	sld [smem:$0x3FFB];
	_ =	sdelay $0x3  }
0x92: {  	_ =	strace s17  }
0x93: {  	s2 =	sld [smem:$0x3FFC];
	_ =	sdelay $0x3  }
0x94: {  	_ =	strace s2  }
0x95: {  	s2 =	sld [smem:$0x3FFD];
	_ =	sdelay $0x3  }
0x96: {  	_ =	strace s2  }
0x97: {  	_ =	strace $0x8FFFFFFF  }
0x98: {  	s18 =	sld [smem:$0x3FDB];
	_ =	sdelay $0x1  }
0x99: {  	s19 =	simm.s32 $_scs_section_size  }
0x9a: {  	s4 =	simm.s32 $_size__tile_overlayer_lowered;
	s5 =	simm.s32 $_tile_overlayer_lowered  }
0x9b: {  	s22 =	simm.s32 $0x1BFF;
	s21 =	sshll.u32 s5, $0x1;
	s2 =	sadd.s32 s19, s18  }
0x9c: {  	s6 =	simm.s32 $0x0;
	s20 =	sshll.u32 s4, $0x1;
	s4 =	sadd.s32 s21, s2  }
0x9d: {  	[timem:s6], [sflag:s22] =	dma.local [hbm:s4], s20  }
0x9e: {  	_ =	swait.ge [sflag:s22], s20  }
0x9f: {  	s3 =	ssub.s32 $0x0, s20;
	[sflag:s22] =	ssyncset.done $0x0  }
0xa0: {  	[sflag:s22] =	ssyncadd.s32 s3;
	_ =	sdelay $0x1  }
0xa1: {  	s23 =	simm.s32 $0x1B8B  }
0xa2: {  	_ =	swait.ge [sflag:s23], $0x1  }
0xa3: {  	[sflag:s23] =	ssyncset.done $0x0  }
0xa4: {  	s25 =	simm.s32 $0x1B8E;
	s24 =	sld [smem:$0x3FFE];
	[sflag:s23] =	ssyncadd.s32 $0xFFFFFFFF  }
0xa5: {  	s26 =	simm.s32 $execute0_lowered;
	[smem:$0x3FD2] =	sst s25  }
0xa6: {  	s4 =	sshll.u32 s26, $0x1;
	_ =	strace $0x8000004C;
	[dreg:$0x1] =	wrdreg $0xFFFFFFFF  }
0xa7: {  	s28 =	simm.s32 $_size_execute0_lowered;
	s2 =	sadd.s32 s2, s4;
	[dreg:$0x0] =	wrdreg $0x0  }
0xa8: {  	s4 =	sshll.u32 s28, $0x1;
	[dreg:$0x2] =	wrdreg s2  }
0xa9: {  	[dreg:$0x3] =	wrdreg s4  }
0xaa: {  	[dreg:$0x4] =	wrdreg $0xC0  }
0xab: {  	_ =	task [dreg:s6], $0x5FFFF  }
0xac: {  	[dreg:$0x1] =	wrdreg $0xFFFFFFFF  }
0xad: {  	[dreg:$0x0] =	wrdreg $0x60  }
0xae: {  	[dreg:$0x2] =	wrdreg s24  }
0xaf: {  	[dreg:$0x3] =	wrdreg $0x98000  }
0xb0: {  	[dreg:$0x4] =	wrdreg $0x9  }
0xb1: {  	_ =	task.clear_ibuf [dreg:s6], $0x5FFFF;
	_ =	strace $0x9000004C  }
0xb2: {  	s29 =	simm.s32 $0x9;
	_ =	strace $0x8000004E  }
0xb3: {  	_ =	swait.ge [sflag:s29], $0x1  }
0xb4: {  	[sflag:s29] =	ssyncadd.s32 $0xFFFFFFFF  }
0xb5: {  	_ =	strace $0x9000004E  }
0xb6: {  	_ =	sfence  }
0xb7: {  	s30 =	sld [smem:$0x0];
	_ =	sdelay $0x2  }
0xb8: {  	s31 =	sshll.u32 s1, $0xD;
	s1 =	sshrl.u32 s1, $0x2  }
0xb9: {  	s3 =	sand.u32 $0x4000, s31;
	s1 =	sadd.s32 s1, s30  }
0xba: {  	s0 =	sor.u32 s3, s0;
	s1 =	sshll.u32 s1, $0x11  }
0xbb: {  	s0 =	sor.u32 s1, s0  }
0xbc: {  	s0 =	sadd.s32 $0x8F2B, s0  }
0xbd: {  	[sflag:s0] =	ssyncadd.remote.s32 $0x1  }
0xbe: {  	_ =	sfence.sel $0xFFFF  }
0xbf: {  	[dreg:$0x0] =	wrdreg $0xFFFFFFFF;
	(pc) =	sbr.abs _section_cstart, $3  }
0xc0: {  	[dreg:$0x1] =	wrdreg $0xFFFFFFFF  }
0xc1: {  	_ =	task.clear_ibuf [dreg:s6], $0x2FFFF;
	_ =	strace $0x9FFFFFFF  }
0xc2: {  	(tm) =	ssettm $0x7FFFFFFF  }
0xc3: {  	_ =	shalt  }
tec
execute0_lowered:
.L_overlay_start_1:
0x0: {  	(tag) =	ssettag $0x1  }
0x1: {  	s0 =	srdreg.scid;
	s9 =	stileid.u32  }
0x2: {  	s5 =	rddreg [dreg:$0x0];
	s0 =	sand.u32 $0x1, s0;
	s3 =	smul.u32 $0x3000, s9  }
0x3: {  	s2 =	rddreg [dreg:$0x1];
	s19 =	simm.s32 $0xC80;
	s1 =	smul.u32 $0x30000, s0  }
0x4: {  	s20 =	simm.s32 $0x100;
	s21 =	simm.s32 $0x180;
	s22 =	simm.s32 $0xD00  }
0x5: {  	s24 =	simm.s32 $0xD80;
	s1 =	sadd.s32 s3, s1;
	s3 =	simm.s32 $0x0  }
0x6: {  	s26 =	simm.s32 $0x200;
	s10 =	simm.s32 $0xE00;
	[smem:$0x7FF] =	sst s3  }
0x7: {  	s11 =	simm.s32 $0xE80;
	_ =	strace $0x8000004D;
	[dreg:$0x5] =	wrdreg s19  }
0x8: {  	s12 =	simm.s32 $0x300;
	s13 =	simm.s32 $0x380;
	[dreg:$0x6] =	wrdreg s20  }
0x9: {  	s15 =	simm.s32 $0xF00;
	s17 =	simm.s32 $0xF80;
	[dreg:$0x7] =	wrdreg s21  }
0xa: {  	s28 =	simm.s32 $0x1380;
	s29 =	simm.s32 $0x800;
	[dreg:$0x8] =	wrdreg s22  }
0xb: {  	s6 =	smul.u32 $0x140000, s0;
	s0 =	ssub.s32 $0x2, s0;
	[dreg:$0x9] =	wrdreg s24  }
0xc: {  	s30 =	simm.s32 $0x880;
	s23 =	sshrl.u32 s0, $0x1;
	[dreg:$0xa] =	wrdreg s26  }
0xd: {  	s31 =	simm.s32 $0x1400;
	s0 =	ssub.s32 s0, s23;
	[dreg:$0xc] =	wrdreg s10  }
0xe: {  	s25 =	smul.u32 $0x50000, s9;
	s0 =	smax.u32 s0, $0x1;
	[dreg:$0xd] =	wrdreg s11  }
0xf: {  	s7 =	smul.u32 $0x14000, s9;
	s4 =	sadd.s32 $0x4000, s5;
	[dreg:$0x1b] =	wrdreg s0  }
0x10: {  	s9 =	sshrl.u32 s25, $0x2;
	s25 =	simm.s32 $0x580;
	[dreg:$0xe] =	wrdreg s12  }
0x11: {  	s6 =	sadd.s32 s7, s6;
	s23 =	simm.s32 $0x1080;
	[dreg:$0xf] =	wrdreg s13  }
0x12: {  	s7 =	simm.s32 $0x1500;
	s1 =	sshrl.u32 s1, $0x3;
	[dreg:$0x10] =	wrdreg s15  }
0x13: {  	s6 =	sshrl.u32 s6, $0x3;
	s1 =	sadd.s32 s1, s5;
	[dreg:$0x11] =	wrdreg s17  }
0x14: {  	s5 =	sadd.s32 s6, s5;
	s6 =	sadd.s32 s9, s2;
	[dreg:$0x15] =	wrdreg s23  }
0x15: {  	s19 =	simm.s32 $0x400;
	s21 =	simm.s32 $0x480;
	[dreg:$0x17] =	wrdreg s25  }
0x16: {  	s12 =	simm.s32 $0x1800;
	s22 =	simm.s32 $0x1000;
	[dreg:$0x19] =	wrdreg s6  }
0x17: {  	s13 =	simm.s32 $0x3;
	s24 =	simm.s32 $0x500;
	[dreg:$0x12] =	wrdreg s19  }
0x18: {  	s15 =	simm.s32 $0x80;
	s26 =	simm.s32 $0x1100;
	[dreg:$0x13] =	wrdreg s21  }
0x19: {  	s17 =	simm.s32 $0x1;
	s23 =	simm.s32 $0x1280;
	[dreg:$0x14] =	wrdreg s22  }
0x1a: {  	s25 =	simm.s32 $0x780;
	s0 =	simm.s32 $0x900;
	[dreg:$0x16] =	wrdreg s24  }
0x1b: {  	s9 =	simm.s32 $0x0;
	s8 =	sadd.s32 $0x5E000, s1;
	[dreg:$0x18] =	wrdreg s26  }
0x1c: {  	s1 =	sadd.s32 $0x6A000, s1;
	s5 =	sadd.s32 $0x76000, s5;
	[dreg:$0x3] =	wrdreg s8  }
0x1d: {  	s14 =	sadd.s32 $0x4000, s6;
	s16 =	sadd.s32 $0x8000, s6;
	[dreg:$0x4] =	wrdreg s1  }
0x1e: {  	s18 =	sadd.s32 $0xC000, s6;
	s20 =	sadd.s32 $0x10000, s6;
	[dreg:$0x1a] =	wrdreg s5  }
0x1f: {  	s19 =	simm.s32 $0x1180;
	s21 =	simm.s32 $0x680;
	[dreg:$0x1c] =	wrdreg s14  }
0x20: {  	s22 =	simm.s32 $0x1200;
	s24 =	simm.s32 $0x700;
	[dreg:$0x1d] =	wrdreg s16  }
0x21: {  	s26 =	simm.s32 $0x1300;
	s6 =	simm.s32 $0x980;
	[dreg:$0x1e] =	wrdreg s18  }
0x22: {  	s8 =	simm.s32 $0x280;
	[dreg:$0x1f] =	wrdreg s20;
	s14 =	simm.s32 $0xC00  }
0x23: {  	s16 =	simm.s32 $0x5800;
	s18 =	simm.s32 $0x2;
	s20 =	simm.s32 $0x600  }
0x24: {  	v0 =	vimm.f32 $0.0e+00;
	s1 =	simm.s32 $0x1480;
	[dreg:$0xb] =	wrdreg s8;
	s8 =	simm.s32 $0x1580  }
.LBB2_1:
0x25: {  	s10 =	simm.s32 $0x0;
	s11 =	simm.s32 $0x200  }
.LBB2_2:
0x26: {  	p0 =	sne.s32 s11, $0xFE00;
	[tilespmem:s10+$0x1870] =	vst v0  }
0x27: {  	[tilespmem:s10+$0x1800] =	vst v0  }
0x28: {  	[tilespmem:s10+$0x1810] =	vst v0  }
.Ltmp0:
0x29: {  	[tilespmem:s10+$0x1820] =	vst v0;
	(pc) =	sbr.rel @p0 .LBB2_2-.Ltmp0, $4  }
0x2a: {  	[tilespmem:s10+$0x1830] =	vst v0  }
0x2b: {  	[tilespmem:s10+$0x1840] =	vst v0  }
0x2c: {  	[tilespmem:s10+$0x1850] =	vst v0  }
0x2d: {  	[tilespmem:s10+$0x1860] =	vst v0;
	s10 =	sshra.s32 s11, $0x2;
	s11 =	sadd.s32 $0x200, s11  }
0x2e: {  	[tilespmem:s10+$0x1870] =	vst v0  }
0x2f: {  	[tilespmem:s10+$0x1800] =	vst v0  }
0x30: {  	[tilespmem:s10+$0x1810] =	vst v0  }
0x31: {  	[tilespmem:s10+$0x1820] =	vst v0  }
0x32: {  	[tilespmem:s10+$0x1830] =	vst v0  }
0x33: {  	[tilespmem:s10+$0x1840] =	vst v0  }
0x34: {  	[smem:$0x7FD] =	sst s9;
	[tilespmem:s10+$0x1850] =	vst v0  }
0x35: {  	[tilespmem:s10+$0x1860] =	vst v0;
	s5 =	rddreg [dreg:$0x19]  }
0x36: {  	[spmem:s5] =	stream.linear.scatter [tilespmem:s12], [sflag:$0x3], $0x4000, $0x38;
	[tilespmem:$0x1D800] =	vst v63  }
0x37: {  	_ =	swait.ge [sflag:s13], $0x4000  }
0x38: {  	[sflag:s13] =	ssyncset.done $0x0  }
0x39: {  	s10 =	rddreg [dreg:$0x1c];
	[sflag:s13] =	ssyncadd.s32 $0xFFFFC000  }
0x3a: {  	[spmem:s10] =	stream.linear.scatter [tilespmem:s12], [sflag:$0x3], $0x4000, $0x38;
	[tilespmem:$0x1D800] =	vst v63  }
0x3b: {  	_ =	swait.ge [sflag:s13], $0x4000  }
0x3c: {  	[sflag:s13] =	ssyncset.done $0x0  }
0x3d: {  	s11 =	rddreg [dreg:$0x1d];
	[sflag:s13] =	ssyncadd.s32 $0xFFFFC000  }
0x3e: {  	[spmem:s11] =	stream.linear.scatter [tilespmem:s12], [sflag:$0x3], $0x4000, $0x38;
	[tilespmem:$0x1D800] =	vst v63  }
0x3f: {  	_ =	swait.ge [sflag:s13], $0x4000  }
0x40: {  	[sflag:s13] =	ssyncset.done $0x0  }
0x41: {  	s9 =	rddreg [dreg:$0x1e];
	[sflag:s13] =	ssyncadd.s32 $0xFFFFC000  }
0x42: {  	[spmem:s9] =	stream.linear.scatter [tilespmem:s12], [sflag:$0x3], $0x4000, $0x38;
	[tilespmem:$0x1D800] =	vst v63  }
0x43: {  	_ =	swait.ge [sflag:s13], $0x4000  }
0x44: {  	[sflag:s13] =	ssyncset.done $0x0  }
0x45: {  	s10 =	rddreg [dreg:$0x1f];
	[sflag:s13] =	ssyncadd.s32 $0xFFFFC000  }
0x46: {  	[spmem:s10] =	stream.linear.scatter [tilespmem:s12], [sflag:$0x3], $0x4000, $0x38;
	[tilespmem:$0x1D800] =	vst v63  }
0x47: {  	_ =	swait.ge [sflag:s13], $0x4000  }
0x48: {  	[sflag:s13] =	ssyncset.done $0x0  }
0x49: {  	[sflag:s13] =	ssyncadd.s32 $0xFFFFC000  }
0x4a: {  	[bflag:$0x0] =	sbarrier.arrive $0xFFFF  }
0x4b: {  	s11 =	rddreg [dreg:$0x4]  }
0x4c: {  	s5 =	sadd.s32 $0x0, s11  }
0x4d: {  	[tilespmem:s3], [sflag:$0x3] =	stream.linear.gather [hbm4b:s5+s3], $0xA00, $0x38;
	[tilespmem:$0x1D800] =	vst v63  }
0x4e: {  	_ =	swait.ge [sflag:s13], $0xA00  }
0x4f: {  	s9 =	rddreg [dreg:$0x3];
	[sflag:s13] =	ssyncset.done $0x0  }
0x50: {  	[sflag:s13] =	ssyncadd.s32 $0xFFFFF600;
	s5 =	sadd.s32 $0x0, s9  }
0x51: {  	[tilespmem:s14], [sflag:$0x3] =	stream.linear.gather [hbm4b:s5+s3], $0xA00, $0x38;
	[tilespmem:$0x1D800] =	vst v63  }
0x52: {  	_ =	swait.ge [sflag:s13], $0xA00  }
0x53: {  	[sflag:s13] =	ssyncset.done $0x0  }
0x54: {  	[sflag:s13] =	ssyncadd.s32 $0xFFFFF600  }
0x55: {  	[tilespmem:s12], [sflag:$0x1] =	stream.indirect.gather [hbm4b:s4+s15], $0x80, s3, s15, $0xb8;
	[tilespmem:$0x1D800] =	vst v63  }
0x56: {  	_ = 	snop  }
0x57: {  	[tilespmem:s16], [sflag:$0x2] =	stream.indirect.gather [hbm4b:s4+s15], $0x80, s15, s15, $0xb8;
	[tilespmem:$0x1D800] =	vst v63  }
0x58: {  	_ =	swait.ge [sflag:s17], $0x4000  }
0x59: {  	[sflag:s17] =	ssyncset.done $0x0  }
0x5a: {  	[sflag:s17] =	ssyncadd.s32 $0xFFFFC000  }
0x5b: {  	[spmem:s2] =	stream.indirect.scatter.add.f32 [tilespmem:s12], [sflag:$0x3], $0x80, s14, s15, $0xb8;
	[tilespmem:$0x1D800] =	vst v63  }
0x5c: {  	_ =	swait.ge [sflag:s13], $0x4000  }
0x5d: {  	[sflag:s13] =	ssyncset.done $0x0  }
0x5e: {  	[sflag:s13] =	ssyncadd.s32 $0xFFFFC000  }
0x5f: {  	_ =	swait.ge [sflag:s18], $0x4000  }
0x60: {  	[sflag:s18] =	ssyncset.done $0x0  }
0x61: {  	s10 =	rddreg [dreg:$0x5];
	[sflag:s18] =	ssyncadd.s32 $0xFFFFC000  }
0x62: {  	[spmem:s2] =	stream.indirect.scatter.add.f32 [tilespmem:s16], [sflag:$0x3], $0x80, s10, s15, $0xb8;
	[tilespmem:$0x1D800] =	vst v63  }
0x63: {  	_ =	swait.ge [sflag:s13], $0x4000  }
0x64: {  	[sflag:s13] =	ssyncset.done $0x0  }
0x65: {  	s11 =	rddreg [dreg:$0x6];
	[sflag:s13] =	ssyncadd.s32 $0xFFFFC000  }
0x66: {  	[tilespmem:s12], [sflag:$0x1] =	stream.indirect.gather [hbm4b:s4+s15], $0x80, s11, s15, $0xb8;
	[tilespmem:$0x1D800] =	vst v63  }
0x67: {  	s9 =	rddreg [dreg:$0x7]  }
0x68: {  	[tilespmem:s16], [sflag:$0x2] =	stream.indirect.gather [hbm4b:s4+s15], $0x80, s9, s15, $0xb8;
	[tilespmem:$0x1D800] =	vst v63  }
0x69: {  	_ =	swait.ge [sflag:s17], $0x4000  }
0x6a: {  	[sflag:s17] =	ssyncset.done $0x0  }
0x6b: {  	s11 =	rddreg [dreg:$0x8];
	[sflag:s17] =	ssyncadd.s32 $0xFFFFC000  }
0x6c: {  	[spmem:s2] =	stream.indirect.scatter.add.f32 [tilespmem:s12], [sflag:$0x3], $0x80, s11, s15, $0xb8;
	[tilespmem:$0x1D800] =	vst v63  }
0x6d: {  	_ =	swait.ge [sflag:s13], $0x4000  }
0x6e: {  	[sflag:s13] =	ssyncset.done $0x0  }
0x6f: {  	[sflag:s13] =	ssyncadd.s32 $0xFFFFC000  }
0x70: {  	_ =	swait.ge [sflag:s18], $0x4000  }
0x71: {  	[sflag:s18] =	ssyncset.done $0x0  }
0x72: {  	s9 =	rddreg [dreg:$0x9];
	[sflag:s18] =	ssyncadd.s32 $0xFFFFC000  }
0x73: {  	[spmem:s2] =	stream.indirect.scatter.add.f32 [tilespmem:s16], [sflag:$0x3], $0x80, s9, s15, $0xb8;
	[tilespmem:$0x1D800] =	vst v63  }
0x74: {  	_ =	swait.ge [sflag:s13], $0x4000  }
0x75: {  	[sflag:s13] =	ssyncset.done $0x0  }
0x76: {  	s10 =	rddreg [dreg:$0xa];
	[sflag:s13] =	ssyncadd.s32 $0xFFFFC000  }
0x77: {  	[tilespmem:s12], [sflag:$0x1] =	stream.indirect.gather [hbm4b:s4+s15], $0x80, s10, s15, $0xb8;
	[tilespmem:$0x1D800] =	vst v63  }
0x78: {  	s11 =	rddreg [dreg:$0xb]  }
0x79: {  	[tilespmem:s16], [sflag:$0x2] =	stream.indirect.gather [hbm4b:s4+s15], $0x80, s11, s15, $0xb8;
	[tilespmem:$0x1D800] =	vst v63  }
0x7a: {  	_ =	swait.ge [sflag:s17], $0x4000  }
0x7b: {  	[sflag:s17] =	ssyncset.done $0x0  }
0x7c: {  	s9 =	rddreg [dreg:$0xc];
	[sflag:s17] =	ssyncadd.s32 $0xFFFFC000  }
0x7d: {  	[spmem:s2] =	stream.indirect.scatter.add.f32 [tilespmem:s12], [sflag:$0x3], $0x80, s9, s15, $0xb8;
	[tilespmem:$0x1D800] =	vst v63  }
0x7e: {  	_ =	swait.ge [sflag:s13], $0x4000  }
0x7f: {  	[sflag:s13] =	ssyncset.done $0x0  }
0x80: {  	[sflag:s13] =	ssyncadd.s32 $0xFFFFC000  }
0x81: {  	_ =	swait.ge [sflag:s18], $0x4000  }
0x82: {  	[sflag:s18] =	ssyncset.done $0x0  }
0x83: {  	s10 =	rddreg [dreg:$0xd];
	[sflag:s18] =	ssyncadd.s32 $0xFFFFC000  }
0x84: {  	[spmem:s2] =	stream.indirect.scatter.add.f32 [tilespmem:s16], [sflag:$0x3], $0x80, s10, s15, $0xb8;
	[tilespmem:$0x1D800] =	vst v63  }
0x85: {  	_ =	swait.ge [sflag:s13], $0x4000  }
0x86: {  	[sflag:s13] =	ssyncset.done $0x0  }
0x87: {  	s11 =	rddreg [dreg:$0xe];
	[sflag:s13] =	ssyncadd.s32 $0xFFFFC000  }
0x88: {  	[tilespmem:s12], [sflag:$0x1] =	stream.indirect.gather [hbm4b:s4+s15], $0x80, s11, s15, $0xb8;
	[tilespmem:$0x1D800] =	vst v63  }
0x89: {  	s9 =	rddreg [dreg:$0xf]  }
0x8a: {  	[tilespmem:s16], [sflag:$0x2] =	stream.indirect.gather [hbm4b:s4+s15], $0x80, s9, s15, $0xb8;
	[tilespmem:$0x1D800] =	vst v63  }
0x8b: {  	_ =	swait.ge [sflag:s17], $0x4000  }
0x8c: {  	[sflag:s17] =	ssyncset.done $0x0  }
0x8d: {  	s11 =	rddreg [dreg:$0x10];
	[sflag:s17] =	ssyncadd.s32 $0xFFFFC000  }
0x8e: {  	[spmem:s2] =	stream.indirect.scatter.add.f32 [tilespmem:s12], [sflag:$0x3], $0x80, s11, s15, $0xb8;
	[tilespmem:$0x1D800] =	vst v63  }
0x8f: {  	_ =	swait.ge [sflag:s13], $0x4000  }
0x90: {  	[sflag:s13] =	ssyncset.done $0x0  }
0x91: {  	[sflag:s13] =	ssyncadd.s32 $0xFFFFC000  }
0x92: {  	_ =	swait.ge [sflag:s18], $0x4000  }
0x93: {  	[sflag:s18] =	ssyncset.done $0x0  }
0x94: {  	s9 =	rddreg [dreg:$0x11];
	[sflag:s18] =	ssyncadd.s32 $0xFFFFC000  }
0x95: {  	[spmem:s2] =	stream.indirect.scatter.add.f32 [tilespmem:s16], [sflag:$0x3], $0x80, s9, s15, $0xb8;
	[tilespmem:$0x1D800] =	vst v63  }
0x96: {  	_ =	swait.ge [sflag:s13], $0x4000  }
0x97: {  	[sflag:s13] =	ssyncset.done $0x0  }
0x98: {  	s10 =	rddreg [dreg:$0x12];
	[sflag:s13] =	ssyncadd.s32 $0xFFFFC000  }
0x99: {  	[tilespmem:s12], [sflag:$0x1] =	stream.indirect.gather [hbm4b:s4+s15], $0x80, s10, s15, $0xb8;
	[tilespmem:$0x1D800] =	vst v63  }
0x9a: {  	s11 =	rddreg [dreg:$0x13]  }
0x9b: {  	[tilespmem:s16], [sflag:$0x2] =	stream.indirect.gather [hbm4b:s4+s15], $0x80, s11, s15, $0xb8;
	[tilespmem:$0x1D800] =	vst v63  }
0x9c: {  	_ =	swait.ge [sflag:s17], $0x4000  }
0x9d: {  	[sflag:s17] =	ssyncset.done $0x0  }
0x9e: {  	s9 =	rddreg [dreg:$0x14];
	[sflag:s17] =	ssyncadd.s32 $0xFFFFC000  }
0x9f: {  	[spmem:s2] =	stream.indirect.scatter.add.f32 [tilespmem:s12], [sflag:$0x3], $0x80, s9, s15, $0xb8;
	[tilespmem:$0x1D800] =	vst v63  }
0xa0: {  	_ =	swait.ge [sflag:s13], $0x4000  }
0xa1: {  	[sflag:s13] =	ssyncset.done $0x0  }
0xa2: {  	[sflag:s13] =	ssyncadd.s32 $0xFFFFC000  }
0xa3: {  	_ =	swait.ge [sflag:s18], $0x4000  }
0xa4: {  	[sflag:s18] =	ssyncset.done $0x0  }
0xa5: {  	s10 =	rddreg [dreg:$0x15];
	[sflag:s18] =	ssyncadd.s32 $0xFFFFC000  }
0xa6: {  	[spmem:s2] =	stream.indirect.scatter.add.f32 [tilespmem:s16], [sflag:$0x3], $0x80, s10, s15, $0xb8;
	[tilespmem:$0x1D800] =	vst v63  }
0xa7: {  	_ =	swait.ge [sflag:s13], $0x4000  }
0xa8: {  	[sflag:s13] =	ssyncset.done $0x0  }
0xa9: {  	s11 =	rddreg [dreg:$0x16];
	[sflag:s13] =	ssyncadd.s32 $0xFFFFC000  }
0xaa: {  	[tilespmem:s12], [sflag:$0x1] =	stream.indirect.gather [hbm4b:s4+s15], $0x80, s11, s15, $0xb8;
	[tilespmem:$0x1D800] =	vst v63  }
0xab: {  	s9 =	rddreg [dreg:$0x17]  }
0xac: {  	[tilespmem:s16], [sflag:$0x2] =	stream.indirect.gather [hbm4b:s4+s15], $0x80, s9, s15, $0xb8;
	[tilespmem:$0x1D800] =	vst v63  }
0xad: {  	_ =	swait.ge [sflag:s17], $0x4000  }
0xae: {  	[sflag:s17] =	ssyncset.done $0x0  }
0xaf: {  	s11 =	rddreg [dreg:$0x18];
	[sflag:s17] =	ssyncadd.s32 $0xFFFFC000  }
0xb0: {  	[spmem:s2] =	stream.indirect.scatter.add.f32 [tilespmem:s12], [sflag:$0x3], $0x80, s11, s15, $0xb8;
	[tilespmem:$0x1D800] =	vst v63  }
0xb1: {  	_ =	swait.ge [sflag:s13], $0x4000  }
0xb2: {  	[sflag:s13] =	ssyncset.done $0x0  }
0xb3: {  	[sflag:s13] =	ssyncadd.s32 $0xFFFFC000  }
0xb4: {  	_ =	swait.ge [sflag:s18], $0x4000  }
0xb5: {  	[sflag:s18] =	ssyncset.done $0x0  }
0xb6: {  	[sflag:s18] =	ssyncadd.s32 $0xFFFFC000  }
0xb7: {  	[spmem:s2] =	stream.indirect.scatter.add.f32 [tilespmem:s16], [sflag:$0x3], $0x80, s19, s15, $0xb8;
	[tilespmem:$0x1D800] =	vst v63  }
0xb8: {  	_ =	swait.ge [sflag:s13], $0x4000  }
0xb9: {  	[sflag:s13] =	ssyncset.done $0x0  }
0xba: {  	[sflag:s13] =	ssyncadd.s32 $0xFFFFC000  }
0xbb: {  	[tilespmem:s12], [sflag:$0x1] =	stream.indirect.gather [hbm4b:s4+s15], $0x80, s20, s15, $0xb8;
	[tilespmem:$0x1D800] =	vst v63  }
0xbc: {  	_ = 	snop  }
0xbd: {  	[tilespmem:s16], [sflag:$0x2] =	stream.indirect.gather [hbm4b:s4+s15], $0x80, s21, s15, $0xb8;
	[tilespmem:$0x1D800] =	vst v63  }
0xbe: {  	_ =	swait.ge [sflag:s17], $0x4000  }
0xbf: {  	[sflag:s17] =	ssyncset.done $0x0  }
0xc0: {  	[sflag:s17] =	ssyncadd.s32 $0xFFFFC000  }
0xc1: {  	[spmem:s2] =	stream.indirect.scatter.add.f32 [tilespmem:s12], [sflag:$0x3], $0x80, s22, s15, $0xb8;
	[tilespmem:$0x1D800] =	vst v63  }
0xc2: {  	_ =	swait.ge [sflag:s13], $0x4000  }
0xc3: {  	[sflag:s13] =	ssyncset.done $0x0  }
0xc4: {  	[sflag:s13] =	ssyncadd.s32 $0xFFFFC000  }
0xc5: {  	_ =	swait.ge [sflag:s18], $0x4000  }
0xc6: {  	[sflag:s18] =	ssyncset.done $0x0  }
0xc7: {  	[sflag:s18] =	ssyncadd.s32 $0xFFFFC000  }
0xc8: {  	[spmem:s2] =	stream.indirect.scatter.add.f32 [tilespmem:s16], [sflag:$0x3], $0x80, s23, s15, $0xb8;
	[tilespmem:$0x1D800] =	vst v63  }
0xc9: {  	_ =	swait.ge [sflag:s13], $0x4000  }
0xca: {  	[sflag:s13] =	ssyncset.done $0x0  }
0xcb: {  	[sflag:s13] =	ssyncadd.s32 $0xFFFFC000  }
0xcc: {  	[tilespmem:s12], [sflag:$0x1] =	stream.indirect.gather [hbm4b:s4+s15], $0x80, s24, s15, $0xb8;
	[tilespmem:$0x1D800] =	vst v63  }
0xcd: {  	_ = 	snop  }
0xce: {  	[tilespmem:s16], [sflag:$0x2] =	stream.indirect.gather [hbm4b:s4+s15], $0x80, s25, s15, $0xb8;
	[tilespmem:$0x1D800] =	vst v63  }
0xcf: {  	_ =	swait.ge [sflag:s17], $0x4000  }
0xd0: {  	[sflag:s17] =	ssyncset.done $0x0  }
0xd1: {  	[sflag:s17] =	ssyncadd.s32 $0xFFFFC000  }
0xd2: {  	[spmem:s2] =	stream.indirect.scatter.add.f32 [tilespmem:s12], [sflag:$0x3], $0x80, s26, s15, $0xb8;
	[tilespmem:$0x1D800] =	vst v63  }
0xd3: {  	_ =	swait.ge [sflag:s13], $0x4000  }
0xd4: {  	[sflag:s13] =	ssyncset.done $0x0  }
0xd5: {  	[sflag:s13] =	ssyncadd.s32 $0xFFFFC000  }
0xd6: {  	_ =	swait.ge [sflag:s18], $0x4000  }
0xd7: {  	[sflag:s18] =	ssyncset.done $0x0  }
0xd8: {  	[sflag:s18] =	ssyncadd.s32 $0xFFFFC000  }
0xd9: {  	[spmem:s2] =	stream.indirect.scatter.add.f32 [tilespmem:s16], [sflag:$0x3], $0x80, s28, s15, $0xb8;
	[tilespmem:$0x1D800] =	vst v63  }
0xda: {  	_ =	swait.ge [sflag:s13], $0x4000  }
0xdb: {  	[sflag:s13] =	ssyncset.done $0x0  }
0xdc: {  	[sflag:s13] =	ssyncadd.s32 $0xFFFFC000  }
0xdd: {  	[tilespmem:s12], [sflag:$0x1] =	stream.indirect.gather [hbm4b:s4+s15], $0x80, s29, s15, $0xb8;
	[tilespmem:$0x1D800] =	vst v63  }
0xde: {  	_ = 	snop  }
0xdf: {  	[tilespmem:s16], [sflag:$0x2] =	stream.indirect.gather [hbm4b:s4+s15], $0x80, s30, s15, $0xb8;
	[tilespmem:$0x1D800] =	vst v63  }
0xe0: {  	_ =	swait.ge [sflag:s17], $0x4000  }
0xe1: {  	[sflag:s17] =	ssyncset.done $0x0  }
0xe2: {  	[sflag:s17] =	ssyncadd.s32 $0xFFFFC000  }
0xe3: {  	[spmem:s2] =	stream.indirect.scatter.add.f32 [tilespmem:s12], [sflag:$0x3], $0x80, s31, s15, $0xb8;
	[tilespmem:$0x1D800] =	vst v63  }
0xe4: {  	_ =	swait.ge [sflag:s13], $0x4000  }
0xe5: {  	[sflag:s13] =	ssyncset.done $0x0  }
0xe6: {  	[sflag:s13] =	ssyncadd.s32 $0xFFFFC000  }
0xe7: {  	_ =	swait.ge [sflag:s18], $0x4000  }
0xe8: {  	[sflag:s18] =	ssyncset.done $0x0  }
0xe9: {  	[sflag:s18] =	ssyncadd.s32 $0xFFFFC000  }
0xea: {  	[spmem:s2] =	stream.indirect.scatter.add.f32 [tilespmem:s16], [sflag:$0x3], $0x80, s1, s15, $0xb8;
	[tilespmem:$0x1D800] =	vst v63  }
0xeb: {  	_ =	swait.ge [sflag:s13], $0x4000  }
0xec: {  	[sflag:s13] =	ssyncset.done $0x0  }
0xed: {  	[sflag:s13] =	ssyncadd.s32 $0xFFFFC000  }
0xee: {  	[tilespmem:s12], [sflag:$0x1] =	stream.indirect.gather [hbm4b:s4+s15], $0x80, s0, s15, $0xb8;
	[tilespmem:$0x1D800] =	vst v63  }
0xef: {  	_ = 	snop  }
0xf0: {  	[tilespmem:s16], [sflag:$0x2] =	stream.indirect.gather [hbm4b:s4+s15], $0x80, s6, s15, $0xb8;
	[tilespmem:$0x1D800] =	vst v63  }
0xf1: {  	_ =	swait.ge [sflag:s17], $0x4000  }
0xf2: {  	[sflag:s17] =	ssyncset.done $0x0  }
0xf3: {  	[sflag:s17] =	ssyncadd.s32 $0xFFFFC000  }
0xf4: {  	[spmem:s2] =	stream.indirect.scatter.add.f32 [tilespmem:s12], [sflag:$0x3], $0x80, s7, s15, $0xb8;
	[tilespmem:$0x1D800] =	vst v63  }
0xf5: {  	_ =	swait.ge [sflag:s13], $0x4000  }
0xf6: {  	[sflag:s13] =	ssyncset.done $0x0  }
0xf7: {  	[sflag:s13] =	ssyncadd.s32 $0xFFFFC000  }
0xf8: {  	_ =	swait.ge [sflag:s18], $0x4000  }
0xf9: {  	[sflag:s18] =	ssyncset.done $0x0  }
0xfa: {  	[sflag:s18] =	ssyncadd.s32 $0xFFFFC000  }
0xfb: {  	[spmem:s2] =	stream.indirect.scatter.add.f32 [tilespmem:s16], [sflag:$0x3], $0x80, s8, s15, $0xb8;
	[tilespmem:$0x1D800] =	vst v63  }
0xfc: {  	s10 =	simm.s32 $0x180;
	_ =	swait.ge [sflag:s13], $0x4000  }
0xfd: {  	s11 =	simm.s32 $0x300;
	s5 =	rddreg [dreg:$0x4];
	[sflag:s13] =	ssyncset.done $0x0  }
.LBB2_4:
0xfe: {  	[sflag:s13] =	ssyncadd.s32 $0xFFFFC000;
	s5 =	sadd.s32 s10, s5  }
0xff: {  	[tilespmem:s3], [sflag:$0x3] =	stream.linear.gather [hbm4b:s5+s3], $0xA00, $0x38;
	[tilespmem:$0x1D800] =	vst v63  }
0x100: {  	_ =	swait.ge [sflag:s13], $0xA00  }
0x101: {  	s5 =	rddreg [dreg:$0x3];
	[sflag:s13] =	ssyncset.done $0x0  }
0x102: {  	[sflag:s13] =	ssyncadd.s32 $0xFFFFF600;
	s5 =	sadd.s32 s10, s5  }
0x103: {  	[tilespmem:s14], [sflag:$0x3] =	stream.linear.gather [hbm4b:s5+s3], $0xA00, $0x38;
	[tilespmem:$0x1D800] =	vst v63  }
0x104: {  	_ =	swait.ge [sflag:s13], $0xA00  }
0x105: {  	[sflag:s13] =	ssyncset.done $0x0  }
0x106: {  	[sflag:s13] =	ssyncadd.s32 $0xFFFFF600  }
0x107: {  	[tilespmem:s12], [sflag:$0x1] =	stream.indirect.gather [hbm4b:s4+s15], $0x80, s3, s15, $0xb8;
	[tilespmem:$0x1D800] =	vst v63  }
0x108: {  	_ = 	snop  }
0x109: {  	[tilespmem:s16], [sflag:$0x2] =	stream.indirect.gather [hbm4b:s4+s15], $0x80, s15, s15, $0xb8;
	[tilespmem:$0x1D800] =	vst v63  }
0x10a: {  	_ =	swait.ge [sflag:s17], $0x4000  }
0x10b: {  	[sflag:s17] =	ssyncset.done $0x0  }
0x10c: {  	[sflag:s17] =	ssyncadd.s32 $0xFFFFC000  }
0x10d: {  	[spmem:s2] =	stream.indirect.scatter.add.f32 [tilespmem:s12], [sflag:$0x3], $0x80, s14, s15, $0xb8;
	[tilespmem:$0x1D800] =	vst v63  }
0x10e: {  	_ =	swait.ge [sflag:s13], $0x4000  }
0x10f: {  	[sflag:s13] =	ssyncset.done $0x0  }
0x110: {  	[sflag:s13] =	ssyncadd.s32 $0xFFFFC000  }
0x111: {  	_ =	swait.ge [sflag:s18], $0x4000  }
0x112: {  	s9 =	smov.u32 s11;
	[sflag:s18] =	ssyncset.done $0x0  }
0x113: {  	s10 =	smov.u32 s9;
	s9 =	rddreg [dreg:$0x5];
	[sflag:s18] =	ssyncadd.s32 $0xFFFFC000  }
0x114: {  	[spmem:s2] =	stream.indirect.scatter.add.f32 [tilespmem:s16], [sflag:$0x3], $0x80, s9, s15, $0xb8;
	[tilespmem:$0x1D800] =	vst v63  }
0x115: {  	_ =	swait.ge [sflag:s13], $0x4000  }
0x116: {  	[sflag:s13] =	ssyncset.done $0x0  }
0x117: {  	s5 =	rddreg [dreg:$0x6];
	[sflag:s13] =	ssyncadd.s32 $0xFFFFC000  }
0x118: {  	[tilespmem:s12], [sflag:$0x1] =	stream.indirect.gather [hbm4b:s4+s15], $0x80, s5, s15, $0xb8;
	[tilespmem:$0x1D800] =	vst v63  }
0x119: {  	s9 =	rddreg [dreg:$0x7]  }
0x11a: {  	[tilespmem:s16], [sflag:$0x2] =	stream.indirect.gather [hbm4b:s4+s15], $0x80, s9, s15, $0xb8;
	[tilespmem:$0x1D800] =	vst v63  }
0x11b: {  	_ =	swait.ge [sflag:s17], $0x4000  }
0x11c: {  	[sflag:s17] =	ssyncset.done $0x0  }
0x11d: {  	s9 =	rddreg [dreg:$0x8];
	[sflag:s17] =	ssyncadd.s32 $0xFFFFC000  }
0x11e: {  	[spmem:s2] =	stream.indirect.scatter.add.f32 [tilespmem:s12], [sflag:$0x3], $0x80, s9, s15, $0xb8;
	[tilespmem:$0x1D800] =	vst v63  }
0x11f: {  	_ =	swait.ge [sflag:s13], $0x4000  }
0x120: {  	[sflag:s13] =	ssyncset.done $0x0  }
0x121: {  	[sflag:s13] =	ssyncadd.s32 $0xFFFFC000  }
0x122: {  	_ =	swait.ge [sflag:s18], $0x4000  }
0x123: {  	[sflag:s18] =	ssyncset.done $0x0  }
0x124: {  	s9 =	rddreg [dreg:$0x9];
	[sflag:s18] =	ssyncadd.s32 $0xFFFFC000  }
0x125: {  	[spmem:s2] =	stream.indirect.scatter.add.f32 [tilespmem:s16], [sflag:$0x3], $0x80, s9, s15, $0xb8;
	[tilespmem:$0x1D800] =	vst v63  }
0x126: {  	_ =	swait.ge [sflag:s13], $0x4000  }
0x127: {  	[sflag:s13] =	ssyncset.done $0x0  }
0x128: {  	s5 =	rddreg [dreg:$0xa];
	[sflag:s13] =	ssyncadd.s32 $0xFFFFC000  }
0x129: {  	[tilespmem:s12], [sflag:$0x1] =	stream.indirect.gather [hbm4b:s4+s15], $0x80, s5, s15, $0xb8;
	[tilespmem:$0x1D800] =	vst v63  }
0x12a: {  	s9 =	rddreg [dreg:$0xb]  }
0x12b: {  	[tilespmem:s16], [sflag:$0x2] =	stream.indirect.gather [hbm4b:s4+s15], $0x80, s9, s15, $0xb8;
	[tilespmem:$0x1D800] =	vst v63  }
0x12c: {  	_ =	swait.ge [sflag:s17], $0x4000  }
0x12d: {  	[sflag:s17] =	ssyncset.done $0x0  }
0x12e: {  	s9 =	rddreg [dreg:$0xc];
	[sflag:s17] =	ssyncadd.s32 $0xFFFFC000  }
0x12f: {  	[spmem:s2] =	stream.indirect.scatter.add.f32 [tilespmem:s12], [sflag:$0x3], $0x80, s9, s15, $0xb8;
	[tilespmem:$0x1D800] =	vst v63  }
0x130: {  	_ =	swait.ge [sflag:s13], $0x4000  }
0x131: {  	[sflag:s13] =	ssyncset.done $0x0  }
0x132: {  	[sflag:s13] =	ssyncadd.s32 $0xFFFFC000  }
0x133: {  	_ =	swait.ge [sflag:s18], $0x4000  }
0x134: {  	[sflag:s18] =	ssyncset.done $0x0  }
0x135: {  	s9 =	rddreg [dreg:$0xd];
	[sflag:s18] =	ssyncadd.s32 $0xFFFFC000  }
0x136: {  	[spmem:s2] =	stream.indirect.scatter.add.f32 [tilespmem:s16], [sflag:$0x3], $0x80, s9, s15, $0xb8;
	[tilespmem:$0x1D800] =	vst v63  }
0x137: {  	_ =	swait.ge [sflag:s13], $0x4000  }
0x138: {  	[sflag:s13] =	ssyncset.done $0x0  }
0x139: {  	s5 =	rddreg [dreg:$0xe];
	[sflag:s13] =	ssyncadd.s32 $0xFFFFC000  }
0x13a: {  	[tilespmem:s12], [sflag:$0x1] =	stream.indirect.gather [hbm4b:s4+s15], $0x80, s5, s15, $0xb8;
	[tilespmem:$0x1D800] =	vst v63  }
0x13b: {  	s9 =	rddreg [dreg:$0xf]  }
0x13c: {  	[tilespmem:s16], [sflag:$0x2] =	stream.indirect.gather [hbm4b:s4+s15], $0x80, s9, s15, $0xb8;
	[tilespmem:$0x1D800] =	vst v63  }
0x13d: {  	_ =	swait.ge [sflag:s17], $0x4000  }
0x13e: {  	[sflag:s17] =	ssyncset.done $0x0  }
0x13f: {  	s9 =	rddreg [dreg:$0x10];
	[sflag:s17] =	ssyncadd.s32 $0xFFFFC000  }
0x140: {  	[spmem:s2] =	stream.indirect.scatter.add.f32 [tilespmem:s12], [sflag:$0x3], $0x80, s9, s15, $0xb8;
	[tilespmem:$0x1D800] =	vst v63  }
0x141: {  	_ =	swait.ge [sflag:s13], $0x4000  }
0x142: {  	[sflag:s13] =	ssyncset.done $0x0  }
0x143: {  	[sflag:s13] =	ssyncadd.s32 $0xFFFFC000  }
0x144: {  	_ =	swait.ge [sflag:s18], $0x4000  }
0x145: {  	[sflag:s18] =	ssyncset.done $0x0  }
0x146: {  	s9 =	rddreg [dreg:$0x11];
	[sflag:s18] =	ssyncadd.s32 $0xFFFFC000  }
0x147: {  	[spmem:s2] =	stream.indirect.scatter.add.f32 [tilespmem:s16], [sflag:$0x3], $0x80, s9, s15, $0xb8;
	[tilespmem:$0x1D800] =	vst v63  }
0x148: {  	_ =	swait.ge [sflag:s13], $0x4000  }
0x149: {  	[sflag:s13] =	ssyncset.done $0x0  }
0x14a: {  	s5 =	rddreg [dreg:$0x12];
	[sflag:s13] =	ssyncadd.s32 $0xFFFFC000  }
0x14b: {  	[tilespmem:s12], [sflag:$0x1] =	stream.indirect.gather [hbm4b:s4+s15], $0x80, s5, s15, $0xb8;
	[tilespmem:$0x1D800] =	vst v63  }
0x14c: {  	s9 =	rddreg [dreg:$0x13]  }
0x14d: {  	[tilespmem:s16], [sflag:$0x2] =	stream.indirect.gather [hbm4b:s4+s15], $0x80, s9, s15, $0xb8;
	[tilespmem:$0x1D800] =	vst v63  }
0x14e: {  	_ =	swait.ge [sflag:s17], $0x4000  }
0x14f: {  	[sflag:s17] =	ssyncset.done $0x0  }
0x150: {  	s9 =	rddreg [dreg:$0x14];
	[sflag:s17] =	ssyncadd.s32 $0xFFFFC000  }
0x151: {  	[spmem:s2] =	stream.indirect.scatter.add.f32 [tilespmem:s12], [sflag:$0x3], $0x80, s9, s15, $0xb8;
	[tilespmem:$0x1D800] =	vst v63  }
0x152: {  	_ =	swait.ge [sflag:s13], $0x4000  }
0x153: {  	[sflag:s13] =	ssyncset.done $0x0  }
0x154: {  	[sflag:s13] =	ssyncadd.s32 $0xFFFFC000  }
0x155: {  	_ =	swait.ge [sflag:s18], $0x4000  }
0x156: {  	[sflag:s18] =	ssyncset.done $0x0  }
0x157: {  	s9 =	rddreg [dreg:$0x15];
	[sflag:s18] =	ssyncadd.s32 $0xFFFFC000  }
0x158: {  	[spmem:s2] =	stream.indirect.scatter.add.f32 [tilespmem:s16], [sflag:$0x3], $0x80, s9, s15, $0xb8;
	[tilespmem:$0x1D800] =	vst v63  }
0x159: {  	_ =	swait.ge [sflag:s13], $0x4000  }
0x15a: {  	[sflag:s13] =	ssyncset.done $0x0  }
0x15b: {  	s5 =	rddreg [dreg:$0x16];
	[sflag:s13] =	ssyncadd.s32 $0xFFFFC000  }
0x15c: {  	[tilespmem:s12], [sflag:$0x1] =	stream.indirect.gather [hbm4b:s4+s15], $0x80, s5, s15, $0xb8;
	[tilespmem:$0x1D800] =	vst v63  }
0x15d: {  	s9 =	rddreg [dreg:$0x17]  }
0x15e: {  	[tilespmem:s16], [sflag:$0x2] =	stream.indirect.gather [hbm4b:s4+s15], $0x80, s9, s15, $0xb8;
	[tilespmem:$0x1D800] =	vst v63  }
0x15f: {  	_ =	swait.ge [sflag:s17], $0x4000  }
0x160: {  	[sflag:s17] =	ssyncset.done $0x0  }
0x161: {  	s9 =	rddreg [dreg:$0x18];
	[sflag:s17] =	ssyncadd.s32 $0xFFFFC000  }
0x162: {  	[spmem:s2] =	stream.indirect.scatter.add.f32 [tilespmem:s12], [sflag:$0x3], $0x80, s9, s15, $0xb8;
	[tilespmem:$0x1D800] =	vst v63  }
0x163: {  	_ =	swait.ge [sflag:s13], $0x4000  }
0x164: {  	[sflag:s13] =	ssyncset.done $0x0  }
0x165: {  	[sflag:s13] =	ssyncadd.s32 $0xFFFFC000  }
0x166: {  	_ =	swait.ge [sflag:s18], $0x4000  }
0x167: {  	[sflag:s18] =	ssyncset.done $0x0  }
0x168: {  	[sflag:s18] =	ssyncadd.s32 $0xFFFFC000  }
0x169: {  	[spmem:s2] =	stream.indirect.scatter.add.f32 [tilespmem:s16], [sflag:$0x3], $0x80, s19, s15, $0xb8;
	[tilespmem:$0x1D800] =	vst v63  }
0x16a: {  	_ =	swait.ge [sflag:s13], $0x4000  }
0x16b: {  	[sflag:s13] =	ssyncset.done $0x0  }
0x16c: {  	[sflag:s13] =	ssyncadd.s32 $0xFFFFC000  }
0x16d: {  	[tilespmem:s12], [sflag:$0x1] =	stream.indirect.gather [hbm4b:s4+s15], $0x80, s20, s15, $0xb8;
	[tilespmem:$0x1D800] =	vst v63  }
0x16e: {  	_ = 	snop  }
0x16f: {  	[tilespmem:s16], [sflag:$0x2] =	stream.indirect.gather [hbm4b:s4+s15], $0x80, s21, s15, $0xb8;
	[tilespmem:$0x1D800] =	vst v63  }
0x170: {  	_ =	swait.ge [sflag:s17], $0x4000  }
0x171: {  	[sflag:s17] =	ssyncset.done $0x0  }
0x172: {  	[sflag:s17] =	ssyncadd.s32 $0xFFFFC000  }
0x173: {  	[spmem:s2] =	stream.indirect.scatter.add.f32 [tilespmem:s12], [sflag:$0x3], $0x80, s22, s15, $0xb8;
	[tilespmem:$0x1D800] =	vst v63  }
0x174: {  	_ =	swait.ge [sflag:s13], $0x4000  }
0x175: {  	[sflag:s13] =	ssyncset.done $0x0  }
0x176: {  	[sflag:s13] =	ssyncadd.s32 $0xFFFFC000  }
0x177: {  	_ =	swait.ge [sflag:s18], $0x4000  }
0x178: {  	[sflag:s18] =	ssyncset.done $0x0  }
0x179: {  	[sflag:s18] =	ssyncadd.s32 $0xFFFFC000  }
0x17a: {  	[spmem:s2] =	stream.indirect.scatter.add.f32 [tilespmem:s16], [sflag:$0x3], $0x80, s23, s15, $0xb8;
	[tilespmem:$0x1D800] =	vst v63  }
0x17b: {  	_ =	swait.ge [sflag:s13], $0x4000  }
0x17c: {  	[sflag:s13] =	ssyncset.done $0x0  }
0x17d: {  	[sflag:s13] =	ssyncadd.s32 $0xFFFFC000  }
0x17e: {  	[tilespmem:s12], [sflag:$0x1] =	stream.indirect.gather [hbm4b:s4+s15], $0x80, s24, s15, $0xb8;
	[tilespmem:$0x1D800] =	vst v63  }
0x17f: {  	_ = 	snop  }
0x180: {  	[tilespmem:s16], [sflag:$0x2] =	stream.indirect.gather [hbm4b:s4+s15], $0x80, s25, s15, $0xb8;
	[tilespmem:$0x1D800] =	vst v63  }
0x181: {  	_ =	swait.ge [sflag:s17], $0x4000  }
0x182: {  	[sflag:s17] =	ssyncset.done $0x0  }
0x183: {  	[sflag:s17] =	ssyncadd.s32 $0xFFFFC000  }
0x184: {  	[spmem:s2] =	stream.indirect.scatter.add.f32 [tilespmem:s12], [sflag:$0x3], $0x80, s26, s15, $0xb8;
	[tilespmem:$0x1D800] =	vst v63  }
0x185: {  	_ =	swait.ge [sflag:s13], $0x4000  }
0x186: {  	[sflag:s13] =	ssyncset.done $0x0  }
0x187: {  	[sflag:s13] =	ssyncadd.s32 $0xFFFFC000  }
0x188: {  	_ =	swait.ge [sflag:s18], $0x4000  }
0x189: {  	[sflag:s18] =	ssyncset.done $0x0  }
0x18a: {  	[sflag:s18] =	ssyncadd.s32 $0xFFFFC000  }
0x18b: {  	[spmem:s2] =	stream.indirect.scatter.add.f32 [tilespmem:s16], [sflag:$0x3], $0x80, s28, s15, $0xb8;
	[tilespmem:$0x1D800] =	vst v63  }
0x18c: {  	_ =	swait.ge [sflag:s13], $0x4000  }
0x18d: {  	[sflag:s13] =	ssyncset.done $0x0  }
0x18e: {  	[sflag:s13] =	ssyncadd.s32 $0xFFFFC000  }
0x18f: {  	[tilespmem:s12], [sflag:$0x1] =	stream.indirect.gather [hbm4b:s4+s15], $0x80, s29, s15, $0xb8;
	[tilespmem:$0x1D800] =	vst v63  }
0x190: {  	_ = 	snop  }
0x191: {  	[tilespmem:s16], [sflag:$0x2] =	stream.indirect.gather [hbm4b:s4+s15], $0x80, s30, s15, $0xb8;
	[tilespmem:$0x1D800] =	vst v63  }
0x192: {  	_ =	swait.ge [sflag:s17], $0x4000  }
0x193: {  	[sflag:s17] =	ssyncset.done $0x0  }
0x194: {  	[sflag:s17] =	ssyncadd.s32 $0xFFFFC000  }
0x195: {  	[spmem:s2] =	stream.indirect.scatter.add.f32 [tilespmem:s12], [sflag:$0x3], $0x80, s31, s15, $0xb8;
	[tilespmem:$0x1D800] =	vst v63  }
0x196: {  	_ =	swait.ge [sflag:s13], $0x4000  }
0x197: {  	[sflag:s13] =	ssyncset.done $0x0  }
0x198: {  	[sflag:s13] =	ssyncadd.s32 $0xFFFFC000  }
0x199: {  	_ =	swait.ge [sflag:s18], $0x4000  }
0x19a: {  	[sflag:s18] =	ssyncset.done $0x0  }
0x19b: {  	[sflag:s18] =	ssyncadd.s32 $0xFFFFC000  }
0x19c: {  	[spmem:s2] =	stream.indirect.scatter.add.f32 [tilespmem:s16], [sflag:$0x3], $0x80, s1, s15, $0xb8;
	[tilespmem:$0x1D800] =	vst v63  }
0x19d: {  	_ =	swait.ge [sflag:s13], $0x4000  }
0x19e: {  	[sflag:s13] =	ssyncset.done $0x0  }
0x19f: {  	[sflag:s13] =	ssyncadd.s32 $0xFFFFC000  }
0x1a0: {  	[tilespmem:s12], [sflag:$0x1] =	stream.indirect.gather [hbm4b:s4+s15], $0x80, s0, s15, $0xb8;
	[tilespmem:$0x1D800] =	vst v63  }
0x1a1: {  	_ = 	snop  }
0x1a2: {  	[tilespmem:s16], [sflag:$0x2] =	stream.indirect.gather [hbm4b:s4+s15], $0x80, s6, s15, $0xb8;
	[tilespmem:$0x1D800] =	vst v63  }
0x1a3: {  	_ =	swait.ge [sflag:s17], $0x4000  }
0x1a4: {  	[sflag:s17] =	ssyncset.done $0x0  }
0x1a5: {  	[sflag:s17] =	ssyncadd.s32 $0xFFFFC000  }
0x1a6: {  	[spmem:s2] =	stream.indirect.scatter.add.f32 [tilespmem:s12], [sflag:$0x3], $0x80, s7, s15, $0xb8;
	[tilespmem:$0x1D800] =	vst v63  }
0x1a7: {  	_ =	swait.ge [sflag:s13], $0x4000  }
0x1a8: {  	[sflag:s13] =	ssyncset.done $0x0  }
0x1a9: {  	[sflag:s13] =	ssyncadd.s32 $0xFFFFC000  }
0x1aa: {  	p0 =	sne.s32 s11, $0x480;
	_ =	swait.ge [sflag:s18], $0x4000  }
.Ltmp1:
0x1ab: {  	[sflag:s18] =	ssyncset.done $0x0;
	(pc) =	sbr.rel @p0 .LBB2_4-.Ltmp1, $4  }
0x1ac: {  	[sflag:s18] =	ssyncadd.s32 $0xFFFFC000  }
0x1ad: {  	[spmem:s2] =	stream.indirect.scatter.add.f32 [tilespmem:s16], [sflag:$0x3], $0x80, s8, s15, $0xb8;
	[tilespmem:$0x1D800] =	vst v63  }
0x1ae: {  	_ =	swait.ge [sflag:s13], $0x4000  }
0x1af: {  	s11 =	sadd.s32 $0x180, s11;
	s5 =	rddreg [dreg:$0x4];
	[sflag:s13] =	ssyncset.done $0x0  }
0x1b0: {  	[sflag:s13] =	ssyncadd.s32 $0xFFFFC000;
	s5 =	sadd.s32 s10, s5  }
0x1b1: {  	[tilespmem:s3], [sflag:$0x3] =	stream.linear.gather [hbm4b:s5+s3], $0xA00, $0x38;
	[tilespmem:$0x1D800] =	vst v63  }
0x1b2: {  	_ =	swait.ge [sflag:s13], $0xA00  }
0x1b3: {  	s11 =	rddreg [dreg:$0x3];
	[sflag:s13] =	ssyncset.done $0x0  }
0x1b4: {  	[sflag:s13] =	ssyncadd.s32 $0xFFFFF600;
	s5 =	sadd.s32 s10, s11  }
0x1b5: {  	[tilespmem:s14], [sflag:$0x3] =	stream.linear.gather [hbm4b:s5+s3], $0xA00, $0x38;
	[tilespmem:$0x1D800] =	vst v63  }
0x1b6: {  	_ =	swait.ge [sflag:s13], $0xA00  }
0x1b7: {  	[sflag:s13] =	ssyncset.done $0x0  }
0x1b8: {  	[sflag:s13] =	ssyncadd.s32 $0xFFFFF600  }
0x1b9: {  	[tilespmem:s12], [sflag:$0x1] =	stream.indirect.gather [hbm4b:s4+s15], $0x80, s3, s15, $0xb8;
	[tilespmem:$0x1D800] =	vst v63  }
0x1ba: {  	_ = 	snop  }
0x1bb: {  	[tilespmem:s16], [sflag:$0x2] =	stream.indirect.gather [hbm4b:s4+s15], $0x80, s15, s15, $0xb8;
	[tilespmem:$0x1D800] =	vst v63  }
0x1bc: {  	_ =	swait.ge [sflag:s17], $0x4000  }
0x1bd: {  	[sflag:s17] =	ssyncset.done $0x0  }
0x1be: {  	[sflag:s17] =	ssyncadd.s32 $0xFFFFC000  }
0x1bf: {  	[spmem:s2] =	stream.indirect.scatter.add.f32 [tilespmem:s12], [sflag:$0x3], $0x80, s14, s15, $0xb8;
	[tilespmem:$0x1D800] =	vst v63  }
0x1c0: {  	_ =	swait.ge [sflag:s13], $0x4000  }
0x1c1: {  	[sflag:s13] =	ssyncset.done $0x0  }
0x1c2: {  	[sflag:s13] =	ssyncadd.s32 $0xFFFFC000  }
0x1c3: {  	_ =	swait.ge [sflag:s18], $0x4000  }
0x1c4: {  	[sflag:s18] =	ssyncset.done $0x0  }
0x1c5: {  	s9 =	rddreg [dreg:$0x5];
	[sflag:s18] =	ssyncadd.s32 $0xFFFFC000  }
0x1c6: {  	[spmem:s2] =	stream.indirect.scatter.add.f32 [tilespmem:s16], [sflag:$0x3], $0x80, s9, s15, $0xb8;
	[tilespmem:$0x1D800] =	vst v63  }
0x1c7: {  	_ =	swait.ge [sflag:s13], $0x4000  }
0x1c8: {  	[sflag:s13] =	ssyncset.done $0x0  }
0x1c9: {  	s10 =	rddreg [dreg:$0x6];
	[sflag:s13] =	ssyncadd.s32 $0xFFFFC000  }
0x1ca: {  	[tilespmem:s12], [sflag:$0x1] =	stream.indirect.gather [hbm4b:s4+s15], $0x80, s10, s15, $0xb8;
	[tilespmem:$0x1D800] =	vst v63  }
0x1cb: {  	s9 =	rddreg [dreg:$0x7]  }
0x1cc: {  	[tilespmem:s16], [sflag:$0x2] =	stream.indirect.gather [hbm4b:s4+s15], $0x80, s9, s15, $0xb8;
	[tilespmem:$0x1D800] =	vst v63  }
0x1cd: {  	_ =	swait.ge [sflag:s17], $0x4000  }
0x1ce: {  	[sflag:s17] =	ssyncset.done $0x0  }
0x1cf: {  	s11 =	rddreg [dreg:$0x8];
	[sflag:s17] =	ssyncadd.s32 $0xFFFFC000  }
0x1d0: {  	[spmem:s2] =	stream.indirect.scatter.add.f32 [tilespmem:s12], [sflag:$0x3], $0x80, s11, s15, $0xb8;
	[tilespmem:$0x1D800] =	vst v63  }
0x1d1: {  	_ =	swait.ge [sflag:s13], $0x4000  }
0x1d2: {  	[sflag:s13] =	ssyncset.done $0x0  }
0x1d3: {  	[sflag:s13] =	ssyncadd.s32 $0xFFFFC000  }
0x1d4: {  	_ =	swait.ge [sflag:s18], $0x4000  }
0x1d5: {  	[sflag:s18] =	ssyncset.done $0x0  }
0x1d6: {  	s9 =	rddreg [dreg:$0x9];
	[sflag:s18] =	ssyncadd.s32 $0xFFFFC000  }
0x1d7: {  	[spmem:s2] =	stream.indirect.scatter.add.f32 [tilespmem:s16], [sflag:$0x3], $0x80, s9, s15, $0xb8;
	[tilespmem:$0x1D800] =	vst v63  }
0x1d8: {  	_ =	swait.ge [sflag:s13], $0x4000  }
0x1d9: {  	[sflag:s13] =	ssyncset.done $0x0  }
0x1da: {  	s10 =	rddreg [dreg:$0xa];
	[sflag:s13] =	ssyncadd.s32 $0xFFFFC000  }
0x1db: {  	[tilespmem:s12], [sflag:$0x1] =	stream.indirect.gather [hbm4b:s4+s15], $0x80, s10, s15, $0xb8;
	[tilespmem:$0x1D800] =	vst v63  }
0x1dc: {  	s11 =	rddreg [dreg:$0xb]  }
0x1dd: {  	[tilespmem:s16], [sflag:$0x2] =	stream.indirect.gather [hbm4b:s4+s15], $0x80, s11, s15, $0xb8;
	[tilespmem:$0x1D800] =	vst v63  }
0x1de: {  	_ =	swait.ge [sflag:s17], $0x4000  }
0x1df: {  	[sflag:s17] =	ssyncset.done $0x0  }
0x1e0: {  	s10 =	rddreg [dreg:$0xc];
	[sflag:s17] =	ssyncadd.s32 $0xFFFFC000  }
0x1e1: {  	[spmem:s2] =	stream.indirect.scatter.add.f32 [tilespmem:s12], [sflag:$0x3], $0x80, s10, s15, $0xb8;
	[tilespmem:$0x1D800] =	vst v63  }
0x1e2: {  	_ =	swait.ge [sflag:s13], $0x4000  }
0x1e3: {  	[sflag:s13] =	ssyncset.done $0x0  }
0x1e4: {  	[sflag:s13] =	ssyncadd.s32 $0xFFFFC000  }
0x1e5: {  	_ =	swait.ge [sflag:s18], $0x4000  }
0x1e6: {  	[sflag:s18] =	ssyncset.done $0x0  }
0x1e7: {  	s11 =	rddreg [dreg:$0xd];
	[sflag:s18] =	ssyncadd.s32 $0xFFFFC000  }
0x1e8: {  	[spmem:s2] =	stream.indirect.scatter.add.f32 [tilespmem:s16], [sflag:$0x3], $0x80, s11, s15, $0xb8;
	[tilespmem:$0x1D800] =	vst v63  }
0x1e9: {  	_ =	swait.ge [sflag:s13], $0x4000  }
0x1ea: {  	[sflag:s13] =	ssyncset.done $0x0  }
0x1eb: {  	s9 =	rddreg [dreg:$0xe];
	[sflag:s13] =	ssyncadd.s32 $0xFFFFC000  }
0x1ec: {  	[tilespmem:s12], [sflag:$0x1] =	stream.indirect.gather [hbm4b:s4+s15], $0x80, s9, s15, $0xb8;
	[tilespmem:$0x1D800] =	vst v63  }
0x1ed: {  	s10 =	rddreg [dreg:$0xf]  }
0x1ee: {  	[tilespmem:s16], [sflag:$0x2] =	stream.indirect.gather [hbm4b:s4+s15], $0x80, s10, s15, $0xb8;
	[tilespmem:$0x1D800] =	vst v63  }
0x1ef: {  	_ =	swait.ge [sflag:s17], $0x4000  }
0x1f0: {  	[sflag:s17] =	ssyncset.done $0x0  }
0x1f1: {  	s11 =	rddreg [dreg:$0x10];
	[sflag:s17] =	ssyncadd.s32 $0xFFFFC000  }
0x1f2: {  	[spmem:s2] =	stream.indirect.scatter.add.f32 [tilespmem:s12], [sflag:$0x3], $0x80, s11, s15, $0xb8;
	[tilespmem:$0x1D800] =	vst v63  }
0x1f3: {  	_ =	swait.ge [sflag:s13], $0x4000  }
0x1f4: {  	[sflag:s13] =	ssyncset.done $0x0  }
0x1f5: {  	[sflag:s13] =	ssyncadd.s32 $0xFFFFC000  }
0x1f6: {  	_ =	swait.ge [sflag:s18], $0x4000  }
0x1f7: {  	[sflag:s18] =	ssyncset.done $0x0  }
0x1f8: {  	s9 =	rddreg [dreg:$0x11];
	[sflag:s18] =	ssyncadd.s32 $0xFFFFC000  }
0x1f9: {  	[spmem:s2] =	stream.indirect.scatter.add.f32 [tilespmem:s16], [sflag:$0x3], $0x80, s9, s15, $0xb8;
	[tilespmem:$0x1D800] =	vst v63  }
0x1fa: {  	_ =	swait.ge [sflag:s13], $0x4000  }
0x1fb: {  	[sflag:s13] =	ssyncset.done $0x0  }
0x1fc: {  	s10 =	rddreg [dreg:$0x12];
	[sflag:s13] =	ssyncadd.s32 $0xFFFFC000  }
0x1fd: {  	[tilespmem:s12], [sflag:$0x1] =	stream.indirect.gather [hbm4b:s4+s15], $0x80, s10, s15, $0xb8;
	[tilespmem:$0x1D800] =	vst v63  }
0x1fe: {  	s11 =	rddreg [dreg:$0x13]  }
0x1ff: {  	[tilespmem:s16], [sflag:$0x2] =	stream.indirect.gather [hbm4b:s4+s15], $0x80, s11, s15, $0xb8;
	[tilespmem:$0x1D800] =	vst v63  }
0x200: {  	_ =	swait.ge [sflag:s17], $0x4000  }
0x201: {  	[sflag:s17] =	ssyncset.done $0x0  }
0x202: {  	s10 =	rddreg [dreg:$0x14];
	[sflag:s17] =	ssyncadd.s32 $0xFFFFC000  }
0x203: {  	[spmem:s2] =	stream.indirect.scatter.add.f32 [tilespmem:s12], [sflag:$0x3], $0x80, s10, s15, $0xb8;
	[tilespmem:$0x1D800] =	vst v63  }
0x204: {  	_ =	swait.ge [sflag:s13], $0x4000  }
0x205: {  	[sflag:s13] =	ssyncset.done $0x0  }
0x206: {  	[sflag:s13] =	ssyncadd.s32 $0xFFFFC000  }
0x207: {  	_ =	swait.ge [sflag:s18], $0x4000  }
0x208: {  	[sflag:s18] =	ssyncset.done $0x0  }
0x209: {  	s11 =	rddreg [dreg:$0x15];
	[sflag:s18] =	ssyncadd.s32 $0xFFFFC000  }
0x20a: {  	[spmem:s2] =	stream.indirect.scatter.add.f32 [tilespmem:s16], [sflag:$0x3], $0x80, s11, s15, $0xb8;
	[tilespmem:$0x1D800] =	vst v63  }
0x20b: {  	_ =	swait.ge [sflag:s13], $0x4000  }
0x20c: {  	[sflag:s13] =	ssyncset.done $0x0  }
0x20d: {  	s9 =	rddreg [dreg:$0x16];
	[sflag:s13] =	ssyncadd.s32 $0xFFFFC000  }
0x20e: {  	[tilespmem:s12], [sflag:$0x1] =	stream.indirect.gather [hbm4b:s4+s15], $0x80, s9, s15, $0xb8;
	[tilespmem:$0x1D800] =	vst v63  }
0x20f: {  	s10 =	rddreg [dreg:$0x17]  }
0x210: {  	[tilespmem:s16], [sflag:$0x2] =	stream.indirect.gather [hbm4b:s4+s15], $0x80, s10, s15, $0xb8;
	[tilespmem:$0x1D800] =	vst v63  }
0x211: {  	_ =	swait.ge [sflag:s17], $0x4000  }
0x212: {  	[sflag:s17] =	ssyncset.done $0x0  }
0x213: {  	s11 =	rddreg [dreg:$0x18];
	[sflag:s17] =	ssyncadd.s32 $0xFFFFC000  }
0x214: {  	[spmem:s2] =	stream.indirect.scatter.add.f32 [tilespmem:s12], [sflag:$0x3], $0x80, s11, s15, $0xb8;
	[tilespmem:$0x1D800] =	vst v63  }
0x215: {  	_ =	swait.ge [sflag:s13], $0x4000  }
0x216: {  	[sflag:s13] =	ssyncset.done $0x0  }
0x217: {  	[sflag:s13] =	ssyncadd.s32 $0xFFFFC000  }
0x218: {  	_ =	swait.ge [sflag:s18], $0x4000  }
0x219: {  	[sflag:s18] =	ssyncset.done $0x0  }
0x21a: {  	[sflag:s18] =	ssyncadd.s32 $0xFFFFC000  }
0x21b: {  	[spmem:s2] =	stream.indirect.scatter.add.f32 [tilespmem:s16], [sflag:$0x3], $0x80, s19, s15, $0xb8;
	[tilespmem:$0x1D800] =	vst v63  }
0x21c: {  	_ =	swait.ge [sflag:s13], $0x4000  }
0x21d: {  	[sflag:s13] =	ssyncset.done $0x0  }
0x21e: {  	[sflag:s13] =	ssyncadd.s32 $0xFFFFC000  }
0x21f: {  	[tilespmem:s12], [sflag:$0x1] =	stream.indirect.gather [hbm4b:s4+s15], $0x80, s20, s15, $0xb8;
	[tilespmem:$0x1D800] =	vst v63  }
0x220: {  	_ = 	snop  }
0x221: {  	[tilespmem:s16], [sflag:$0x2] =	stream.indirect.gather [hbm4b:s4+s15], $0x80, s21, s15, $0xb8;
	[tilespmem:$0x1D800] =	vst v63  }
0x222: {  	_ =	swait.ge [sflag:s17], $0x4000  }
0x223: {  	[sflag:s17] =	ssyncset.done $0x0  }
0x224: {  	[sflag:s17] =	ssyncadd.s32 $0xFFFFC000  }
0x225: {  	[spmem:s2] =	stream.indirect.scatter.add.f32 [tilespmem:s12], [sflag:$0x3], $0x80, s22, s15, $0xb8;
	[tilespmem:$0x1D800] =	vst v63  }
0x226: {  	_ =	swait.ge [sflag:s13], $0x4000  }
0x227: {  	[sflag:s13] =	ssyncset.done $0x0  }
0x228: {  	[sflag:s13] =	ssyncadd.s32 $0xFFFFC000  }
0x229: {  	_ =	swait.ge [sflag:s18], $0x4000  }
0x22a: {  	[sflag:s18] =	ssyncset.done $0x0  }
0x22b: {  	[sflag:s18] =	ssyncadd.s32 $0xFFFFC000  }
0x22c: {  	[spmem:s2] =	stream.indirect.scatter.add.f32 [tilespmem:s16], [sflag:$0x3], $0x80, s23, s15, $0xb8;
	[tilespmem:$0x1D800] =	vst v63  }
0x22d: {  	_ =	swait.ge [sflag:s13], $0x4000  }
0x22e: {  	[sflag:s13] =	ssyncset.done $0x0  }
0x22f: {  	[sflag:s13] =	ssyncadd.s32 $0xFFFFC000  }
0x230: {  	[tilespmem:s12], [sflag:$0x1] =	stream.indirect.gather [hbm4b:s4+s15], $0x80, s24, s15, $0xb8;
	[tilespmem:$0x1D800] =	vst v63  }
0x231: {  	_ = 	snop  }
0x232: {  	[tilespmem:s16], [sflag:$0x2] =	stream.indirect.gather [hbm4b:s4+s15], $0x80, s25, s15, $0xb8;
	[tilespmem:$0x1D800] =	vst v63  }
0x233: {  	_ =	swait.ge [sflag:s17], $0x4000  }
0x234: {  	[sflag:s17] =	ssyncset.done $0x0  }
0x235: {  	[sflag:s17] =	ssyncadd.s32 $0xFFFFC000  }
0x236: {  	[spmem:s2] =	stream.indirect.scatter.add.f32 [tilespmem:s12], [sflag:$0x3], $0x80, s26, s15, $0xb8;
	[tilespmem:$0x1D800] =	vst v63  }
0x237: {  	_ =	swait.ge [sflag:s13], $0x4000  }
0x238: {  	[sflag:s13] =	ssyncset.done $0x0  }
0x239: {  	[sflag:s13] =	ssyncadd.s32 $0xFFFFC000  }
0x23a: {  	_ =	swait.ge [sflag:s18], $0x4000  }
0x23b: {  	[sflag:s18] =	ssyncset.done $0x0  }
0x23c: {  	[sflag:s18] =	ssyncadd.s32 $0xFFFFC000  }
0x23d: {  	[spmem:s2] =	stream.indirect.scatter.add.f32 [tilespmem:s16], [sflag:$0x3], $0x80, s28, s15, $0xb8;
	[tilespmem:$0x1D800] =	vst v63  }
0x23e: {  	_ =	swait.ge [sflag:s13], $0x4000  }
0x23f: {  	[sflag:s13] =	ssyncset.done $0x0  }
0x240: {  	[sflag:s13] =	ssyncadd.s32 $0xFFFFC000  }
0x241: {  	[tilespmem:s12], [sflag:$0x1] =	stream.indirect.gather [hbm4b:s4+s15], $0x80, s29, s15, $0xb8;
	[tilespmem:$0x1D800] =	vst v63  }
0x242: {  	_ = 	snop  }
0x243: {  	[tilespmem:s16], [sflag:$0x2] =	stream.indirect.gather [hbm4b:s4+s15], $0x80, s30, s15, $0xb8;
	[tilespmem:$0x1D800] =	vst v63  }
0x244: {  	_ =	swait.ge [sflag:s17], $0x4000  }
0x245: {  	[sflag:s17] =	ssyncset.done $0x0  }
0x246: {  	[sflag:s17] =	ssyncadd.s32 $0xFFFFC000  }
0x247: {  	[spmem:s2] =	stream.indirect.scatter.add.f32 [tilespmem:s12], [sflag:$0x3], $0x80, s31, s15, $0xb8;
	[tilespmem:$0x1D800] =	vst v63  }
0x248: {  	_ =	swait.ge [sflag:s13], $0x4000  }
0x249: {  	[sflag:s13] =	ssyncset.done $0x0  }
0x24a: {  	[sflag:s13] =	ssyncadd.s32 $0xFFFFC000  }
0x24b: {  	_ =	swait.ge [sflag:s18], $0x4000  }
0x24c: {  	[sflag:s18] =	ssyncset.done $0x0  }
0x24d: {  	[sflag:s18] =	ssyncadd.s32 $0xFFFFC000  }
0x24e: {  	[spmem:s2] =	stream.indirect.scatter.add.f32 [tilespmem:s16], [sflag:$0x3], $0x80, s1, s15, $0xb8;
	[tilespmem:$0x1D800] =	vst v63  }
0x24f: {  	_ =	swait.ge [sflag:s13], $0x4000  }
0x250: {  	[sflag:s13] =	ssyncset.done $0x0  }
0x251: {  	[sflag:s13] =	ssyncadd.s32 $0xFFFFC000  }
0x252: {  	[tilespmem:s12], [sflag:$0x1] =	stream.indirect.gather [hbm4b:s4+s15], $0x80, s0, s15, $0xb8;
	[tilespmem:$0x1D800] =	vst v63  }
0x253: {  	_ = 	snop  }
0x254: {  	[tilespmem:s16], [sflag:$0x2] =	stream.indirect.gather [hbm4b:s4+s15], $0x80, s6, s15, $0xb8;
	[tilespmem:$0x1D800] =	vst v63  }
0x255: {  	_ =	swait.ge [sflag:s17], $0x4000  }
0x256: {  	[sflag:s17] =	ssyncset.done $0x0  }
0x257: {  	[sflag:s17] =	ssyncadd.s32 $0xFFFFC000  }
0x258: {  	[spmem:s2] =	stream.indirect.scatter.add.f32 [tilespmem:s12], [sflag:$0x3], $0x80, s7, s15, $0xb8;
	[tilespmem:$0x1D800] =	vst v63  }
0x259: {  	_ =	swait.ge [sflag:s13], $0x4000  }
0x25a: {  	[sflag:s13] =	ssyncset.done $0x0  }
0x25b: {  	[sflag:s13] =	ssyncadd.s32 $0xFFFFC000  }
0x25c: {  	_ =	swait.ge [sflag:s18], $0x4000  }
0x25d: {  	[sflag:s18] =	ssyncset.done $0x0  }
0x25e: {  	[sflag:s18] =	ssyncadd.s32 $0xFFFFC000  }
0x25f: {  	[spmem:s2] =	stream.indirect.scatter.add.f32 [tilespmem:s16], [sflag:$0x3], $0x80, s8, s15, $0xb8;
	[tilespmem:$0x1D800] =	vst v63  }
0x260: {  	_ =	swait.ge [sflag:s13], $0x4000  }
0x261: {  	[sflag:s13] =	ssyncset.done $0x0  }
0x262: {  	[sflag:s13] =	ssyncadd.s32 $0xFFFFC000  }
0x263: {  	s9 =	stileid.u32;
	[bflag:$0x0] =	sbarrier.arrive $0xFFFF  }
0x264: {  	s5 =	sshll.u32 s9, $0x6;
	s10 =	rddreg [dreg:$0x19]  }
0x265: {  	s5 =	sor.u32 $0x1C03, s5;
	s11 =	rddreg [dreg:$0x1a];
	s9 =	sshrl.u32 s10, $0x3  }
0x266: {  	[hbm:s11], [sflag:s5] =	dma.local [spmem:s9], $0x2800  }
0x267: {  	_ =	swait.ge [sflag:s13], $0x2800  }
0x268: {  	s10 =	sld [smem:$0x7FD];
	_ =	sdelay $0x2  }
0x269: {  	s11 =	rddreg [dreg:$0x1b];
	s9 =	sadd.s32 $0x1, s10  }
0x26a: {  	p0 =	sne.s32 s9, s11  }
.Ltmp2:
0x26b: {  	_ = 	snop;
	(pc) =	sbr.rel @p0 .LBB2_1-.Ltmp2, $3  }
0x26c: {  	_ =	sdelay $0x1  }
0x26d: {  	[sflag:s13] =	ssyncset.done $0x0  }
0x26e: {  	[sflag:s13] =	ssyncadd.s32 $0xFFFFD800  }
0x26f: {  	_ =	sfence.sel $0x180000  }
0x270: {  	[bflag:$0x0] =	sbarrier.arrive $0xFFFF  }
0x271: {  	_ =	strace $0x9000004D  }
0x272: {  	s0 =	stileid.u32;
	[bflag:$0x2] =	sbarrier.arrive $0xFFFF  }
0x273: {  	p0 =	sne.s32 s0, $0x0;
	s0 =	rddreg [dreg:$0x2]  }
0x274: {  	s0 =	sadd.s32 @!p0 $0x100000, s0  }
0x275: {  	[sflag:s0] =	ssyncadd.tile.s32 @!p0 $0x1;
	_ =	shalt  }
.Lfunc_end2:
_tile_overlayer_lowered:
.L_overlay_start_2:
0x276: {  	(tag) =	ssettag $0x2  }
0x277: {  	s0 =	rddreg [dreg:$0x0];
	s2 =	stileid.u32  }
0x278: {  	s1 =	rddreg [dreg:$0x1];
	p0 =	sne.s32 s2, $0x0  }
0x279: {  	s3 =	rddreg [dreg:$0x2];
	[bflag:$0x3] =	sbarrier.arrive $0xFFFF;
	s2 =	simm.s32 @!p0 $0x1C03  }
0x27a: {  	[timem:s3], [sflag:s2] =	dma.local @!p0 [hbm:s0], s1  }
0x27b: {  	s0 =	simm.s32 @!p0 $0x3  }
0x27c: {  	_ =	swait.ge @!p0 [sflag:s0], s1  }
0x27d: {  	s1 =	ssub.s32 @!p0 $0x0, s1;
	[sflag:s0] =	ssyncset.done @!p0 $0x0  }
0x27e: {  	[sflag:s0] =	ssyncadd.s32 @!p0 s1  }
0x27f: {  	[bflag:$0x3] =	sbarrier.arrive $0xFFFF  }
0x280: {  	_ =	shalt  }

// kernel: kernel.21.cloned.1.call-start
scs
__scs_entry_jumppad:
0x0: {  	(pc) =	sbr.rel $0x88, $3  }
0x1: {  	(tag) =	ssettag $0x0;
	lr =	simm.s32 $0x1  }
0x2: {  	[smem:$0x3F95] =	sst lr;
	_ =	strace $0xD0000000  }
0x3: {  	_ = 	snop  }
0x4: {  	_ = 	snop  }
0x5: {  	_ = 	snop  }
0x6: {  	_ = 	snop  }
0x7: {  	_ = 	snop  }
__scs_overlays_trampoline_lowered:
0x8: {  	[smem:$0x3FA4] =	sst s0  }
0x9: {  	[smem:$0x3FA5] =	sst s1  }
0xa: {  	[smem:$0x3FA6] =	sst s2  }
0xb: {  	[smem:$0x3FA7] =	sst s3  }
0xc: {  	[smem:$0x3FA8] =	sst s4  }
0xd: {  	[smem:$0x3FA9] =	sst s5  }
0xe: {  	[smem:$0x3FAA] =	sst s6  }
0xf: {  	[smem:$0x3FAB] =	sst s7  }
0x10: {  	[smem:$0x3FAC] =	sst s8  }
0x11: {  	[smem:$0x3FAD] =	sst s9;
	s0 =	simm.s32 @!p0 $0x0  }
0x12: {  	s1 =	sld [smem:$0x3F93];
	s0 =	simm.s32 @p0 $0x1  }
0x13: {  	[smem:$0x3FAE] =	sst s0;
	s0 =	simm.s32 @!p1 $0x0  }
0x14: {  	s2 =	sld [smem:$0x3F92];
	s0 =	simm.s32 @p1 $0x1  }
0x15: {  	[smem:$0x3FAF] =	sst s0;
	s0 =	simm.s32 @!p2 $0x0  }
0x16: {  	s3 =	sld [smem:$0x3FDB];
	s0 =	simm.s32 @p2 $0x1  }
0x17: {  	s4 =	simm.s32 $0x1BF5;
	[smem:$0x3FB1] =	sst s0  }
0x18: {  	s0 =	sld [smem:$0x3F94];
	_ =	swait.ge [sflag:s4], $0x0  }
0x19: {  	s7 =	sld [smem:$0x3F95]  }
0x1a: {  	s8 =	sadd.s32 $0xFFFFE003, lr  }
0x1b: {  	s9 =	sadd.s32 $0xFFFFFEF7, lr;
	s5 =	simm.s32 $0xFFFFFFFF;
	p2 =	slt.u32 s8, $0xFFFFF086  }
0x1c: {  	p1 =	slt.u32 s9, $0xF7A;
	s5 =	simm.s32 @!p2 $0x0  }
0x1d: {  	s5 =	simm.s32 @p1 $0x1;
	p0 =	seq.s32 s7, s2  }
0x1e: {  	s7 =	smul.u32 @!p0 $0xF7A, s2;
	p2 =	seq.s32 @!p0 s5, $0x0  }
0x1f: {  	s9 =	smul.u32 $0xF7A, s1;
	s8 =	simm.s32 @!p0 $0x1BF5;
	p2 =	por !p2, p0  }
0x20: {  	[sflag:s8] =	ssyncset.s32 @!p0 $0xFFFFF086;
	s6 =	sadd.s32 @!p0 s3, s7;
	s7 =	simm.s32 @!p0 $0x108  }
0x21: {  	s3 =	sadd.s32 s3, s9;
	s6 =	sadd.s32 @!p0 $0x88, s6;
	s7 =	simm.s32 @p2 $0x1082  }
0x22: {  	[simem:s7], [sflag:s8] =	dma.local @!p0 [hbm:s6], $0xF7A  }
0x23: {  	s9 =	sor.u32 $0xD0000000, s2;
	s6 =	simm.s32 $0x108;
	_ =	swait.ge @!p0 [sflag:s8], $0x0  }
0x24: {  	s3 =	sadd.s32 $0x88, s3;
	s6 =	simm.s32 @!p1 $0x1082;
	[sflag:s4] =	ssyncset.s32 $0xFFFFF086  }
0x25: {  	[simem:s6], [sflag:s4] =	dma.local [hbm:s3], $0xF7A  }
0x26: {  	[smem:$0x3F95] =	sst s1;
	(tag) =	ssettag s2;
	_ =	strace s9  }
0x27: {  	s1 =	sld [smem:$0x3FA5]  }
0x28: {  	s2 =	sld [smem:$0x3FA6]  }
0x29: {  	s4 =	sld [smem:$0x3FA8]  }
0x2a: {  	p0 =	seq.s32 s5, $0x0;
	s5 =	sld [smem:$0x3FA9]  }
0x2b: {  	s6 =	sld [smem:$0x3FAA]  }
0x2c: {  	s7 =	sld [smem:$0x3FAB]  }
0x2d: {  	s3 =	simm.s32 $0x108;
	s8 =	sld [smem:$0x3FAC]  }
0x2e: {  	s3 =	simm.s32 @!p0 $0x1082;
	s9 =	sld [smem:$0x3FAD]  }
0x2f: {  	lr =	sadd.s32 s0, s3;
	s0 =	sld [smem:$0x3FA4]  }
0x30: {  	s3 =	sld [smem:$0x3FA7]  }
0x31: {  	[smem:$0x3FB0] =	sst s10  }
0x32: {  	s10 =	sld [smem:$0x3FAE];
	_ =	sdelay $0x3  }
0x33: {  	p0 =	seq.s32 s10, $0x1;
	s10 =	sld [smem:$0x3FB0];
	_ =	sdelay $0x3  }
0x34: {  	[smem:$0x3FB0] =	sst s10  }
0x35: {  	s10 =	sld [smem:$0x3FAF];
	_ =	sdelay $0x3  }
0x36: {  	p1 =	seq.s32 s10, $0x1;
	s10 =	sld [smem:$0x3FB0];
	_ =	sdelay $0x3  }
0x37: {  	[smem:$0x3FB0] =	sst s10  }
0x38: {  	s10 =	sld [smem:$0x3FB1]  }
0x39: {  	_ = 	snop;
	(pc) =	sbr.ind lr, $3  }
0x3a: {  	_ = 	snop  }
0x3b: {  	_ = 	snop  }
0x3c: {  	p2 =	seq.s32 s10, $0x1;
	s10 =	sld [smem:$0x3FB0]  }
0x3d: {  	_ =	shalt  }
0x3e: {  	_ =	shalt  }
0x3f: {  	_ =	shalt  }
0x40: {  	_ =	shalt  }
0x41: {  	_ =	shalt  }
0x42: {  	_ =	shalt  }
0x43: {  	_ =	shalt  }
0x44: {  	_ =	shalt  }
0x45: {  	_ =	shalt  }
0x46: {  	_ =	shalt  }
0x47: {  	_ =	shalt  }
0x48: {  	_ =	shalt  }
0x49: {  	_ =	shalt  }
0x4a: {  	_ =	shalt  }
0x4b: {  	_ =	shalt  }
0x4c: {  	_ =	shalt  }
0x4d: {  	_ =	shalt  }
0x4e: {  	_ =	shalt  }
0x4f: {  	_ =	shalt  }
0x50: {  	_ =	shalt  }
0x51: {  	_ =	shalt  }
0x52: {  	_ =	shalt  }
0x53: {  	_ =	shalt  }
0x54: {  	_ =	shalt  }
0x55: {  	_ =	shalt  }
0x56: {  	_ =	shalt  }
0x57: {  	_ =	shalt  }
0x58: {  	_ =	shalt  }
0x59: {  	_ =	shalt  }
0x5a: {  	_ =	shalt  }
0x5b: {  	_ =	shalt  }
0x5c: {  	_ =	shalt  }
0x5d: {  	_ =	shalt  }
0x5e: {  	_ =	shalt  }
0x5f: {  	_ =	shalt  }
0x60: {  	_ =	shalt  }
0x61: {  	_ =	shalt  }
0x62: {  	_ =	shalt  }
0x63: {  	_ =	shalt  }
0x64: {  	_ =	shalt  }
0x65: {  	_ =	shalt  }
0x66: {  	_ =	shalt  }
0x67: {  	_ =	shalt  }
0x68: {  	_ =	shalt  }
0x69: {  	_ =	shalt  }
0x6a: {  	_ =	shalt  }
0x6b: {  	_ =	shalt  }
0x6c: {  	_ =	shalt  }
0x6d: {  	_ =	shalt  }
0x6e: {  	_ =	shalt  }
0x6f: {  	_ =	shalt  }
0x70: {  	_ =	shalt  }
0x71: {  	_ =	shalt  }
0x72: {  	_ =	shalt  }
0x73: {  	_ =	shalt  }
0x74: {  	_ =	shalt  }
0x75: {  	_ =	shalt  }
0x76: {  	_ =	shalt  }
0x77: {  	_ =	shalt  }
0x78: {  	_ =	shalt  }
0x79: {  	_ =	shalt  }
0x7a: {  	_ =	shalt  }
0x7b: {  	_ =	shalt  }
0x7c: {  	_ =	shalt  }
0x7d: {  	_ =	shalt  }
0x7e: {  	_ =	shalt  }
0x7f: {  	_ =	shalt  }
0x80: {  	_ =	shalt  }
0x81: {  	_ =	shalt  }
0x82: {  	_ =	shalt  }
0x83: {  	_ =	shalt  }
0x84: {  	_ =	shalt  }
0x85: {  	_ =	shalt  }
0x86: {  	_ =	shalt  }
0x87: {  	_ =	shalt  }
.Lfunc_end0:
.L_simem_size_0:
called_computation.3_lowered:
.L_overlay_start_0:
0x88: {  	s2 =	sld [smem:$0x3FD9]  }
0x89: {  	s3 =	sld [smem:$0x3FFE];
	_ =	sdelay $0x1  }
0x8a: {  	s1 =	srdreg.scid  }
0x8b: {  	s0 =	sand.u32 $0x1, s1  }
0x8c: {  	s16 =	sshll.u32 s0, $0xA;
	s2 =	sadd.s32 s3, s2  }
0x8d: {  	s2 =	sadd.s32 s2, s16  }
0x8e: {  	[smem:$0x3FBC] =	sst s2  }
0x8f: {  	_ = 	snop  }
0x90: {  	(tm) =	ssettm $0x1  }
0x91: {  	s17 =	sld [smem:$0x3FFB];
	_ =	sdelay $0x3  }
0x92: {  	_ =	strace s17  }
0x93: {  	s2 =	sld [smem:$0x3FFC];
	_ =	sdelay $0x3  }
0x94: {  	_ =	strace s2  }
0x95: {  	s2 =	sld [smem:$0x3FFD];
	_ =	sdelay $0x3  }
0x96: {  	_ =	strace s2  }
0x97: {  	_ =	strace $0x8FFFFFFF  }
0x98: {  	s18 =	sld [smem:$0x3FDB];
	_ =	sdelay $0x1  }
0x99: {  	s19 =	simm.s32 $_scs_section_size  }
0x9a: {  	s4 =	simm.s32 $_size__tile_overlayer_lowered;
	s5 =	simm.s32 $_tile_overlayer_lowered  }
0x9b: {  	s22 =	simm.s32 $0x1BFF;
	s21 =	sshll.u32 s5, $0x1;
	s2 =	sadd.s32 s19, s18  }
0x9c: {  	s6 =	simm.s32 $0x0;
	s20 =	sshll.u32 s4, $0x1;
	s4 =	sadd.s32 s21, s2  }
0x9d: {  	[timem:s6], [sflag:s22] =	dma.local [hbm:s4], s20  }
0x9e: {  	_ =	swait.ge [sflag:s22], s20  }
0x9f: {  	s3 =	ssub.s32 $0x0, s20;
	[sflag:s22] =	ssyncset.done $0x0  }
0xa0: {  	[sflag:s22] =	ssyncadd.s32 s3;
	_ =	sdelay $0x1  }
0xa1: {  	s23 =	simm.s32 $0x1B8B  }
0xa2: {  	_ =	swait.ge [sflag:s23], $0x1  }
0xa3: {  	[sflag:s23] =	ssyncset.done $0x0  }
0xa4: {  	s25 =	simm.s32 $0x1B8E;
	s24 =	sld [smem:$0x3FFE];
	[sflag:s23] =	ssyncadd.s32 $0xFFFFFFFF  }
0xa5: {  	s26 =	simm.s32 $execute0_lowered;
	[smem:$0x3FD2] =	sst s25  }
0xa6: {  	s4 =	sshll.u32 s26, $0x1;
	_ =	strace $0x8000004F;
	[dreg:$0x1] =	wrdreg $0xFFFFFFFF  }
0xa7: {  	s28 =	simm.s32 $_size_execute0_lowered;
	s2 =	sadd.s32 s2, s4;
	[dreg:$0x0] =	wrdreg $0x0  }
0xa8: {  	s4 =	sshll.u32 s28, $0x1;
	[dreg:$0x2] =	wrdreg s2  }
0xa9: {  	[dreg:$0x3] =	wrdreg s4  }
0xaa: {  	[dreg:$0x4] =	wrdreg $0xC0  }
0xab: {  	_ =	task [dreg:s6], $0x5FFFF  }
0xac: {  	[dreg:$0x1] =	wrdreg $0xFFFFFFFF  }
0xad: {  	[dreg:$0x0] =	wrdreg $0x60  }
0xae: {  	[dreg:$0x2] =	wrdreg s24  }
0xaf: {  	[dreg:$0x3] =	wrdreg $0x98000  }
0xb0: {  	[dreg:$0x4] =	wrdreg $0x9  }
0xb1: {  	_ =	task.clear_ibuf [dreg:s6], $0x5FFFF;
	_ =	strace $0x9000004F  }
0xb2: {  	s29 =	simm.s32 $0x9;
	_ =	strace $0x80000051  }
0xb3: {  	_ =	swait.ge [sflag:s29], $0x1  }
0xb4: {  	[sflag:s29] =	ssyncadd.s32 $0xFFFFFFFF  }
0xb5: {  	_ =	strace $0x90000051  }
0xb6: {  	_ =	sfence  }
0xb7: {  	s30 =	sld [smem:$0x0];
	_ =	sdelay $0x2  }
0xb8: {  	s31 =	sshll.u32 s1, $0xD;
	s1 =	sshrl.u32 s1, $0x2  }
0xb9: {  	s3 =	sand.u32 $0x4000, s31;
	s1 =	sadd.s32 s1, s30  }
0xba: {  	s0 =	sor.u32 s3, s0;
	s1 =	sshll.u32 s1, $0x11  }
0xbb: {  	s0 =	sor.u32 s1, s0  }
0xbc: {  	s0 =	sadd.s32 $0x8F2B, s0  }
0xbd: {  	[sflag:s0] =	ssyncadd.remote.s32 $0x1  }
0xbe: {  	_ =	sfence.sel $0xFFFF  }
0xbf: {  	[dreg:$0x0] =	wrdreg $0xFFFFFFFF;
	(pc) =	sbr.abs _section_cstart, $3  }
0xc0: {  	[dreg:$0x1] =	wrdreg $0xFFFFFFFF  }
0xc1: {  	_ =	task.clear_ibuf [dreg:s6], $0x2FFFF;
	_ =	strace $0x9FFFFFFF  }
0xc2: {  	(tm) =	ssettm $0x7FFFFFFF  }
0xc3: {  	_ =	shalt  }
tec
execute0_lowered:
.L_overlay_start_1:
0x0: {  	(tag) =	ssettag $0x1  }
0x1: {  	s0 =	srdreg.scid;
	s9 =	stileid.u32  }
0x2: {  	s5 =	rddreg [dreg:$0x0];
	s0 =	sand.u32 $0x1, s0;
	s3 =	smul.u32 $0x3000, s9  }
0x3: {  	s2 =	rddreg [dreg:$0x1];
	s19 =	simm.s32 $0xC80;
	s1 =	smul.u32 $0x30000, s0  }
0x4: {  	s20 =	simm.s32 $0x100;
	s21 =	simm.s32 $0x180;
	s22 =	simm.s32 $0xD00  }
0x5: {  	s24 =	simm.s32 $0xD80;
	s1 =	sadd.s32 s3, s1;
	s3 =	simm.s32 $0x0  }
0x6: {  	s26 =	simm.s32 $0x200;
	s10 =	simm.s32 $0xE00;
	[smem:$0x7FF] =	sst s3  }
0x7: {  	s11 =	simm.s32 $0xE80;
	_ =	strace $0x80000050;
	[dreg:$0x5] =	wrdreg s19  }
0x8: {  	s12 =	simm.s32 $0x300;
	s13 =	simm.s32 $0x380;
	[dreg:$0x6] =	wrdreg s20  }
0x9: {  	s15 =	simm.s32 $0xF00;
	s17 =	simm.s32 $0xF80;
	[dreg:$0x7] =	wrdreg s21  }
0xa: {  	s28 =	simm.s32 $0x1380;
	s29 =	simm.s32 $0x800;
	[dreg:$0x8] =	wrdreg s22  }
0xb: {  	s6 =	smul.u32 $0x140000, s0;
	s0 =	ssub.s32 $0x2, s0;
	[dreg:$0x9] =	wrdreg s24  }
0xc: {  	s30 =	simm.s32 $0x880;
	s23 =	sshrl.u32 s0, $0x1;
	[dreg:$0xa] =	wrdreg s26  }
0xd: {  	s31 =	simm.s32 $0x1400;
	s0 =	ssub.s32 s0, s23;
	[dreg:$0xc] =	wrdreg s10  }
0xe: {  	s25 =	smul.u32 $0x50000, s9;
	s0 =	smax.u32 s0, $0x1;
	[dreg:$0xd] =	wrdreg s11  }
0xf: {  	s7 =	smul.u32 $0x14000, s9;
	s4 =	sadd.s32 $0x4000, s5;
	[dreg:$0x1b] =	wrdreg s0  }
0x10: {  	s9 =	sshrl.u32 s25, $0x2;
	s25 =	simm.s32 $0x580;
	[dreg:$0xe] =	wrdreg s12  }
0x11: {  	s6 =	sadd.s32 s7, s6;
	s23 =	simm.s32 $0x1080;
	[dreg:$0xf] =	wrdreg s13  }
0x12: {  	s7 =	simm.s32 $0x1500;
	s1 =	sshrl.u32 s1, $0x3;
	[dreg:$0x10] =	wrdreg s15  }
0x13: {  	s6 =	sshrl.u32 s6, $0x3;
	s1 =	sadd.s32 s1, s5;
	[dreg:$0x11] =	wrdreg s17  }
0x14: {  	s5 =	sadd.s32 s6, s5;
	s6 =	sadd.s32 s9, s2;
	[dreg:$0x15] =	wrdreg s23  }
0x15: {  	s19 =	simm.s32 $0x400;
	s21 =	simm.s32 $0x480;
	[dreg:$0x17] =	wrdreg s25  }
0x16: {  	s12 =	simm.s32 $0x1800;
	s22 =	simm.s32 $0x1000;
	[dreg:$0x19] =	wrdreg s6  }
0x17: {  	s13 =	simm.s32 $0x3;
	s24 =	simm.s32 $0x500;
	[dreg:$0x12] =	wrdreg s19  }
0x18: {  	s15 =	simm.s32 $0x80;
	s26 =	simm.s32 $0x1100;
	[dreg:$0x13] =	wrdreg s21  }
0x19: {  	s17 =	simm.s32 $0x1;
	s23 =	simm.s32 $0x1280;
	[dreg:$0x14] =	wrdreg s22  }
0x1a: {  	s25 =	simm.s32 $0x780;
	s0 =	simm.s32 $0x900;
	[dreg:$0x16] =	wrdreg s24  }
0x1b: {  	s9 =	simm.s32 $0x0;
	s8 =	sadd.s32 $0x5E000, s1;
	[dreg:$0x18] =	wrdreg s26  }
0x1c: {  	s1 =	sadd.s32 $0x6A000, s1;
	s5 =	sadd.s32 $0x76000, s5;
	[dreg:$0x3] =	wrdreg s8  }
0x1d: {  	s14 =	sadd.s32 $0x4000, s6;
	s16 =	sadd.s32 $0x8000, s6;
	[dreg:$0x4] =	wrdreg s1  }
0x1e: {  	s18 =	sadd.s32 $0xC000, s6;
	s20 =	sadd.s32 $0x10000, s6;
	[dreg:$0x1a] =	wrdreg s5  }
0x1f: {  	s19 =	simm.s32 $0x1180;
	s21 =	simm.s32 $0x680;
	[dreg:$0x1c] =	wrdreg s14  }
0x20: {  	s22 =	simm.s32 $0x1200;
	s24 =	simm.s32 $0x700;
	[dreg:$0x1d] =	wrdreg s16  }
0x21: {  	s26 =	simm.s32 $0x1300;
	s6 =	simm.s32 $0x980;
	[dreg:$0x1e] =	wrdreg s18  }
0x22: {  	s8 =	simm.s32 $0x280;
	[dreg:$0x1f] =	wrdreg s20;
	s14 =	simm.s32 $0xC00  }
0x23: {  	s16 =	simm.s32 $0x5800;
	s18 =	simm.s32 $0x2;
	s20 =	simm.s32 $0x600  }
0x24: {  	v0 =	vimm.f32 $0.0e+00;
	s1 =	simm.s32 $0x1480;
	[dreg:$0xb] =	wrdreg s8;
	s8 =	simm.s32 $0x1580  }
.LBB2_1:
0x25: {  	s10 =	simm.s32 $0x0;
	s11 =	simm.s32 $0x200  }
.LBB2_2:
0x26: {  	p0 =	sne.s32 s11, $0xFE00;
	[tilespmem:s10+$0x1870] =	vst v0  }
0x27: {  	[tilespmem:s10+$0x1800] =	vst v0  }
0x28: {  	[tilespmem:s10+$0x1810] =	vst v0  }
.Ltmp0:
0x29: {  	[tilespmem:s10+$0x1820] =	vst v0;
	(pc) =	sbr.rel @p0 .LBB2_2-.Ltmp0, $4  }
0x2a: {  	[tilespmem:s10+$0x1830] =	vst v0  }
0x2b: {  	[tilespmem:s10+$0x1840] =	vst v0  }
0x2c: {  	[tilespmem:s10+$0x1850] =	vst v0  }
0x2d: {  	[tilespmem:s10+$0x1860] =	vst v0;
	s10 =	sshra.s32 s11, $0x2;
	s11 =	sadd.s32 $0x200, s11  }
0x2e: {  	[tilespmem:s10+$0x1870] =	vst v0  }
0x2f: {  	[tilespmem:s10+$0x1800] =	vst v0  }
0x30: {  	[tilespmem:s10+$0x1810] =	vst v0  }
0x31: {  	[tilespmem:s10+$0x1820] =	vst v0  }
0x32: {  	[tilespmem:s10+$0x1830] =	vst v0  }
0x33: {  	[tilespmem:s10+$0x1840] =	vst v0  }
0x34: {  	[smem:$0x7FD] =	sst s9;
	[tilespmem:s10+$0x1850] =	vst v0  }
0x35: {  	[tilespmem:s10+$0x1860] =	vst v0;
	s5 =	rddreg [dreg:$0x19]  }
0x36: {  	[spmem:s5] =	stream.linear.scatter [tilespmem:s12], [sflag:$0x3], $0x4000, $0x38;
	[tilespmem:$0x1D800] =	vst v63  }
0x37: {  	_ =	swait.ge [sflag:s13], $0x4000  }
0x38: {  	[sflag:s13] =	ssyncset.done $0x0  }
0x39: {  	s10 =	rddreg [dreg:$0x1c];
	[sflag:s13] =	ssyncadd.s32 $0xFFFFC000  }
0x3a: {  	[spmem:s10] =	stream.linear.scatter [tilespmem:s12], [sflag:$0x3], $0x4000, $0x38;
	[tilespmem:$0x1D800] =	vst v63  }
0x3b: {  	_ =	swait.ge [sflag:s13], $0x4000  }
0x3c: {  	[sflag:s13] =	ssyncset.done $0x0  }
0x3d: {  	s11 =	rddreg [dreg:$0x1d];
	[sflag:s13] =	ssyncadd.s32 $0xFFFFC000  }
0x3e: {  	[spmem:s11] =	stream.linear.scatter [tilespmem:s12], [sflag:$0x3], $0x4000, $0x38;
	[tilespmem:$0x1D800] =	vst v63  }
0x3f: {  	_ =	swait.ge [sflag:s13], $0x4000  }
0x40: {  	[sflag:s13] =	ssyncset.done $0x0  }
0x41: {  	s9 =	rddreg [dreg:$0x1e];
	[sflag:s13] =	ssyncadd.s32 $0xFFFFC000  }
0x42: {  	[spmem:s9] =	stream.linear.scatter [tilespmem:s12], [sflag:$0x3], $0x4000, $0x38;
	[tilespmem:$0x1D800] =	vst v63  }
0x43: {  	_ =	swait.ge [sflag:s13], $0x4000  }
0x44: {  	[sflag:s13] =	ssyncset.done $0x0  }
0x45: {  	s10 =	rddreg [dreg:$0x1f];
	[sflag:s13] =	ssyncadd.s32 $0xFFFFC000  }
0x46: {  	[spmem:s10] =	stream.linear.scatter [tilespmem:s12], [sflag:$0x3], $0x4000, $0x38;
	[tilespmem:$0x1D800] =	vst v63  }
0x47: {  	_ =	swait.ge [sflag:s13], $0x4000  }
0x48: {  	[sflag:s13] =	ssyncset.done $0x0  }
0x49: {  	[sflag:s13] =	ssyncadd.s32 $0xFFFFC000  }
0x4a: {  	[bflag:$0x0] =	sbarrier.arrive $0xFFFF  }
0x4b: {  	s11 =	rddreg [dreg:$0x4]  }
0x4c: {  	s5 =	sadd.s32 $0x0, s11  }
0x4d: {  	[tilespmem:s3], [sflag:$0x3] =	stream.linear.gather [hbm4b:s5+s3], $0xA00, $0x38;
	[tilespmem:$0x1D800] =	vst v63  }
0x4e: {  	_ =	swait.ge [sflag:s13], $0xA00  }
0x4f: {  	s9 =	rddreg [dreg:$0x3];
	[sflag:s13] =	ssyncset.done $0x0  }
0x50: {  	[sflag:s13] =	ssyncadd.s32 $0xFFFFF600;
	s5 =	sadd.s32 $0x0, s9  }
0x51: {  	[tilespmem:s14], [sflag:$0x3] =	stream.linear.gather [hbm4b:s5+s3], $0xA00, $0x38;
	[tilespmem:$0x1D800] =	vst v63  }
0x52: {  	_ =	swait.ge [sflag:s13], $0xA00  }
0x53: {  	[sflag:s13] =	ssyncset.done $0x0  }
0x54: {  	[sflag:s13] =	ssyncadd.s32 $0xFFFFF600  }
0x55: {  	[tilespmem:s12], [sflag:$0x1] =	stream.indirect.gather [hbm4b:s4+s15], $0x80, s3, s15, $0xb8;
	[tilespmem:$0x1D800] =	vst v63  }
0x56: {  	_ = 	snop  }
0x57: {  	[tilespmem:s16], [sflag:$0x2] =	stream.indirect.gather [hbm4b:s4+s15], $0x80, s15, s15, $0xb8;
	[tilespmem:$0x1D800] =	vst v63  }
0x58: {  	_ =	swait.ge [sflag:s17], $0x4000  }
0x59: {  	[sflag:s17] =	ssyncset.done $0x0  }
0x5a: {  	[sflag:s17] =	ssyncadd.s32 $0xFFFFC000  }
0x5b: {  	[spmem:s2] =	stream.indirect.scatter.add.f32 [tilespmem:s12], [sflag:$0x3], $0x80, s14, s15, $0xb8;
	[tilespmem:$0x1D800] =	vst v63  }
0x5c: {  	_ =	swait.ge [sflag:s13], $0x4000  }
0x5d: {  	[sflag:s13] =	ssyncset.done $0x0  }
0x5e: {  	[sflag:s13] =	ssyncadd.s32 $0xFFFFC000  }
0x5f: {  	_ =	swait.ge [sflag:s18], $0x4000  }
0x60: {  	[sflag:s18] =	ssyncset.done $0x0  }
0x61: {  	s10 =	rddreg [dreg:$0x5];
	[sflag:s18] =	ssyncadd.s32 $0xFFFFC000  }
0x62: {  	[spmem:s2] =	stream.indirect.scatter.add.f32 [tilespmem:s16], [sflag:$0x3], $0x80, s10, s15, $0xb8;
	[tilespmem:$0x1D800] =	vst v63  }
0x63: {  	_ =	swait.ge [sflag:s13], $0x4000  }
0x64: {  	[sflag:s13] =	ssyncset.done $0x0  }
0x65: {  	s11 =	rddreg [dreg:$0x6];
	[sflag:s13] =	ssyncadd.s32 $0xFFFFC000  }
0x66: {  	[tilespmem:s12], [sflag:$0x1] =	stream.indirect.gather [hbm4b:s4+s15], $0x80, s11, s15, $0xb8;
	[tilespmem:$0x1D800] =	vst v63  }
0x67: {  	s9 =	rddreg [dreg:$0x7]  }
0x68: {  	[tilespmem:s16], [sflag:$0x2] =	stream.indirect.gather [hbm4b:s4+s15], $0x80, s9, s15, $0xb8;
	[tilespmem:$0x1D800] =	vst v63  }
0x69: {  	_ =	swait.ge [sflag:s17], $0x4000  }
0x6a: {  	[sflag:s17] =	ssyncset.done $0x0  }
0x6b: {  	s11 =	rddreg [dreg:$0x8];
	[sflag:s17] =	ssyncadd.s32 $0xFFFFC000  }
0x6c: {  	[spmem:s2] =	stream.indirect.scatter.add.f32 [tilespmem:s12], [sflag:$0x3], $0x80, s11, s15, $0xb8;
	[tilespmem:$0x1D800] =	vst v63  }
0x6d: {  	_ =	swait.ge [sflag:s13], $0x4000  }
0x6e: {  	[sflag:s13] =	ssyncset.done $0x0  }
0x6f: {  	[sflag:s13] =	ssyncadd.s32 $0xFFFFC000  }
0x70: {  	_ =	swait.ge [sflag:s18], $0x4000  }
0x71: {  	[sflag:s18] =	ssyncset.done $0x0  }
0x72: {  	s9 =	rddreg [dreg:$0x9];
	[sflag:s18] =	ssyncadd.s32 $0xFFFFC000  }
0x73: {  	[spmem:s2] =	stream.indirect.scatter.add.f32 [tilespmem:s16], [sflag:$0x3], $0x80, s9, s15, $0xb8;
	[tilespmem:$0x1D800] =	vst v63  }
0x74: {  	_ =	swait.ge [sflag:s13], $0x4000  }
0x75: {  	[sflag:s13] =	ssyncset.done $0x0  }
0x76: {  	s10 =	rddreg [dreg:$0xa];
	[sflag:s13] =	ssyncadd.s32 $0xFFFFC000  }
0x77: {  	[tilespmem:s12], [sflag:$0x1] =	stream.indirect.gather [hbm4b:s4+s15], $0x80, s10, s15, $0xb8;
	[tilespmem:$0x1D800] =	vst v63  }
0x78: {  	s11 =	rddreg [dreg:$0xb]  }
0x79: {  	[tilespmem:s16], [sflag:$0x2] =	stream.indirect.gather [hbm4b:s4+s15], $0x80, s11, s15, $0xb8;
	[tilespmem:$0x1D800] =	vst v63  }
0x7a: {  	_ =	swait.ge [sflag:s17], $0x4000  }
0x7b: {  	[sflag:s17] =	ssyncset.done $0x0  }
0x7c: {  	s9 =	rddreg [dreg:$0xc];
	[sflag:s17] =	ssyncadd.s32 $0xFFFFC000  }
0x7d: {  	[spmem:s2] =	stream.indirect.scatter.add.f32 [tilespmem:s12], [sflag:$0x3], $0x80, s9, s15, $0xb8;
	[tilespmem:$0x1D800] =	vst v63  }
0x7e: {  	_ =	swait.ge [sflag:s13], $0x4000  }
0x7f: {  	[sflag:s13] =	ssyncset.done $0x0  }
0x80: {  	[sflag:s13] =	ssyncadd.s32 $0xFFFFC000  }
0x81: {  	_ =	swait.ge [sflag:s18], $0x4000  }
0x82: {  	[sflag:s18] =	ssyncset.done $0x0  }
0x83: {  	s10 =	rddreg [dreg:$0xd];
	[sflag:s18] =	ssyncadd.s32 $0xFFFFC000  }
0x84: {  	[spmem:s2] =	stream.indirect.scatter.add.f32 [tilespmem:s16], [sflag:$0x3], $0x80, s10, s15, $0xb8;
	[tilespmem:$0x1D800] =	vst v63  }
0x85: {  	_ =	swait.ge [sflag:s13], $0x4000  }
0x86: {  	[sflag:s13] =	ssyncset.done $0x0  }
0x87: {  	s11 =	rddreg [dreg:$0xe];
	[sflag:s13] =	ssyncadd.s32 $0xFFFFC000  }
0x88: {  	[tilespmem:s12], [sflag:$0x1] =	stream.indirect.gather [hbm4b:s4+s15], $0x80, s11, s15, $0xb8;
	[tilespmem:$0x1D800] =	vst v63  }
0x89: {  	s9 =	rddreg [dreg:$0xf]  }
0x8a: {  	[tilespmem:s16], [sflag:$0x2] =	stream.indirect.gather [hbm4b:s4+s15], $0x80, s9, s15, $0xb8;
	[tilespmem:$0x1D800] =	vst v63  }
0x8b: {  	_ =	swait.ge [sflag:s17], $0x4000  }
0x8c: {  	[sflag:s17] =	ssyncset.done $0x0  }
0x8d: {  	s11 =	rddreg [dreg:$0x10];
	[sflag:s17] =	ssyncadd.s32 $0xFFFFC000  }
0x8e: {  	[spmem:s2] =	stream.indirect.scatter.add.f32 [tilespmem:s12], [sflag:$0x3], $0x80, s11, s15, $0xb8;
	[tilespmem:$0x1D800] =	vst v63  }
0x8f: {  	_ =	swait.ge [sflag:s13], $0x4000  }
0x90: {  	[sflag:s13] =	ssyncset.done $0x0  }
0x91: {  	[sflag:s13] =	ssyncadd.s32 $0xFFFFC000  }
0x92: {  	_ =	swait.ge [sflag:s18], $0x4000  }
0x93: {  	[sflag:s18] =	ssyncset.done $0x0  }
0x94: {  	s9 =	rddreg [dreg:$0x11];
	[sflag:s18] =	ssyncadd.s32 $0xFFFFC000  }
0x95: {  	[spmem:s2] =	stream.indirect.scatter.add.f32 [tilespmem:s16], [sflag:$0x3], $0x80, s9, s15, $0xb8;
	[tilespmem:$0x1D800] =	vst v63  }
0x96: {  	_ =	swait.ge [sflag:s13], $0x4000  }
0x97: {  	[sflag:s13] =	ssyncset.done $0x0  }
0x98: {  	s10 =	rddreg [dreg:$0x12];
	[sflag:s13] =	ssyncadd.s32 $0xFFFFC000  }
0x99: {  	[tilespmem:s12], [sflag:$0x1] =	stream.indirect.gather [hbm4b:s4+s15], $0x80, s10, s15, $0xb8;
	[tilespmem:$0x1D800] =	vst v63  }
0x9a: {  	s11 =	rddreg [dreg:$0x13]  }
0x9b: {  	[tilespmem:s16], [sflag:$0x2] =	stream.indirect.gather [hbm4b:s4+s15], $0x80, s11, s15, $0xb8;
	[tilespmem:$0x1D800] =	vst v63  }
0x9c: {  	_ =	swait.ge [sflag:s17], $0x4000  }
0x9d: {  	[sflag:s17] =	ssyncset.done $0x0  }
0x9e: {  	s9 =	rddreg [dreg:$0x14];
	[sflag:s17] =	ssyncadd.s32 $0xFFFFC000  }
0x9f: {  	[spmem:s2] =	stream.indirect.scatter.add.f32 [tilespmem:s12], [sflag:$0x3], $0x80, s9, s15, $0xb8;
	[tilespmem:$0x1D800] =	vst v63  }
0xa0: {  	_ =	swait.ge [sflag:s13], $0x4000  }
0xa1: {  	[sflag:s13] =	ssyncset.done $0x0  }
0xa2: {  	[sflag:s13] =	ssyncadd.s32 $0xFFFFC000  }
0xa3: {  	_ =	swait.ge [sflag:s18], $0x4000  }
0xa4: {  	[sflag:s18] =	ssyncset.done $0x0  }
0xa5: {  	s10 =	rddreg [dreg:$0x15];
	[sflag:s18] =	ssyncadd.s32 $0xFFFFC000  }
0xa6: {  	[spmem:s2] =	stream.indirect.scatter.add.f32 [tilespmem:s16], [sflag:$0x3], $0x80, s10, s15, $0xb8;
	[tilespmem:$0x1D800] =	vst v63  }
0xa7: {  	_ =	swait.ge [sflag:s13], $0x4000  }
0xa8: {  	[sflag:s13] =	ssyncset.done $0x0  }
0xa9: {  	s11 =	rddreg [dreg:$0x16];
	[sflag:s13] =	ssyncadd.s32 $0xFFFFC000  }
0xaa: {  	[tilespmem:s12], [sflag:$0x1] =	stream.indirect.gather [hbm4b:s4+s15], $0x80, s11, s15, $0xb8;
	[tilespmem:$0x1D800] =	vst v63  }
0xab: {  	s9 =	rddreg [dreg:$0x17]  }
0xac: {  	[tilespmem:s16], [sflag:$0x2] =	stream.indirect.gather [hbm4b:s4+s15], $0x80, s9, s15, $0xb8;
	[tilespmem:$0x1D800] =	vst v63  }
0xad: {  	_ =	swait.ge [sflag:s17], $0x4000  }
0xae: {  	[sflag:s17] =	ssyncset.done $0x0  }
0xaf: {  	s11 =	rddreg [dreg:$0x18];
	[sflag:s17] =	ssyncadd.s32 $0xFFFFC000  }
0xb0: {  	[spmem:s2] =	stream.indirect.scatter.add.f32 [tilespmem:s12], [sflag:$0x3], $0x80, s11, s15, $0xb8;
	[tilespmem:$0x1D800] =	vst v63  }
0xb1: {  	_ =	swait.ge [sflag:s13], $0x4000  }
0xb2: {  	[sflag:s13] =	ssyncset.done $0x0  }
0xb3: {  	[sflag:s13] =	ssyncadd.s32 $0xFFFFC000  }
0xb4: {  	_ =	swait.ge [sflag:s18], $0x4000  }
0xb5: {  	[sflag:s18] =	ssyncset.done $0x0  }
0xb6: {  	[sflag:s18] =	ssyncadd.s32 $0xFFFFC000  }
0xb7: {  	[spmem:s2] =	stream.indirect.scatter.add.f32 [tilespmem:s16], [sflag:$0x3], $0x80, s19, s15, $0xb8;
	[tilespmem:$0x1D800] =	vst v63  }
0xb8: {  	_ =	swait.ge [sflag:s13], $0x4000  }
0xb9: {  	[sflag:s13] =	ssyncset.done $0x0  }
0xba: {  	[sflag:s13] =	ssyncadd.s32 $0xFFFFC000  }
0xbb: {  	[tilespmem:s12], [sflag:$0x1] =	stream.indirect.gather [hbm4b:s4+s15], $0x80, s20, s15, $0xb8;
	[tilespmem:$0x1D800] =	vst v63  }
0xbc: {  	_ = 	snop  }
0xbd: {  	[tilespmem:s16], [sflag:$0x2] =	stream.indirect.gather [hbm4b:s4+s15], $0x80, s21, s15, $0xb8;
	[tilespmem:$0x1D800] =	vst v63  }
0xbe: {  	_ =	swait.ge [sflag:s17], $0x4000  }
0xbf: {  	[sflag:s17] =	ssyncset.done $0x0  }
0xc0: {  	[sflag:s17] =	ssyncadd.s32 $0xFFFFC000  }
0xc1: {  	[spmem:s2] =	stream.indirect.scatter.add.f32 [tilespmem:s12], [sflag:$0x3], $0x80, s22, s15, $0xb8;
	[tilespmem:$0x1D800] =	vst v63  }
0xc2: {  	_ =	swait.ge [sflag:s13], $0x4000  }
0xc3: {  	[sflag:s13] =	ssyncset.done $0x0  }
0xc4: {  	[sflag:s13] =	ssyncadd.s32 $0xFFFFC000  }
0xc5: {  	_ =	swait.ge [sflag:s18], $0x4000  }
0xc6: {  	[sflag:s18] =	ssyncset.done $0x0  }
0xc7: {  	[sflag:s18] =	ssyncadd.s32 $0xFFFFC000  }
0xc8: {  	[spmem:s2] =	stream.indirect.scatter.add.f32 [tilespmem:s16], [sflag:$0x3], $0x80, s23, s15, $0xb8;
	[tilespmem:$0x1D800] =	vst v63  }
0xc9: {  	_ =	swait.ge [sflag:s13], $0x4000  }
0xca: {  	[sflag:s13] =	ssyncset.done $0x0  }
0xcb: {  	[sflag:s13] =	ssyncadd.s32 $0xFFFFC000  }
0xcc: {  	[tilespmem:s12], [sflag:$0x1] =	stream.indirect.gather [hbm4b:s4+s15], $0x80, s24, s15, $0xb8;
	[tilespmem:$0x1D800] =	vst v63  }
0xcd: {  	_ = 	snop  }
0xce: {  	[tilespmem:s16], [sflag:$0x2] =	stream.indirect.gather [hbm4b:s4+s15], $0x80, s25, s15, $0xb8;
	[tilespmem:$0x1D800] =	vst v63  }
0xcf: {  	_ =	swait.ge [sflag:s17], $0x4000  }
0xd0: {  	[sflag:s17] =	ssyncset.done $0x0  }
0xd1: {  	[sflag:s17] =	ssyncadd.s32 $0xFFFFC000  }
0xd2: {  	[spmem:s2] =	stream.indirect.scatter.add.f32 [tilespmem:s12], [sflag:$0x3], $0x80, s26, s15, $0xb8;
	[tilespmem:$0x1D800] =	vst v63  }
0xd3: {  	_ =	swait.ge [sflag:s13], $0x4000  }
0xd4: {  	[sflag:s13] =	ssyncset.done $0x0  }
0xd5: {  	[sflag:s13] =	ssyncadd.s32 $0xFFFFC000  }
0xd6: {  	_ =	swait.ge [sflag:s18], $0x4000  }
0xd7: {  	[sflag:s18] =	ssyncset.done $0x0  }
0xd8: {  	[sflag:s18] =	ssyncadd.s32 $0xFFFFC000  }
0xd9: {  	[spmem:s2] =	stream.indirect.scatter.add.f32 [tilespmem:s16], [sflag:$0x3], $0x80, s28, s15, $0xb8;
	[tilespmem:$0x1D800] =	vst v63  }
0xda: {  	_ =	swait.ge [sflag:s13], $0x4000  }
0xdb: {  	[sflag:s13] =	ssyncset.done $0x0  }
0xdc: {  	[sflag:s13] =	ssyncadd.s32 $0xFFFFC000  }
0xdd: {  	[tilespmem:s12], [sflag:$0x1] =	stream.indirect.gather [hbm4b:s4+s15], $0x80, s29, s15, $0xb8;
	[tilespmem:$0x1D800] =	vst v63  }
0xde: {  	_ = 	snop  }
0xdf: {  	[tilespmem:s16], [sflag:$0x2] =	stream.indirect.gather [hbm4b:s4+s15], $0x80, s30, s15, $0xb8;
	[tilespmem:$0x1D800] =	vst v63  }
0xe0: {  	_ =	swait.ge [sflag:s17], $0x4000  }
0xe1: {  	[sflag:s17] =	ssyncset.done $0x0  }
0xe2: {  	[sflag:s17] =	ssyncadd.s32 $0xFFFFC000  }
0xe3: {  	[spmem:s2] =	stream.indirect.scatter.add.f32 [tilespmem:s12], [sflag:$0x3], $0x80, s31, s15, $0xb8;
	[tilespmem:$0x1D800] =	vst v63  }
0xe4: {  	_ =	swait.ge [sflag:s13], $0x4000  }
0xe5: {  	[sflag:s13] =	ssyncset.done $0x0  }
0xe6: {  	[sflag:s13] =	ssyncadd.s32 $0xFFFFC000  }
0xe7: {  	_ =	swait.ge [sflag:s18], $0x4000  }
0xe8: {  	[sflag:s18] =	ssyncset.done $0x0  }
0xe9: {  	[sflag:s18] =	ssyncadd.s32 $0xFFFFC000  }
0xea: {  	[spmem:s2] =	stream.indirect.scatter.add.f32 [tilespmem:s16], [sflag:$0x3], $0x80, s1, s15, $0xb8;
	[tilespmem:$0x1D800] =	vst v63  }
0xeb: {  	_ =	swait.ge [sflag:s13], $0x4000  }
0xec: {  	[sflag:s13] =	ssyncset.done $0x0  }
0xed: {  	[sflag:s13] =	ssyncadd.s32 $0xFFFFC000  }
0xee: {  	[tilespmem:s12], [sflag:$0x1] =	stream.indirect.gather [hbm4b:s4+s15], $0x80, s0, s15, $0xb8;
	[tilespmem:$0x1D800] =	vst v63  }
0xef: {  	_ = 	snop  }
0xf0: {  	[tilespmem:s16], [sflag:$0x2] =	stream.indirect.gather [hbm4b:s4+s15], $0x80, s6, s15, $0xb8;
	[tilespmem:$0x1D800] =	vst v63  }
0xf1: {  	_ =	swait.ge [sflag:s17], $0x4000  }
0xf2: {  	[sflag:s17] =	ssyncset.done $0x0  }
0xf3: {  	[sflag:s17] =	ssyncadd.s32 $0xFFFFC000  }
0xf4: {  	[spmem:s2] =	stream.indirect.scatter.add.f32 [tilespmem:s12], [sflag:$0x3], $0x80, s7, s15, $0xb8;
	[tilespmem:$0x1D800] =	vst v63  }
0xf5: {  	_ =	swait.ge [sflag:s13], $0x4000  }
0xf6: {  	[sflag:s13] =	ssyncset.done $0x0  }
0xf7: {  	[sflag:s13] =	ssyncadd.s32 $0xFFFFC000  }
0xf8: {  	_ =	swait.ge [sflag:s18], $0x4000  }
0xf9: {  	[sflag:s18] =	ssyncset.done $0x0  }
0xfa: {  	[sflag:s18] =	ssyncadd.s32 $0xFFFFC000  }
0xfb: {  	[spmem:s2] =	stream.indirect.scatter.add.f32 [tilespmem:s16], [sflag:$0x3], $0x80, s8, s15, $0xb8;
	[tilespmem:$0x1D800] =	vst v63  }
0xfc: {  	s10 =	simm.s32 $0x180;
	_ =	swait.ge [sflag:s13], $0x4000  }
0xfd: {  	s11 =	simm.s32 $0x300;
	s5 =	rddreg [dreg:$0x4];
	[sflag:s13] =	ssyncset.done $0x0  }
.LBB2_4:
0xfe: {  	[sflag:s13] =	ssyncadd.s32 $0xFFFFC000;
	s5 =	sadd.s32 s10, s5  }
0xff: {  	[tilespmem:s3], [sflag:$0x3] =	stream.linear.gather [hbm4b:s5+s3], $0xA00, $0x38;
	[tilespmem:$0x1D800] =	vst v63  }
0x100: {  	_ =	swait.ge [sflag:s13], $0xA00  }
0x101: {  	s5 =	rddreg [dreg:$0x3];
	[sflag:s13] =	ssyncset.done $0x0  }
0x102: {  	[sflag:s13] =	ssyncadd.s32 $0xFFFFF600;
	s5 =	sadd.s32 s10, s5  }
0x103: {  	[tilespmem:s14], [sflag:$0x3] =	stream.linear.gather [hbm4b:s5+s3], $0xA00, $0x38;
	[tilespmem:$0x1D800] =	vst v63  }
0x104: {  	_ =	swait.ge [sflag:s13], $0xA00  }
0x105: {  	[sflag:s13] =	ssyncset.done $0x0  }
0x106: {  	[sflag:s13] =	ssyncadd.s32 $0xFFFFF600  }
0x107: {  	[tilespmem:s12], [sflag:$0x1] =	stream.indirect.gather [hbm4b:s4+s15], $0x80, s3, s15, $0xb8;
	[tilespmem:$0x1D800] =	vst v63  }
0x108: {  	_ = 	snop  }
0x109: {  	[tilespmem:s16], [sflag:$0x2] =	stream.indirect.gather [hbm4b:s4+s15], $0x80, s15, s15, $0xb8;
	[tilespmem:$0x1D800] =	vst v63  }
0x10a: {  	_ =	swait.ge [sflag:s17], $0x4000  }
0x10b: {  	[sflag:s17] =	ssyncset.done $0x0  }
0x10c: {  	[sflag:s17] =	ssyncadd.s32 $0xFFFFC000  }
0x10d: {  	[spmem:s2] =	stream.indirect.scatter.add.f32 [tilespmem:s12], [sflag:$0x3], $0x80, s14, s15, $0xb8;
	[tilespmem:$0x1D800] =	vst v63  }
0x10e: {  	_ =	swait.ge [sflag:s13], $0x4000  }
0x10f: {  	[sflag:s13] =	ssyncset.done $0x0  }
0x110: {  	[sflag:s13] =	ssyncadd.s32 $0xFFFFC000  }
0x111: {  	_ =	swait.ge [sflag:s18], $0x4000  }
0x112: {  	s9 =	smov.u32 s11;
	[sflag:s18] =	ssyncset.done $0x0  }
0x113: {  	s10 =	smov.u32 s9;
	s9 =	rddreg [dreg:$0x5];
	[sflag:s18] =	ssyncadd.s32 $0xFFFFC000  }
0x114: {  	[spmem:s2] =	stream.indirect.scatter.add.f32 [tilespmem:s16], [sflag:$0x3], $0x80, s9, s15, $0xb8;
	[tilespmem:$0x1D800] =	vst v63  }
0x115: {  	_ =	swait.ge [sflag:s13], $0x4000  }
0x116: {  	[sflag:s13] =	ssyncset.done $0x0  }
0x117: {  	s5 =	rddreg [dreg:$0x6];
	[sflag:s13] =	ssyncadd.s32 $0xFFFFC000  }
0x118: {  	[tilespmem:s12], [sflag:$0x1] =	stream.indirect.gather [hbm4b:s4+s15], $0x80, s5, s15, $0xb8;
	[tilespmem:$0x1D800] =	vst v63  }
0x119: {  	s9 =	rddreg [dreg:$0x7]  }
0x11a: {  	[tilespmem:s16], [sflag:$0x2] =	stream.indirect.gather [hbm4b:s4+s15], $0x80, s9, s15, $0xb8;
	[tilespmem:$0x1D800] =	vst v63  }
0x11b: {  	_ =	swait.ge [sflag:s17], $0x4000  }
0x11c: {  	[sflag:s17] =	ssyncset.done $0x0  }
0x11d: {  	s9 =	rddreg [dreg:$0x8];
	[sflag:s17] =	ssyncadd.s32 $0xFFFFC000  }
0x11e: {  	[spmem:s2] =	stream.indirect.scatter.add.f32 [tilespmem:s12], [sflag:$0x3], $0x80, s9, s15, $0xb8;
	[tilespmem:$0x1D800] =	vst v63  }
0x11f: {  	_ =	swait.ge [sflag:s13], $0x4000  }
0x120: {  	[sflag:s13] =	ssyncset.done $0x0  }
0x121: {  	[sflag:s13] =	ssyncadd.s32 $0xFFFFC000  }
0x122: {  	_ =	swait.ge [sflag:s18], $0x4000  }
0x123: {  	[sflag:s18] =	ssyncset.done $0x0  }
0x124: {  	s9 =	rddreg [dreg:$0x9];
	[sflag:s18] =	ssyncadd.s32 $0xFFFFC000  }
0x125: {  	[spmem:s2] =	stream.indirect.scatter.add.f32 [tilespmem:s16], [sflag:$0x3], $0x80, s9, s15, $0xb8;
	[tilespmem:$0x1D800] =	vst v63  }
0x126: {  	_ =	swait.ge [sflag:s13], $0x4000  }
0x127: {  	[sflag:s13] =	ssyncset.done $0x0  }
0x128: {  	s5 =	rddreg [dreg:$0xa];
	[sflag:s13] =	ssyncadd.s32 $0xFFFFC000  }
0x129: {  	[tilespmem:s12], [sflag:$0x1] =	stream.indirect.gather [hbm4b:s4+s15], $0x80, s5, s15, $0xb8;
	[tilespmem:$0x1D800] =	vst v63  }
0x12a: {  	s9 =	rddreg [dreg:$0xb]  }
0x12b: {  	[tilespmem:s16], [sflag:$0x2] =	stream.indirect.gather [hbm4b:s4+s15], $0x80, s9, s15, $0xb8;
	[tilespmem:$0x1D800] =	vst v63  }
0x12c: {  	_ =	swait.ge [sflag:s17], $0x4000  }
0x12d: {  	[sflag:s17] =	ssyncset.done $0x0  }
0x12e: {  	s9 =	rddreg [dreg:$0xc];
	[sflag:s17] =	ssyncadd.s32 $0xFFFFC000  }
0x12f: {  	[spmem:s2] =	stream.indirect.scatter.add.f32 [tilespmem:s12], [sflag:$0x3], $0x80, s9, s15, $0xb8;
	[tilespmem:$0x1D800] =	vst v63  }
0x130: {  	_ =	swait.ge [sflag:s13], $0x4000  }
0x131: {  	[sflag:s13] =	ssyncset.done $0x0  }
0x132: {  	[sflag:s13] =	ssyncadd.s32 $0xFFFFC000  }
0x133: {  	_ =	swait.ge [sflag:s18], $0x4000  }
0x134: {  	[sflag:s18] =	ssyncset.done $0x0  }
0x135: {  	s9 =	rddreg [dreg:$0xd];
	[sflag:s18] =	ssyncadd.s32 $0xFFFFC000  }
0x136: {  	[spmem:s2] =	stream.indirect.scatter.add.f32 [tilespmem:s16], [sflag:$0x3], $0x80, s9, s15, $0xb8;
	[tilespmem:$0x1D800] =	vst v63  }
0x137: {  	_ =	swait.ge [sflag:s13], $0x4000  }
0x138: {  	[sflag:s13] =	ssyncset.done $0x0  }
0x139: {  	s5 =	rddreg [dreg:$0xe];
	[sflag:s13] =	ssyncadd.s32 $0xFFFFC000  }
0x13a: {  	[tilespmem:s12], [sflag:$0x1] =	stream.indirect.gather [hbm4b:s4+s15], $0x80, s5, s15, $0xb8;
	[tilespmem:$0x1D800] =	vst v63  }
0x13b: {  	s9 =	rddreg [dreg:$0xf]  }
0x13c: {  	[tilespmem:s16], [sflag:$0x2] =	stream.indirect.gather [hbm4b:s4+s15], $0x80, s9, s15, $0xb8;
	[tilespmem:$0x1D800] =	vst v63  }
0x13d: {  	_ =	swait.ge [sflag:s17], $0x4000  }
0x13e: {  	[sflag:s17] =	ssyncset.done $0x0  }
0x13f: {  	s9 =	rddreg [dreg:$0x10];
	[sflag:s17] =	ssyncadd.s32 $0xFFFFC000  }
0x140: {  	[spmem:s2] =	stream.indirect.scatter.add.f32 [tilespmem:s12], [sflag:$0x3], $0x80, s9, s15, $0xb8;
	[tilespmem:$0x1D800] =	vst v63  }
0x141: {  	_ =	swait.ge [sflag:s13], $0x4000  }
0x142: {  	[sflag:s13] =	ssyncset.done $0x0  }
0x143: {  	[sflag:s13] =	ssyncadd.s32 $0xFFFFC000  }
0x144: {  	_ =	swait.ge [sflag:s18], $0x4000  }
0x145: {  	[sflag:s18] =	ssyncset.done $0x0  }
0x146: {  	s9 =	rddreg [dreg:$0x11];
	[sflag:s18] =	ssyncadd.s32 $0xFFFFC000  }
0x147: {  	[spmem:s2] =	stream.indirect.scatter.add.f32 [tilespmem:s16], [sflag:$0x3], $0x80, s9, s15, $0xb8;
	[tilespmem:$0x1D800] =	vst v63  }
0x148: {  	_ =	swait.ge [sflag:s13], $0x4000  }
0x149: {  	[sflag:s13] =	ssyncset.done $0x0  }
0x14a: {  	s5 =	rddreg [dreg:$0x12];
	[sflag:s13] =	ssyncadd.s32 $0xFFFFC000  }
0x14b: {  	[tilespmem:s12], [sflag:$0x1] =	stream.indirect.gather [hbm4b:s4+s15], $0x80, s5, s15, $0xb8;
	[tilespmem:$0x1D800] =	vst v63  }
0x14c: {  	s9 =	rddreg [dreg:$0x13]  }
0x14d: {  	[tilespmem:s16], [sflag:$0x2] =	stream.indirect.gather [hbm4b:s4+s15], $0x80, s9, s15, $0xb8;
	[tilespmem:$0x1D800] =	vst v63  }
0x14e: {  	_ =	swait.ge [sflag:s17], $0x4000  }
0x14f: {  	[sflag:s17] =	ssyncset.done $0x0  }
0x150: {  	s9 =	rddreg [dreg:$0x14];
	[sflag:s17] =	ssyncadd.s32 $0xFFFFC000  }
0x151: {  	[spmem:s2] =	stream.indirect.scatter.add.f32 [tilespmem:s12], [sflag:$0x3], $0x80, s9, s15, $0xb8;
	[tilespmem:$0x1D800] =	vst v63  }
0x152: {  	_ =	swait.ge [sflag:s13], $0x4000  }
0x153: {  	[sflag:s13] =	ssyncset.done $0x0  }
0x154: {  	[sflag:s13] =	ssyncadd.s32 $0xFFFFC000  }
0x155: {  	_ =	swait.ge [sflag:s18], $0x4000  }
0x156: {  	[sflag:s18] =	ssyncset.done $0x0  }
0x157: {  	s9 =	rddreg [dreg:$0x15];
	[sflag:s18] =	ssyncadd.s32 $0xFFFFC000  }
0x158: {  	[spmem:s2] =	stream.indirect.scatter.add.f32 [tilespmem:s16], [sflag:$0x3], $0x80, s9, s15, $0xb8;
	[tilespmem:$0x1D800] =	vst v63  }
0x159: {  	_ =	swait.ge [sflag:s13], $0x4000  }
0x15a: {  	[sflag:s13] =	ssyncset.done $0x0  }
0x15b: {  	s5 =	rddreg [dreg:$0x16];
	[sflag:s13] =	ssyncadd.s32 $0xFFFFC000  }
0x15c: {  	[tilespmem:s12], [sflag:$0x1] =	stream.indirect.gather [hbm4b:s4+s15], $0x80, s5, s15, $0xb8;
	[tilespmem:$0x1D800] =	vst v63  }
0x15d: {  	s9 =	rddreg [dreg:$0x17]  }
0x15e: {  	[tilespmem:s16], [sflag:$0x2] =	stream.indirect.gather [hbm4b:s4+s15], $0x80, s9, s15, $0xb8;
	[tilespmem:$0x1D800] =	vst v63  }
0x15f: {  	_ =	swait.ge [sflag:s17], $0x4000  }
0x160: {  	[sflag:s17] =	ssyncset.done $0x0  }
0x161: {  	s9 =	rddreg [dreg:$0x18];
	[sflag:s17] =	ssyncadd.s32 $0xFFFFC000  }
0x162: {  	[spmem:s2] =	stream.indirect.scatter.add.f32 [tilespmem:s12], [sflag:$0x3], $0x80, s9, s15, $0xb8;
	[tilespmem:$0x1D800] =	vst v63  }
0x163: {  	_ =	swait.ge [sflag:s13], $0x4000  }
0x164: {  	[sflag:s13] =	ssyncset.done $0x0  }
0x165: {  	[sflag:s13] =	ssyncadd.s32 $0xFFFFC000  }
0x166: {  	_ =	swait.ge [sflag:s18], $0x4000  }
0x167: {  	[sflag:s18] =	ssyncset.done $0x0  }
0x168: {  	[sflag:s18] =	ssyncadd.s32 $0xFFFFC000  }
0x169: {  	[spmem:s2] =	stream.indirect.scatter.add.f32 [tilespmem:s16], [sflag:$0x3], $0x80, s19, s15, $0xb8;
	[tilespmem:$0x1D800] =	vst v63  }
0x16a: {  	_ =	swait.ge [sflag:s13], $0x4000  }
0x16b: {  	[sflag:s13] =	ssyncset.done $0x0  }
0x16c: {  	[sflag:s13] =	ssyncadd.s32 $0xFFFFC000  }
0x16d: {  	[tilespmem:s12], [sflag:$0x1] =	stream.indirect.gather [hbm4b:s4+s15], $0x80, s20, s15, $0xb8;
	[tilespmem:$0x1D800] =	vst v63  }
0x16e: {  	_ = 	snop  }
0x16f: {  	[tilespmem:s16], [sflag:$0x2] =	stream.indirect.gather [hbm4b:s4+s15], $0x80, s21, s15, $0xb8;
	[tilespmem:$0x1D800] =	vst v63  }
0x170: {  	_ =	swait.ge [sflag:s17], $0x4000  }
0x171: {  	[sflag:s17] =	ssyncset.done $0x0  }
0x172: {  	[sflag:s17] =	ssyncadd.s32 $0xFFFFC000  }
0x173: {  	[spmem:s2] =	stream.indirect.scatter.add.f32 [tilespmem:s12], [sflag:$0x3], $0x80, s22, s15, $0xb8;
	[tilespmem:$0x1D800] =	vst v63  }
0x174: {  	_ =	swait.ge [sflag:s13], $0x4000  }
0x175: {  	[sflag:s13] =	ssyncset.done $0x0  }
0x176: {  	[sflag:s13] =	ssyncadd.s32 $0xFFFFC000  }
0x177: {  	_ =	swait.ge [sflag:s18], $0x4000  }
0x178: {  	[sflag:s18] =	ssyncset.done $0x0  }
0x179: {  	[sflag:s18] =	ssyncadd.s32 $0xFFFFC000  }
0x17a: {  	[spmem:s2] =	stream.indirect.scatter.add.f32 [tilespmem:s16], [sflag:$0x3], $0x80, s23, s15, $0xb8;
	[tilespmem:$0x1D800] =	vst v63  }
0x17b: {  	_ =	swait.ge [sflag:s13], $0x4000  }
0x17c: {  	[sflag:s13] =	ssyncset.done $0x0  }
0x17d: {  	[sflag:s13] =	ssyncadd.s32 $0xFFFFC000  }
0x17e: {  	[tilespmem:s12], [sflag:$0x1] =	stream.indirect.gather [hbm4b:s4+s15], $0x80, s24, s15, $0xb8;
	[tilespmem:$0x1D800] =	vst v63  }
0x17f: {  	_ = 	snop  }
0x180: {  	[tilespmem:s16], [sflag:$0x2] =	stream.indirect.gather [hbm4b:s4+s15], $0x80, s25, s15, $0xb8;
	[tilespmem:$0x1D800] =	vst v63  }
0x181: {  	_ =	swait.ge [sflag:s17], $0x4000  }
0x182: {  	[sflag:s17] =	ssyncset.done $0x0  }
0x183: {  	[sflag:s17] =	ssyncadd.s32 $0xFFFFC000  }
0x184: {  	[spmem:s2] =	stream.indirect.scatter.add.f32 [tilespmem:s12], [sflag:$0x3], $0x80, s26, s15, $0xb8;
	[tilespmem:$0x1D800] =	vst v63  }
0x185: {  	_ =	swait.ge [sflag:s13], $0x4000  }
0x186: {  	[sflag:s13] =	ssyncset.done $0x0  }
0x187: {  	[sflag:s13] =	ssyncadd.s32 $0xFFFFC000  }
0x188: {  	_ =	swait.ge [sflag:s18], $0x4000  }
0x189: {  	[sflag:s18] =	ssyncset.done $0x0  }
0x18a: {  	[sflag:s18] =	ssyncadd.s32 $0xFFFFC000  }
0x18b: {  	[spmem:s2] =	stream.indirect.scatter.add.f32 [tilespmem:s16], [sflag:$0x3], $0x80, s28, s15, $0xb8;
	[tilespmem:$0x1D800] =	vst v63  }
0x18c: {  	_ =	swait.ge [sflag:s13], $0x4000  }
0x18d: {  	[sflag:s13] =	ssyncset.done $0x0  }
0x18e: {  	[sflag:s13] =	ssyncadd.s32 $0xFFFFC000  }
0x18f: {  	[tilespmem:s12], [sflag:$0x1] =	stream.indirect.gather [hbm4b:s4+s15], $0x80, s29, s15, $0xb8;
	[tilespmem:$0x1D800] =	vst v63  }
0x190: {  	_ = 	snop  }
0x191: {  	[tilespmem:s16], [sflag:$0x2] =	stream.indirect.gather [hbm4b:s4+s15], $0x80, s30, s15, $0xb8;
	[tilespmem:$0x1D800] =	vst v63  }
0x192: {  	_ =	swait.ge [sflag:s17], $0x4000  }
0x193: {  	[sflag:s17] =	ssyncset.done $0x0  }
0x194: {  	[sflag:s17] =	ssyncadd.s32 $0xFFFFC000  }
0x195: {  	[spmem:s2] =	stream.indirect.scatter.add.f32 [tilespmem:s12], [sflag:$0x3], $0x80, s31, s15, $0xb8;
	[tilespmem:$0x1D800] =	vst v63  }
0x196: {  	_ =	swait.ge [sflag:s13], $0x4000  }
0x197: {  	[sflag:s13] =	ssyncset.done $0x0  }
0x198: {  	[sflag:s13] =	ssyncadd.s32 $0xFFFFC000  }
0x199: {  	_ =	swait.ge [sflag:s18], $0x4000  }
0x19a: {  	[sflag:s18] =	ssyncset.done $0x0  }
0x19b: {  	[sflag:s18] =	ssyncadd.s32 $0xFFFFC000  }
0x19c: {  	[spmem:s2] =	stream.indirect.scatter.add.f32 [tilespmem:s16], [sflag:$0x3], $0x80, s1, s15, $0xb8;
	[tilespmem:$0x1D800] =	vst v63  }
0x19d: {  	_ =	swait.ge [sflag:s13], $0x4000  }
0x19e: {  	[sflag:s13] =	ssyncset.done $0x0  }
0x19f: {  	[sflag:s13] =	ssyncadd.s32 $0xFFFFC000  }
0x1a0: {  	[tilespmem:s12], [sflag:$0x1] =	stream.indirect.gather [hbm4b:s4+s15], $0x80, s0, s15, $0xb8;
	[tilespmem:$0x1D800] =	vst v63  }
0x1a1: {  	_ = 	snop  }
0x1a2: {  	[tilespmem:s16], [sflag:$0x2] =	stream.indirect.gather [hbm4b:s4+s15], $0x80, s6, s15, $0xb8;
	[tilespmem:$0x1D800] =	vst v63  }
0x1a3: {  	_ =	swait.ge [sflag:s17], $0x4000  }
0x1a4: {  	[sflag:s17] =	ssyncset.done $0x0  }
0x1a5: {  	[sflag:s17] =	ssyncadd.s32 $0xFFFFC000  }
0x1a6: {  	[spmem:s2] =	stream.indirect.scatter.add.f32 [tilespmem:s12], [sflag:$0x3], $0x80, s7, s15, $0xb8;
	[tilespmem:$0x1D800] =	vst v63  }
0x1a7: {  	_ =	swait.ge [sflag:s13], $0x4000  }
0x1a8: {  	[sflag:s13] =	ssyncset.done $0x0  }
0x1a9: {  	[sflag:s13] =	ssyncadd.s32 $0xFFFFC000  }
0x1aa: {  	p0 =	sne.s32 s11, $0x480;
	_ =	swait.ge [sflag:s18], $0x4000  }
.Ltmp1:
0x1ab: {  	[sflag:s18] =	ssyncset.done $0x0;
	(pc) =	sbr.rel @p0 .LBB2_4-.Ltmp1, $4  }
0x1ac: {  	[sflag:s18] =	ssyncadd.s32 $0xFFFFC000  }
0x1ad: {  	[spmem:s2] =	stream.indirect.scatter.add.f32 [tilespmem:s16], [sflag:$0x3], $0x80, s8, s15, $0xb8;
	[tilespmem:$0x1D800] =	vst v63  }
0x1ae: {  	_ =	swait.ge [sflag:s13], $0x4000  }
0x1af: {  	s11 =	sadd.s32 $0x180, s11;
	s5 =	rddreg [dreg:$0x4];
	[sflag:s13] =	ssyncset.done $0x0  }
0x1b0: {  	[sflag:s13] =	ssyncadd.s32 $0xFFFFC000;
	s5 =	sadd.s32 s10, s5  }
0x1b1: {  	[tilespmem:s3], [sflag:$0x3] =	stream.linear.gather [hbm4b:s5+s3], $0xA00, $0x38;
	[tilespmem:$0x1D800] =	vst v63  }
0x1b2: {  	_ =	swait.ge [sflag:s13], $0xA00  }
0x1b3: {  	s11 =	rddreg [dreg:$0x3];
	[sflag:s13] =	ssyncset.done $0x0  }
0x1b4: {  	[sflag:s13] =	ssyncadd.s32 $0xFFFFF600;
	s5 =	sadd.s32 s10, s11  }
0x1b5: {  	[tilespmem:s14], [sflag:$0x3] =	stream.linear.gather [hbm4b:s5+s3], $0xA00, $0x38;
	[tilespmem:$0x1D800] =	vst v63  }
0x1b6: {  	_ =	swait.ge [sflag:s13], $0xA00  }
0x1b7: {  	[sflag:s13] =	ssyncset.done $0x0  }
0x1b8: {  	[sflag:s13] =	ssyncadd.s32 $0xFFFFF600  }
0x1b9: {  	[tilespmem:s12], [sflag:$0x1] =	stream.indirect.gather [hbm4b:s4+s15], $0x80, s3, s15, $0xb8;
	[tilespmem:$0x1D800] =	vst v63  }
0x1ba: {  	_ = 	snop  }
0x1bb: {  	[tilespmem:s16], [sflag:$0x2] =	stream.indirect.gather [hbm4b:s4+s15], $0x80, s15, s15, $0xb8;
	[tilespmem:$0x1D800] =	vst v63  }
0x1bc: {  	_ =	swait.ge [sflag:s17], $0x4000  }
0x1bd: {  	[sflag:s17] =	ssyncset.done $0x0  }
0x1be: {  	[sflag:s17] =	ssyncadd.s32 $0xFFFFC000  }
0x1bf: {  	[spmem:s2] =	stream.indirect.scatter.add.f32 [tilespmem:s12], [sflag:$0x3], $0x80, s14, s15, $0xb8;
	[tilespmem:$0x1D800] =	vst v63  }
0x1c0: {  	_ =	swait.ge [sflag:s13], $0x4000  }
0x1c1: {  	[sflag:s13] =	ssyncset.done $0x0  }
0x1c2: {  	[sflag:s13] =	ssyncadd.s32 $0xFFFFC000  }
0x1c3: {  	_ =	swait.ge [sflag:s18], $0x4000  }
0x1c4: {  	[sflag:s18] =	ssyncset.done $0x0  }
0x1c5: {  	s9 =	rddreg [dreg:$0x5];
	[sflag:s18] =	ssyncadd.s32 $0xFFFFC000  }
0x1c6: {  	[spmem:s2] =	stream.indirect.scatter.add.f32 [tilespmem:s16], [sflag:$0x3], $0x80, s9, s15, $0xb8;
	[tilespmem:$0x1D800] =	vst v63  }
0x1c7: {  	_ =	swait.ge [sflag:s13], $0x4000  }
0x1c8: {  	[sflag:s13] =	ssyncset.done $0x0  }
0x1c9: {  	s10 =	rddreg [dreg:$0x6];
	[sflag:s13] =	ssyncadd.s32 $0xFFFFC000  }
0x1ca: {  	[tilespmem:s12], [sflag:$0x1] =	stream.indirect.gather [hbm4b:s4+s15], $0x80, s10, s15, $0xb8;
	[tilespmem:$0x1D800] =	vst v63  }
0x1cb: {  	s9 =	rddreg [dreg:$0x7]  }
0x1cc: {  	[tilespmem:s16], [sflag:$0x2] =	stream.indirect.gather [hbm4b:s4+s15], $0x80, s9, s15, $0xb8;
	[tilespmem:$0x1D800] =	vst v63  }
0x1cd: {  	_ =	swait.ge [sflag:s17], $0x4000  }
0x1ce: {  	[sflag:s17] =	ssyncset.done $0x0  }
0x1cf: {  	s11 =	rddreg [dreg:$0x8];
	[sflag:s17] =	ssyncadd.s32 $0xFFFFC000  }
0x1d0: {  	[spmem:s2] =	stream.indirect.scatter.add.f32 [tilespmem:s12], [sflag:$0x3], $0x80, s11, s15, $0xb8;
	[tilespmem:$0x1D800] =	vst v63  }
0x1d1: {  	_ =	swait.ge [sflag:s13], $0x4000  }
0x1d2: {  	[sflag:s13] =	ssyncset.done $0x0  }
0x1d3: {  	[sflag:s13] =	ssyncadd.s32 $0xFFFFC000  }
0x1d4: {  	_ =	swait.ge [sflag:s18], $0x4000  }
0x1d5: {  	[sflag:s18] =	ssyncset.done $0x0  }
0x1d6: {  	s9 =	rddreg [dreg:$0x9];
	[sflag:s18] =	ssyncadd.s32 $0xFFFFC000  }
0x1d7: {  	[spmem:s2] =	stream.indirect.scatter.add.f32 [tilespmem:s16], [sflag:$0x3], $0x80, s9, s15, $0xb8;
	[tilespmem:$0x1D800] =	vst v63  }
0x1d8: {  	_ =	swait.ge [sflag:s13], $0x4000  }
0x1d9: {  	[sflag:s13] =	ssyncset.done $0x0  }
0x1da: {  	s10 =	rddreg [dreg:$0xa];
	[sflag:s13] =	ssyncadd.s32 $0xFFFFC000  }
0x1db: {  	[tilespmem:s12], [sflag:$0x1] =	stream.indirect.gather [hbm4b:s4+s15], $0x80, s10, s15, $0xb8;
	[tilespmem:$0x1D800] =	vst v63  }
0x1dc: {  	s11 =	rddreg [dreg:$0xb]  }
0x1dd: {  	[tilespmem:s16], [sflag:$0x2] =	stream.indirect.gather [hbm4b:s4+s15], $0x80, s11, s15, $0xb8;
	[tilespmem:$0x1D800] =	vst v63  }
0x1de: {  	_ =	swait.ge [sflag:s17], $0x4000  }
0x1df: {  	[sflag:s17] =	ssyncset.done $0x0  }
0x1e0: {  	s10 =	rddreg [dreg:$0xc];
	[sflag:s17] =	ssyncadd.s32 $0xFFFFC000  }
0x1e1: {  	[spmem:s2] =	stream.indirect.scatter.add.f32 [tilespmem:s12], [sflag:$0x3], $0x80, s10, s15, $0xb8;
	[tilespmem:$0x1D800] =	vst v63  }
0x1e2: {  	_ =	swait.ge [sflag:s13], $0x4000  }
0x1e3: {  	[sflag:s13] =	ssyncset.done $0x0  }
0x1e4: {  	[sflag:s13] =	ssyncadd.s32 $0xFFFFC000  }
0x1e5: {  	_ =	swait.ge [sflag:s18], $0x4000  }
0x1e6: {  	[sflag:s18] =	ssyncset.done $0x0  }
0x1e7: {  	s11 =	rddreg [dreg:$0xd];
	[sflag:s18] =	ssyncadd.s32 $0xFFFFC000  }
0x1e8: {  	[spmem:s2] =	stream.indirect.scatter.add.f32 [tilespmem:s16], [sflag:$0x3], $0x80, s11, s15, $0xb8;
	[tilespmem:$0x1D800] =	vst v63  }
0x1e9: {  	_ =	swait.ge [sflag:s13], $0x4000  }
0x1ea: {  	[sflag:s13] =	ssyncset.done $0x0  }
0x1eb: {  	s9 =	rddreg [dreg:$0xe];
	[sflag:s13] =	ssyncadd.s32 $0xFFFFC000  }
0x1ec: {  	[tilespmem:s12], [sflag:$0x1] =	stream.indirect.gather [hbm4b:s4+s15], $0x80, s9, s15, $0xb8;
	[tilespmem:$0x1D800] =	vst v63  }
0x1ed: {  	s10 =	rddreg [dreg:$0xf]  }
0x1ee: {  	[tilespmem:s16], [sflag:$0x2] =	stream.indirect.gather [hbm4b:s4+s15], $0x80, s10, s15, $0xb8;
	[tilespmem:$0x1D800] =	vst v63  }
0x1ef: {  	_ =	swait.ge [sflag:s17], $0x4000  }
0x1f0: {  	[sflag:s17] =	ssyncset.done $0x0  }
0x1f1: {  	s11 =	rddreg [dreg:$0x10];
	[sflag:s17] =	ssyncadd.s32 $0xFFFFC000  }
0x1f2: {  	[spmem:s2] =	stream.indirect.scatter.add.f32 [tilespmem:s12], [sflag:$0x3], $0x80, s11, s15, $0xb8;
	[tilespmem:$0x1D800] =	vst v63  }
0x1f3: {  	_ =	swait.ge [sflag:s13], $0x4000  }
0x1f4: {  	[sflag:s13] =	ssyncset.done $0x0  }
0x1f5: {  	[sflag:s13] =	ssyncadd.s32 $0xFFFFC000  }
0x1f6: {  	_ =	swait.ge [sflag:s18], $0x4000  }
0x1f7: {  	[sflag:s18] =	ssyncset.done $0x0  }
0x1f8: {  	s9 =	rddreg [dreg:$0x11];
	[sflag:s18] =	ssyncadd.s32 $0xFFFFC000  }
0x1f9: {  	[spmem:s2] =	stream.indirect.scatter.add.f32 [tilespmem:s16], [sflag:$0x3], $0x80, s9, s15, $0xb8;
	[tilespmem:$0x1D800] =	vst v63  }
0x1fa: {  	_ =	swait.ge [sflag:s13], $0x4000  }
0x1fb: {  	[sflag:s13] =	ssyncset.done $0x0  }
0x1fc: {  	s10 =	rddreg [dreg:$0x12];
	[sflag:s13] =	ssyncadd.s32 $0xFFFFC000  }
0x1fd: {  	[tilespmem:s12], [sflag:$0x1] =	stream.indirect.gather [hbm4b:s4+s15], $0x80, s10, s15, $0xb8;
	[tilespmem:$0x1D800] =	vst v63  }
0x1fe: {  	s11 =	rddreg [dreg:$0x13]  }
0x1ff: {  	[tilespmem:s16], [sflag:$0x2] =	stream.indirect.gather [hbm4b:s4+s15], $0x80, s11, s15, $0xb8;
	[tilespmem:$0x1D800] =	vst v63  }
0x200: {  	_ =	swait.ge [sflag:s17], $0x4000  }
0x201: {  	[sflag:s17] =	ssyncset.done $0x0  }
0x202: {  	s10 =	rddreg [dreg:$0x14];
	[sflag:s17] =	ssyncadd.s32 $0xFFFFC000  }
0x203: {  	[spmem:s2] =	stream.indirect.scatter.add.f32 [tilespmem:s12], [sflag:$0x3], $0x80, s10, s15, $0xb8;
	[tilespmem:$0x1D800] =	vst v63  }
0x204: {  	_ =	swait.ge [sflag:s13], $0x4000  }
0x205: {  	[sflag:s13] =	ssyncset.done $0x0  }
0x206: {  	[sflag:s13] =	ssyncadd.s32 $0xFFFFC000  }
0x207: {  	_ =	swait.ge [sflag:s18], $0x4000  }
0x208: {  	[sflag:s18] =	ssyncset.done $0x0  }
0x209: {  	s11 =	rddreg [dreg:$0x15];
	[sflag:s18] =	ssyncadd.s32 $0xFFFFC000  }
0x20a: {  	[spmem:s2] =	stream.indirect.scatter.add.f32 [tilespmem:s16], [sflag:$0x3], $0x80, s11, s15, $0xb8;
	[tilespmem:$0x1D800] =	vst v63  }
0x20b: {  	_ =	swait.ge [sflag:s13], $0x4000  }
0x20c: {  	[sflag:s13] =	ssyncset.done $0x0  }
0x20d: {  	s9 =	rddreg [dreg:$0x16];
	[sflag:s13] =	ssyncadd.s32 $0xFFFFC000  }
0x20e: {  	[tilespmem:s12], [sflag:$0x1] =	stream.indirect.gather [hbm4b:s4+s15], $0x80, s9, s15, $0xb8;
	[tilespmem:$0x1D800] =	vst v63  }
0x20f: {  	s10 =	rddreg [dreg:$0x17]  }
0x210: {  	[tilespmem:s16], [sflag:$0x2] =	stream.indirect.gather [hbm4b:s4+s15], $0x80, s10, s15, $0xb8;
	[tilespmem:$0x1D800] =	vst v63  }
0x211: {  	_ =	swait.ge [sflag:s17], $0x4000  }
0x212: {  	[sflag:s17] =	ssyncset.done $0x0  }
0x213: {  	s11 =	rddreg [dreg:$0x18];
	[sflag:s17] =	ssyncadd.s32 $0xFFFFC000  }
0x214: {  	[spmem:s2] =	stream.indirect.scatter.add.f32 [tilespmem:s12], [sflag:$0x3], $0x80, s11, s15, $0xb8;
	[tilespmem:$0x1D800] =	vst v63  }
0x215: {  	_ =	swait.ge [sflag:s13], $0x4000  }
0x216: {  	[sflag:s13] =	ssyncset.done $0x0  }
0x217: {  	[sflag:s13] =	ssyncadd.s32 $0xFFFFC000  }
0x218: {  	_ =	swait.ge [sflag:s18], $0x4000  }
0x219: {  	[sflag:s18] =	ssyncset.done $0x0  }
0x21a: {  	[sflag:s18] =	ssyncadd.s32 $0xFFFFC000  }
0x21b: {  	[spmem:s2] =	stream.indirect.scatter.add.f32 [tilespmem:s16], [sflag:$0x3], $0x80, s19, s15, $0xb8;
	[tilespmem:$0x1D800] =	vst v63  }
0x21c: {  	_ =	swait.ge [sflag:s13], $0x4000  }
0x21d: {  	[sflag:s13] =	ssyncset.done $0x0  }
0x21e: {  	[sflag:s13] =	ssyncadd.s32 $0xFFFFC000  }
0x21f: {  	[tilespmem:s12], [sflag:$0x1] =	stream.indirect.gather [hbm4b:s4+s15], $0x80, s20, s15, $0xb8;
	[tilespmem:$0x1D800] =	vst v63  }
0x220: {  	_ = 	snop  }
0x221: {  	[tilespmem:s16], [sflag:$0x2] =	stream.indirect.gather [hbm4b:s4+s15], $0x80, s21, s15, $0xb8;
	[tilespmem:$0x1D800] =	vst v63  }
0x222: {  	_ =	swait.ge [sflag:s17], $0x4000  }
0x223: {  	[sflag:s17] =	ssyncset.done $0x0  }
0x224: {  	[sflag:s17] =	ssyncadd.s32 $0xFFFFC000  }
0x225: {  	[spmem:s2] =	stream.indirect.scatter.add.f32 [tilespmem:s12], [sflag:$0x3], $0x80, s22, s15, $0xb8;
	[tilespmem:$0x1D800] =	vst v63  }
0x226: {  	_ =	swait.ge [sflag:s13], $0x4000  }
0x227: {  	[sflag:s13] =	ssyncset.done $0x0  }
0x228: {  	[sflag:s13] =	ssyncadd.s32 $0xFFFFC000  }
0x229: {  	_ =	swait.ge [sflag:s18], $0x4000  }
0x22a: {  	[sflag:s18] =	ssyncset.done $0x0  }
0x22b: {  	[sflag:s18] =	ssyncadd.s32 $0xFFFFC000  }
0x22c: {  	[spmem:s2] =	stream.indirect.scatter.add.f32 [tilespmem:s16], [sflag:$0x3], $0x80, s23, s15, $0xb8;
	[tilespmem:$0x1D800] =	vst v63  }
0x22d: {  	_ =	swait.ge [sflag:s13], $0x4000  }
0x22e: {  	[sflag:s13] =	ssyncset.done $0x0  }
0x22f: {  	[sflag:s13] =	ssyncadd.s32 $0xFFFFC000  }
0x230: {  	[tilespmem:s12], [sflag:$0x1] =	stream.indirect.gather [hbm4b:s4+s15], $0x80, s24, s15, $0xb8;
	[tilespmem:$0x1D800] =	vst v63  }
0x231: {  	_ = 	snop  }
0x232: {  	[tilespmem:s16], [sflag:$0x2] =	stream.indirect.gather [hbm4b:s4+s15], $0x80, s25, s15, $0xb8;
	[tilespmem:$0x1D800] =	vst v63  }
0x233: {  	_ =	swait.ge [sflag:s17], $0x4000  }
0x234: {  	[sflag:s17] =	ssyncset.done $0x0  }
0x235: {  	[sflag:s17] =	ssyncadd.s32 $0xFFFFC000  }
0x236: {  	[spmem:s2] =	stream.indirect.scatter.add.f32 [tilespmem:s12], [sflag:$0x3], $0x80, s26, s15, $0xb8;
	[tilespmem:$0x1D800] =	vst v63  }
0x237: {  	_ =	swait.ge [sflag:s13], $0x4000  }
0x238: {  	[sflag:s13] =	ssyncset.done $0x0  }
0x239: {  	[sflag:s13] =	ssyncadd.s32 $0xFFFFC000  }
0x23a: {  	_ =	swait.ge [sflag:s18], $0x4000  }
0x23b: {  	[sflag:s18] =	ssyncset.done $0x0  }
0x23c: {  	[sflag:s18] =	ssyncadd.s32 $0xFFFFC000  }
0x23d: {  	[spmem:s2] =	stream.indirect.scatter.add.f32 [tilespmem:s16], [sflag:$0x3], $0x80, s28, s15, $0xb8;
	[tilespmem:$0x1D800] =	vst v63  }
0x23e: {  	_ =	swait.ge [sflag:s13], $0x4000  }
0x23f: {  	[sflag:s13] =	ssyncset.done $0x0  }
0x240: {  	[sflag:s13] =	ssyncadd.s32 $0xFFFFC000  }
0x241: {  	[tilespmem:s12], [sflag:$0x1] =	stream.indirect.gather [hbm4b:s4+s15], $0x80, s29, s15, $0xb8;
	[tilespmem:$0x1D800] =	vst v63  }
0x242: {  	_ = 	snop  }
0x243: {  	[tilespmem:s16], [sflag:$0x2] =	stream.indirect.gather [hbm4b:s4+s15], $0x80, s30, s15, $0xb8;
	[tilespmem:$0x1D800] =	vst v63  }
0x244: {  	_ =	swait.ge [sflag:s17], $0x4000  }
0x245: {  	[sflag:s17] =	ssyncset.done $0x0  }
0x246: {  	[sflag:s17] =	ssyncadd.s32 $0xFFFFC000  }
0x247: {  	[spmem:s2] =	stream.indirect.scatter.add.f32 [tilespmem:s12], [sflag:$0x3], $0x80, s31, s15, $0xb8;
	[tilespmem:$0x1D800] =	vst v63  }
0x248: {  	_ =	swait.ge [sflag:s13], $0x4000  }
0x249: {  	[sflag:s13] =	ssyncset.done $0x0  }
0x24a: {  	[sflag:s13] =	ssyncadd.s32 $0xFFFFC000  }
0x24b: {  	_ =	swait.ge [sflag:s18], $0x4000  }
0x24c: {  	[sflag:s18] =	ssyncset.done $0x0  }
0x24d: {  	[sflag:s18] =	ssyncadd.s32 $0xFFFFC000  }
0x24e: {  	[spmem:s2] =	stream.indirect.scatter.add.f32 [tilespmem:s16], [sflag:$0x3], $0x80, s1, s15, $0xb8;
	[tilespmem:$0x1D800] =	vst v63  }
0x24f: {  	_ =	swait.ge [sflag:s13], $0x4000  }
0x250: {  	[sflag:s13] =	ssyncset.done $0x0  }
0x251: {  	[sflag:s13] =	ssyncadd.s32 $0xFFFFC000  }
0x252: {  	[tilespmem:s12], [sflag:$0x1] =	stream.indirect.gather [hbm4b:s4+s15], $0x80, s0, s15, $0xb8;
	[tilespmem:$0x1D800] =	vst v63  }
0x253: {  	_ = 	snop  }
0x254: {  	[tilespmem:s16], [sflag:$0x2] =	stream.indirect.gather [hbm4b:s4+s15], $0x80, s6, s15, $0xb8;
	[tilespmem:$0x1D800] =	vst v63  }
0x255: {  	_ =	swait.ge [sflag:s17], $0x4000  }
0x256: {  	[sflag:s17] =	ssyncset.done $0x0  }
0x257: {  	[sflag:s17] =	ssyncadd.s32 $0xFFFFC000  }
0x258: {  	[spmem:s2] =	stream.indirect.scatter.add.f32 [tilespmem:s12], [sflag:$0x3], $0x80, s7, s15, $0xb8;
	[tilespmem:$0x1D800] =	vst v63  }
0x259: {  	_ =	swait.ge [sflag:s13], $0x4000  }
0x25a: {  	[sflag:s13] =	ssyncset.done $0x0  }
0x25b: {  	[sflag:s13] =	ssyncadd.s32 $0xFFFFC000  }
0x25c: {  	_ =	swait.ge [sflag:s18], $0x4000  }
0x25d: {  	[sflag:s18] =	ssyncset.done $0x0  }
0x25e: {  	[sflag:s18] =	ssyncadd.s32 $0xFFFFC000  }
0x25f: {  	[spmem:s2] =	stream.indirect.scatter.add.f32 [tilespmem:s16], [sflag:$0x3], $0x80, s8, s15, $0xb8;
	[tilespmem:$0x1D800] =	vst v63  }
0x260: {  	_ =	swait.ge [sflag:s13], $0x4000  }
0x261: {  	[sflag:s13] =	ssyncset.done $0x0  }
0x262: {  	[sflag:s13] =	ssyncadd.s32 $0xFFFFC000  }
0x263: {  	s9 =	stileid.u32;
	[bflag:$0x0] =	sbarrier.arrive $0xFFFF  }
0x264: {  	s5 =	sshll.u32 s9, $0x6;
	s10 =	rddreg [dreg:$0x19]  }
0x265: {  	s5 =	sor.u32 $0x1C03, s5;
	s11 =	rddreg [dreg:$0x1a];
	s9 =	sshrl.u32 s10, $0x3  }
0x266: {  	[hbm:s11], [sflag:s5] =	dma.local [spmem:s9], $0x2800  }
0x267: {  	_ =	swait.ge [sflag:s13], $0x2800  }
0x268: {  	s10 =	sld [smem:$0x7FD];
	_ =	sdelay $0x2  }
0x269: {  	s11 =	rddreg [dreg:$0x1b];
	s9 =	sadd.s32 $0x1, s10  }
0x26a: {  	p0 =	sne.s32 s9, s11  }
.Ltmp2:
0x26b: {  	_ = 	snop;
	(pc) =	sbr.rel @p0 .LBB2_1-.Ltmp2, $3  }
0x26c: {  	_ =	sdelay $0x1  }
0x26d: {  	[sflag:s13] =	ssyncset.done $0x0  }
0x26e: {  	[sflag:s13] =	ssyncadd.s32 $0xFFFFD800  }
0x26f: {  	_ =	sfence.sel $0x180000  }
0x270: {  	[bflag:$0x0] =	sbarrier.arrive $0xFFFF  }
0x271: {  	_ =	strace $0x90000050  }
0x272: {  	s0 =	stileid.u32;
	[bflag:$0x2] =	sbarrier.arrive $0xFFFF  }
0x273: {  	p0 =	sne.s32 s0, $0x0;
	s0 =	rddreg [dreg:$0x2]  }
0x274: {  	s0 =	sadd.s32 @!p0 $0x100000, s0  }
0x275: {  	[sflag:s0] =	ssyncadd.tile.s32 @!p0 $0x1;
	_ =	shalt  }
.Lfunc_end2:
_tile_overlayer_lowered:
.L_overlay_start_2:
0x276: {  	(tag) =	ssettag $0x2  }
0x277: {  	s0 =	rddreg [dreg:$0x0];
	s2 =	stileid.u32  }
0x278: {  	s1 =	rddreg [dreg:$0x1];
	p0 =	sne.s32 s2, $0x0  }
0x279: {  	s3 =	rddreg [dreg:$0x2];
	[bflag:$0x3] =	sbarrier.arrive $0xFFFF;
	s2 =	simm.s32 @!p0 $0x1C03  }
0x27a: {  	[timem:s3], [sflag:s2] =	dma.local @!p0 [hbm:s0], s1  }
0x27b: {  	s0 =	simm.s32 @!p0 $0x3  }
0x27c: {  	_ =	swait.ge @!p0 [sflag:s0], s1  }
0x27d: {  	s1 =	ssub.s32 @!p0 $0x0, s1;
	[sflag:s0] =	ssyncset.done @!p0 $0x0  }
0x27e: {  	[sflag:s0] =	ssyncadd.s32 @!p0 s1  }
0x27f: {  	[bflag:$0x3] =	sbarrier.arrive $0xFFFF  }
0x280: {  	_ =	shalt  }

</sc_bundles>
